<compile_context>
chip_gen: v7x
topology: tpu7x:2x2x1
jax: 0.10.2.dev20260603
libtpu: 0.0.44.dev20260713+nightly
codegen_flags: <defaults>
</compile_context>

<pallas_src>
import jax
import jax.numpy as jnp
from jax import lax
from jax.experimental import pallas as pl
from jax.experimental.pallas import tpu as pltpu
from jax.experimental.pallas import tpu_sc as plsc

N = 10000
E = 320000
H = 128
NC = 2
NS = 16
NW = NC * NS
CH = 128
NCHUNK = 79
BLK = 8
NBLK = 10
TOTBLK = 320
EPW = NCHUNK * CH
EP = NW * EPW
NPAD = 10240
RPT = NPAD // NS
WB = 128
NWB = RPT // WB
CW = 16

F32 = jnp.float32


def _make_agg(q0):
    q1 = 2 * NCHUNK - q0
    assert q0 % 2 == 0 and q1 % 2 == 0 and q0 % 8 and q1 % 8

    def _agg_body(h_hbm, row_hbm, col_hbm, out_hbm, acc, row0, col0, row1,
                  col1, msg0, msg1, gsem0, gsem1, ssem0, ssem1):
        c = lax.axis_index("c")
        s = lax.axis_index("s")

        z16 = jnp.zeros((16,), F32)

        def zrow(i, carry):
            for j in range(H // 16):
                msg0[i, pl.ds(j * 16, 16)] = z16
            return carry

        lax.fori_loop(0, WB, zrow, 0)
        for k in range(NWB):
            pltpu.sync_copy(msg0, acc.at[pl.ds(s * RPT + k * WB, WB)])

        plsc.subcore_barrier()

        wid = s * NC + c
        npair = jnp.where(c == 0, q0 // 2, q1 // 2)
        start_e = jnp.where(c == 0, s * q0, NS * q0 + s * q1) * CH

        def step(i, carry):
            off0 = pl.multiple_of(start_e + (2 * i) * CH, 8)
            off1 = pl.multiple_of(start_e + (2 * i + 1) * CH, 8)
            pltpu.sync_copy(row_hbm.at[pl.ds(off0, CH)], row0)
            pltpu.sync_copy(col_hbm.at[pl.ds(off0, CH)], col0)
            g0 = pltpu.async_copy(h_hbm.at[row0], msg0, gsem0)
            pltpu.sync_copy(row_hbm.at[pl.ds(off1, CH)], row1)
            pltpu.sync_copy(col_hbm.at[pl.ds(off1, CH)], col1)
            g1 = pltpu.async_copy(h_hbm.at[row1], msg1, gsem1)
            g0.wait()
            s0 = pltpu.async_copy(msg0, acc.at[col0], ssem0, add=True)
            g1.wait()
            s1 = pltpu.async_copy(msg1, acc.at[col1], ssem1, add=True)
            s0.wait()
            s1.wait()
            return carry

        lax.fori_loop(0, npair, step, 0)

        plsc.subcore_barrier()

        for k in range(NWB):
            st = s * RPT + k * WB
            pltpu.sync_copy(acc.at[pl.ds(st, WB)], msg0)
            pltpu.sync_copy(msg0, out_hbm.at[c, pl.ds(st, WB)])

    return pl.kernel(
        _agg_body,
        out_type=(jax.ShapeDtypeStruct((NC, NPAD, H), F32),),
        mesh=plsc.VectorSubcoreMesh(core_axis_name="c", subcore_axis_name="s"),
        scratch_types=(
            pltpu.VMEM_SHARED((NPAD, H), F32),
            pltpu.VMEM((CH,), jnp.int32),
            pltpu.VMEM((CH,), jnp.int32),
            pltpu.VMEM((CH,), jnp.int32),
            pltpu.VMEM((CH,), jnp.int32),
            pltpu.VMEM((CH, H), F32),
            pltpu.VMEM((CH, H), F32),
            pltpu.SemaphoreType.DMA,
            pltpu.SemaphoreType.DMA,
            pltpu.SemaphoreType.DMA,
            pltpu.SemaphoreType.DMA,
        ),
    )


_sc_agg = _make_agg(114)


def _cnt_body(col_hbm, out_hbm, cacc, col_blk, msg):
    c = lax.axis_index("c")
    s = lax.axis_index("s")
    wid = s * NC + c

    z16 = jnp.zeros((16,), F32)
    one16 = jnp.full((16,), 1.0, F32)

    def zrow(i, carry):
        for j in range(H // 16):
            msg[i, pl.ds(j * 16, 16)] = z16
        return carry

    lax.fori_loop(0, WB, zrow, 0)
    for k in range(NWB):
        pltpu.sync_copy(msg, cacc.at[pl.ds(s * RPT + k * WB, WB)])
    plsc.subcore_barrier()

    def orow(i, carry):
        for j in range(H // 16):
            msg[i, pl.ds(j * 16, 16)] = one16
        return carry

    lax.fori_loop(0, CH, orow, 0)

    base = wid * EPW

    def step(i, carry):
        off = pl.multiple_of(base + i * CH, 8)
        pltpu.sync_copy(col_hbm.at[pl.ds(off, CH)], col_blk)
        pltpu.sync_copy(msg, cacc.at[col_blk], add=True)
        return carry

    lax.fori_loop(0, NCHUNK, step, 0)
    plsc.subcore_barrier()

    for k in range(NWB):
        start = s * RPT + k * WB
        pltpu.sync_copy(cacc.at[pl.ds(start, WB)], msg)
        pltpu.sync_copy(msg, out_hbm.at[c, pl.ds(start, WB)])


_sc_cnt = pl.kernel(
    _cnt_body,
    out_type=(jax.ShapeDtypeStruct((NC, NPAD, H), F32),),
    mesh=plsc.VectorSubcoreMesh(core_axis_name="c", subcore_axis_name="s"),
    scratch_types=(
        pltpu.VMEM_SHARED((NPAD, H), F32),
        pltpu.VMEM((CH,), jnp.int32),
        pltpu.VMEM((CH, H), F32),
    ),
)



def _transform_body(x_ref, w_ref, b_ref, o_ref):
    o_ref[:] = lax.dot_general(
        x_ref[:], w_ref[:], (((1,), (1,)), ((), ())),
        preferred_element_type=F32) + b_ref[:]


_transform = pl.pallas_call(
    _transform_body,
    out_shape=jax.ShapeDtypeStruct((N, H), F32),
)


def _cnt_compact_body(cp_ref, o_ref):
    o_ref[:] = cp_ref[0, :N, :8] + cp_ref[1, :N, :8]


_cnt_compact = pl.pallas_call(
    _cnt_compact_body,
    out_shape=jax.ShapeDtypeStruct((N, 8), F32),
)


def _agg_h(p_ref, cnt_ref, ht_ref):
    ssum = p_ref[0, :N] + p_ref[1, :N]
    cnt = cnt_ref[:, 0:1]
    mean = ssum / jnp.maximum(cnt, 1.0)
    h = jnp.where(cnt > 0.0, mean, ht_ref[:])
    return jnp.maximum(h, 0.0)


def _post_body(p_ref, cnt_ref, ht_ref, w_ref, b_ref, o_ref):
    h = _agg_h(p_ref, cnt_ref, ht_ref)
    o_ref[:] = lax.dot_general(
        h, w_ref[:], (((1,), (1,)), ((), ())),
        preferred_element_type=F32) + b_ref[:]


_post = pl.pallas_call(
    _post_body,
    out_shape=jax.ShapeDtypeStruct((N, H), F32),
)


def _head_body(p_ref, cnt_ref, ht_ref, wc1_ref, bc1_ref, wc2_ref, bc2_ref,
               o_ref):
    h = _agg_h(p_ref, cnt_ref, ht_ref)
    ones = jnp.ones((1, N), F32)
    g = lax.dot_general(ones, h, (((1,), (0,)), ((), ())),
                        preferred_element_type=F32) * (1.0 / N)
    z = lax.dot_general(g, wc1_ref[:], (((1,), (1,)), ((), ())),
                        preferred_element_type=F32) + bc1_ref[:]
    z = jnp.maximum(z, 0.0)
    z = lax.dot_general(z, wc2_ref[:], (((1,), (1,)), ((), ())),
                        preferred_element_type=F32) + bc2_ref[:]
    m = jnp.max(z, axis=1, keepdims=True)
    e = jnp.exp(z - m)
    o_ref[:] = z - m - jnp.log(jnp.sum(e, axis=1, keepdims=True))


_head = pl.pallas_call(
    _head_body,
    out_shape=jax.ShapeDtypeStruct((1, 10), F32),
)


def kernel(x, edge_index, W1, b1, W2, b2, W3, b3, Wc1, bc1, Wc2, bc2):
    pad = EP - E
    row = jnp.concatenate([edge_index[0], jnp.zeros((pad,), jnp.int32)])
    col = jnp.concatenate([edge_index[1], jnp.full((pad,), N, jnp.int32)])
    b1r = b1.reshape(1, H)
    b2r = b2.reshape(1, H)
    b3r = b3.reshape(1, H)
    bc1r = bc1.reshape(1, H // 2)
    bc2r = bc2.reshape(1, 10)

    (cntp,) = _sc_cnt(col)
    cnt = _cnt_compact(cntp)
    h1t = _transform(x, W1, b1r)
    (p1,) = _sc_agg(h1t, row, col)
    h2t = _post(p1, cnt, h1t, W2, b2r)
    (p2,) = _sc_agg(h2t, row, col)
    h3t = _post(p2, cnt, h2t, W3, b3r)
    (p3,) = _sc_agg(h3t, row, col)
    return _head(p3, cnt, h3t, Wc1, bc1r, Wc2, bc2r)

# --- scband reference (transcript-rebuilt; emitter-appended) ---
"""Pipeline reference for scband-graph-classification-model-13692355740146 (READ-ONLY COPY).

The authoritative reference and input builder live on the scoring server;
editing this copy changes nothing except your own understanding.
"""

import jax, jax.numpy as jnp
import numpy as np

N = 10000
E = 320000
D = 128
H = 128
C = 10


def setup_inputs(seed: int = 0) -> dict:
    key = jax.random.key(seed)
    ks = jax.random.split(key, 16)
    x = jax.random.normal(ks[0], (N, D), dtype=jnp.float32)
    edge_index = jax.random.randint(ks[1], (2, E), 0, N, dtype=jnp.int32)
    def lin(k, out_c, in_c):
        kw, kb = jax.random.split(k)
        bound = 1.0 / np.sqrt(in_c)
        W = jax.random.uniform(kw, (out_c, in_c), minval=-bound, maxval=bound, dtype=jnp.float32)
        b = jax.random.uniform(kb, (out_c,), minval=-bound, maxval=bound, dtype=jnp.float32)
        return W, b
    W1, b1 = lin(ks[2], H, D)
    W2, b2 = lin(ks[3], H, H)
    W3, b3 = lin(ks[4], H, H)
    Wc1, bc1 = lin(ks[5], H // 2, H)
    Wc2, bc2 = lin(ks[6], C, H // 2)
    return {"x": x, "edge_index": edge_index, "W1": W1, "b1": b1, "W2": W2, "b2": b2, "W3": W3, "b3": b3, "Wc1": Wc1, "bc1": bc1, "Wc2": Wc2, "bc2": bc2}


def gcn_layer(x, edge_index, W, b):
    # linear transform then mean aggregation over incoming neighbors (col == dst)
    h = x @ W.T + b
    row = edge_index[0]
    col = edge_index[1]
    msg = jnp.take(h, row, axis=0)                      # gather source features
    s = jax.ops.segment_sum(msg, col, num_segments=h.shape[0])   # scatter-add to dst
    cnt = jax.ops.segment_sum(jnp.ones((edge_index.shape[1],), h.dtype), col, num_segments=h.shape[0])
    mean = s / jnp.maximum(cnt, 1.0)[:, None]
    # nodes with no in-neighbors keep their transformed features (torch else-branch)
    return jnp.where((cnt > 0)[:, None], mean, h)


def reference(x, edge_index, W1, b1, W2, b2, W3, b3, Wc1, bc1, Wc2, bc2):
    h = jax.nn.relu(gcn_layer(x, edge_index, W1, b1))
    h = jax.nn.relu(gcn_layer(h, edge_index, W2, b2))
    h = jax.nn.relu(gcn_layer(h, edge_index, W3, b3))
    g = jnp.mean(h, axis=0, keepdims=True)              # global mean pool (batch=None path)
    g = jax.nn.relu(g @ Wc1.T + bc1)
    # dropout is identity in eval mode
    g = g @ Wc2.T + bc2
    return jax.nn.log_softmax(g, axis=1)

if __name__ == "__main__":
    import jax
    _d = setup_inputs()
    print(jax.jit(kernel)(*tuple(_d.values())))

</pallas_src>

<mosaic_0001>
#map = affine_map<(d0, d1) -> (0, 0)>
#map1 = affine_map<(d0, d1) -> (0)>
#map2 = affine_map<(d0, d1) -> (0, 0, 0)>
module attributes {stable_mosaic.version = 14 : i64} {
  func.func @_agg_body(%arg0: i32, %arg1: i32, %arg2: memref<10000x128xf32, #tpu.memory_space<hbm>>, %arg3: memref<323584xi32, #tpu.memory_space<hbm>>, %arg4: memref<323584xi32, #tpu.memory_space<hbm>>, %arg5: memref<2x10240x128xf32, #tpu.memory_space<hbm>>, %arg6: memref<10240x128xf32, #tpu.memory_space<vmem_shared>>, %arg7: memref<128xi32, #tpu.memory_space<vmem>>, %arg8: memref<128xi32, #tpu.memory_space<vmem>>, %arg9: memref<128xi32, #tpu.memory_space<vmem>>, %arg10: memref<128xi32, #tpu.memory_space<vmem>>, %arg11: memref<128x128xf32, #tpu.memory_space<vmem>>, %arg12: memref<128x128xf32, #tpu.memory_space<vmem>>, %arg13: memref<!tpu.dma_semaphore, #tpu.memory_space<semaphore_mem>>, %arg14: memref<!tpu.dma_semaphore, #tpu.memory_space<semaphore_mem>>, %arg15: memref<!tpu.dma_semaphore, #tpu.memory_space<semaphore_mem>>, %arg16: memref<!tpu.dma_semaphore, #tpu.memory_space<semaphore_mem>>) attributes {dimension_semantics = [#tpu.dimension_semantics<core_parallel>, #tpu.dimension_semantics<subcore_parallel>], iteration_bounds = array<i64: 2, 16>, scalar_prefetch = 0 : i64, scratch_operands = 11 : i64, tpu.core_type = #tpu.core_type<sc_vector_subcore>, window_params = [{transform_indices = #map}, {transform_indices = #map1}, {transform_indices = #map1}, {transform_indices = #map2}]} {
    %broadcast_in_dim3A = arith.constant 0.000000e+00 : f32
    %broadcast_in_dim3A_0 = vector.broadcast %broadcast_in_dim3A : f32 to vector<16xf32>
    %scan3A = arith.constant 0 : i32
    %scan3A_1 = arith.constant 0 : i32
    %scan3A_2 = arith.constant 128 : i32
    %scan3A_3 = arith.addi %scan3A_1, %scan3A_2 : i32
    %scan3A_4 = arith.constant 1 : i32
    scf.for %scan3A_70 = %scan3A_1 to %scan3A_3 step %scan3A_4  : i32 {
      %swap3A = arith.index_cast %scan3A_70 : i32 to index
      %swap3A_71 = arith.constant 0 : index
      %swap3A_72 = tpu.vector_load %arg11[%swap3A, %swap3A_71] {strides = array<i32>} : memref<128x128xf32, #tpu.memory_space<vmem>>, vector<1x16xf32>,
      %swap3A_73 = vector.shape_cast %swap3A_72 : vector<1x16xf32> to vector<16xf32>
      %swap3A_74 = vector.shape_cast %broadcast_in_dim3A_0 : vector<16xf32> to vector<1x16xf32>
      tpu.vector_store %arg11[%swap3A, %swap3A_71], %swap3A_74 {strides = array<i32>} : memref<128x128xf32, #tpu.memory_space<vmem>>, vector<1x16xf32>,
      %swap3A_75 = arith.index_cast %scan3A_70 : i32 to index
      %swap3A_76 = arith.constant 16 : index
      %swap3A_77 = tpu.vector_load %arg11[%swap3A_75, %swap3A_76] {strides = array<i32>} : memref<128x128xf32, #tpu.memory_space<vmem>>, vector<1x16xf32>,
      %swap3A_78 = vector.shape_cast %swap3A_77 : vector<1x16xf32> to vector<16xf32>
      %swap3A_79 = vector.shape_cast %broadcast_in_dim3A_0 : vector<16xf32> to vector<1x16xf32>
      tpu.vector_store %arg11[%swap3A_75, %swap3A_76], %swap3A_79 {strides = array<i32>} : memref<128x128xf32, #tpu.memory_space<vmem>>, vector<1x16xf32>,
      %swap3A_80 = arith.index_cast %scan3A_70 : i32 to index
      %swap3A_81 = arith.constant 32 : index
      %swap3A_82 = tpu.vector_load %arg11[%swap3A_80, %swap3A_81] {strides = array<i32>} : memref<128x128xf32, #tpu.memory_space<vmem>>, vector<1x16xf32>,
      %swap3A_83 = vector.shape_cast %swap3A_82 : vector<1x16xf32> to vector<16xf32>
      %swap3A_84 = vector.shape_cast %broadcast_in_dim3A_0 : vector<16xf32> to vector<1x16xf32>
      tpu.vector_store %arg11[%swap3A_80, %swap3A_81], %swap3A_84 {strides = array<i32>} : memref<128x128xf32, #tpu.memory_space<vmem>>, vector<1x16xf32>,
      %swap3A_85 = arith.index_cast %scan3A_70 : i32 to index
      %swap3A_86 = arith.constant 48 : index
      %swap3A_87 = tpu.vector_load %arg11[%swap3A_85, %swap3A_86] {strides = array<i32>} : memref<128x128xf32, #tpu.memory_space<vmem>>, vector<1x16xf32>,
      %swap3A_88 = vector.shape_cast %swap3A_87 : vector<1x16xf32> to vector<16xf32>
      %swap3A_89 = vector.shape_cast %broadcast_in_dim3A_0 : vector<16xf32> to vector<1x16xf32>
      tpu.vector_store %arg11[%swap3A_85, %swap3A_86], %swap3A_89 {strides = array<i32>} : memref<128x128xf32, #tpu.memory_space<vmem>>, vector<1x16xf32>,
      %swap3A_90 = arith.index_cast %scan3A_70 : i32 to index
      %swap3A_91 = arith.constant 64 : index
      %swap3A_92 = tpu.vector_load %arg11[%swap3A_90, %swap3A_91] {strides = array<i32>} : memref<128x128xf32, #tpu.memory_space<vmem>>, vector<1x16xf32>,
      %swap3A_93 = vector.shape_cast %swap3A_92 : vector<1x16xf32> to vector<16xf32>
      %swap3A_94 = vector.shape_cast %broadcast_in_dim3A_0 : vector<16xf32> to vector<1x16xf32>
      tpu.vector_store %arg11[%swap3A_90, %swap3A_91], %swap3A_94 {strides = array<i32>} : memref<128x128xf32, #tpu.memory_space<vmem>>, vector<1x16xf32>,
      %swap3A_95 = arith.index_cast %scan3A_70 : i32 to index
      %swap3A_96 = arith.constant 80 : index
      %swap3A_97 = tpu.vector_load %arg11[%swap3A_95, %swap3A_96] {strides = array<i32>} : memref<128x128xf32, #tpu.memory_space<vmem>>, vector<1x16xf32>,
      %swap3A_98 = vector.shape_cast %swap3A_97 : vector<1x16xf32> to vector<16xf32>
      %swap3A_99 = vector.shape_cast %broadcast_in_dim3A_0 : vector<16xf32> to vector<1x16xf32>
      tpu.vector_store %arg11[%swap3A_95, %swap3A_96], %swap3A_99 {strides = array<i32>} : memref<128x128xf32, #tpu.memory_space<vmem>>, vector<1x16xf32>,
      %swap3A_100 = arith.index_cast %scan3A_70 : i32 to index
      %swap3A_101 = arith.constant 96 : index
      %swap3A_102 = tpu.vector_load %arg11[%swap3A_100, %swap3A_101] {strides = array<i32>} : memref<128x128xf32, #tpu.memory_space<vmem>>, vector<1x16xf32>,
      %swap3A_103 = vector.shape_cast %swap3A_102 : vector<1x16xf32> to vector<16xf32>
      %swap3A_104 = vector.shape_cast %broadcast_in_dim3A_0 : vector<16xf32> to vector<1x16xf32>
      tpu.vector_store %arg11[%swap3A_100, %swap3A_101], %swap3A_104 {strides = array<i32>} : memref<128x128xf32, #tpu.memory_space<vmem>>, vector<1x16xf32>,
      %swap3A_105 = arith.index_cast %scan3A_70 : i32 to index
      %swap3A_106 = arith.constant 112 : index
      %swap3A_107 = tpu.vector_load %arg11[%swap3A_105, %swap3A_106] {strides = array<i32>} : memref<128x128xf32, #tpu.memory_space<vmem>>, vector<1x16xf32>,
      %swap3A_108 = vector.shape_cast %swap3A_107 : vector<1x16xf32> to vector<16xf32>
      %swap3A_109 = vector.shape_cast %broadcast_in_dim3A_0 : vector<16xf32> to vector<1x16xf32>
      tpu.vector_store %arg11[%swap3A_105, %swap3A_106], %swap3A_109 {strides = array<i32>} : memref<128x128xf32, #tpu.memory_space<vmem>>, vector<1x16xf32>,
    }
    %scan3A_5 = arith.constant 128 : i32
    %mul3A = arith.constant 640 : i32
    %mul3A_6 = arith.muli %arg1, %mul3A : i32
    %add3A = arith.constant 0 : i32
    %add3A_7 = arith.addi %mul3A_6, %add3A : i32
    "tpu.region"() ({
      %run_scoped3A = tpu.sem_alloc : memref<!tpu.dma_semaphore, #tpu.memory_space<semaphore_mem>>
      %dma_start3A = arith.constant 0 : i32
      %dma_start3A_70 = tpu.memref_slice %arg6[%add3A_7, %dma_start3A] : memref<10240x128xf32, #tpu.memory_space<vmem_shared>> -> memref<128x128xf32, #tpu.memory_space<vmem_shared>>
      %dma_start3A_71 = arith.constant 0 : i32
      %dma_start3A_72 = tpu.memref_slice %arg6[%add3A_7, %dma_start3A_71] : memref<10240x128xf32, #tpu.memory_space<vmem_shared>> -> memref<128x128xf32, #tpu.memory_space<vmem_shared>>
      tpu.enqueue_dma source(%arg11 : memref<128x128xf32, #tpu.memory_space<vmem>>) target(%dma_start3A_72 : memref<128x128xf32, #tpu.memory_space<vmem_shared>>) target_semaphore(%run_scoped3A : memref<!tpu.dma_semaphore, #tpu.memory_space<semaphore_mem>>)
      %dma_wait3A = arith.constant 0 : i32
      %dma_wait3A_73 = tpu.memref_slice %arg6[%add3A_7, %dma_wait3A] : memref<10240x128xf32, #tpu.memory_space<vmem_shared>> -> memref<128x128xf32, #tpu.memory_space<vmem_shared>>
      %dma_wait3A_74 = arith.constant 0 : i32
      %dma_wait3A_75 = tpu.memref_slice %arg6[%add3A_7, %dma_wait3A_74] : memref<10240x128xf32, #tpu.memory_space<vmem_shared>> -> memref<128x128xf32, #tpu.memory_space<vmem_shared>>
      tpu.wait_dma2 semaphore(%run_scoped3A : memref<!tpu.dma_semaphore, #tpu.memory_space<semaphore_mem>>) src(%arg11 : memref<128x128xf32, #tpu.memory_space<vmem>>) dst(%dma_wait3A_75 : memref<128x128xf32, #tpu.memory_space<vmem_shared>>)
      tpu.yield
    }) : () -> ()
    %mul3A_8 = arith.constant 640 : i32
    %mul3A_9 = arith.muli %arg1, %mul3A_8 : i32
    %add3A_10 = arith.constant 128 : i32
    %add3A_11 = arith.addi %mul3A_9, %add3A_10 : i32
    "tpu.region"() ({
      %run_scoped3A = tpu.sem_alloc : memref<!tpu.dma_semaphore, #tpu.memory_space<semaphore_mem>>
      %dma_start3A = arith.constant 0 : i32
      %dma_start3A_70 = tpu.memref_slice %arg6[%add3A_11, %dma_start3A] : memref<10240x128xf32, #tpu.memory_space<vmem_shared>> -> memref<128x128xf32, #tpu.memory_space<vmem_shared>>
      %dma_start3A_71 = arith.constant 0 : i32
      %dma_start3A_72 = tpu.memref_slice %arg6[%add3A_11, %dma_start3A_71] : memref<10240x128xf32, #tpu.memory_space<vmem_shared>> -> memref<128x128xf32, #tpu.memory_space<vmem_shared>>
      tpu.enqueue_dma source(%arg11 : memref<128x128xf32, #tpu.memory_space<vmem>>) target(%dma_start3A_72 : memref<128x128xf32, #tpu.memory_space<vmem_shared>>) target_semaphore(%run_scoped3A : memref<!tpu.dma_semaphore, #tpu.memory_space<semaphore_mem>>)
      %dma_wait3A = arith.constant 0 : i32
      %dma_wait3A_73 = tpu.memref_slice %arg6[%add3A_11, %dma_wait3A] : memref<10240x128xf32, #tpu.memory_space<vmem_shared>> -> memref<128x128xf32, #tpu.memory_space<vmem_shared>>
      %dma_wait3A_74 = arith.constant 0 : i32
      %dma_wait3A_75 = tpu.memref_slice %arg6[%add3A_11, %dma_wait3A_74] : memref<10240x128xf32, #tpu.memory_space<vmem_shared>> -> memref<128x128xf32, #tpu.memory_space<vmem_shared>>
      tpu.wait_dma2 semaphore(%run_scoped3A : memref<!tpu.dma_semaphore, #tpu.memory_space<semaphore_mem>>) src(%arg11 : memref<128x128xf32, #tpu.memory_space<vmem>>) dst(%dma_wait3A_75 : memref<128x128xf32, #tpu.memory_space<vmem_shared>>)
      tpu.yield
    }) : () -> ()
    %mul3A_12 = arith.constant 640 : i32
    %mul3A_13 = arith.muli %arg1, %mul3A_12 : i32
    %add3A_14 = arith.constant 256 : i32
    %add3A_15 = arith.addi %mul3A_13, %add3A_14 : i32
    "tpu.region"() ({
      %run_scoped3A = tpu.sem_alloc : memref<!tpu.dma_semaphore, #tpu.memory_space<semaphore_mem>>
      %dma_start3A = arith.constant 0 : i32
      %dma_start3A_70 = tpu.memref_slice %arg6[%add3A_15, %dma_start3A] : memref<10240x128xf32, #tpu.memory_space<vmem_shared>> -> memref<128x128xf32, #tpu.memory_space<vmem_shared>>
      %dma_start3A_71 = arith.constant 0 : i32
      %dma_start3A_72 = tpu.memref_slice %arg6[%add3A_15, %dma_start3A_71] : memref<10240x128xf32, #tpu.memory_space<vmem_shared>> -> memref<128x128xf32, #tpu.memory_space<vmem_shared>>
      tpu.enqueue_dma source(%arg11 : memref<128x128xf32, #tpu.memory_space<vmem>>) target(%dma_start3A_72 : memref<128x128xf32, #tpu.memory_space<vmem_shared>>) target_semaphore(%run_scoped3A : memref<!tpu.dma_semaphore, #tpu.memory_space<semaphore_mem>>)
      %dma_wait3A = arith.constant 0 : i32
      %dma_wait3A_73 = tpu.memref_slice %arg6[%add3A_15, %dma_wait3A] : memref<10240x128xf32, #tpu.memory_space<vmem_shared>> -> memref<128x128xf32, #tpu.memory_space<vmem_shared>>
      %dma_wait3A_74 = arith.constant 0 : i32
      %dma_wait3A_75 = tpu.memref_slice %arg6[%add3A_15, %dma_wait3A_74] : memref<10240x128xf32, #tpu.memory_space<vmem_shared>> -> memref<128x128xf32, #tpu.memory_space<vmem_shared>>
      tpu.wait_dma2 semaphore(%run_scoped3A : memref<!tpu.dma_semaphore, #tpu.memory_space<semaphore_mem>>) src(%arg11 : memref<128x128xf32, #tpu.memory_space<vmem>>) dst(%dma_wait3A_75 : memref<128x128xf32, #tpu.memory_space<vmem_shared>>)
      tpu.yield
    }) : () -> ()
    %mul3A_16 = arith.constant 640 : i32
    %mul3A_17 = arith.muli %arg1, %mul3A_16 : i32
    %add3A_18 = arith.constant 384 : i32
    %add3A_19 = arith.addi %mul3A_17, %add3A_18 : i32
    "tpu.region"() ({
      %run_scoped3A = tpu.sem_alloc : memref<!tpu.dma_semaphore, #tpu.memory_space<semaphore_mem>>
      %dma_start3A = arith.constant 0 : i32
      %dma_start3A_70 = tpu.memref_slice %arg6[%add3A_19, %dma_start3A] : memref<10240x128xf32, #tpu.memory_space<vmem_shared>> -> memref<128x128xf32, #tpu.memory_space<vmem_shared>>
      %dma_start3A_71 = arith.constant 0 : i32
      %dma_start3A_72 = tpu.memref_slice %arg6[%add3A_19, %dma_start3A_71] : memref<10240x128xf32, #tpu.memory_space<vmem_shared>> -> memref<128x128xf32, #tpu.memory_space<vmem_shared>>
      tpu.enqueue_dma source(%arg11 : memref<128x128xf32, #tpu.memory_space<vmem>>) target(%dma_start3A_72 : memref<128x128xf32, #tpu.memory_space<vmem_shared>>) target_semaphore(%run_scoped3A : memref<!tpu.dma_semaphore, #tpu.memory_space<semaphore_mem>>)
      %dma_wait3A = arith.constant 0 : i32
      %dma_wait3A_73 = tpu.memref_slice %arg6[%add3A_19, %dma_wait3A] : memref<10240x128xf32, #tpu.memory_space<vmem_shared>> -> memref<128x128xf32, #tpu.memory_space<vmem_shared>>
      %dma_wait3A_74 = arith.constant 0 : i32
      %dma_wait3A_75 = tpu.memref_slice %arg6[%add3A_19, %dma_wait3A_74] : memref<10240x128xf32, #tpu.memory_space<vmem_shared>> -> memref<128x128xf32, #tpu.memory_space<vmem_shared>>
      tpu.wait_dma2 semaphore(%run_scoped3A : memref<!tpu.dma_semaphore, #tpu.memory_space<semaphore_mem>>) src(%arg11 : memref<128x128xf32, #tpu.memory_space<vmem>>) dst(%dma_wait3A_75 : memref<128x128xf32, #tpu.memory_space<vmem_shared>>)
      tpu.yield
    }) : () -> ()
    %mul3A_20 = arith.constant 640 : i32
    %mul3A_21 = arith.muli %arg1, %mul3A_20 : i32
    %add3A_22 = arith.constant 512 : i32
    %add3A_23 = arith.addi %mul3A_21, %add3A_22 : i32
    "tpu.region"() ({
      %run_scoped3A = tpu.sem_alloc : memref<!tpu.dma_semaphore, #tpu.memory_space<semaphore_mem>>
      %dma_start3A = arith.constant 0 : i32
      %dma_start3A_70 = tpu.memref_slice %arg6[%add3A_23, %dma_start3A] : memref<10240x128xf32, #tpu.memory_space<vmem_shared>> -> memref<128x128xf32, #tpu.memory_space<vmem_shared>>
      %dma_start3A_71 = arith.constant 0 : i32
      %dma_start3A_72 = tpu.memref_slice %arg6[%add3A_23, %dma_start3A_71] : memref<10240x128xf32, #tpu.memory_space<vmem_shared>> -> memref<128x128xf32, #tpu.memory_space<vmem_shared>>
      tpu.enqueue_dma source(%arg11 : memref<128x128xf32, #tpu.memory_space<vmem>>) target(%dma_start3A_72 : memref<128x128xf32, #tpu.memory_space<vmem_shared>>) target_semaphore(%run_scoped3A : memref<!tpu.dma_semaphore, #tpu.memory_space<semaphore_mem>>)
      %dma_wait3A = arith.constant 0 : i32
      %dma_wait3A_73 = tpu.memref_slice %arg6[%add3A_23, %dma_wait3A] : memref<10240x128xf32, #tpu.memory_space<vmem_shared>> -> memref<128x128xf32, #tpu.memory_space<vmem_shared>>
      %dma_wait3A_74 = arith.constant 0 : i32
      %dma_wait3A_75 = tpu.memref_slice %arg6[%add3A_23, %dma_wait3A_74] : memref<10240x128xf32, #tpu.memory_space<vmem_shared>> -> memref<128x128xf32, #tpu.memory_space<vmem_shared>>
      tpu.wait_dma2 semaphore(%run_scoped3A : memref<!tpu.dma_semaphore, #tpu.memory_space<semaphore_mem>>) src(%arg11 : memref<128x128xf32, #tpu.memory_space<vmem>>) dst(%dma_wait3A_75 : memref<128x128xf32, #tpu.memory_space<vmem_shared>>)
      tpu.yield
    }) : () -> ()
    %barrier3A = arith.constant 0 : index
    tpu.barrier barrier_id(%barrier3A)
    %mul3A_24 = arith.constant 2 : i32
    %mul3A_25 = arith.muli %arg1, %mul3A_24 : i32
    %add3A_26 = arith.addi %mul3A_25, %arg0 : i32
    %eq3A = arith.constant 0 : i32
    %eq3A_27 = arith.cmpi eq, %arg0, %eq3A : i32
    %jit3A = arith.constant 57 : i32
    %jit3A_28 = arith.constant 22 : i32
    %select_n3A = arith.select %eq3A_27, %jit3A, %jit3A_28 : i32
    %eq3A_29 = arith.constant 0 : i32
    %eq3A_30 = arith.cmpi eq, %arg0, %eq3A_29 : i32
    %mul3A_31 = arith.constant 114 : i32
    %mul3A_32 = arith.muli %arg1, %mul3A_31 : i32
    %mul3A_33 = arith.constant 44 : i32
    %mul3A_34 = arith.muli %arg1, %mul3A_33 : i32
    %add3A_35 = arith.constant 1824 : i32
    %add3A_36 = arith.addi %add3A_35, %mul3A_34 : i32
    %select_n3A_37 = arith.select %eq3A_30, %mul3A_32, %add3A_36 : i32
    %mul3A_38 = arith.constant 128 : i32
    %mul3A_39 = arith.muli %select_n3A_37, %mul3A_38 : i32
    %while3A = arith.constant 0 : i32
    %while3A_40 = arith.constant 0 : i32
    %while3A_41 = arith.subi %select_n3A, %while3A_40 : i32
    %while3A_42 = arith.addi %while3A_40, %while3A_41 : i32
    %while3A_43 = arith.constant 1 : i32
    %while3A_44 = arith.divsi %while3A_41, %while3A_43 : i32
    %while3A_45 = arith.muli %while3A_44, %while3A_43 : i32
    %while3A_46 = arith.addi %while3A_40, %while3A_45 : i32
    %while3A_47 = arith.constant 1 : i32
    scf.for %while3A_70 = %while3A_40 to %while3A_46 step %while3A_47  : i32 {
      %mul3A_71 = arith.constant 2 : i32
      %mul3A_72 = arith.muli %mul3A_71, %while3A_70 : i32
      %mul3A_73 = arith.constant 128 : i32
      %mul3A_74 = arith.muli %mul3A_72, %mul3A_73 : i32
      %add3A_75 = arith.addi %mul3A_39, %mul3A_74 : i32
      %multiple_of3A = tpu.assume_multiple %add3A_75, 8 : i32
      %mul3A_76 = arith.constant 2 : i32
      %mul3A_77 = arith.muli %mul3A_76, %while3A_70 : i32
      %add3A_78 = arith.constant 1 : i32
      %add3A_79 = arith.addi %mul3A_77, %add3A_78 : i32
      %mul3A_80 = arith.constant 128 : i32
      %mul3A_81 = arith.muli %add3A_79, %mul3A_80 : i32
      %add3A_82 = arith.addi %mul3A_39, %mul3A_81 : i32
      %multiple_of3A_83 = tpu.assume_multiple %add3A_82, 8 : i32
      "tpu.region"() ({
        %run_scoped3A = tpu.sem_alloc : memref<!tpu.dma_semaphore, #tpu.memory_space<semaphore_mem>>
        %dma_start3A_106 = tpu.memref_slice %arg3[%multiple_of3A] : memref<323584xi32, #tpu.memory_space<hbm>> -> memref<128xi32, #tpu.memory_space<hbm>>
        %dma_start3A_107 = tpu.memref_slice %arg3[%multiple_of3A] : memref<323584xi32, #tpu.memory_space<hbm>> -> memref<128xi32, #tpu.memory_space<hbm>>
        tpu.enqueue_dma source(%dma_start3A_107 : memref<128xi32, #tpu.memory_space<hbm>>) target(%arg7 : memref<128xi32, #tpu.memory_space<vmem>>) target_semaphore(%run_scoped3A : memref<!tpu.dma_semaphore, #tpu.memory_space<semaphore_mem>>)
        %dma_wait3A_108 = tpu.memref_slice %arg3[%multiple_of3A] : memref<323584xi32, #tpu.memory_space<hbm>> -> memref<128xi32, #tpu.memory_space<hbm>>
        %dma_wait3A_109 = tpu.memref_slice %arg3[%multiple_of3A] : memref<323584xi32, #tpu.memory_space<hbm>> -> memref<128xi32, #tpu.memory_space<hbm>>
        tpu.wait_dma2 semaphore(%run_scoped3A : memref<!tpu.dma_semaphore, #tpu.memory_space<semaphore_mem>>) src(%dma_wait3A_109 : memref<128xi32, #tpu.memory_space<hbm>>) dst(%arg7 : memref<128xi32, #tpu.memory_space<vmem>>)
        tpu.yield
      }) : () -> ()
      "tpu.region"() ({
        %run_scoped3A = tpu.sem_alloc : memref<!tpu.dma_semaphore, #tpu.memory_space<semaphore_mem>>
        %dma_start3A_106 = tpu.memref_slice %arg4[%multiple_of3A] : memref<323584xi32, #tpu.memory_space<hbm>> -> memref<128xi32, #tpu.memory_space<hbm>>
        %dma_start3A_107 = tpu.memref_slice %arg4[%multiple_of3A] : memref<323584xi32, #tpu.memory_space<hbm>> -> memref<128xi32, #tpu.memory_space<hbm>>
        tpu.enqueue_dma source(%dma_start3A_107 : memref<128xi32, #tpu.memory_space<hbm>>) target(%arg8 : memref<128xi32, #tpu.memory_space<vmem>>) target_semaphore(%run_scoped3A : memref<!tpu.dma_semaphore, #tpu.memory_space<semaphore_mem>>)
        %dma_wait3A_108 = tpu.memref_slice %arg4[%multiple_of3A] : memref<323584xi32, #tpu.memory_space<hbm>> -> memref<128xi32, #tpu.memory_space<hbm>>
        %dma_wait3A_109 = tpu.memref_slice %arg4[%multiple_of3A] : memref<323584xi32, #tpu.memory_space<hbm>> -> memref<128xi32, #tpu.memory_space<hbm>>
        tpu.wait_dma2 semaphore(%run_scoped3A : memref<!tpu.dma_semaphore, #tpu.memory_space<semaphore_mem>>) src(%dma_wait3A_109 : memref<128xi32, #tpu.memory_space<hbm>>) dst(%arg8 : memref<128xi32, #tpu.memory_space<vmem>>)
        tpu.yield
      }) : () -> ()
      %dma_start3A = arith.constant 0 : i32
      %dma_start3A_84 = arith.constant 0 : i32
      %dma_start3A_85 = tpu.memref_slice %arg2[%dma_start3A, %dma_start3A_84] : memref<10000x128xf32, #tpu.memory_space<hbm>> -> memref<10000x128xf32, #tpu.memory_space<hbm>>
      tpu.enqueue_indirect_dma source(%dma_start3A_85 : memref<10000x128xf32, #tpu.memory_space<hbm>>) target(%arg11 : memref<128x128xf32, #tpu.memory_space<vmem>>) offsets(%arg7 : memref<128xi32, #tpu.memory_space<vmem>>) semaphore(%arg13 : memref<!tpu.dma_semaphore, #tpu.memory_space<semaphore_mem>>)
      "tpu.region"() ({
        %run_scoped3A = tpu.sem_alloc : memref<!tpu.dma_semaphore, #tpu.memory_space<semaphore_mem>>
        %dma_start3A_106 = tpu.memref_slice %arg3[%multiple_of3A_83] : memref<323584xi32, #tpu.memory_space<hbm>> -> memref<128xi32, #tpu.memory_space<hbm>>
        %dma_start3A_107 = tpu.memref_slice %arg3[%multiple_of3A_83] : memref<323584xi32, #tpu.memory_space<hbm>> -> memref<128xi32, #tpu.memory_space<hbm>>
        tpu.enqueue_dma source(%dma_start3A_107 : memref<128xi32, #tpu.memory_space<hbm>>) target(%arg9 : memref<128xi32, #tpu.memory_space<vmem>>) target_semaphore(%run_scoped3A : memref<!tpu.dma_semaphore, #tpu.memory_space<semaphore_mem>>)
        %dma_wait3A_108 = tpu.memref_slice %arg3[%multiple_of3A_83] : memref<323584xi32, #tpu.memory_space<hbm>> -> memref<128xi32, #tpu.memory_space<hbm>>
        %dma_wait3A_109 = tpu.memref_slice %arg3[%multiple_of3A_83] : memref<323584xi32, #tpu.memory_space<hbm>> -> memref<128xi32, #tpu.memory_space<hbm>>
        tpu.wait_dma2 semaphore(%run_scoped3A : memref<!tpu.dma_semaphore, #tpu.memory_space<semaphore_mem>>) src(%dma_wait3A_109 : memref<128xi32, #tpu.memory_space<hbm>>) dst(%arg9 : memref<128xi32, #tpu.memory_space<vmem>>)
        tpu.yield
      }) : () -> ()
      "tpu.region"() ({
        %run_scoped3A = tpu.sem_alloc : memref<!tpu.dma_semaphore, #tpu.memory_space<semaphore_mem>>
        %dma_start3A_106 = tpu.memref_slice %arg4[%multiple_of3A_83] : memref<323584xi32, #tpu.memory_space<hbm>> -> memref<128xi32, #tpu.memory_space<hbm>>
        %dma_start3A_107 = tpu.memref_slice %arg4[%multiple_of3A_83] : memref<323584xi32, #tpu.memory_space<hbm>> -> memref<128xi32, #tpu.memory_space<hbm>>
        tpu.enqueue_dma source(%dma_start3A_107 : memref<128xi32, #tpu.memory_space<hbm>>) target(%arg10 : memref<128xi32, #tpu.memory_space<vmem>>) target_semaphore(%run_scoped3A : memref<!tpu.dma_semaphore, #tpu.memory_space<semaphore_mem>>)
        %dma_wait3A_108 = tpu.memref_slice %arg4[%multiple_of3A_83] : memref<323584xi32, #tpu.memory_space<hbm>> -> memref<128xi32, #tpu.memory_space<hbm>>
        %dma_wait3A_109 = tpu.memref_slice %arg4[%multiple_of3A_83] : memref<323584xi32, #tpu.memory_space<hbm>> -> memref<128xi32, #tpu.memory_space<hbm>>
        tpu.wait_dma2 semaphore(%run_scoped3A : memref<!tpu.dma_semaphore, #tpu.memory_space<semaphore_mem>>) src(%dma_wait3A_109 : memref<128xi32, #tpu.memory_space<hbm>>) dst(%arg10 : memref<128xi32, #tpu.memory_space<vmem>>)
        tpu.yield
      }) : () -> ()
      %dma_start3A_86 = arith.constant 0 : i32
      %dma_start3A_87 = arith.constant 0 : i32
      %dma_start3A_88 = tpu.memref_slice %arg2[%dma_start3A_86, %dma_start3A_87] : memref<10000x128xf32, #tpu.memory_space<hbm>> -> memref<10000x128xf32, #tpu.memory_space<hbm>>
      tpu.enqueue_indirect_dma source(%dma_start3A_88 : memref<10000x128xf32, #tpu.memory_space<hbm>>) target(%arg12 : memref<128x128xf32, #tpu.memory_space<vmem>>) offsets(%arg9 : memref<128xi32, #tpu.memory_space<vmem>>) semaphore(%arg14 : memref<!tpu.dma_semaphore, #tpu.memory_space<semaphore_mem>>)
      %dma_wait3A = arith.constant 0 : i32
      %dma_wait3A_89 = arith.constant 0 : i32
      %dma_wait3A_90 = tpu.memref_slice %arg2[%dma_wait3A, %dma_wait3A_89] : memref<10000x128xf32, #tpu.memory_space<hbm>> -> memref<10000x128xf32, #tpu.memory_space<hbm>>
      tpu.wait_indirect_dma semaphore(%arg13 : memref<!tpu.dma_semaphore, #tpu.memory_space<semaphore_mem>>) src(%dma_wait3A_90 : memref<10000x128xf32, #tpu.memory_space<hbm>>) dst(%arg11 : memref<128x128xf32, #tpu.memory_space<vmem>>)
      %dma_start3A_91 = arith.constant 0 : i32
      %dma_start3A_92 = arith.constant 0 : i32
      %dma_start3A_93 = tpu.memref_slice %arg6[%dma_start3A_91, %dma_start3A_92] : memref<10240x128xf32, #tpu.memory_space<vmem_shared>> -> memref<10240x128xf32, #tpu.memory_space<vmem_shared>>
      tpu.enqueue_indirect_dma source(%arg11 : memref<128x128xf32, #tpu.memory_space<vmem>>) target(%dma_start3A_93 : memref<10240x128xf32, #tpu.memory_space<vmem_shared>>) offsets(%arg8 : memref<128xi32, #tpu.memory_space<vmem>>) semaphore(%arg15 : memref<!tpu.dma_semaphore, #tpu.memory_space<semaphore_mem>>) {add = true}
      %dma_wait3A_94 = arith.constant 0 : i32
      %dma_wait3A_95 = arith.constant 0 : i32
      %dma_wait3A_96 = tpu.memref_slice %arg2[%dma_wait3A_94, %dma_wait3A_95] : memref<10000x128xf32, #tpu.memory_space<hbm>> -> memref<10000x128xf32, #tpu.memory_space<hbm>>
      tpu.wait_indirect_dma semaphore(%arg14 : memref<!tpu.dma_semaphore, #tpu.memory_space<semaphore_mem>>) src(%dma_wait3A_96 : memref<10000x128xf32, #tpu.memory_space<hbm>>) dst(%arg12 : memref<128x128xf32, #tpu.memory_space<vmem>>)
      %dma_start3A_97 = arith.constant 0 : i32
      %dma_start3A_98 = arith.constant 0 : i32
      %dma_start3A_99 = tpu.memref_slice %arg6[%dma_start3A_97, %dma_start3A_98] : memref<10240x128xf32, #tpu.memory_space<vmem_shared>> -> memref<10240x128xf32, #tpu.memory_space<vmem_shared>>
      tpu.enqueue_indirect_dma source(%arg12 : memref<128x128xf32, #tpu.memory_space<vmem>>) target(%dma_start3A_99 : memref<10240x128xf32, #tpu.memory_space<vmem_shared>>) offsets(%arg10 : memref<128xi32, #tpu.memory_space<vmem>>) semaphore(%arg16 : memref<!tpu.dma_semaphore, #tpu.memory_space<semaphore_mem>>) {add = true}
      %dma_wait3A_100 = arith.constant 0 : i32
      %dma_wait3A_101 = arith.constant 0 : i32
      %dma_wait3A_102 = tpu.memref_slice %arg6[%dma_wait3A_100, %dma_wait3A_101] : memref<10240x128xf32, #tpu.memory_space<vmem_shared>> -> memref<10240x128xf32, #tpu.memory_space<vmem_shared>>
      tpu.wait_indirect_dma semaphore(%arg15 : memref<!tpu.dma_semaphore, #tpu.memory_space<semaphore_mem>>) src(%arg11 : memref<128x128xf32, #tpu.memory_space<vmem>>) dst(%dma_wait3A_102 : memref<10240x128xf32, #tpu.memory_space<vmem_shared>>)
      %dma_wait3A_103 = arith.constant 0 : i32
      %dma_wait3A_104 = arith.constant 0 : i32
      %dma_wait3A_105 = tpu.memref_slice %arg6[%dma_wait3A_103, %dma_wait3A_104] : memref<10240x128xf32, #tpu.memory_space<vmem_shared>> -> memref<10240x128xf32, #tpu.memory_space<vmem_shared>>
      tpu.wait_indirect_dma semaphore(%arg16 : memref<!tpu.dma_semaphore, #tpu.memory_space<semaphore_mem>>) src(%arg12 : memref<128x128xf32, #tpu.memory_space<vmem>>) dst(%dma_wait3A_105 : memref<10240x128xf32, #tpu.memory_space<vmem_shared>>)
    }
    %while3A_48 = arith.constant 1 : i32
    scf.for %while3A_70 = %while3A_46 to %while3A_42 step %while3A_48  : i32 {
      %mul3A_71 = arith.constant 2 : i32
      %mul3A_72 = arith.muli %mul3A_71, %while3A_70 : i32
      %mul3A_73 = arith.constant 128 : i32
      %mul3A_74 = arith.muli %mul3A_72, %mul3A_73 : i32
      %add3A_75 = arith.addi %mul3A_39, %mul3A_74 : i32
      %multiple_of3A = tpu.assume_multiple %add3A_75, 8 : i32
      %mul3A_76 = arith.constant 2 : i32
      %mul3A_77 = arith.muli %mul3A_76, %while3A_70 : i32
      %add3A_78 = arith.constant 1 : i32
      %add3A_79 = arith.addi %mul3A_77, %add3A_78 : i32
      %mul3A_80 = arith.constant 128 : i32
      %mul3A_81 = arith.muli %add3A_79, %mul3A_80 : i32
      %add3A_82 = arith.addi %mul3A_39, %mul3A_81 : i32
      %multiple_of3A_83 = tpu.assume_multiple %add3A_82, 8 : i32
      "tpu.region"() ({
        %run_scoped3A = tpu.sem_alloc : memref<!tpu.dma_semaphore, #tpu.memory_space<semaphore_mem>>
        %dma_start3A_106 = tpu.memref_slice %arg3[%multiple_of3A] : memref<323584xi32, #tpu.memory_space<hbm>> -> memref<128xi32, #tpu.memory_space<hbm>>
        %dma_start3A_107 = tpu.memref_slice %arg3[%multiple_of3A] : memref<323584xi32, #tpu.memory_space<hbm>> -> memref<128xi32, #tpu.memory_space<hbm>>
        tpu.enqueue_dma source(%dma_start3A_107 : memref<128xi32, #tpu.memory_space<hbm>>) target(%arg7 : memref<128xi32, #tpu.memory_space<vmem>>) target_semaphore(%run_scoped3A : memref<!tpu.dma_semaphore, #tpu.memory_space<semaphore_mem>>)
        %dma_wait3A_108 = tpu.memref_slice %arg3[%multiple_of3A] : memref<323584xi32, #tpu.memory_space<hbm>> -> memref<128xi32, #tpu.memory_space<hbm>>
        %dma_wait3A_109 = tpu.memref_slice %arg3[%multiple_of3A] : memref<323584xi32, #tpu.memory_space<hbm>> -> memref<128xi32, #tpu.memory_space<hbm>>
        tpu.wait_dma2 semaphore(%run_scoped3A : memref<!tpu.dma_semaphore, #tpu.memory_space<semaphore_mem>>) src(%dma_wait3A_109 : memref<128xi32, #tpu.memory_space<hbm>>) dst(%arg7 : memref<128xi32, #tpu.memory_space<vmem>>)
        tpu.yield
      }) : () -> ()
      "tpu.region"() ({
        %run_scoped3A = tpu.sem_alloc : memref<!tpu.dma_semaphore, #tpu.memory_space<semaphore_mem>>
        %dma_start3A_106 = tpu.memref_slice %arg4[%multiple_of3A] : memref<323584xi32, #tpu.memory_space<hbm>> -> memref<128xi32, #tpu.memory_space<hbm>>
        %dma_start3A_107 = tpu.memref_slice %arg4[%multiple_of3A] : memref<323584xi32, #tpu.memory_space<hbm>> -> memref<128xi32, #tpu.memory_space<hbm>>
        tpu.enqueue_dma source(%dma_start3A_107 : memref<128xi32, #tpu.memory_space<hbm>>) target(%arg8 : memref<128xi32, #tpu.memory_space<vmem>>) target_semaphore(%run_scoped3A : memref<!tpu.dma_semaphore, #tpu.memory_space<semaphore_mem>>)
        %dma_wait3A_108 = tpu.memref_slice %arg4[%multiple_of3A] : memref<323584xi32, #tpu.memory_space<hbm>> -> memref<128xi32, #tpu.memory_space<hbm>>
        %dma_wait3A_109 = tpu.memref_slice %arg4[%multiple_of3A] : memref<323584xi32, #tpu.memory_space<hbm>> -> memref<128xi32, #tpu.memory_space<hbm>>
        tpu.wait_dma2 semaphore(%run_scoped3A : memref<!tpu.dma_semaphore, #tpu.memory_space<semaphore_mem>>) src(%dma_wait3A_109 : memref<128xi32, #tpu.memory_space<hbm>>) dst(%arg8 : memref<128xi32, #tpu.memory_space<vmem>>)
        tpu.yield
      }) : () -> ()
      %dma_start3A = arith.constant 0 : i32
      %dma_start3A_84 = arith.constant 0 : i32
      %dma_start3A_85 = tpu.memref_slice %arg2[%dma_start3A, %dma_start3A_84] : memref<10000x128xf32, #tpu.memory_space<hbm>> -> memref<10000x128xf32, #tpu.memory_space<hbm>>
      tpu.enqueue_indirect_dma source(%dma_start3A_85 : memref<10000x128xf32, #tpu.memory_space<hbm>>) target(%arg11 : memref<128x128xf32, #tpu.memory_space<vmem>>) offsets(%arg7 : memref<128xi32, #tpu.memory_space<vmem>>) semaphore(%arg13 : memref<!tpu.dma_semaphore, #tpu.memory_space<semaphore_mem>>)
      "tpu.region"() ({
        %run_scoped3A = tpu.sem_alloc : memref<!tpu.dma_semaphore, #tpu.memory_space<semaphore_mem>>
        %dma_start3A_106 = tpu.memref_slice %arg3[%multiple_of3A_83] : memref<323584xi32, #tpu.memory_space<hbm>> -> memref<128xi32, #tpu.memory_space<hbm>>
        %dma_start3A_107 = tpu.memref_slice %arg3[%multiple_of3A_83] : memref<323584xi32, #tpu.memory_space<hbm>> -> memref<128xi32, #tpu.memory_space<hbm>>
        tpu.enqueue_dma source(%dma_start3A_107 : memref<128xi32, #tpu.memory_space<hbm>>) target(%arg9 : memref<128xi32, #tpu.memory_space<vmem>>) target_semaphore(%run_scoped3A : memref<!tpu.dma_semaphore, #tpu.memory_space<semaphore_mem>>)
        %dma_wait3A_108 = tpu.memref_slice %arg3[%multiple_of3A_83] : memref<323584xi32, #tpu.memory_space<hbm>> -> memref<128xi32, #tpu.memory_space<hbm>>
        %dma_wait3A_109 = tpu.memref_slice %arg3[%multiple_of3A_83] : memref<323584xi32, #tpu.memory_space<hbm>> -> memref<128xi32, #tpu.memory_space<hbm>>
        tpu.wait_dma2 semaphore(%run_scoped3A : memref<!tpu.dma_semaphore, #tpu.memory_space<semaphore_mem>>) src(%dma_wait3A_109 : memref<128xi32, #tpu.memory_space<hbm>>) dst(%arg9 : memref<128xi32, #tpu.memory_space<vmem>>)
        tpu.yield
      }) : () -> ()
      "tpu.region"() ({
        %run_scoped3A = tpu.sem_alloc : memref<!tpu.dma_semaphore, #tpu.memory_space<semaphore_mem>>
        %dma_start3A_106 = tpu.memref_slice %arg4[%multiple_of3A_83] : memref<323584xi32, #tpu.memory_space<hbm>> -> memref<128xi32, #tpu.memory_space<hbm>>
        %dma_start3A_107 = tpu.memref_slice %arg4[%multiple_of3A_83] : memref<323584xi32, #tpu.memory_space<hbm>> -> memref<128xi32, #tpu.memory_space<hbm>>
        tpu.enqueue_dma source(%dma_start3A_107 : memref<128xi32, #tpu.memory_space<hbm>>) target(%arg10 : memref<128xi32, #tpu.memory_space<vmem>>) target_semaphore(%run_scoped3A : memref<!tpu.dma_semaphore, #tpu.memory_space<semaphore_mem>>)
        %dma_wait3A_108 = tpu.memref_slice %arg4[%multiple_of3A_83] : memref<323584xi32, #tpu.memory_space<hbm>> -> memref<128xi32, #tpu.memory_space<hbm>>
        %dma_wait3A_109 = tpu.memref_slice %arg4[%multiple_of3A_83] : memref<323584xi32, #tpu.memory_space<hbm>> -> memref<128xi32, #tpu.memory_space<hbm>>
        tpu.wait_dma2 semaphore(%run_scoped3A : memref<!tpu.dma_semaphore, #tpu.memory_space<semaphore_mem>>) src(%dma_wait3A_109 : memref<128xi32, #tpu.memory_space<hbm>>) dst(%arg10 : memref<128xi32, #tpu.memory_space<vmem>>)
        tpu.yield
      }) : () -> ()
      %dma_start3A_86 = arith.constant 0 : i32
      %dma_start3A_87 = arith.constant 0 : i32
      %dma_start3A_88 = tpu.memref_slice %arg2[%dma_start3A_86, %dma_start3A_87] : memref<10000x128xf32, #tpu.memory_space<hbm>> -> memref<10000x128xf32, #tpu.memory_space<hbm>>
      tpu.enqueue_indirect_dma source(%dma_start3A_88 : memref<10000x128xf32, #tpu.memory_space<hbm>>) target(%arg12 : memref<128x128xf32, #tpu.memory_space<vmem>>) offsets(%arg9 : memref<128xi32, #tpu.memory_space<vmem>>) semaphore(%arg14 : memref<!tpu.dma_semaphore, #tpu.memory_space<semaphore_mem>>)
      %dma_wait3A = arith.constant 0 : i32
      %dma_wait3A_89 = arith.constant 0 : i32
      %dma_wait3A_90 = tpu.memref_slice %arg2[%dma_wait3A, %dma_wait3A_89] : memref<10000x128xf32, #tpu.memory_space<hbm>> -> memref<10000x128xf32, #tpu.memory_space<hbm>>
      tpu.wait_indirect_dma semaphore(%arg13 : memref<!tpu.dma_semaphore, #tpu.memory_space<semaphore_mem>>) src(%dma_wait3A_90 : memref<10000x128xf32, #tpu.memory_space<hbm>>) dst(%arg11 : memref<128x128xf32, #tpu.memory_space<vmem>>)
      %dma_start3A_91 = arith.constant 0 : i32
      %dma_start3A_92 = arith.constant 0 : i32
      %dma_start3A_93 = tpu.memref_slice %arg6[%dma_start3A_91, %dma_start3A_92] : memref<10240x128xf32, #tpu.memory_space<vmem_shared>> -> memref<10240x128xf32, #tpu.memory_space<vmem_shared>>
      tpu.enqueue_indirect_dma source(%arg11 : memref<128x128xf32, #tpu.memory_space<vmem>>) target(%dma_start3A_93 : memref<10240x128xf32, #tpu.memory_space<vmem_shared>>) offsets(%arg8 : memref<128xi32, #tpu.memory_space<vmem>>) semaphore(%arg15 : memref<!tpu.dma_semaphore, #tpu.memory_space<semaphore_mem>>) {add = true}
      %dma_wait3A_94 = arith.constant 0 : i32
      %dma_wait3A_95 = arith.constant 0 : i32
      %dma_wait3A_96 = tpu.memref_slice %arg2[%dma_wait3A_94, %dma_wait3A_95] : memref<10000x128xf32, #tpu.memory_space<hbm>> -> memref<10000x128xf32, #tpu.memory_space<hbm>>
      tpu.wait_indirect_dma semaphore(%arg14 : memref<!tpu.dma_semaphore, #tpu.memory_space<semaphore_mem>>) src(%dma_wait3A_96 : memref<10000x128xf32, #tpu.memory_space<hbm>>) dst(%arg12 : memref<128x128xf32, #tpu.memory_space<vmem>>)
      %dma_start3A_97 = arith.constant 0 : i32
      %dma_start3A_98 = arith.constant 0 : i32
      %dma_start3A_99 = tpu.memref_slice %arg6[%dma_start3A_97, %dma_start3A_98] : memref<10240x128xf32, #tpu.memory_space<vmem_shared>> -> memref<10240x128xf32, #tpu.memory_space<vmem_shared>>
      tpu.enqueue_indirect_dma source(%arg12 : memref<128x128xf32, #tpu.memory_space<vmem>>) target(%dma_start3A_99 : memref<10240x128xf32, #tpu.memory_space<vmem_shared>>) offsets(%arg10 : memref<128xi32, #tpu.memory_space<vmem>>) semaphore(%arg16 : memref<!tpu.dma_semaphore, #tpu.memory_space<semaphore_mem>>) {add = true}
      %dma_wait3A_100 = arith.constant 0 : i32
      %dma_wait3A_101 = arith.constant 0 : i32
      %dma_wait3A_102 = tpu.memref_slice %arg6[%dma_wait3A_100, %dma_wait3A_101] : memref<10240x128xf32, #tpu.memory_space<vmem_shared>> -> memref<10240x128xf32, #tpu.memory_space<vmem_shared>>
      tpu.wait_indirect_dma semaphore(%arg15 : memref<!tpu.dma_semaphore, #tpu.memory_space<semaphore_mem>>) src(%arg11 : memref<128x128xf32, #tpu.memory_space<vmem>>) dst(%dma_wait3A_102 : memref<10240x128xf32, #tpu.memory_space<vmem_shared>>)
      %dma_wait3A_103 = arith.constant 0 : i32
      %dma_wait3A_104 = arith.constant 0 : i32
      %dma_wait3A_105 = tpu.memref_slice %arg6[%dma_wait3A_103, %dma_wait3A_104] : memref<10240x128xf32, #tpu.memory_space<vmem_shared>> -> memref<10240x128xf32, #tpu.memory_space<vmem_shared>>
      tpu.wait_indirect_dma semaphore(%arg16 : memref<!tpu.dma_semaphore, #tpu.memory_space<semaphore_mem>>) src(%arg12 : memref<128x128xf32, #tpu.memory_space<vmem>>) dst(%dma_wait3A_105 : memref<10240x128xf32, #tpu.memory_space<vmem_shared>>)
    }
    %barrier3A_49 = arith.constant 0 : index
    tpu.barrier barrier_id(%barrier3A_49)
    %mul3A_50 = arith.constant 640 : i32
    %mul3A_51 = arith.muli %arg1, %mul3A_50 : i32
    %add3A_52 = arith.constant 0 : i32
    %add3A_53 = arith.addi %mul3A_51, %add3A_52 : i32
    "tpu.region"() ({
      %run_scoped3A = tpu.sem_alloc : memref<!tpu.dma_semaphore, #tpu.memory_space<semaphore_mem>>
      %dma_start3A = arith.constant 0 : i32
      %dma_start3A_70 = tpu.memref_slice %arg6[%add3A_53, %dma_start3A] : memref<10240x128xf32, #tpu.memory_space<vmem_shared>> -> memref<128x128xf32, #tpu.memory_space<vmem_shared>>
      %dma_start3A_71 = arith.constant 0 : i32
      %dma_start3A_72 = tpu.memref_slice %arg6[%add3A_53, %dma_start3A_71] : memref<10240x128xf32, #tpu.memory_space<vmem_shared>> -> memref<128x128xf32, #tpu.memory_space<vmem_shared>>
      tpu.enqueue_dma source(%dma_start3A_72 : memref<128x128xf32, #tpu.memory_space<vmem_shared>>) target(%arg11 : memref<128x128xf32, #tpu.memory_space<vmem>>) target_semaphore(%run_scoped3A : memref<!tpu.dma_semaphore, #tpu.memory_space<semaphore_mem>>)
      %dma_wait3A = arith.constant 0 : i32
      %dma_wait3A_73 = tpu.memref_slice %arg6[%add3A_53, %dma_wait3A] : memref<10240x128xf32, #tpu.memory_space<vmem_shared>> -> memref<128x128xf32, #tpu.memory_space<vmem_shared>>
      %dma_wait3A_74 = arith.constant 0 : i32
      %dma_wait3A_75 = tpu.memref_slice %arg6[%add3A_53, %dma_wait3A_74] : memref<10240x128xf32, #tpu.memory_space<vmem_shared>> -> memref<128x128xf32, #tpu.memory_space<vmem_shared>>
      tpu.wait_dma2 semaphore(%run_scoped3A : memref<!tpu.dma_semaphore, #tpu.memory_space<semaphore_mem>>) src(%dma_wait3A_75 : memref<128x128xf32, #tpu.memory_space<vmem_shared>>) dst(%arg11 : memref<128x128xf32, #tpu.memory_space<vmem>>)
      tpu.yield
    }) : () -> ()
    "tpu.region"() ({
      %run_scoped3A = tpu.sem_alloc : memref<!tpu.dma_semaphore, #tpu.memory_space<semaphore_mem>>
      %dma_start3A = arith.constant 0 : i32
      %dma_start3A_70 = tpu.memref_slice %arg5[%arg0, %add3A_53, %dma_start3A] : memref<2x10240x128xf32, #tpu.memory_space<hbm>> -> memref<1x128x128xf32, #tpu.memory_space<hbm>>
      %dma_start3A_71 = tpu.memref_squeeze %dma_start3A_70 : memref<1x128x128xf32, #tpu.memory_space<hbm>> -> memref<128x128xf32, #tpu.memory_space<hbm>>
      %dma_start3A_72 = arith.constant 0 : i32
      %dma_start3A_73 = tpu.memref_slice %arg5[%arg0, %add3A_53, %dma_start3A_72] : memref<2x10240x128xf32, #tpu.memory_space<hbm>> -> memref<1x128x128xf32, #tpu.memory_space<hbm>>
      %dma_start3A_74 = tpu.memref_squeeze %dma_start3A_73 : memref<1x128x128xf32, #tpu.memory_space<hbm>> -> memref<128x128xf32, #tpu.memory_space<hbm>>
      tpu.enqueue_dma source(%arg11 : memref<128x128xf32, #tpu.memory_space<vmem>>) target(%dma_start3A_74 : memref<128x128xf32, #tpu.memory_space<hbm>>) target_semaphore(%run_scoped3A : memref<!tpu.dma_semaphore, #tpu.memory_space<semaphore_mem>>)
      %dma_wait3A = arith.constant 0 : i32
      %dma_wait3A_75 = tpu.memref_slice %arg5[%arg0, %add3A_53, %dma_wait3A] : memref<2x10240x128xf32, #tpu.memory_space<hbm>> -> memref<1x128x128xf32, #tpu.memory_space<hbm>>
      %dma_wait3A_76 = tpu.memref_squeeze %dma_wait3A_75 : memref<1x128x128xf32, #tpu.memory_space<hbm>> -> memref<128x128xf32, #tpu.memory_space<hbm>>
      %dma_wait3A_77 = arith.constant 0 : i32
      %dma_wait3A_78 = tpu.memref_slice %arg5[%arg0, %add3A_53, %dma_wait3A_77] : memref<2x10240x128xf32, #tpu.memory_space<hbm>> -> memref<1x128x128xf32, #tpu.memory_space<hbm>>
      %dma_wait3A_79 = tpu.memref_squeeze %dma_wait3A_78 : memref<1x128x128xf32, #tpu.memory_space<hbm>> -> memref<128x128xf32, #tpu.memory_space<hbm>>
      tpu.wait_dma2 semaphore(%run_scoped3A : memref<!tpu.dma_semaphore, #tpu.memory_space<semaphore_mem>>) src(%arg11 : memref<128x128xf32, #tpu.memory_space<vmem>>) dst(%dma_wait3A_79 : memref<128x128xf32, #tpu.memory_space<hbm>>)
      tpu.yield
    }) : () -> ()
    %mul3A_54 = arith.constant 640 : i32
    %mul3A_55 = arith.muli %arg1, %mul3A_54 : i32
    %add3A_56 = arith.constant 128 : i32
    %add3A_57 = arith.addi %mul3A_55, %add3A_56 : i32
    "tpu.region"() ({
      %run_scoped3A = tpu.sem_alloc : memref<!tpu.dma_semaphore, #tpu.memory_space<semaphore_mem>>
      %dma_start3A = arith.constant 0 : i32
      %dma_start3A_70 = tpu.memref_slice %arg6[%add3A_57, %dma_start3A] : memref<10240x128xf32, #tpu.memory_space<vmem_shared>> -> memref<128x128xf32, #tpu.memory_space<vmem_shared>>
      %dma_start3A_71 = arith.constant 0 : i32
      %dma_start3A_72 = tpu.memref_slice %arg6[%add3A_57, %dma_start3A_71] : memref<10240x128xf32, #tpu.memory_space<vmem_shared>> -> memref<128x128xf32, #tpu.memory_space<vmem_shared>>
      tpu.enqueue_dma source(%dma_start3A_72 : memref<128x128xf32, #tpu.memory_space<vmem_shared>>) target(%arg11 : memref<128x128xf32, #tpu.memory_space<vmem>>) target_semaphore(%run_scoped3A : memref<!tpu.dma_semaphore, #tpu.memory_space<semaphore_mem>>)
      %dma_wait3A = arith.constant 0 : i32
      %dma_wait3A_73 = tpu.memref_slice %arg6[%add3A_57, %dma_wait3A] : memref<10240x128xf32, #tpu.memory_space<vmem_shared>> -> memref<128x128xf32, #tpu.memory_space<vmem_shared>>
      %dma_wait3A_74 = arith.constant 0 : i32
      %dma_wait3A_75 = tpu.memref_slice %arg6[%add3A_57, %dma_wait3A_74] : memref<10240x128xf32, #tpu.memory_space<vmem_shared>> -> memref<128x128xf32, #tpu.memory_space<vmem_shared>>
      tpu.wait_dma2 semaphore(%run_scoped3A : memref<!tpu.dma_semaphore, #tpu.memory_space<semaphore_mem>>) src(%dma_wait3A_75 : memref<128x128xf32, #tpu.memory_space<vmem_shared>>) dst(%arg11 : memref<128x128xf32, #tpu.memory_space<vmem>>)
      tpu.yield
    }) : () -> ()
    "tpu.region"() ({
      %run_scoped3A = tpu.sem_alloc : memref<!tpu.dma_semaphore, #tpu.memory_space<semaphore_mem>>
      %dma_start3A = arith.constant 0 : i32
      %dma_start3A_70 = tpu.memref_slice %arg5[%arg0, %add3A_57, %dma_start3A] : memref<2x10240x128xf32, #tpu.memory_space<hbm>> -> memref<1x128x128xf32, #tpu.memory_space<hbm>>
      %dma_start3A_71 = tpu.memref_squeeze %dma_start3A_70 : memref<1x128x128xf32, #tpu.memory_space<hbm>> -> memref<128x128xf32, #tpu.memory_space<hbm>>
      %dma_start3A_72 = arith.constant 0 : i32
      %dma_start3A_73 = tpu.memref_slice %arg5[%arg0, %add3A_57, %dma_start3A_72] : memref<2x10240x128xf32, #tpu.memory_space<hbm>> -> memref<1x128x128xf32, #tpu.memory_space<hbm>>
      %dma_start3A_74 = tpu.memref_squeeze %dma_start3A_73 : memref<1x128x128xf32, #tpu.memory_space<hbm>> -> memref<128x128xf32, #tpu.memory_space<hbm>>
      tpu.enqueue_dma source(%arg11 : memref<128x128xf32, #tpu.memory_space<vmem>>) target(%dma_start3A_74 : memref<128x128xf32, #tpu.memory_space<hbm>>) target_semaphore(%run_scoped3A : memref<!tpu.dma_semaphore, #tpu.memory_space<semaphore_mem>>)
      %dma_wait3A = arith.constant 0 : i32
      %dma_wait3A_75 = tpu.memref_slice %arg5[%arg0, %add3A_57, %dma_wait3A] : memref<2x10240x128xf32, #tpu.memory_space<hbm>> -> memref<1x128x128xf32, #tpu.memory_space<hbm>>
      %dma_wait3A_76 = tpu.memref_squeeze %dma_wait3A_75 : memref<1x128x128xf32, #tpu.memory_space<hbm>> -> memref<128x128xf32, #tpu.memory_space<hbm>>
      %dma_wait3A_77 = arith.constant 0 : i32
      %dma_wait3A_78 = tpu.memref_slice %arg5[%arg0, %add3A_57, %dma_wait3A_77] : memref<2x10240x128xf32, #tpu.memory_space<hbm>> -> memref<1x128x128xf32, #tpu.memory_space<hbm>>
      %dma_wait3A_79 = tpu.memref_squeeze %dma_wait3A_78 : memref<1x128x128xf32, #tpu.memory_space<hbm>> -> memref<128x128xf32, #tpu.memory_space<hbm>>
      tpu.wait_dma2 semaphore(%run_scoped3A : memref<!tpu.dma_semaphore, #tpu.memory_space<semaphore_mem>>) src(%arg11 : memref<128x128xf32, #tpu.memory_space<vmem>>) dst(%dma_wait3A_79 : memref<128x128xf32, #tpu.memory_space<hbm>>)
      tpu.yield
    }) : () -> ()
    %mul3A_58 = arith.constant 640 : i32
    %mul3A_59 = arith.muli %arg1, %mul3A_58 : i32
    %add3A_60 = arith.constant 256 : i32
    %add3A_61 = arith.addi %mul3A_59, %add3A_60 : i32
    "tpu.region"() ({
      %run_scoped3A = tpu.sem_alloc : memref<!tpu.dma_semaphore, #tpu.memory_space<semaphore_mem>>
      %dma_start3A = arith.constant 0 : i32
      %dma_start3A_70 = tpu.memref_slice %arg6[%add3A_61, %dma_start3A] : memref<10240x128xf32, #tpu.memory_space<vmem_shared>> -> memref<128x128xf32, #tpu.memory_space<vmem_shared>>
      %dma_start3A_71 = arith.constant 0 : i32
      %dma_start3A_72 = tpu.memref_slice %arg6[%add3A_61, %dma_start3A_71] : memref<10240x128xf32, #tpu.memory_space<vmem_shared>> -> memref<128x128xf32, #tpu.memory_space<vmem_shared>>
      tpu.enqueue_dma source(%dma_start3A_72 : memref<128x128xf32, #tpu.memory_space<vmem_shared>>) target(%arg11 : memref<128x128xf32, #tpu.memory_space<vmem>>) target_semaphore(%run_scoped3A : memref<!tpu.dma_semaphore, #tpu.memory_space<semaphore_mem>>)
      %dma_wait3A = arith.constant 0 : i32
      %dma_wait3A_73 = tpu.memref_slice %arg6[%add3A_61, %dma_wait3A] : memref<10240x128xf32, #tpu.memory_space<vmem_shared>> -> memref<128x128xf32, #tpu.memory_space<vmem_shared>>
      %dma_wait3A_74 = arith.constant 0 : i32
      %dma_wait3A_75 = tpu.memref_slice %arg6[%add3A_61, %dma_wait3A_74] : memref<10240x128xf32, #tpu.memory_space<vmem_shared>> -> memref<128x128xf32, #tpu.memory_space<vmem_shared>>
      tpu.wait_dma2 semaphore(%run_scoped3A : memref<!tpu.dma_semaphore, #tpu.memory_space<semaphore_mem>>) src(%dma_wait3A_75 : memref<128x128xf32, #tpu.memory_space<vmem_shared>>) dst(%arg11 : memref<128x128xf32, #tpu.memory_space<vmem>>)
      tpu.yield
    }) : () -> ()
    "tpu.region"() ({
      %run_scoped3A = tpu.sem_alloc : memref<!tpu.dma_semaphore, #tpu.memory_space<semaphore_mem>>
      %dma_start3A = arith.constant 0 : i32
      %dma_start3A_70 = tpu.memref_slice %arg5[%arg0, %add3A_61, %dma_start3A] : memref<2x10240x128xf32, #tpu.memory_space<hbm>> -> memref<1x128x128xf32, #tpu.memory_space<hbm>>
      %dma_start3A_71 = tpu.memref_squeeze %dma_start3A_70 : memref<1x128x128xf32, #tpu.memory_space<hbm>> -> memref<128x128xf32, #tpu.memory_space<hbm>>
      %dma_start3A_72 = arith.constant 0 : i32
      %dma_start3A_73 = tpu.memref_slice %arg5[%arg0, %add3A_61, %dma_start3A_72] : memref<2x10240x128xf32, #tpu.memory_space<hbm>> -> memref<1x128x128xf32, #tpu.memory_space<hbm>>
      %dma_start3A_74 = tpu.memref_squeeze %dma_start3A_73 : memref<1x128x128xf32, #tpu.memory_space<hbm>> -> memref<128x128xf32, #tpu.memory_space<hbm>>
      tpu.enqueue_dma source(%arg11 : memref<128x128xf32, #tpu.memory_space<vmem>>) target(%dma_start3A_74 : memref<128x128xf32, #tpu.memory_space<hbm>>) target_semaphore(%run_scoped3A : memref<!tpu.dma_semaphore, #tpu.memory_space<semaphore_mem>>)
      %dma_wait3A = arith.constant 0 : i32
      %dma_wait3A_75 = tpu.memref_slice %arg5[%arg0, %add3A_61, %dma_wait3A] : memref<2x10240x128xf32, #tpu.memory_space<hbm>> -> memref<1x128x128xf32, #tpu.memory_space<hbm>>
      %dma_wait3A_76 = tpu.memref_squeeze %dma_wait3A_75 : memref<1x128x128xf32, #tpu.memory_space<hbm>> -> memref<128x128xf32, #tpu.memory_space<hbm>>
      %dma_wait3A_77 = arith.constant 0 : i32
      %dma_wait3A_78 = tpu.memref_slice %arg5[%arg0, %add3A_61, %dma_wait3A_77] : memref<2x10240x128xf32, #tpu.memory_space<hbm>> -> memref<1x128x128xf32, #tpu.memory_space<hbm>>
      %dma_wait3A_79 = tpu.memref_squeeze %dma_wait3A_78 : memref<1x128x128xf32, #tpu.memory_space<hbm>> -> memref<128x128xf32, #tpu.memory_space<hbm>>
      tpu.wait_dma2 semaphore(%run_scoped3A : memref<!tpu.dma_semaphore, #tpu.memory_space<semaphore_mem>>) src(%arg11 : memref<128x128xf32, #tpu.memory_space<vmem>>) dst(%dma_wait3A_79 : memref<128x128xf32, #tpu.memory_space<hbm>>)
      tpu.yield
    }) : () -> ()
    %mul3A_62 = arith.constant 640 : i32
    %mul3A_63 = arith.muli %arg1, %mul3A_62 : i32
    %add3A_64 = arith.constant 384 : i32
    %add3A_65 = arith.addi %mul3A_63, %add3A_64 : i32
    "tpu.region"() ({
      %run_scoped3A = tpu.sem_alloc : memref<!tpu.dma_semaphore, #tpu.memory_space<semaphore_mem>>
      %dma_start3A = arith.constant 0 : i32
      %dma_start3A_70 = tpu.memref_slice %arg6[%add3A_65, %dma_start3A] : memref<10240x128xf32, #tpu.memory_space<vmem_shared>> -> memref<128x128xf32, #tpu.memory_space<vmem_shared>>
      %dma_start3A_71 = arith.constant 0 : i32
      %dma_start3A_72 = tpu.memref_slice %arg6[%add3A_65, %dma_start3A_71] : memref<10240x128xf32, #tpu.memory_space<vmem_shared>> -> memref<128x128xf32, #tpu.memory_space<vmem_shared>>
      tpu.enqueue_dma source(%dma_start3A_72 : memref<128x128xf32, #tpu.memory_space<vmem_shared>>) target(%arg11 : memref<128x128xf32, #tpu.memory_space<vmem>>) target_semaphore(%run_scoped3A : memref<!tpu.dma_semaphore, #tpu.memory_space<semaphore_mem>>)
      %dma_wait3A = arith.constant 0 : i32
      %dma_wait3A_73 = tpu.memref_slice %arg6[%add3A_65, %dma_wait3A] : memref<10240x128xf32, #tpu.memory_space<vmem_shared>> -> memref<128x128xf32, #tpu.memory_space<vmem_shared>>
      %dma_wait3A_74 = arith.constant 0 : i32
      %dma_wait3A_75 = tpu.memref_slice %arg6[%add3A_65, %dma_wait3A_74] : memref<10240x128xf32, #tpu.memory_space<vmem_shared>> -> memref<128x128xf32, #tpu.memory_space<vmem_shared>>
      tpu.wait_dma2 semaphore(%run_scoped3A : memref<!tpu.dma_semaphore, #tpu.memory_space<semaphore_mem>>) src(%dma_wait3A_75 : memref<128x128xf32, #tpu.memory_space<vmem_shared>>) dst(%arg11 : memref<128x128xf32, #tpu.memory_space<vmem>>)
      tpu.yield
    }) : () -> ()
    "tpu.region"() ({
      %run_scoped3A = tpu.sem_alloc : memref<!tpu.dma_semaphore, #tpu.memory_space<semaphore_mem>>
      %dma_start3A = arith.constant 0 : i32
      %dma_start3A_70 = tpu.memref_slice %arg5[%arg0, %add3A_65, %dma_start3A] : memref<2x10240x128xf32, #tpu.memory_space<hbm>> -> memref<1x128x128xf32, #tpu.memory_space<hbm>>
      %dma_start3A_71 = tpu.memref_squeeze %dma_start3A_70 : memref<1x128x128xf32, #tpu.memory_space<hbm>> -> memref<128x128xf32, #tpu.memory_space<hbm>>
      %dma_start3A_72 = arith.constant 0 : i32
      %dma_start3A_73 = tpu.memref_slice %arg5[%arg0, %add3A_65, %dma_start3A_72] : memref<2x10240x128xf32, #tpu.memory_space<hbm>> -> memref<1x128x128xf32, #tpu.memory_space<hbm>>
      %dma_start3A_74 = tpu.memref_squeeze %dma_start3A_73 : memref<1x128x128xf32, #tpu.memory_space<hbm>> -> memref<128x128xf32, #tpu.memory_space<hbm>>
      tpu.enqueue_dma source(%arg11 : memref<128x128xf32, #tpu.memory_space<vmem>>) target(%dma_start3A_74 : memref<128x128xf32, #tpu.memory_space<hbm>>) target_semaphore(%run_scoped3A : memref<!tpu.dma_semaphore, #tpu.memory_space<semaphore_mem>>)
      %dma_wait3A = arith.constant 0 : i32
      %dma_wait3A_75 = tpu.memref_slice %arg5[%arg0, %add3A_65, %dma_wait3A] : memref<2x10240x128xf32, #tpu.memory_space<hbm>> -> memref<1x128x128xf32, #tpu.memory_space<hbm>>
      %dma_wait3A_76 = tpu.memref_squeeze %dma_wait3A_75 : memref<1x128x128xf32, #tpu.memory_space<hbm>> -> memref<128x128xf32, #tpu.memory_space<hbm>>
      %dma_wait3A_77 = arith.constant 0 : i32
      %dma_wait3A_78 = tpu.memref_slice %arg5[%arg0, %add3A_65, %dma_wait3A_77] : memref<2x10240x128xf32, #tpu.memory_space<hbm>> -> memref<1x128x128xf32, #tpu.memory_space<hbm>>
      %dma_wait3A_79 = tpu.memref_squeeze %dma_wait3A_78 : memref<1x128x128xf32, #tpu.memory_space<hbm>> -> memref<128x128xf32, #tpu.memory_space<hbm>>
      tpu.wait_dma2 semaphore(%run_scoped3A : memref<!tpu.dma_semaphore, #tpu.memory_space<semaphore_mem>>) src(%arg11 : memref<128x128xf32, #tpu.memory_space<vmem>>) dst(%dma_wait3A_79 : memref<128x128xf32, #tpu.memory_space<hbm>>)
      tpu.yield
    }) : () -> ()
    %mul3A_66 = arith.constant 640 : i32
    %mul3A_67 = arith.muli %arg1, %mul3A_66 : i32
    %add3A_68 = arith.constant 512 : i32
    %add3A_69 = arith.addi %mul3A_67, %add3A_68 : i32
    "tpu.region"() ({
      %run_scoped3A = tpu.sem_alloc : memref<!tpu.dma_semaphore, #tpu.memory_space<semaphore_mem>>
      %dma_start3A = arith.constant 0 : i32
      %dma_start3A_70 = tpu.memref_slice %arg6[%add3A_69, %dma_start3A] : memref<10240x128xf32, #tpu.memory_space<vmem_shared>> -> memref<128x128xf32, #tpu.memory_space<vmem_shared>>
      %dma_start3A_71 = arith.constant 0 : i32
      %dma_start3A_72 = tpu.memref_slice %arg6[%add3A_69, %dma_start3A_71] : memref<10240x128xf32, #tpu.memory_space<vmem_shared>> -> memref<128x128xf32, #tpu.memory_space<vmem_shared>>
      tpu.enqueue_dma source(%dma_start3A_72 : memref<128x128xf32, #tpu.memory_space<vmem_shared>>) target(%arg11 : memref<128x128xf32, #tpu.memory_space<vmem>>) target_semaphore(%run_scoped3A : memref<!tpu.dma_semaphore, #tpu.memory_space<semaphore_mem>>)
      %dma_wait3A = arith.constant 0 : i32
      %dma_wait3A_73 = tpu.memref_slice %arg6[%add3A_69, %dma_wait3A] : memref<10240x128xf32, #tpu.memory_space<vmem_shared>> -> memref<128x128xf32, #tpu.memory_space<vmem_shared>>
      %dma_wait3A_74 = arith.constant 0 : i32
      %dma_wait3A_75 = tpu.memref_slice %arg6[%add3A_69, %dma_wait3A_74] : memref<10240x128xf32, #tpu.memory_space<vmem_shared>> -> memref<128x128xf32, #tpu.memory_space<vmem_shared>>
      tpu.wait_dma2 semaphore(%run_scoped3A : memref<!tpu.dma_semaphore, #tpu.memory_space<semaphore_mem>>) src(%dma_wait3A_75 : memref<128x128xf32, #tpu.memory_space<vmem_shared>>) dst(%arg11 : memref<128x128xf32, #tpu.memory_space<vmem>>)
      tpu.yield
    }) : () -> ()
    "tpu.region"() ({
      %run_scoped3A = tpu.sem_alloc : memref<!tpu.dma_semaphore, #tpu.memory_space<semaphore_mem>>
      %dma_start3A = arith.constant 0 : i32
      %dma_start3A_70 = tpu.memref_slice %arg5[%arg0, %add3A_69, %dma_start3A] : memref<2x10240x128xf32, #tpu.memory_space<hbm>> -> memref<1x128x128xf32, #tpu.memory_space<hbm>>
      %dma_start3A_71 = tpu.memref_squeeze %dma_start3A_70 : memref<1x128x128xf32, #tpu.memory_space<hbm>> -> memref<128x128xf32, #tpu.memory_space<hbm>>
      %dma_start3A_72 = arith.constant 0 : i32
      %dma_start3A_73 = tpu.memref_slice %arg5[%arg0, %add3A_69, %dma_start3A_72] : memref<2x10240x128xf32, #tpu.memory_space<hbm>> -> memref<1x128x128xf32, #tpu.memory_space<hbm>>
      %dma_start3A_74 = tpu.memref_squeeze %dma_start3A_73 : memref<1x128x128xf32, #tpu.memory_space<hbm>> -> memref<128x128xf32, #tpu.memory_space<hbm>>
      tpu.enqueue_dma source(%arg11 : memref<128x128xf32, #tpu.memory_space<vmem>>) target(%dma_start3A_74 : memref<128x128xf32, #tpu.memory_space<hbm>>) target_semaphore(%run_scoped3A : memref<!tpu.dma_semaphore, #tpu.memory_space<semaphore_mem>>)
      %dma_wait3A = arith.constant 0 : i32
      %dma_wait3A_75 = tpu.memref_slice %arg5[%arg0, %add3A_69, %dma_wait3A] : memref<2x10240x128xf32, #tpu.memory_space<hbm>> -> memref<1x128x128xf32, #tpu.memory_space<hbm>>
      %dma_wait3A_76 = tpu.memref_squeeze %dma_wait3A_75 : memref<1x128x128xf32, #tpu.memory_space<hbm>> -> memref<128x128xf32, #tpu.memory_space<hbm>>
      %dma_wait3A_77 = arith.constant 0 : i32
      %dma_wait3A_78 = tpu.memref_slice %arg5[%arg0, %add3A_69, %dma_wait3A_77] : memref<2x10240x128xf32, #tpu.memory_space<hbm>> -> memref<1x128x128xf32, #tpu.memory_space<hbm>>
      %dma_wait3A_79 = tpu.memref_squeeze %dma_wait3A_78 : memref<1x128x128xf32, #tpu.memory_space<hbm>> -> memref<128x128xf32, #tpu.memory_space<hbm>>
      tpu.wait_dma2 semaphore(%run_scoped3A : memref<!tpu.dma_semaphore, #tpu.memory_space<semaphore_mem>>) src(%arg11 : memref<128x128xf32, #tpu.memory_space<vmem>>) dst(%dma_wait3A_79 : memref<128x128xf32, #tpu.memory_space<hbm>>)
      tpu.yield
    }) : () -> ()
    return
  }
}

#map = affine_map<(d0, d1) -> (0, 0)>
#map1 = affine_map<(d0, d1) -> (0)>
#map2 = affine_map<(d0, d1) -> (0, 0, 0)>
module attributes {stable_mosaic.version = 14 : i64} {
  func.func @_agg_body(%arg0: i32, %arg1: i32, %arg2: memref<10000x128xf32, #tpu.memory_space<hbm>>, %arg3: memref<323584xi32, #tpu.memory_space<hbm>>, %arg4: memref<323584xi32, #tpu.memory_space<hbm>>, %arg5: memref<2x10240x128xf32, #tpu.memory_space<hbm>>, %arg6: memref<10240x128xf32, #tpu.memory_space<vmem_shared>>, %arg7: memref<128xi32, #tpu.memory_space<vmem>>, %arg8: memref<128xi32, #tpu.memory_space<vmem>>, %arg9: memref<128xi32, #tpu.memory_space<vmem>>, %arg10: memref<128xi32, #tpu.memory_space<vmem>>, %arg11: memref<128x128xf32, #tpu.memory_space<vmem>>, %arg12: memref<128x128xf32, #tpu.memory_space<vmem>>, %arg13: memref<!tpu.dma_semaphore, #tpu.memory_space<semaphore_mem>>, %arg14: memref<!tpu.dma_semaphore, #tpu.memory_space<semaphore_mem>>, %arg15: memref<!tpu.dma_semaphore, #tpu.memory_space<semaphore_mem>>, %arg16: memref<!tpu.dma_semaphore, #tpu.memory_space<semaphore_mem>>) attributes {dimension_semantics = [#tpu.dimension_semantics<core_parallel>, #tpu.dimension_semantics<subcore_parallel>], iteration_bounds = array<i64: 2, 16>, scalar_prefetch = 0 : i64, scratch_operands = 11 : i64, tpu.core_type = #tpu.core_type<sc_vector_subcore>, window_params = [{transform_indices = #map}, {transform_indices = #map1}, {transform_indices = #map1}, {transform_indices = #map2}]} {
    %broadcast_in_dim3A = arith.constant 0.000000e+00 : f32
    %broadcast_in_dim3A_0 = vector.broadcast %broadcast_in_dim3A : f32 to vector<16xf32>
    %scan3A = arith.constant 0 : i32
    %scan3A_1 = arith.constant 0 : i32
    %scan3A_2 = arith.constant 128 : i32
    %scan3A_3 = arith.addi %scan3A_1, %scan3A_2 : i32
    %scan3A_4 = arith.constant 1 : i32
    scf.for %scan3A_70 = %scan3A_1 to %scan3A_3 step %scan3A_4  : i32 {
      %swap3A = arith.index_cast %scan3A_70 : i32 to index
      %swap3A_71 = arith.constant 0 : index
      %swap3A_72 = tpu.vector_load %arg11[%swap3A, %swap3A_71] {strides = array<i32>} : memref<128x128xf32, #tpu.memory_space<vmem>>, vector<1x16xf32>,
      %swap3A_73 = vector.shape_cast %swap3A_72 : vector<1x16xf32> to vector<16xf32>
      %swap3A_74 = vector.shape_cast %broadcast_in_dim3A_0 : vector<16xf32> to vector<1x16xf32>
      tpu.vector_store %arg11[%swap3A, %swap3A_71], %swap3A_74 {strides = array<i32>} : memref<128x128xf32, #tpu.memory_space<vmem>>, vector<1x16xf32>,
      %swap3A_75 = arith.index_cast %scan3A_70 : i32 to index
      %swap3A_76 = arith.constant 16 : index
      %swap3A_77 = tpu.vector_load %arg11[%swap3A_75, %swap3A_76] {strides = array<i32>} : memref<128x128xf32, #tpu.memory_space<vmem>>, vector<1x16xf32>,
      %swap3A_78 = vector.shape_cast %swap3A_77 : vector<1x16xf32> to vector<16xf32>
      %swap3A_79 = vector.shape_cast %broadcast_in_dim3A_0 : vector<16xf32> to vector<1x16xf32>
      tpu.vector_store %arg11[%swap3A_75, %swap3A_76], %swap3A_79 {strides = array<i32>} : memref<128x128xf32, #tpu.memory_space<vmem>>, vector<1x16xf32>,
      %swap3A_80 = arith.index_cast %scan3A_70 : i32 to index
      %swap3A_81 = arith.constant 32 : index
      %swap3A_82 = tpu.vector_load %arg11[%swap3A_80, %swap3A_81] {strides = array<i32>} : memref<128x128xf32, #tpu.memory_space<vmem>>, vector<1x16xf32>,
      %swap3A_83 = vector.shape_cast %swap3A_82 : vector<1x16xf32> to vector<16xf32>
      %swap3A_84 = vector.shape_cast %broadcast_in_dim3A_0 : vector<16xf32> to vector<1x16xf32>
      tpu.vector_store %arg11[%swap3A_80, %swap3A_81], %swap3A_84 {strides = array<i32>} : memref<128x128xf32, #tpu.memory_space<vmem>>, vector<1x16xf32>,
      %swap3A_85 = arith.index_cast %scan3A_70 : i32 to index
      %swap3A_86 = arith.constant 48 : index
      %swap3A_87 = tpu.vector_load %arg11[%swap3A_85, %swap3A_86] {strides = array<i32>} : memref<128x128xf32, #tpu.memory_space<vmem>>, vector<1x16xf32>,
      %swap3A_88 = vector.shape_cast %swap3A_87 : vector<1x16xf32> to vector<16xf32>
      %swap3A_89 = vector.shape_cast %broadcast_in_dim3A_0 : vector<16xf32> to vector<1x16xf32>
      tpu.vector_store %arg11[%swap3A_85, %swap3A_86], %swap3A_89 {strides = array<i32>} : memref<128x128xf32, #tpu.memory_space<vmem>>, vector<1x16xf32>,
      %swap3A_90 = arith.index_cast %scan3A_70 : i32 to index
      %swap3A_91 = arith.constant 64 : index
      %swap3A_92 = tpu.vector_load %arg11[%swap3A_90, %swap3A_91] {strides = array<i32>} : memref<128x128xf32, #tpu.memory_space<vmem>>, vector<1x16xf32>,
      %swap3A_93 = vector.shape_cast %swap3A_92 : vector<1x16xf32> to vector<16xf32>
      %swap3A_94 = vector.shape_cast %broadcast_in_dim3A_0 : vector<16xf32> to vector<1x16xf32>
      tpu.vector_store %arg11[%swap3A_90, %swap3A_91], %swap3A_94 {strides = array<i32>} : memref<128x128xf32, #tpu.memory_space<vmem>>, vector<1x16xf32>,
      %swap3A_95 = arith.index_cast %scan3A_70 : i32 to index
      %swap3A_96 = arith.constant 80 : index
      %swap3A_97 = tpu.vector_load %arg11[%swap3A_95, %swap3A_96] {strides = array<i32>} : memref<128x128xf32, #tpu.memory_space<vmem>>, vector<1x16xf32>,
      %swap3A_98 = vector.shape_cast %swap3A_97 : vector<1x16xf32> to vector<16xf32>
      %swap3A_99 = vector.shape_cast %broadcast_in_dim3A_0 : vector<16xf32> to vector<1x16xf32>
      tpu.vector_store %arg11[%swap3A_95, %swap3A_96], %swap3A_99 {strides = array<i32>} : memref<128x128xf32, #tpu.memory_space<vmem>>, vector<1x16xf32>,
      %swap3A_100 = arith.index_cast %scan3A_70 : i32 to index
      %swap3A_101 = arith.constant 96 : index
      %swap3A_102 = tpu.vector_load %arg11[%swap3A_100, %swap3A_101] {strides = array<i32>} : memref<128x128xf32, #tpu.memory_space<vmem>>, vector<1x16xf32>,
      %swap3A_103 = vector.shape_cast %swap3A_102 : vector<1x16xf32> to vector<16xf32>
      %swap3A_104 = vector.shape_cast %broadcast_in_dim3A_0 : vector<16xf32> to vector<1x16xf32>
      tpu.vector_store %arg11[%swap3A_100, %swap3A_101], %swap3A_104 {strides = array<i32>} : memref<128x128xf32, #tpu.memory_space<vmem>>, vector<1x16xf32>,
      %swap3A_105 = arith.index_cast %scan3A_70 : i32 to index
      %swap3A_106 = arith.constant 112 : index
      %swap3A_107 = tpu.vector_load %arg11[%swap3A_105, %swap3A_106] {strides = array<i32>} : memref<128x128xf32, #tpu.memory_space<vmem>>, vector<1x16xf32>,
      %swap3A_108 = vector.shape_cast %swap3A_107 : vector<1x16xf32> to vector<16xf32>
      %swap3A_109 = vector.shape_cast %broadcast_in_dim3A_0 : vector<16xf32> to vector<1x16xf32>
      tpu.vector_store %arg11[%swap3A_105, %swap3A_106], %swap3A_109 {strides = array<i32>} : memref<128x128xf32, #tpu.memory_space<vmem>>, vector<1x16xf32>,
    }
    %scan3A_5 = arith.constant 128 : i32
    %mul3A = arith.constant 640 : i32
    %mul3A_6 = arith.muli %arg1, %mul3A : i32
    %add3A = arith.constant 0 : i32
    %add3A_7 = arith.addi %mul3A_6, %add3A : i32
    "tpu.region"() ({
      %run_scoped3A = tpu.sem_alloc : memref<!tpu.dma_semaphore, #tpu.memory_space<semaphore_mem>>
      %dma_start3A = arith.constant 0 : i32
      %dma_start3A_70 = tpu.memref_slice %arg6[%add3A_7, %dma_start3A] : memref<10240x128xf32, #tpu.memory_space<vmem_shared>> -> memref<128x128xf32, #tpu.memory_space<vmem_shared>>
      %dma_start3A_71 = arith.constant 0 : i32
      %dma_start3A_72 = tpu.memref_slice %arg6[%add3A_7, %dma_start3A_71] : memref<10240x128xf32, #tpu.memory_space<vmem_shared>> -> memref<128x128xf32, #tpu.memory_space<vmem_shared>>
      tpu.enqueue_dma source(%arg11 : memref<128x128xf32, #tpu.memory_space<vmem>>) target(%dma_start3A_72 : memref<128x128xf32, #tpu.memory_space<vmem_shared>>) target_semaphore(%run_scoped3A : memref<!tpu.dma_semaphore, #tpu.memory_space<semaphore_mem>>)
      %dma_wait3A = arith.constant 0 : i32
      %dma_wait3A_73 = tpu.memref_slice %arg6[%add3A_7, %dma_wait3A] : memref<10240x128xf32, #tpu.memory_space<vmem_shared>> -> memref<128x128xf32, #tpu.memory_space<vmem_shared>>
      %dma_wait3A_74 = arith.constant 0 : i32
      %dma_wait3A_75 = tpu.memref_slice %arg6[%add3A_7, %dma_wait3A_74] : memref<10240x128xf32, #tpu.memory_space<vmem_shared>> -> memref<128x128xf32, #tpu.memory_space<vmem_shared>>
      tpu.wait_dma2 semaphore(%run_scoped3A : memref<!tpu.dma_semaphore, #tpu.memory_space<semaphore_mem>>) src(%arg11 : memref<128x128xf32, #tpu.memory_space<vmem>>) dst(%dma_wait3A_75 : memref<128x128xf32, #tpu.memory_space<vmem_shared>>)
      tpu.yield
    }) : () -> ()
    %mul3A_8 = arith.constant 640 : i32
    %mul3A_9 = arith.muli %arg1, %mul3A_8 : i32
    %add3A_10 = arith.constant 128 : i32
    %add3A_11 = arith.addi %mul3A_9, %add3A_10 : i32
    "tpu.region"() ({
      %run_scoped3A = tpu.sem_alloc : memref<!tpu.dma_semaphore, #tpu.memory_space<semaphore_mem>>
      %dma_start3A = arith.constant 0 : i32
      %dma_start3A_70 = tpu.memref_slice %arg6[%add3A_11, %dma_start3A] : memref<10240x128xf32, #tpu.memory_space<vmem_shared>> -> memref<128x128xf32, #tpu.memory_space<vmem_shared>>
      %dma_start3A_71 = arith.constant 0 : i32
      %dma_start3A_72 = tpu.memref_slice %arg6[%add3A_11, %dma_start3A_71] : memref<10240x128xf32, #tpu.memory_space<vmem_shared>> -> memref<128x128xf32, #tpu.memory_space<vmem_shared>>
      tpu.enqueue_dma source(%arg11 : memref<128x128xf32, #tpu.memory_space<vmem>>) target(%dma_start3A_72 : memref<128x128xf32, #tpu.memory_space<vmem_shared>>) target_semaphore(%run_scoped3A : memref<!tpu.dma_semaphore, #tpu.memory_space<semaphore_mem>>)
      %dma_wait3A = arith.constant 0 : i32
      %dma_wait3A_73 = tpu.memref_slice %arg6[%add3A_11, %dma_wait3A] : memref<10240x128xf32, #tpu.memory_space<vmem_shared>> -> memref<128x128xf32, #tpu.memory_space<vmem_shared>>
      %dma_wait3A_74 = arith.constant 0 : i32
      %dma_wait3A_75 = tpu.memref_slice %arg6[%add3A_11, %dma_wait3A_74] : memref<10240x128xf32, #tpu.memory_space<vmem_shared>> -> memref<128x128xf32, #tpu.memory_space<vmem_shared>>
      tpu.wait_dma2 semaphore(%run_scoped3A : memref<!tpu.dma_semaphore, #tpu.memory_space<semaphore_mem>>) src(%arg11 : memref<128x128xf32, #tpu.memory_space<vmem>>) dst(%dma_wait3A_75 : memref<128x128xf32, #tpu.memory_space<vmem_shared>>)
      tpu.yield
    }) : () -> ()
    %mul3A_12 = arith.constant 640 : i32
    %mul3A_13 = arith.muli %arg1, %mul3A_12 : i32
    %add3A_14 = arith.constant 256 : i32
    %add3A_15 = arith.addi %mul3A_13, %add3A_14 : i32
    "tpu.region"() ({
      %run_scoped3A = tpu.sem_alloc : memref<!tpu.dma_semaphore, #tpu.memory_space<semaphore_mem>>
      %dma_start3A = arith.constant 0 : i32
      %dma_start3A_70 = tpu.memref_slice %arg6[%add3A_15, %dma_start3A] : memref<10240x128xf32, #tpu.memory_space<vmem_shared>> -> memref<128x128xf32, #tpu.memory_space<vmem_shared>>
      %dma_start3A_71 = arith.constant 0 : i32
      %dma_start3A_72 = tpu.memref_slice %arg6[%add3A_15, %dma_start3A_71] : memref<10240x128xf32, #tpu.memory_space<vmem_shared>> -> memref<128x128xf32, #tpu.memory_space<vmem_shared>>
      tpu.enqueue_dma source(%arg11 : memref<128x128xf32, #tpu.memory_space<vmem>>) target(%dma_start3A_72 : memref<128x128xf32, #tpu.memory_space<vmem_shared>>) target_semaphore(%run_scoped3A : memref<!tpu.dma_semaphore, #tpu.memory_space<semaphore_mem>>)
      %dma_wait3A = arith.constant 0 : i32
      %dma_wait3A_73 = tpu.memref_slice %arg6[%add3A_15, %dma_wait3A] : memref<10240x128xf32, #tpu.memory_space<vmem_shared>> -> memref<128x128xf32, #tpu.memory_space<vmem_shared>>
      %dma_wait3A_74 = arith.constant 0 : i32
      %dma_wait3A_75 = tpu.memref_slice %arg6[%add3A_15, %dma_wait3A_74] : memref<10240x128xf32, #tpu.memory_space<vmem_shared>> -> memref<128x128xf32, #tpu.memory_space<vmem_shared>>
      tpu.wait_dma2 semaphore(%run_scoped3A : memref<!tpu.dma_semaphore, #tpu.memory_space<semaphore_mem>>) src(%arg11 : memref<128x128xf32, #tpu.memory_space<vmem>>) dst(%dma_wait3A_75 : memref<128x128xf32, #tpu.memory_space<vmem_shared>>)
      tpu.yield
    }) : () -> ()
    %mul3A_16 = arith.constant 640 : i32
    %mul3A_17 = arith.muli %arg1, %mul3A_16 : i32
    %add3A_18 = arith.constant 384 : i32
    %add3A_19 = arith.addi %mul3A_17, %add3A_18 : i32
    "tpu.region"() ({
      %run_scoped3A = tpu.sem_alloc : memref<!tpu.dma_semaphore, #tpu.memory_space<semaphore_mem>>
      %dma_start3A = arith.constant 0 : i32
      %dma_start3A_70 = tpu.memref_slice %arg6[%add3A_19, %dma_start3A] : memref<10240x128xf32, #tpu.memory_space<vmem_shared>> -> memref<128x128xf32, #tpu.memory_space<vmem_shared>>
      %dma_start3A_71 = arith.constant 0 : i32
      %dma_start3A_72 = tpu.memref_slice %arg6[%add3A_19, %dma_start3A_71] : memref<10240x128xf32, #tpu.memory_space<vmem_shared>> -> memref<128x128xf32, #tpu.memory_space<vmem_shared>>
      tpu.enqueue_dma source(%arg11 : memref<128x128xf32, #tpu.memory_space<vmem>>) target(%dma_start3A_72 : memref<128x128xf32, #tpu.memory_space<vmem_shared>>) target_semaphore(%run_scoped3A : memref<!tpu.dma_semaphore, #tpu.memory_space<semaphore_mem>>)
      %dma_wait3A = arith.constant 0 : i32
      %dma_wait3A_73 = tpu.memref_slice %arg6[%add3A_19, %dma_wait3A] : memref<10240x128xf32, #tpu.memory_space<vmem_shared>> -> memref<128x128xf32, #tpu.memory_space<vmem_shared>>
      %dma_wait3A_74 = arith.constant 0 : i32
      %dma_wait3A_75 = tpu.memref_slice %arg6[%add3A_19, %dma_wait3A_74] : memref<10240x128xf32, #tpu.memory_space<vmem_shared>> -> memref<128x128xf32, #tpu.memory_space<vmem_shared>>
      tpu.wait_dma2 semaphore(%run_scoped3A : memref<!tpu.dma_semaphore, #tpu.memory_space<semaphore_mem>>) src(%arg11 : memref<128x128xf32, #tpu.memory_space<vmem>>) dst(%dma_wait3A_75 : memref<128x128xf32, #tpu.memory_space<vmem_shared>>)
      tpu.yield
    }) : () -> ()
    %mul3A_20 = arith.constant 640 : i32
    %mul3A_21 = arith.muli %arg1, %mul3A_20 : i32
    %add3A_22 = arith.constant 512 : i32
    %add3A_23 = arith.addi %mul3A_21, %add3A_22 : i32
    "tpu.region"() ({
      %run_scoped3A = tpu.sem_alloc : memref<!tpu.dma_semaphore, #tpu.memory_space<semaphore_mem>>
      %dma_start3A = arith.constant 0 : i32
      %dma_start3A_70 = tpu.memref_slice %arg6[%add3A_23, %dma_start3A] : memref<10240x128xf32, #tpu.memory_space<vmem_shared>> -> memref<128x128xf32, #tpu.memory_space<vmem_shared>>
      %dma_start3A_71 = arith.constant 0 : i32
      %dma_start3A_72 = tpu.memref_slice %arg6[%add3A_23, %dma_start3A_71] : memref<10240x128xf32, #tpu.memory_space<vmem_shared>> -> memref<128x128xf32, #tpu.memory_space<vmem_shared>>
      tpu.enqueue_dma source(%arg11 : memref<128x128xf32, #tpu.memory_space<vmem>>) target(%dma_start3A_72 : memref<128x128xf32, #tpu.memory_space<vmem_shared>>) target_semaphore(%run_scoped3A : memref<!tpu.dma_semaphore, #tpu.memory_space<semaphore_mem>>)
      %dma_wait3A = arith.constant 0 : i32
      %dma_wait3A_73 = tpu.memref_slice %arg6[%add3A_23, %dma_wait3A] : memref<10240x128xf32, #tpu.memory_space<vmem_shared>> -> memref<128x128xf32, #tpu.memory_space<vmem_shared>>
      %dma_wait3A_74 = arith.constant 0 : i32
      %dma_wait3A_75 = tpu.memref_slice %arg6[%add3A_23, %dma_wait3A_74] : memref<10240x128xf32, #tpu.memory_space<vmem_shared>> -> memref<128x128xf32, #tpu.memory_space<vmem_shared>>
      tpu.wait_dma2 semaphore(%run_scoped3A : memref<!tpu.dma_semaphore, #tpu.memory_space<semaphore_mem>>) src(%arg11 : memref<128x128xf32, #tpu.memory_space<vmem>>) dst(%dma_wait3A_75 : memref<128x128xf32, #tpu.memory_space<vmem_shared>>)
      tpu.yield
    }) : () -> ()
    %barrier3A = arith.constant 0 : index
    tpu.barrier barrier_id(%barrier3A)
    %mul3A_24 = arith.constant 2 : i32
    %mul3A_25 = arith.muli %arg1, %mul3A_24 : i32
    %add3A_26 = arith.addi %mul3A_25, %arg0 : i32
    %eq3A = arith.constant 0 : i32
    %eq3A_27 = arith.cmpi eq, %arg0, %eq3A : i32
    %jit3A = arith.constant 57 : i32
    %jit3A_28 = arith.constant 22 : i32
    %select_n3A = arith.select %eq3A_27, %jit3A, %jit3A_28 : i32
    %eq3A_29 = arith.constant 0 : i32
    %eq3A_30 = arith.cmpi eq, %arg0, %eq3A_29 : i32
    %mul3A_31 = arith.constant 114 : i32
    %mul3A_32 = arith.muli %arg1, %mul3A_31 : i32
    %mul3A_33 = arith.constant 44 : i32
    %mul3A_34 = arith.muli %arg1, %mul3A_33 : i32
    %add3A_35 = arith.constant 1824 : i32
    %add3A_36 = arith.addi %add3A_35, %mul3A_34 : i32
    %select_n3A_37 = arith.select %eq3A_30, %mul3A_32, %add3A_36 : i32
    %mul3A_38 = arith.constant 128 : i32
    %mul3A_39 = arith.muli %select_n3A_37, %mul3A_38 : i32
    %while3A = arith.constant 0 : i32
    %while3A_40 = arith.constant 0 : i32
    %while3A_41 = arith.subi %select_n3A, %while3A_40 : i32
    %while3A_42 = arith.addi %while3A_40, %while3A_41 : i32
    %while3A_43 = arith.constant 1 : i32
    %while3A_44 = arith.divsi %while3A_41, %while3A_43 : i32
    %while3A_45 = arith.muli %while3A_44, %while3A_43 : i32
    %while3A_46 = arith.addi %while3A_40, %while3A_45 : i32
    %while3A_47 = arith.constant 1 : i32
    scf.for %while3A_70 = %while3A_40 to %while3A_46 step %while3A_47  : i32 {
      %mul3A_71 = arith.constant 2 : i32
      %mul3A_72 = arith.muli %mul3A_71, %while3A_70 : i32
      %mul3A_73 = arith.constant 128 : i32
      %mul3A_74 = arith.muli %mul3A_72, %mul3A_73 : i32
      %add3A_75 = arith.addi %mul3A_39, %mul3A_74 : i32
      %multiple_of3A = tpu.assume_multiple %add3A_75, 8 : i32
      %mul3A_76 = arith.constant 2 : i32
      %mul3A_77 = arith.muli %mul3A_76, %while3A_70 : i32
      %add3A_78 = arith.constant 1 : i32
      %add3A_79 = arith.addi %mul3A_77, %add3A_78 : i32
      %mul3A_80 = arith.constant 128 : i32
      %mul3A_81 = arith.muli %add3A_79, %mul3A_80 : i32
      %add3A_82 = arith.addi %mul3A_39, %mul3A_81 : i32
      %multiple_of3A_83 = tpu.assume_multiple %add3A_82, 8 : i32
      "tpu.region"() ({
        %run_scoped3A = tpu.sem_alloc : memref<!tpu.dma_semaphore, #tpu.memory_space<semaphore_mem>>
        %dma_start3A_106 = tpu.memref_slice %arg3[%multiple_of3A] : memref<323584xi32, #tpu.memory_space<hbm>> -> memref<128xi32, #tpu.memory_space<hbm>>
        %dma_start3A_107 = tpu.memref_slice %arg3[%multiple_of3A] : memref<323584xi32, #tpu.memory_space<hbm>> -> memref<128xi32, #tpu.memory_space<hbm>>
        tpu.enqueue_dma source(%dma_start3A_107 : memref<128xi32, #tpu.memory_space<hbm>>) target(%arg7 : memref<128xi32, #tpu.memory_space<vmem>>) target_semaphore(%run_scoped3A : memref<!tpu.dma_semaphore, #tpu.memory_space<semaphore_mem>>)
        %dma_wait3A_108 = tpu.memref_slice %arg3[%multiple_of3A] : memref<323584xi32, #tpu.memory_space<hbm>> -> memref<128xi32, #tpu.memory_space<hbm>>
        %dma_wait3A_109 = tpu.memref_slice %arg3[%multiple_of3A] : memref<323584xi32, #tpu.memory_space<hbm>> -> memref<128xi32, #tpu.memory_space<hbm>>
        tpu.wait_dma2 semaphore(%run_scoped3A : memref<!tpu.dma_semaphore, #tpu.memory_space<semaphore_mem>>) src(%dma_wait3A_109 : memref<128xi32, #tpu.memory_space<hbm>>) dst(%arg7 : memref<128xi32, #tpu.memory_space<vmem>>)
        tpu.yield
      }) : () -> ()
      "tpu.region"() ({
        %run_scoped3A = tpu.sem_alloc : memref<!tpu.dma_semaphore, #tpu.memory_space<semaphore_mem>>
        %dma_start3A_106 = tpu.memref_slice %arg4[%multiple_of3A] : memref<323584xi32, #tpu.memory_space<hbm>> -> memref<128xi32, #tpu.memory_space<hbm>>
        %dma_start3A_107 = tpu.memref_slice %arg4[%multiple_of3A] : memref<323584xi32, #tpu.memory_space<hbm>> -> memref<128xi32, #tpu.memory_space<hbm>>
        tpu.enqueue_dma source(%dma_start3A_107 : memref<128xi32, #tpu.memory_space<hbm>>) target(%arg8 : memref<128xi32, #tpu.memory_space<vmem>>) target_semaphore(%run_scoped3A : memref<!tpu.dma_semaphore, #tpu.memory_space<semaphore_mem>>)
        %dma_wait3A_108 = tpu.memref_slice %arg4[%multiple_of3A] : memref<323584xi32, #tpu.memory_space<hbm>> -> memref<128xi32, #tpu.memory_space<hbm>>
        %dma_wait3A_109 = tpu.memref_slice %arg4[%multiple_of3A] : memref<323584xi32, #tpu.memory_space<hbm>> -> memref<128xi32, #tpu.memory_space<hbm>>
        tpu.wait_dma2 semaphore(%run_scoped3A : memref<!tpu.dma_semaphore, #tpu.memory_space<semaphore_mem>>) src(%dma_wait3A_109 : memref<128xi32, #tpu.memory_space<hbm>>) dst(%arg8 : memref<128xi32, #tpu.memory_space<vmem>>)
        tpu.yield
      }) : () -> ()
      %dma_start3A = arith.constant 0 : i32
      %dma_start3A_84 = arith.constant 0 : i32
      %dma_start3A_85 = tpu.memref_slice %arg2[%dma_start3A, %dma_start3A_84] : memref<10000x128xf32, #tpu.memory_space<hbm>> -> memref<10000x128xf32, #tpu.memory_space<hbm>>
      tpu.enqueue_indirect_dma source(%dma_start3A_85 : memref<10000x128xf32, #tpu.memory_space<hbm>>) target(%arg11 : memref<128x128xf32, #tpu.memory_space<vmem>>) offsets(%arg7 : memref<128xi32, #tpu.memory_space<vmem>>) semaphore(%arg13 : memref<!tpu.dma_semaphore, #tpu.memory_space<semaphore_mem>>)
      "tpu.region"() ({
        %run_scoped3A = tpu.sem_alloc : memref<!tpu.dma_semaphore, #tpu.memory_space<semaphore_mem>>
        %dma_start3A_106 = tpu.memref_slice %arg3[%multiple_of3A_83] : memref<323584xi32, #tpu.memory_space<hbm>> -> memref<128xi32, #tpu.memory_space<hbm>>
        %dma_start3A_107 = tpu.memref_slice %arg3[%multiple_of3A_83] : memref<323584xi32, #tpu.memory_space<hbm>> -> memref<128xi32, #tpu.memory_space<hbm>>
        tpu.enqueue_dma source(%dma_start3A_107 : memref<128xi32, #tpu.memory_space<hbm>>) target(%arg9 : memref<128xi32, #tpu.memory_space<vmem>>) target_semaphore(%run_scoped3A : memref<!tpu.dma_semaphore, #tpu.memory_space<semaphore_mem>>)
        %dma_wait3A_108 = tpu.memref_slice %arg3[%multiple_of3A_83] : memref<323584xi32, #tpu.memory_space<hbm>> -> memref<128xi32, #tpu.memory_space<hbm>>
        %dma_wait3A_109 = tpu.memref_slice %arg3[%multiple_of3A_83] : memref<323584xi32, #tpu.memory_space<hbm>> -> memref<128xi32, #tpu.memory_space<hbm>>
        tpu.wait_dma2 semaphore(%run_scoped3A : memref<!tpu.dma_semaphore, #tpu.memory_space<semaphore_mem>>) src(%dma_wait3A_109 : memref<128xi32, #tpu.memory_space<hbm>>) dst(%arg9 : memref<128xi32, #tpu.memory_space<vmem>>)
        tpu.yield
      }) : () -> ()
      "tpu.region"() ({
        %run_scoped3A = tpu.sem_alloc : memref<!tpu.dma_semaphore, #tpu.memory_space<semaphore_mem>>
        %dma_start3A_106 = tpu.memref_slice %arg4[%multiple_of3A_83] : memref<323584xi32, #tpu.memory_space<hbm>> -> memref<128xi32, #tpu.memory_space<hbm>>
        %dma_start3A_107 = tpu.memref_slice %arg4[%multiple_of3A_83] : memref<323584xi32, #tpu.memory_space<hbm>> -> memref<128xi32, #tpu.memory_space<hbm>>
        tpu.enqueue_dma source(%dma_start3A_107 : memref<128xi32, #tpu.memory_space<hbm>>) target(%arg10 : memref<128xi32, #tpu.memory_space<vmem>>) target_semaphore(%run_scoped3A : memref<!tpu.dma_semaphore, #tpu.memory_space<semaphore_mem>>)
        %dma_wait3A_108 = tpu.memref_slice %arg4[%multiple_of3A_83] : memref<323584xi32, #tpu.memory_space<hbm>> -> memref<128xi32, #tpu.memory_space<hbm>>
        %dma_wait3A_109 = tpu.memref_slice %arg4[%multiple_of3A_83] : memref<323584xi32, #tpu.memory_space<hbm>> -> memref<128xi32, #tpu.memory_space<hbm>>
        tpu.wait_dma2 semaphore(%run_scoped3A : memref<!tpu.dma_semaphore, #tpu.memory_space<semaphore_mem>>) src(%dma_wait3A_109 : memref<128xi32, #tpu.memory_space<hbm>>) dst(%arg10 : memref<128xi32, #tpu.memory_space<vmem>>)
        tpu.yield
      }) : () -> ()
      %dma_start3A_86 = arith.constant 0 : i32
      %dma_start3A_87 = arith.constant 0 : i32
      %dma_start3A_88 = tpu.memref_slice %arg2[%dma_start3A_86, %dma_start3A_87] : memref<10000x128xf32, #tpu.memory_space<hbm>> -> memref<10000x128xf32, #tpu.memory_space<hbm>>
      tpu.enqueue_indirect_dma source(%dma_start3A_88 : memref<10000x128xf32, #tpu.memory_space<hbm>>) target(%arg12 : memref<128x128xf32, #tpu.memory_space<vmem>>) offsets(%arg9 : memref<128xi32, #tpu.memory_space<vmem>>) semaphore(%arg14 : memref<!tpu.dma_semaphore, #tpu.memory_space<semaphore_mem>>)
      %dma_wait3A = arith.constant 0 : i32
      %dma_wait3A_89 = arith.constant 0 : i32
      %dma_wait3A_90 = tpu.memref_slice %arg2[%dma_wait3A, %dma_wait3A_89] : memref<10000x128xf32, #tpu.memory_space<hbm>> -> memref<10000x128xf32, #tpu.memory_space<hbm>>
      tpu.wait_indirect_dma semaphore(%arg13 : memref<!tpu.dma_semaphore, #tpu.memory_space<semaphore_mem>>) src(%dma_wait3A_90 : memref<10000x128xf32, #tpu.memory_space<hbm>>) dst(%arg11 : memref<128x128xf32, #tpu.memory_space<vmem>>)
      %dma_start3A_91 = arith.constant 0 : i32
      %dma_start3A_92 = arith.constant 0 : i32
      %dma_start3A_93 = tpu.memref_slice %arg6[%dma_start3A_91, %dma_start3A_92] : memref<10240x128xf32, #tpu.memory_space<vmem_shared>> -> memref<10240x128xf32, #tpu.memory_space<vmem_shared>>
      tpu.enqueue_indirect_dma source(%arg11 : memref<128x128xf32, #tpu.memory_space<vmem>>) target(%dma_start3A_93 : memref<10240x128xf32, #tpu.memory_space<vmem_shared>>) offsets(%arg8 : memref<128xi32, #tpu.memory_space<vmem>>) semaphore(%arg15 : memref<!tpu.dma_semaphore, #tpu.memory_space<semaphore_mem>>) {add = true}
      %dma_wait3A_94 = arith.constant 0 : i32
      %dma_wait3A_95 = arith.constant 0 : i32
      %dma_wait3A_96 = tpu.memref_slice %arg2[%dma_wait3A_94, %dma_wait3A_95] : memref<10000x128xf32, #tpu.memory_space<hbm>> -> memref<10000x128xf32, #tpu.memory_space<hbm>>
      tpu.wait_indirect_dma semaphore(%arg14 : memref<!tpu.dma_semaphore, #tpu.memory_space<semaphore_mem>>) src(%dma_wait3A_96 : memref<10000x128xf32, #tpu.memory_space<hbm>>) dst(%arg12 : memref<128x128xf32, #tpu.memory_space<vmem>>)
      %dma_start3A_97 = arith.constant 0 : i32
      %dma_start3A_98 = arith.constant 0 : i32
      %dma_start3A_99 = tpu.memref_slice %arg6[%dma_start3A_97, %dma_start3A_98] : memref<10240x128xf32, #tpu.memory_space<vmem_shared>> -> memref<10240x128xf32, #tpu.memory_space<vmem_shared>>
      tpu.enqueue_indirect_dma source(%arg12 : memref<128x128xf32, #tpu.memory_space<vmem>>) target(%dma_start3A_99 : memref<10240x128xf32, #tpu.memory_space<vmem_shared>>) offsets(%arg10 : memref<128xi32, #tpu.memory_space<vmem>>) semaphore(%arg16 : memref<!tpu.dma_semaphore, #tpu.memory_space<semaphore_mem>>) {add = true}
      %dma_wait3A_100 = arith.constant 0 : i32
      %dma_wait3A_101 = arith.constant 0 : i32
      %dma_wait3A_102 = tpu.memref_slice %arg6[%dma_wait3A_100, %dma_wait3A_101] : memref<10240x128xf32, #tpu.memory_space<vmem_shared>> -> memref<10240x128xf32, #tpu.memory_space<vmem_shared>>
      tpu.wait_indirect_dma semaphore(%arg15 : memref<!tpu.dma_semaphore, #tpu.memory_space<semaphore_mem>>) src(%arg11 : memref<128x128xf32, #tpu.memory_space<vmem>>) dst(%dma_wait3A_102 : memref<10240x128xf32, #tpu.memory_space<vmem_shared>>)
      %dma_wait3A_103 = arith.constant 0 : i32
      %dma_wait3A_104 = arith.constant 0 : i32
      %dma_wait3A_105 = tpu.memref_slice %arg6[%dma_wait3A_103, %dma_wait3A_104] : memref<10240x128xf32, #tpu.memory_space<vmem_shared>> -> memref<10240x128xf32, #tpu.memory_space<vmem_shared>>
      tpu.wait_indirect_dma semaphore(%arg16 : memref<!tpu.dma_semaphore, #tpu.memory_space<semaphore_mem>>) src(%arg12 : memref<128x128xf32, #tpu.memory_space<vmem>>) dst(%dma_wait3A_105 : memref<10240x128xf32, #tpu.memory_space<vmem_shared>>)
    }
    %while3A_48 = arith.constant 1 : i32
    scf.for %while3A_70 = %while3A_46 to %while3A_42 step %while3A_48  : i32 {
      %mul3A_71 = arith.constant 2 : i32
      %mul3A_72 = arith.muli %mul3A_71, %while3A_70 : i32
      %mul3A_73 = arith.constant 128 : i32
      %mul3A_74 = arith.muli %mul3A_72, %mul3A_73 : i32
      %add3A_75 = arith.addi %mul3A_39, %mul3A_74 : i32
      %multiple_of3A = tpu.assume_multiple %add3A_75, 8 : i32
      %mul3A_76 = arith.constant 2 : i32
      %mul3A_77 = arith.muli %mul3A_76, %while3A_70 : i32
      %add3A_78 = arith.constant 1 : i32
      %add3A_79 = arith.addi %mul3A_77, %add3A_78 : i32
      %mul3A_80 = arith.constant 128 : i32
      %mul3A_81 = arith.muli %add3A_79, %mul3A_80 : i32
      %add3A_82 = arith.addi %mul3A_39, %mul3A_81 : i32
      %multiple_of3A_83 = tpu.assume_multiple %add3A_82, 8 : i32
      "tpu.region"() ({
        %run_scoped3A = tpu.sem_alloc : memref<!tpu.dma_semaphore, #tpu.memory_space<semaphore_mem>>
        %dma_start3A_106 = tpu.memref_slice %arg3[%multiple_of3A] : memref<323584xi32, #tpu.memory_space<hbm>> -> memref<128xi32, #tpu.memory_space<hbm>>
        %dma_start3A_107 = tpu.memref_slice %arg3[%multiple_of3A] : memref<323584xi32, #tpu.memory_space<hbm>> -> memref<128xi32, #tpu.memory_space<hbm>>
        tpu.enqueue_dma source(%dma_start3A_107 : memref<128xi32, #tpu.memory_space<hbm>>) target(%arg7 : memref<128xi32, #tpu.memory_space<vmem>>) target_semaphore(%run_scoped3A : memref<!tpu.dma_semaphore, #tpu.memory_space<semaphore_mem>>)
        %dma_wait3A_108 = tpu.memref_slice %arg3[%multiple_of3A] : memref<323584xi32, #tpu.memory_space<hbm>> -> memref<128xi32, #tpu.memory_space<hbm>>
        %dma_wait3A_109 = tpu.memref_slice %arg3[%multiple_of3A] : memref<323584xi32, #tpu.memory_space<hbm>> -> memref<128xi32, #tpu.memory_space<hbm>>
        tpu.wait_dma2 semaphore(%run_scoped3A : memref<!tpu.dma_semaphore, #tpu.memory_space<semaphore_mem>>) src(%dma_wait3A_109 : memref<128xi32, #tpu.memory_space<hbm>>) dst(%arg7 : memref<128xi32, #tpu.memory_space<vmem>>)
        tpu.yield
      }) : () -> ()
      "tpu.region"() ({
        %run_scoped3A = tpu.sem_alloc : memref<!tpu.dma_semaphore, #tpu.memory_space<semaphore_mem>>
        %dma_start3A_106 = tpu.memref_slice %arg4[%multiple_of3A] : memref<323584xi32, #tpu.memory_space<hbm>> -> memref<128xi32, #tpu.memory_space<hbm>>
        %dma_start3A_107 = tpu.memref_slice %arg4[%multiple_of3A] : memref<323584xi32, #tpu.memory_space<hbm>> -> memref<128xi32, #tpu.memory_space<hbm>>
        tpu.enqueue_dma source(%dma_start3A_107 : memref<128xi32, #tpu.memory_space<hbm>>) target(%arg8 : memref<128xi32, #tpu.memory_space<vmem>>) target_semaphore(%run_scoped3A : memref<!tpu.dma_semaphore, #tpu.memory_space<semaphore_mem>>)
        %dma_wait3A_108 = tpu.memref_slice %arg4[%multiple_of3A] : memref<323584xi32, #tpu.memory_space<hbm>> -> memref<128xi32, #tpu.memory_space<hbm>>
        %dma_wait3A_109 = tpu.memref_slice %arg4[%multiple_of3A] : memref<323584xi32, #tpu.memory_space<hbm>> -> memref<128xi32, #tpu.memory_space<hbm>>
        tpu.wait_dma2 semaphore(%run_scoped3A : memref<!tpu.dma_semaphore, #tpu.memory_space<semaphore_mem>>) src(%dma_wait3A_109 : memref<128xi32, #tpu.memory_space<hbm>>) dst(%arg8 : memref<128xi32, #tpu.memory_space<vmem>>)
        tpu.yield
      }) : () -> ()
      %dma_start3A = arith.constant 0 : i32
      %dma_start3A_84 = arith.constant 0 : i32
      %dma_start3A_85 = tpu.memref_slice %arg2[%dma_start3A, %dma_start3A_84] : memref<10000x128xf32, #tpu.memory_space<hbm>> -> memref<10000x128xf32, #tpu.memory_space<hbm>>
      tpu.enqueue_indirect_dma source(%dma_start3A_85 : memref<10000x128xf32, #tpu.memory_space<hbm>>) target(%arg11 : memref<128x128xf32, #tpu.memory_space<vmem>>) offsets(%arg7 : memref<128xi32, #tpu.memory_space<vmem>>) semaphore(%arg13 : memref<!tpu.dma_semaphore, #tpu.memory_space<semaphore_mem>>)
      "tpu.region"() ({
        %run_scoped3A = tpu.sem_alloc : memref<!tpu.dma_semaphore, #tpu.memory_space<semaphore_mem>>
        %dma_start3A_106 = tpu.memref_slice %arg3[%multiple_of3A_83] : memref<323584xi32, #tpu.memory_space<hbm>> -> memref<128xi32, #tpu.memory_space<hbm>>
        %dma_start3A_107 = tpu.memref_slice %arg3[%multiple_of3A_83] : memref<323584xi32, #tpu.memory_space<hbm>> -> memref<128xi32, #tpu.memory_space<hbm>>
        tpu.enqueue_dma source(%dma_start3A_107 : memref<128xi32, #tpu.memory_space<hbm>>) target(%arg9 : memref<128xi32, #tpu.memory_space<vmem>>) target_semaphore(%run_scoped3A : memref<!tpu.dma_semaphore, #tpu.memory_space<semaphore_mem>>)
        %dma_wait3A_108 = tpu.memref_slice %arg3[%multiple_of3A_83] : memref<323584xi32, #tpu.memory_space<hbm>> -> memref<128xi32, #tpu.memory_space<hbm>>
        %dma_wait3A_109 = tpu.memref_slice %arg3[%multiple_of3A_83] : memref<323584xi32, #tpu.memory_space<hbm>> -> memref<128xi32, #tpu.memory_space<hbm>>
        tpu.wait_dma2 semaphore(%run_scoped3A : memref<!tpu.dma_semaphore, #tpu.memory_space<semaphore_mem>>) src(%dma_wait3A_109 : memref<128xi32, #tpu.memory_space<hbm>>) dst(%arg9 : memref<128xi32, #tpu.memory_space<vmem>>)
        tpu.yield
      }) : () -> ()
      "tpu.region"() ({
        %run_scoped3A = tpu.sem_alloc : memref<!tpu.dma_semaphore, #tpu.memory_space<semaphore_mem>>
        %dma_start3A_106 = tpu.memref_slice %arg4[%multiple_of3A_83] : memref<323584xi32, #tpu.memory_space<hbm>> -> memref<128xi32, #tpu.memory_space<hbm>>
        %dma_start3A_107 = tpu.memref_slice %arg4[%multiple_of3A_83] : memref<323584xi32, #tpu.memory_space<hbm>> -> memref<128xi32, #tpu.memory_space<hbm>>
        tpu.enqueue_dma source(%dma_start3A_107 : memref<128xi32, #tpu.memory_space<hbm>>) target(%arg10 : memref<128xi32, #tpu.memory_space<vmem>>) target_semaphore(%run_scoped3A : memref<!tpu.dma_semaphore, #tpu.memory_space<semaphore_mem>>)
        %dma_wait3A_108 = tpu.memref_slice %arg4[%multiple_of3A_83] : memref<323584xi32, #tpu.memory_space<hbm>> -> memref<128xi32, #tpu.memory_space<hbm>>
        %dma_wait3A_109 = tpu.memref_slice %arg4[%multiple_of3A_83] : memref<323584xi32, #tpu.memory_space<hbm>> -> memref<128xi32, #tpu.memory_space<hbm>>
        tpu.wait_dma2 semaphore(%run_scoped3A : memref<!tpu.dma_semaphore, #tpu.memory_space<semaphore_mem>>) src(%dma_wait3A_109 : memref<128xi32, #tpu.memory_space<hbm>>) dst(%arg10 : memref<128xi32, #tpu.memory_space<vmem>>)
        tpu.yield
      }) : () -> ()
      %dma_start3A_86 = arith.constant 0 : i32
      %dma_start3A_87 = arith.constant 0 : i32
      %dma_start3A_88 = tpu.memref_slice %arg2[%dma_start3A_86, %dma_start3A_87] : memref<10000x128xf32, #tpu.memory_space<hbm>> -> memref<10000x128xf32, #tpu.memory_space<hbm>>
      tpu.enqueue_indirect_dma source(%dma_start3A_88 : memref<10000x128xf32, #tpu.memory_space<hbm>>) target(%arg12 : memref<128x128xf32, #tpu.memory_space<vmem>>) offsets(%arg9 : memref<128xi32, #tpu.memory_space<vmem>>) semaphore(%arg14 : memref<!tpu.dma_semaphore, #tpu.memory_space<semaphore_mem>>)
      %dma_wait3A = arith.constant 0 : i32
      %dma_wait3A_89 = arith.constant 0 : i32
      %dma_wait3A_90 = tpu.memref_slice %arg2[%dma_wait3A, %dma_wait3A_89] : memref<10000x128xf32, #tpu.memory_space<hbm>> -> memref<10000x128xf32, #tpu.memory_space<hbm>>
      tpu.wait_indirect_dma semaphore(%arg13 : memref<!tpu.dma_semaphore, #tpu.memory_space<semaphore_mem>>) src(%dma_wait3A_90 : memref<10000x128xf32, #tpu.memory_space<hbm>>) dst(%arg11 : memref<128x128xf32, #tpu.memory_space<vmem>>)
      %dma_start3A_91 = arith.constant 0 : i32
      %dma_start3A_92 = arith.constant 0 : i32
      %dma_start3A_93 = tpu.memref_slice %arg6[%dma_start3A_91, %dma_start3A_92] : memref<10240x128xf32, #tpu.memory_space<vmem_shared>> -> memref<10240x128xf32, #tpu.memory_space<vmem_shared>>
      tpu.enqueue_indirect_dma source(%arg11 : memref<128x128xf32, #tpu.memory_space<vmem>>) target(%dma_start3A_93 : memref<10240x128xf32, #tpu.memory_space<vmem_shared>>) offsets(%arg8 : memref<128xi32, #tpu.memory_space<vmem>>) semaphore(%arg15 : memref<!tpu.dma_semaphore, #tpu.memory_space<semaphore_mem>>) {add = true}
      %dma_wait3A_94 = arith.constant 0 : i32
      %dma_wait3A_95 = arith.constant 0 : i32
      %dma_wait3A_96 = tpu.memref_slice %arg2[%dma_wait3A_94, %dma_wait3A_95] : memref<10000x128xf32, #tpu.memory_space<hbm>> -> memref<10000x128xf32, #tpu.memory_space<hbm>>
      tpu.wait_indirect_dma semaphore(%arg14 : memref<!tpu.dma_semaphore, #tpu.memory_space<semaphore_mem>>) src(%dma_wait3A_96 : memref<10000x128xf32, #tpu.memory_space<hbm>>) dst(%arg12 : memref<128x128xf32, #tpu.memory_space<vmem>>)
      %dma_start3A_97 = arith.constant 0 : i32
      %dma_start3A_98 = arith.constant 0 : i32
      %dma_start3A_99 = tpu.memref_slice %arg6[%dma_start3A_97, %dma_start3A_98] : memref<10240x128xf32, #tpu.memory_space<vmem_shared>> -> memref<10240x128xf32, #tpu.memory_space<vmem_shared>>
      tpu.enqueue_indirect_dma source(%arg12 : memref<128x128xf32, #tpu.memory_space<vmem>>) target(%dma_start3A_99 : memref<10240x128xf32, #tpu.memory_space<vmem_shared>>) offsets(%arg10 : memref<128xi32, #tpu.memory_space<vmem>>) semaphore(%arg16 : memref<!tpu.dma_semaphore, #tpu.memory_space<semaphore_mem>>) {add = true}
      %dma_wait3A_100 = arith.constant 0 : i32
      %dma_wait3A_101 = arith.constant 0 : i32
      %dma_wait3A_102 = tpu.memref_slice %arg6[%dma_wait3A_100, %dma_wait3A_101] : memref<10240x128xf32, #tpu.memory_space<vmem_shared>> -> memref<10240x128xf32, #tpu.memory_space<vmem_shared>>
      tpu.wait_indirect_dma semaphore(%arg15 : memref<!tpu.dma_semaphore, #tpu.memory_space<semaphore_mem>>) src(%arg11 : memref<128x128xf32, #tpu.memory_space<vmem>>) dst(%dma_wait3A_102 : memref<10240x128xf32, #tpu.memory_space<vmem_shared>>)
      %dma_wait3A_103 = arith.constant 0 : i32
      %dma_wait3A_104 = arith.constant 0 : i32
      %dma_wait3A_105 = tpu.memref_slice %arg6[%dma_wait3A_103, %dma_wait3A_104] : memref<10240x128xf32, #tpu.memory_space<vmem_shared>> -> memref<10240x128xf32, #tpu.memory_space<vmem_shared>>
      tpu.wait_indirect_dma semaphore(%arg16 : memref<!tpu.dma_semaphore, #tpu.memory_space<semaphore_mem>>) src(%arg12 : memref<128x128xf32, #tpu.memory_space<vmem>>) dst(%dma_wait3A_105 : memref<10240x128xf32, #tpu.memory_space<vmem_shared>>)
    }
    %barrier3A_49 = arith.constant 0 : index
    tpu.barrier barrier_id(%barrier3A_49)
    %mul3A_50 = arith.constant 640 : i32
    %mul3A_51 = arith.muli %arg1, %mul3A_50 : i32
    %add3A_52 = arith.constant 0 : i32
    %add3A_53 = arith.addi %mul3A_51, %add3A_52 : i32
    "tpu.region"() ({
      %run_scoped3A = tpu.sem_alloc : memref<!tpu.dma_semaphore, #tpu.memory_space<semaphore_mem>>
      %dma_start3A = arith.constant 0 : i32
      %dma_start3A_70 = tpu.memref_slice %arg6[%add3A_53, %dma_start3A] : memref<10240x128xf32, #tpu.memory_space<vmem_shared>> -> memref<128x128xf32, #tpu.memory_space<vmem_shared>>
      %dma_start3A_71 = arith.constant 0 : i32
      %dma_start3A_72 = tpu.memref_slice %arg6[%add3A_53, %dma_start3A_71] : memref<10240x128xf32, #tpu.memory_space<vmem_shared>> -> memref<128x128xf32, #tpu.memory_space<vmem_shared>>
      tpu.enqueue_dma source(%dma_start3A_72 : memref<128x128xf32, #tpu.memory_space<vmem_shared>>) target(%arg11 : memref<128x128xf32, #tpu.memory_space<vmem>>) target_semaphore(%run_scoped3A : memref<!tpu.dma_semaphore, #tpu.memory_space<semaphore_mem>>)
      %dma_wait3A = arith.constant 0 : i32
      %dma_wait3A_73 = tpu.memref_slice %arg6[%add3A_53, %dma_wait3A] : memref<10240x128xf32, #tpu.memory_space<vmem_shared>> -> memref<128x128xf32, #tpu.memory_space<vmem_shared>>
      %dma_wait3A_74 = arith.constant 0 : i32
      %dma_wait3A_75 = tpu.memref_slice %arg6[%add3A_53, %dma_wait3A_74] : memref<10240x128xf32, #tpu.memory_space<vmem_shared>> -> memref<128x128xf32, #tpu.memory_space<vmem_shared>>
      tpu.wait_dma2 semaphore(%run_scoped3A : memref<!tpu.dma_semaphore, #tpu.memory_space<semaphore_mem>>) src(%dma_wait3A_75 : memref<128x128xf32, #tpu.memory_space<vmem_shared>>) dst(%arg11 : memref<128x128xf32, #tpu.memory_space<vmem>>)
      tpu.yield
    }) : () -> ()
    "tpu.region"() ({
      %run_scoped3A = tpu.sem_alloc : memref<!tpu.dma_semaphore, #tpu.memory_space<semaphore_mem>>
      %dma_start3A = arith.constant 0 : i32
      %dma_start3A_70 = tpu.memref_slice %arg5[%arg0, %add3A_53, %dma_start3A] : memref<2x10240x128xf32, #tpu.memory_space<hbm>> -> memref<1x128x128xf32, #tpu.memory_space<hbm>>
      %dma_start3A_71 = tpu.memref_squeeze %dma_start3A_70 : memref<1x128x128xf32, #tpu.memory_space<hbm>> -> memref<128x128xf32, #tpu.memory_space<hbm>>
      %dma_start3A_72 = arith.constant 0 : i32
      %dma_start3A_73 = tpu.memref_slice %arg5[%arg0, %add3A_53, %dma_start3A_72] : memref<2x10240x128xf32, #tpu.memory_space<hbm>> -> memref<1x128x128xf32, #tpu.memory_space<hbm>>
      %dma_start3A_74 = tpu.memref_squeeze %dma_start3A_73 : memref<1x128x128xf32, #tpu.memory_space<hbm>> -> memref<128x128xf32, #tpu.memory_space<hbm>>
      tpu.enqueue_dma source(%arg11 : memref<128x128xf32, #tpu.memory_space<vmem>>) target(%dma_start3A_74 : memref<128x128xf32, #tpu.memory_space<hbm>>) target_semaphore(%run_scoped3A : memref<!tpu.dma_semaphore, #tpu.memory_space<semaphore_mem>>)
      %dma_wait3A = arith.constant 0 : i32
      %dma_wait3A_75 = tpu.memref_slice %arg5[%arg0, %add3A_53, %dma_wait3A] : memref<2x10240x128xf32, #tpu.memory_space<hbm>> -> memref<1x128x128xf32, #tpu.memory_space<hbm>>
      %dma_wait3A_76 = tpu.memref_squeeze %dma_wait3A_75 : memref<1x128x128xf32, #tpu.memory_space<hbm>> -> memref<128x128xf32, #tpu.memory_space<hbm>>
      %dma_wait3A_77 = arith.constant 0 : i32
      %dma_wait3A_78 = tpu.memref_slice %arg5[%arg0, %add3A_53, %dma_wait3A_77] : memref<2x10240x128xf32, #tpu.memory_space<hbm>> -> memref<1x128x128xf32, #tpu.memory_space<hbm>>
      %dma_wait3A_79 = tpu.memref_squeeze %dma_wait3A_78 : memref<1x128x128xf32, #tpu.memory_space<hbm>> -> memref<128x128xf32, #tpu.memory_space<hbm>>
      tpu.wait_dma2 semaphore(%run_scoped3A : memref<!tpu.dma_semaphore, #tpu.memory_space<semaphore_mem>>) src(%arg11 : memref<128x128xf32, #tpu.memory_space<vmem>>) dst(%dma_wait3A_79 : memref<128x128xf32, #tpu.memory_space<hbm>>)
      tpu.yield
    }) : () -> ()
    %mul3A_54 = arith.constant 640 : i32
    %mul3A_55 = arith.muli %arg1, %mul3A_54 : i32
    %add3A_56 = arith.constant 128 : i32
    %add3A_57 = arith.addi %mul3A_55, %add3A_56 : i32
    "tpu.region"() ({
      %run_scoped3A = tpu.sem_alloc : memref<!tpu.dma_semaphore, #tpu.memory_space<semaphore_mem>>
      %dma_start3A = arith.constant 0 : i32
      %dma_start3A_70 = tpu.memref_slice %arg6[%add3A_57, %dma_start3A] : memref<10240x128xf32, #tpu.memory_space<vmem_shared>> -> memref<128x128xf32, #tpu.memory_space<vmem_shared>>
      %dma_start3A_71 = arith.constant 0 : i32
      %dma_start3A_72 = tpu.memref_slice %arg6[%add3A_57, %dma_start3A_71] : memref<10240x128xf32, #tpu.memory_space<vmem_shared>> -> memref<128x128xf32, #tpu.memory_space<vmem_shared>>
      tpu.enqueue_dma source(%dma_start3A_72 : memref<128x128xf32, #tpu.memory_space<vmem_shared>>) target(%arg11 : memref<128x128xf32, #tpu.memory_space<vmem>>) target_semaphore(%run_scoped3A : memref<!tpu.dma_semaphore, #tpu.memory_space<semaphore_mem>>)
      %dma_wait3A = arith.constant 0 : i32
      %dma_wait3A_73 = tpu.memref_slice %arg6[%add3A_57, %dma_wait3A] : memref<10240x128xf32, #tpu.memory_space<vmem_shared>> -> memref<128x128xf32, #tpu.memory_space<vmem_shared>>
      %dma_wait3A_74 = arith.constant 0 : i32
      %dma_wait3A_75 = tpu.memref_slice %arg6[%add3A_57, %dma_wait3A_74] : memref<10240x128xf32, #tpu.memory_space<vmem_shared>> -> memref<128x128xf32, #tpu.memory_space<vmem_shared>>
      tpu.wait_dma2 semaphore(%run_scoped3A : memref<!tpu.dma_semaphore, #tpu.memory_space<semaphore_mem>>) src(%dma_wait3A_75 : memref<128x128xf32, #tpu.memory_space<vmem_shared>>) dst(%arg11 : memref<128x128xf32, #tpu.memory_space<vmem>>)
      tpu.yield
    }) : () -> ()
    "tpu.region"() ({
      %run_scoped3A = tpu.sem_alloc : memref<!tpu.dma_semaphore, #tpu.memory_space<semaphore_mem>>
      %dma_start3A = arith.constant 0 : i32
      %dma_start3A_70 = tpu.memref_slice %arg5[%arg0, %add3A_57, %dma_start3A] : memref<2x10240x128xf32, #tpu.memory_space<hbm>> -> memref<1x128x128xf32, #tpu.memory_space<hbm>>
      %dma_start3A_71 = tpu.memref_squeeze %dma_start3A_70 : memref<1x128x128xf32, #tpu.memory_space<hbm>> -> memref<128x128xf32, #tpu.memory_space<hbm>>
      %dma_start3A_72 = arith.constant 0 : i32
      %dma_start3A_73 = tpu.memref_slice %arg5[%arg0, %add3A_57, %dma_start3A_72] : memref<2x10240x128xf32, #tpu.memory_space<hbm>> -> memref<1x128x128xf32, #tpu.memory_space<hbm>>
      %dma_start3A_74 = tpu.memref_squeeze %dma_start3A_73 : memref<1x128x128xf32, #tpu.memory_space<hbm>> -> memref<128x128xf32, #tpu.memory_space<hbm>>
      tpu.enqueue_dma source(%arg11 : memref<128x128xf32, #tpu.memory_space<vmem>>) target(%dma_start3A_74 : memref<128x128xf32, #tpu.memory_space<hbm>>) target_semaphore(%run_scoped3A : memref<!tpu.dma_semaphore, #tpu.memory_space<semaphore_mem>>)
      %dma_wait3A = arith.constant 0 : i32
      %dma_wait3A_75 = tpu.memref_slice %arg5[%arg0, %add3A_57, %dma_wait3A] : memref<2x10240x128xf32, #tpu.memory_space<hbm>> -> memref<1x128x128xf32, #tpu.memory_space<hbm>>
      %dma_wait3A_76 = tpu.memref_squeeze %dma_wait3A_75 : memref<1x128x128xf32, #tpu.memory_space<hbm>> -> memref<128x128xf32, #tpu.memory_space<hbm>>
      %dma_wait3A_77 = arith.constant 0 : i32
      %dma_wait3A_78 = tpu.memref_slice %arg5[%arg0, %add3A_57, %dma_wait3A_77] : memref<2x10240x128xf32, #tpu.memory_space<hbm>> -> memref<1x128x128xf32, #tpu.memory_space<hbm>>
      %dma_wait3A_79 = tpu.memref_squeeze %dma_wait3A_78 : memref<1x128x128xf32, #tpu.memory_space<hbm>> -> memref<128x128xf32, #tpu.memory_space<hbm>>
      tpu.wait_dma2 semaphore(%run_scoped3A : memref<!tpu.dma_semaphore, #tpu.memory_space<semaphore_mem>>) src(%arg11 : memref<128x128xf32, #tpu.memory_space<vmem>>) dst(%dma_wait3A_79 : memref<128x128xf32, #tpu.memory_space<hbm>>)
      tpu.yield
    }) : () -> ()
    %mul3A_58 = arith.constant 640 : i32
    %mul3A_59 = arith.muli %arg1, %mul3A_58 : i32
    %add3A_60 = arith.constant 256 : i32
    %add3A_61 = arith.addi %mul3A_59, %add3A_60 : i32
    "tpu.region"() ({
      %run_scoped3A = tpu.sem_alloc : memref<!tpu.dma_semaphore, #tpu.memory_space<semaphore_mem>>
      %dma_start3A = arith.constant 0 : i32
      %dma_start3A_70 = tpu.memref_slice %arg6[%add3A_61, %dma_start3A] : memref<10240x128xf32, #tpu.memory_space<vmem_shared>> -> memref<128x128xf32, #tpu.memory_space<vmem_shared>>
      %dma_start3A_71 = arith.constant 0 : i32
      %dma_start3A_72 = tpu.memref_slice %arg6[%add3A_61, %dma_start3A_71] : memref<10240x128xf32, #tpu.memory_space<vmem_shared>> -> memref<128x128xf32, #tpu.memory_space<vmem_shared>>
      tpu.enqueue_dma source(%dma_start3A_72 : memref<128x128xf32, #tpu.memory_space<vmem_shared>>) target(%arg11 : memref<128x128xf32, #tpu.memory_space<vmem>>) target_semaphore(%run_scoped3A : memref<!tpu.dma_semaphore, #tpu.memory_space<semaphore_mem>>)
      %dma_wait3A = arith.constant 0 : i32
      %dma_wait3A_73 = tpu.memref_slice %arg6[%add3A_61, %dma_wait3A] : memref<10240x128xf32, #tpu.memory_space<vmem_shared>> -> memref<128x128xf32, #tpu.memory_space<vmem_shared>>
      %dma_wait3A_74 = arith.constant 0 : i32
      %dma_wait3A_75 = tpu.memref_slice %arg6[%add3A_61, %dma_wait3A_74] : memref<10240x128xf32, #tpu.memory_space<vmem_shared>> -> memref<128x128xf32, #tpu.memory_space<vmem_shared>>
      tpu.wait_dma2 semaphore(%run_scoped3A : memref<!tpu.dma_semaphore, #tpu.memory_space<semaphore_mem>>) src(%dma_wait3A_75 : memref<128x128xf32, #tpu.memory_space<vmem_shared>>) dst(%arg11 : memref<128x128xf32, #tpu.memory_space<vmem>>)
      tpu.yield
    }) : () -> ()
    "tpu.region"() ({
      %run_scoped3A = tpu.sem_alloc : memref<!tpu.dma_semaphore, #tpu.memory_space<semaphore_mem>>
      %dma_start3A = arith.constant 0 : i32
      %dma_start3A_70 = tpu.memref_slice %arg5[%arg0, %add3A_61, %dma_start3A] : memref<2x10240x128xf32, #tpu.memory_space<hbm>> -> memref<1x128x128xf32, #tpu.memory_space<hbm>>
      %dma_start3A_71 = tpu.memref_squeeze %dma_start3A_70 : memref<1x128x128xf32, #tpu.memory_space<hbm>> -> memref<128x128xf32, #tpu.memory_space<hbm>>
      %dma_start3A_72 = arith.constant 0 : i32
      %dma_start3A_73 = tpu.memref_slice %arg5[%arg0, %add3A_61, %dma_start3A_72] : memref<2x10240x128xf32, #tpu.memory_space<hbm>> -> memref<1x128x128xf32, #tpu.memory_space<hbm>>
      %dma_start3A_74 = tpu.memref_squeeze %dma_start3A_73 : memref<1x128x128xf32, #tpu.memory_space<hbm>> -> memref<128x128xf32, #tpu.memory_space<hbm>>
      tpu.enqueue_dma source(%arg11 : memref<128x128xf32, #tpu.memory_space<vmem>>) target(%dma_start3A_74 : memref<128x128xf32, #tpu.memory_space<hbm>>) target_semaphore(%run_scoped3A : memref<!tpu.dma_semaphore, #tpu.memory_space<semaphore_mem>>)
      %dma_wait3A = arith.constant 0 : i32
      %dma_wait3A_75 = tpu.memref_slice %arg5[%arg0, %add3A_61, %dma_wait3A] : memref<2x10240x128xf32, #tpu.memory_space<hbm>> -> memref<1x128x128xf32, #tpu.memory_space<hbm>>
      %dma_wait3A_76 = tpu.memref_squeeze %dma_wait3A_75 : memref<1x128x128xf32, #tpu.memory_space<hbm>> -> memref<128x128xf32, #tpu.memory_space<hbm>>
      %dma_wait3A_77 = arith.constant 0 : i32
      %dma_wait3A_78 = tpu.memref_slice %arg5[%arg0, %add3A_61, %dma_wait3A_77] : memref<2x10240x128xf32, #tpu.memory_space<hbm>> -> memref<1x128x128xf32, #tpu.memory_space<hbm>>
      %dma_wait3A_79 = tpu.memref_squeeze %dma_wait3A_78 : memref<1x128x128xf32, #tpu.memory_space<hbm>> -> memref<128x128xf32, #tpu.memory_space<hbm>>
      tpu.wait_dma2 semaphore(%run_scoped3A : memref<!tpu.dma_semaphore, #tpu.memory_space<semaphore_mem>>) src(%arg11 : memref<128x128xf32, #tpu.memory_space<vmem>>) dst(%dma_wait3A_79 : memref<128x128xf32, #tpu.memory_space<hbm>>)
      tpu.yield
    }) : () -> ()
    %mul3A_62 = arith.constant 640 : i32
    %mul3A_63 = arith.muli %arg1, %mul3A_62 : i32
    %add3A_64 = arith.constant 384 : i32
    %add3A_65 = arith.addi %mul3A_63, %add3A_64 : i32
    "tpu.region"() ({
      %run_scoped3A = tpu.sem_alloc : memref<!tpu.dma_semaphore, #tpu.memory_space<semaphore_mem>>
      %dma_start3A = arith.constant 0 : i32
      %dma_start3A_70 = tpu.memref_slice %arg6[%add3A_65, %dma_start3A] : memref<10240x128xf32, #tpu.memory_space<vmem_shared>> -> memref<128x128xf32, #tpu.memory_space<vmem_shared>>
      %dma_start3A_71 = arith.constant 0 : i32
      %dma_start3A_72 = tpu.memref_slice %arg6[%add3A_65, %dma_start3A_71] : memref<10240x128xf32, #tpu.memory_space<vmem_shared>> -> memref<128x128xf32, #tpu.memory_space<vmem_shared>>
      tpu.enqueue_dma source(%dma_start3A_72 : memref<128x128xf32, #tpu.memory_space<vmem_shared>>) target(%arg11 : memref<128x128xf32, #tpu.memory_space<vmem>>) target_semaphore(%run_scoped3A : memref<!tpu.dma_semaphore, #tpu.memory_space<semaphore_mem>>)
      %dma_wait3A = arith.constant 0 : i32
      %dma_wait3A_73 = tpu.memref_slice %arg6[%add3A_65, %dma_wait3A] : memref<10240x128xf32, #tpu.memory_space<vmem_shared>> -> memref<128x128xf32, #tpu.memory_space<vmem_shared>>
      %dma_wait3A_74 = arith.constant 0 : i32
      %dma_wait3A_75 = tpu.memref_slice %arg6[%add3A_65, %dma_wait3A_74] : memref<10240x128xf32, #tpu.memory_space<vmem_shared>> -> memref<128x128xf32, #tpu.memory_space<vmem_shared>>
      tpu.wait_dma2 semaphore(%run_scoped3A : memref<!tpu.dma_semaphore, #tpu.memory_space<semaphore_mem>>) src(%dma_wait3A_75 : memref<128x128xf32, #tpu.memory_space<vmem_shared>>) dst(%arg11 : memref<128x128xf32, #tpu.memory_space<vmem>>)
      tpu.yield
    }) : () -> ()
    "tpu.region"() ({
      %run_scoped3A = tpu.sem_alloc : memref<!tpu.dma_semaphore, #tpu.memory_space<semaphore_mem>>
      %dma_start3A = arith.constant 0 : i32
      %dma_start3A_70 = tpu.memref_slice %arg5[%arg0, %add3A_65, %dma_start3A] : memref<2x10240x128xf32, #tpu.memory_space<hbm>> -> memref<1x128x128xf32, #tpu.memory_space<hbm>>
      %dma_start3A_71 = tpu.memref_squeeze %dma_start3A_70 : memref<1x128x128xf32, #tpu.memory_space<hbm>> -> memref<128x128xf32, #tpu.memory_space<hbm>>
      %dma_start3A_72 = arith.constant 0 : i32
      %dma_start3A_73 = tpu.memref_slice %arg5[%arg0, %add3A_65, %dma_start3A_72] : memref<2x10240x128xf32, #tpu.memory_space<hbm>> -> memref<1x128x128xf32, #tpu.memory_space<hbm>>
      %dma_start3A_74 = tpu.memref_squeeze %dma_start3A_73 : memref<1x128x128xf32, #tpu.memory_space<hbm>> -> memref<128x128xf32, #tpu.memory_space<hbm>>
      tpu.enqueue_dma source(%arg11 : memref<128x128xf32, #tpu.memory_space<vmem>>) target(%dma_start3A_74 : memref<128x128xf32, #tpu.memory_space<hbm>>) target_semaphore(%run_scoped3A : memref<!tpu.dma_semaphore, #tpu.memory_space<semaphore_mem>>)
      %dma_wait3A = arith.constant 0 : i32
      %dma_wait3A_75 = tpu.memref_slice %arg5[%arg0, %add3A_65, %dma_wait3A] : memref<2x10240x128xf32, #tpu.memory_space<hbm>> -> memref<1x128x128xf32, #tpu.memory_space<hbm>>
      %dma_wait3A_76 = tpu.memref_squeeze %dma_wait3A_75 : memref<1x128x128xf32, #tpu.memory_space<hbm>> -> memref<128x128xf32, #tpu.memory_space<hbm>>
      %dma_wait3A_77 = arith.constant 0 : i32
      %dma_wait3A_78 = tpu.memref_slice %arg5[%arg0, %add3A_65, %dma_wait3A_77] : memref<2x10240x128xf32, #tpu.memory_space<hbm>> -> memref<1x128x128xf32, #tpu.memory_space<hbm>>
      %dma_wait3A_79 = tpu.memref_squeeze %dma_wait3A_78 : memref<1x128x128xf32, #tpu.memory_space<hbm>> -> memref<128x128xf32, #tpu.memory_space<hbm>>
      tpu.wait_dma2 semaphore(%run_scoped3A : memref<!tpu.dma_semaphore, #tpu.memory_space<semaphore_mem>>) src(%arg11 : memref<128x128xf32, #tpu.memory_space<vmem>>) dst(%dma_wait3A_79 : memref<128x128xf32, #tpu.memory_space<hbm>>)
      tpu.yield
    }) : () -> ()
    %mul3A_66 = arith.constant 640 : i32
    %mul3A_67 = arith.muli %arg1, %mul3A_66 : i32
    %add3A_68 = arith.constant 512 : i32
    %add3A_69 = arith.addi %mul3A_67, %add3A_68 : i32
    "tpu.region"() ({
      %run_scoped3A = tpu.sem_alloc : memref<!tpu.dma_semaphore, #tpu.memory_space<semaphore_mem>>
      %dma_start3A = arith.constant 0 : i32
      %dma_start3A_70 = tpu.memref_slice %arg6[%add3A_69, %dma_start3A] : memref<10240x128xf32, #tpu.memory_space<vmem_shared>> -> memref<128x128xf32, #tpu.memory_space<vmem_shared>>
      %dma_start3A_71 = arith.constant 0 : i32
      %dma_start3A_72 = tpu.memref_slice %arg6[%add3A_69, %dma_start3A_71] : memref<10240x128xf32, #tpu.memory_space<vmem_shared>> -> memref<128x128xf32, #tpu.memory_space<vmem_shared>>
      tpu.enqueue_dma source(%dma_start3A_72 : memref<128x128xf32, #tpu.memory_space<vmem_shared>>) target(%arg11 : memref<128x128xf32, #tpu.memory_space<vmem>>) target_semaphore(%run_scoped3A : memref<!tpu.dma_semaphore, #tpu.memory_space<semaphore_mem>>)
      %dma_wait3A = arith.constant 0 : i32
      %dma_wait3A_73 = tpu.memref_slice %arg6[%add3A_69, %dma_wait3A] : memref<10240x128xf32, #tpu.memory_space<vmem_shared>> -> memref<128x128xf32, #tpu.memory_space<vmem_shared>>
      %dma_wait3A_74 = arith.constant 0 : i32
      %dma_wait3A_75 = tpu.memref_slice %arg6[%add3A_69, %dma_wait3A_74] : memref<10240x128xf32, #tpu.memory_space<vmem_shared>> -> memref<128x128xf32, #tpu.memory_space<vmem_shared>>
      tpu.wait_dma2 semaphore(%run_scoped3A : memref<!tpu.dma_semaphore, #tpu.memory_space<semaphore_mem>>) src(%dma_wait3A_75 : memref<128x128xf32, #tpu.memory_space<vmem_shared>>) dst(%arg11 : memref<128x128xf32, #tpu.memory_space<vmem>>)
      tpu.yield
    }) : () -> ()
    "tpu.region"() ({
      %run_scoped3A = tpu.sem_alloc : memref<!tpu.dma_semaphore, #tpu.memory_space<semaphore_mem>>
      %dma_start3A = arith.constant 0 : i32
      %dma_start3A_70 = tpu.memref_slice %arg5[%arg0, %add3A_69, %dma_start3A] : memref<2x10240x128xf32, #tpu.memory_space<hbm>> -> memref<1x128x128xf32, #tpu.memory_space<hbm>>
      %dma_start3A_71 = tpu.memref_squeeze %dma_start3A_70 : memref<1x128x128xf32, #tpu.memory_space<hbm>> -> memref<128x128xf32, #tpu.memory_space<hbm>>
      %dma_start3A_72 = arith.constant 0 : i32
      %dma_start3A_73 = tpu.memref_slice %arg5[%arg0, %add3A_69, %dma_start3A_72] : memref<2x10240x128xf32, #tpu.memory_space<hbm>> -> memref<1x128x128xf32, #tpu.memory_space<hbm>>
      %dma_start3A_74 = tpu.memref_squeeze %dma_start3A_73 : memref<1x128x128xf32, #tpu.memory_space<hbm>> -> memref<128x128xf32, #tpu.memory_space<hbm>>
      tpu.enqueue_dma source(%arg11 : memref<128x128xf32, #tpu.memory_space<vmem>>) target(%dma_start3A_74 : memref<128x128xf32, #tpu.memory_space<hbm>>) target_semaphore(%run_scoped3A : memref<!tpu.dma_semaphore, #tpu.memory_space<semaphore_mem>>)
      %dma_wait3A = arith.constant 0 : i32
      %dma_wait3A_75 = tpu.memref_slice %arg5[%arg0, %add3A_69, %dma_wait3A] : memref<2x10240x128xf32, #tpu.memory_space<hbm>> -> memref<1x128x128xf32, #tpu.memory_space<hbm>>
      %dma_wait3A_76 = tpu.memref_squeeze %dma_wait3A_75 : memref<1x128x128xf32, #tpu.memory_space<hbm>> -> memref<128x128xf32, #tpu.memory_space<hbm>>
      %dma_wait3A_77 = arith.constant 0 : i32
      %dma_wait3A_78 = tpu.memref_slice %arg5[%arg0, %add3A_69, %dma_wait3A_77] : memref<2x10240x128xf32, #tpu.memory_space<hbm>> -> memref<1x128x128xf32, #tpu.memory_space<hbm>>
      %dma_wait3A_79 = tpu.memref_squeeze %dma_wait3A_78 : memref<1x128x128xf32, #tpu.memory_space<hbm>> -> memref<128x128xf32, #tpu.memory_space<hbm>>
      tpu.wait_dma2 semaphore(%run_scoped3A : memref<!tpu.dma_semaphore, #tpu.memory_space<semaphore_mem>>) src(%arg11 : memref<128x128xf32, #tpu.memory_space<vmem>>) dst(%dma_wait3A_79 : memref<128x128xf32, #tpu.memory_space<hbm>>)
      tpu.yield
    }) : () -> ()
    return
  }
}

#map = affine_map<(d0, d1) -> (0)>
#map1 = affine_map<(d0, d1) -> (0, 0, 0)>
module attributes {stable_mosaic.version = 14 : i64} {
  func.func @_cnt_body(%arg0: i32, %arg1: i32, %arg2: memref<323584xi32, #tpu.memory_space<hbm>>, %arg3: memref<2x10240x128xf32, #tpu.memory_space<hbm>>, %arg4: memref<10240x128xf32, #tpu.memory_space<vmem_shared>>, %arg5: memref<128xi32, #tpu.memory_space<vmem>>, %arg6: memref<128x128xf32, #tpu.memory_space<vmem>>) attributes {dimension_semantics = [#tpu.dimension_semantics<core_parallel>, #tpu.dimension_semantics<subcore_parallel>], iteration_bounds = array<i64: 2, 16>, scalar_prefetch = 0 : i64, scratch_operands = 3 : i64, tpu.core_type = #tpu.core_type<sc_vector_subcore>, window_params = [{transform_indices = #map}, {transform_indices = #map1}]} {
    %mul3A = arith.constant 2 : i32
    %mul3A_0 = arith.muli %arg1, %mul3A : i32
    %add3A = arith.addi %mul3A_0, %arg0 : i32
    %broadcast_in_dim3A = arith.constant 0.000000e+00 : f32
    %broadcast_in_dim3A_1 = vector.broadcast %broadcast_in_dim3A : f32 to vector<16xf32>
    %broadcast_in_dim3A_2 = arith.constant 1.000000e+00 : f32
    %broadcast_in_dim3A_3 = vector.broadcast %broadcast_in_dim3A_2 : f32 to vector<16xf32>
    %scan3A = arith.constant 0 : i32
    %scan3A_4 = arith.constant 0 : i32
    %scan3A_5 = arith.constant 128 : i32
    %scan3A_6 = arith.addi %scan3A_4, %scan3A_5 : i32
    %scan3A_7 = arith.constant 1 : i32
    scf.for %scan3A_64 = %scan3A_4 to %scan3A_6 step %scan3A_7  : i32 {
      %swap3A = arith.index_cast %scan3A_64 : i32 to index
      %swap3A_65 = arith.constant 0 : index
      %swap3A_66 = tpu.vector_load %arg6[%swap3A, %swap3A_65] {strides = array<i32>} : memref<128x128xf32, #tpu.memory_space<vmem>>, vector<1x16xf32>,
      %swap3A_67 = vector.shape_cast %swap3A_66 : vector<1x16xf32> to vector<16xf32>
      %swap3A_68 = vector.shape_cast %broadcast_in_dim3A_1 : vector<16xf32> to vector<1x16xf32>
      tpu.vector_store %arg6[%swap3A, %swap3A_65], %swap3A_68 {strides = array<i32>} : memref<128x128xf32, #tpu.memory_space<vmem>>, vector<1x16xf32>,
      %swap3A_69 = arith.index_cast %scan3A_64 : i32 to index
      %swap3A_70 = arith.constant 16 : index
      %swap3A_71 = tpu.vector_load %arg6[%swap3A_69, %swap3A_70] {strides = array<i32>} : memref<128x128xf32, #tpu.memory_space<vmem>>, vector<1x16xf32>,
      %swap3A_72 = vector.shape_cast %swap3A_71 : vector<1x16xf32> to vector<16xf32>
      %swap3A_73 = vector.shape_cast %broadcast_in_dim3A_1 : vector<16xf32> to vector<1x16xf32>
      tpu.vector_store %arg6[%swap3A_69, %swap3A_70], %swap3A_73 {strides = array<i32>} : memref<128x128xf32, #tpu.memory_space<vmem>>, vector<1x16xf32>,
      %swap3A_74 = arith.index_cast %scan3A_64 : i32 to index
      %swap3A_75 = arith.constant 32 : index
      %swap3A_76 = tpu.vector_load %arg6[%swap3A_74, %swap3A_75] {strides = array<i32>} : memref<128x128xf32, #tpu.memory_space<vmem>>, vector<1x16xf32>,
      %swap3A_77 = vector.shape_cast %swap3A_76 : vector<1x16xf32> to vector<16xf32>
      %swap3A_78 = vector.shape_cast %broadcast_in_dim3A_1 : vector<16xf32> to vector<1x16xf32>
      tpu.vector_store %arg6[%swap3A_74, %swap3A_75], %swap3A_78 {strides = array<i32>} : memref<128x128xf32, #tpu.memory_space<vmem>>, vector<1x16xf32>,
      %swap3A_79 = arith.index_cast %scan3A_64 : i32 to index
      %swap3A_80 = arith.constant 48 : index
      %swap3A_81 = tpu.vector_load %arg6[%swap3A_79, %swap3A_80] {strides = array<i32>} : memref<128x128xf32, #tpu.memory_space<vmem>>, vector<1x16xf32>,
      %swap3A_82 = vector.shape_cast %swap3A_81 : vector<1x16xf32> to vector<16xf32>
      %swap3A_83 = vector.shape_cast %broadcast_in_dim3A_1 : vector<16xf32> to vector<1x16xf32>
      tpu.vector_store %arg6[%swap3A_79, %swap3A_80], %swap3A_83 {strides = array<i32>} : memref<128x128xf32, #tpu.memory_space<vmem>>, vector<1x16xf32>,
      %swap3A_84 = arith.index_cast %scan3A_64 : i32 to index
      %swap3A_85 = arith.constant 64 : index
      %swap3A_86 = tpu.vector_load %arg6[%swap3A_84, %swap3A_85] {strides = array<i32>} : memref<128x128xf32, #tpu.memory_space<vmem>>, vector<1x16xf32>,
      %swap3A_87 = vector.shape_cast %swap3A_86 : vector<1x16xf32> to vector<16xf32>
      %swap3A_88 = vector.shape_cast %broadcast_in_dim3A_1 : vector<16xf32> to vector<1x16xf32>
      tpu.vector_store %arg6[%swap3A_84, %swap3A_85], %swap3A_88 {strides = array<i32>} : memref<128x128xf32, #tpu.memory_space<vmem>>, vector<1x16xf32>,
      %swap3A_89 = arith.index_cast %scan3A_64 : i32 to index
      %swap3A_90 = arith.constant 80 : index
      %swap3A_91 = tpu.vector_load %arg6[%swap3A_89, %swap3A_90] {strides = array<i32>} : memref<128x128xf32, #tpu.memory_space<vmem>>, vector<1x16xf32>,
      %swap3A_92 = vector.shape_cast %swap3A_91 : vector<1x16xf32> to vector<16xf32>
      %swap3A_93 = vector.shape_cast %broadcast_in_dim3A_1 : vector<16xf32> to vector<1x16xf32>
      tpu.vector_store %arg6[%swap3A_89, %swap3A_90], %swap3A_93 {strides = array<i32>} : memref<128x128xf32, #tpu.memory_space<vmem>>, vector<1x16xf32>,
      %swap3A_94 = arith.index_cast %scan3A_64 : i32 to index
      %swap3A_95 = arith.constant 96 : index
      %swap3A_96 = tpu.vector_load %arg6[%swap3A_94, %swap3A_95] {strides = array<i32>} : memref<128x128xf32, #tpu.memory_space<vmem>>, vector<1x16xf32>,
      %swap3A_97 = vector.shape_cast %swap3A_96 : vector<1x16xf32> to vector<16xf32>
      %swap3A_98 = vector.shape_cast %broadcast_in_dim3A_1 : vector<16xf32> to vector<1x16xf32>
      tpu.vector_store %arg6[%swap3A_94, %swap3A_95], %swap3A_98 {strides = array<i32>} : memref<128x128xf32, #tpu.memory_space<vmem>>, vector<1x16xf32>,
      %swap3A_99 = arith.index_cast %scan3A_64 : i32 to index
      %swap3A_100 = arith.constant 112 : index
      %swap3A_101 = tpu.vector_load %arg6[%swap3A_99, %swap3A_100] {strides = array<i32>} : memref<128x128xf32, #tpu.memory_space<vmem>>, vector<1x16xf32>,
      %swap3A_102 = vector.shape_cast %swap3A_101 : vector<1x16xf32> to vector<16xf32>
      %swap3A_103 = vector.shape_cast %broadcast_in_dim3A_1 : vector<16xf32> to vector<1x16xf32>
      tpu.vector_store %arg6[%swap3A_99, %swap3A_100], %swap3A_103 {strides = array<i32>} : memref<128x128xf32, #tpu.memory_space<vmem>>, vector<1x16xf32>,
    }
    %scan3A_8 = arith.constant 128 : i32
    %mul3A_9 = arith.constant 640 : i32
    %mul3A_10 = arith.muli %arg1, %mul3A_9 : i32
    %add3A_11 = arith.constant 0 : i32
    %add3A_12 = arith.addi %mul3A_10, %add3A_11 : i32
    "tpu.region"() ({
      %run_scoped3A = tpu.sem_alloc : memref<!tpu.dma_semaphore, #tpu.memory_space<semaphore_mem>>
      %dma_start3A = arith.constant 0 : i32
      %dma_start3A_64 = tpu.memref_slice %arg4[%add3A_12, %dma_start3A] : memref<10240x128xf32, #tpu.memory_space<vmem_shared>> -> memref<128x128xf32, #tpu.memory_space<vmem_shared>>
      %dma_start3A_65 = arith.constant 0 : i32
      %dma_start3A_66 = tpu.memref_slice %arg4[%add3A_12, %dma_start3A_65] : memref<10240x128xf32, #tpu.memory_space<vmem_shared>> -> memref<128x128xf32, #tpu.memory_space<vmem_shared>>
      tpu.enqueue_dma source(%arg6 : memref<128x128xf32, #tpu.memory_space<vmem>>) target(%dma_start3A_66 : memref<128x128xf32, #tpu.memory_space<vmem_shared>>) target_semaphore(%run_scoped3A : memref<!tpu.dma_semaphore, #tpu.memory_space<semaphore_mem>>)
      %dma_wait3A = arith.constant 0 : i32
      %dma_wait3A_67 = tpu.memref_slice %arg4[%add3A_12, %dma_wait3A] : memref<10240x128xf32, #tpu.memory_space<vmem_shared>> -> memref<128x128xf32, #tpu.memory_space<vmem_shared>>
      %dma_wait3A_68 = arith.constant 0 : i32
      %dma_wait3A_69 = tpu.memref_slice %arg4[%add3A_12, %dma_wait3A_68] : memref<10240x128xf32, #tpu.memory_space<vmem_shared>> -> memref<128x128xf32, #tpu.memory_space<vmem_shared>>
      tpu.wait_dma2 semaphore(%run_scoped3A : memref<!tpu.dma_semaphore, #tpu.memory_space<semaphore_mem>>) src(%arg6 : memref<128x128xf32, #tpu.memory_space<vmem>>) dst(%dma_wait3A_69 : memref<128x128xf32, #tpu.memory_space<vmem_shared>>)
      tpu.yield
    }) : () -> ()
    %mul3A_13 = arith.constant 640 : i32
    %mul3A_14 = arith.muli %arg1, %mul3A_13 : i32
    %add3A_15 = arith.constant 128 : i32
    %add3A_16 = arith.addi %mul3A_14, %add3A_15 : i32
    "tpu.region"() ({
      %run_scoped3A = tpu.sem_alloc : memref<!tpu.dma_semaphore, #tpu.memory_space<semaphore_mem>>
      %dma_start3A = arith.constant 0 : i32
      %dma_start3A_64 = tpu.memref_slice %arg4[%add3A_16, %dma_start3A] : memref<10240x128xf32, #tpu.memory_space<vmem_shared>> -> memref<128x128xf32, #tpu.memory_space<vmem_shared>>
      %dma_start3A_65 = arith.constant 0 : i32
      %dma_start3A_66 = tpu.memref_slice %arg4[%add3A_16, %dma_start3A_65] : memref<10240x128xf32, #tpu.memory_space<vmem_shared>> -> memref<128x128xf32, #tpu.memory_space<vmem_shared>>
      tpu.enqueue_dma source(%arg6 : memref<128x128xf32, #tpu.memory_space<vmem>>) target(%dma_start3A_66 : memref<128x128xf32, #tpu.memory_space<vmem_shared>>) target_semaphore(%run_scoped3A : memref<!tpu.dma_semaphore, #tpu.memory_space<semaphore_mem>>)
      %dma_wait3A = arith.constant 0 : i32
      %dma_wait3A_67 = tpu.memref_slice %arg4[%add3A_16, %dma_wait3A] : memref<10240x128xf32, #tpu.memory_space<vmem_shared>> -> memref<128x128xf32, #tpu.memory_space<vmem_shared>>
      %dma_wait3A_68 = arith.constant 0 : i32
      %dma_wait3A_69 = tpu.memref_slice %arg4[%add3A_16, %dma_wait3A_68] : memref<10240x128xf32, #tpu.memory_space<vmem_shared>> -> memref<128x128xf32, #tpu.memory_space<vmem_shared>>
      tpu.wait_dma2 semaphore(%run_scoped3A : memref<!tpu.dma_semaphore, #tpu.memory_space<semaphore_mem>>) src(%arg6 : memref<128x128xf32, #tpu.memory_space<vmem>>) dst(%dma_wait3A_69 : memref<128x128xf32, #tpu.memory_space<vmem_shared>>)
      tpu.yield
    }) : () -> ()
    %mul3A_17 = arith.constant 640 : i32
    %mul3A_18 = arith.muli %arg1, %mul3A_17 : i32
    %add3A_19 = arith.constant 256 : i32
    %add3A_20 = arith.addi %mul3A_18, %add3A_19 : i32
    "tpu.region"() ({
      %run_scoped3A = tpu.sem_alloc : memref<!tpu.dma_semaphore, #tpu.memory_space<semaphore_mem>>
      %dma_start3A = arith.constant 0 : i32
      %dma_start3A_64 = tpu.memref_slice %arg4[%add3A_20, %dma_start3A] : memref<10240x128xf32, #tpu.memory_space<vmem_shared>> -> memref<128x128xf32, #tpu.memory_space<vmem_shared>>
      %dma_start3A_65 = arith.constant 0 : i32
      %dma_start3A_66 = tpu.memref_slice %arg4[%add3A_20, %dma_start3A_65] : memref<10240x128xf32, #tpu.memory_space<vmem_shared>> -> memref<128x128xf32, #tpu.memory_space<vmem_shared>>
      tpu.enqueue_dma source(%arg6 : memref<128x128xf32, #tpu.memory_space<vmem>>) target(%dma_start3A_66 : memref<128x128xf32, #tpu.memory_space<vmem_shared>>) target_semaphore(%run_scoped3A : memref<!tpu.dma_semaphore, #tpu.memory_space<semaphore_mem>>)
      %dma_wait3A = arith.constant 0 : i32
      %dma_wait3A_67 = tpu.memref_slice %arg4[%add3A_20, %dma_wait3A] : memref<10240x128xf32, #tpu.memory_space<vmem_shared>> -> memref<128x128xf32, #tpu.memory_space<vmem_shared>>
      %dma_wait3A_68 = arith.constant 0 : i32
      %dma_wait3A_69 = tpu.memref_slice %arg4[%add3A_20, %dma_wait3A_68] : memref<10240x128xf32, #tpu.memory_space<vmem_shared>> -> memref<128x128xf32, #tpu.memory_space<vmem_shared>>
      tpu.wait_dma2 semaphore(%run_scoped3A : memref<!tpu.dma_semaphore, #tpu.memory_space<semaphore_mem>>) src(%arg6 : memref<128x128xf32, #tpu.memory_space<vmem>>) dst(%dma_wait3A_69 : memref<128x128xf32, #tpu.memory_space<vmem_shared>>)
      tpu.yield
    }) : () -> ()
    %mul3A_21 = arith.constant 640 : i32
    %mul3A_22 = arith.muli %arg1, %mul3A_21 : i32
    %add3A_23 = arith.constant 384 : i32
    %add3A_24 = arith.addi %mul3A_22, %add3A_23 : i32
    "tpu.region"() ({
      %run_scoped3A = tpu.sem_alloc : memref<!tpu.dma_semaphore, #tpu.memory_space<semaphore_mem>>
      %dma_start3A = arith.constant 0 : i32
      %dma_start3A_64 = tpu.memref_slice %arg4[%add3A_24, %dma_start3A] : memref<10240x128xf32, #tpu.memory_space<vmem_shared>> -> memref<128x128xf32, #tpu.memory_space<vmem_shared>>
      %dma_start3A_65 = arith.constant 0 : i32
      %dma_start3A_66 = tpu.memref_slice %arg4[%add3A_24, %dma_start3A_65] : memref<10240x128xf32, #tpu.memory_space<vmem_shared>> -> memref<128x128xf32, #tpu.memory_space<vmem_shared>>
      tpu.enqueue_dma source(%arg6 : memref<128x128xf32, #tpu.memory_space<vmem>>) target(%dma_start3A_66 : memref<128x128xf32, #tpu.memory_space<vmem_shared>>) target_semaphore(%run_scoped3A : memref<!tpu.dma_semaphore, #tpu.memory_space<semaphore_mem>>)
      %dma_wait3A = arith.constant 0 : i32
      %dma_wait3A_67 = tpu.memref_slice %arg4[%add3A_24, %dma_wait3A] : memref<10240x128xf32, #tpu.memory_space<vmem_shared>> -> memref<128x128xf32, #tpu.memory_space<vmem_shared>>
      %dma_wait3A_68 = arith.constant 0 : i32
      %dma_wait3A_69 = tpu.memref_slice %arg4[%add3A_24, %dma_wait3A_68] : memref<10240x128xf32, #tpu.memory_space<vmem_shared>> -> memref<128x128xf32, #tpu.memory_space<vmem_shared>>
      tpu.wait_dma2 semaphore(%run_scoped3A : memref<!tpu.dma_semaphore, #tpu.memory_space<semaphore_mem>>) src(%arg6 : memref<128x128xf32, #tpu.memory_space<vmem>>) dst(%dma_wait3A_69 : memref<128x128xf32, #tpu.memory_space<vmem_shared>>)
      tpu.yield
    }) : () -> ()
    %mul3A_25 = arith.constant 640 : i32
    %mul3A_26 = arith.muli %arg1, %mul3A_25 : i32
    %add3A_27 = arith.constant 512 : i32
    %add3A_28 = arith.addi %mul3A_26, %add3A_27 : i32
    "tpu.region"() ({
      %run_scoped3A = tpu.sem_alloc : memref<!tpu.dma_semaphore, #tpu.memory_space<semaphore_mem>>
      %dma_start3A = arith.constant 0 : i32
      %dma_start3A_64 = tpu.memref_slice %arg4[%add3A_28, %dma_start3A] : memref<10240x128xf32, #tpu.memory_space<vmem_shared>> -> memref<128x128xf32, #tpu.memory_space<vmem_shared>>
      %dma_start3A_65 = arith.constant 0 : i32
      %dma_start3A_66 = tpu.memref_slice %arg4[%add3A_28, %dma_start3A_65] : memref<10240x128xf32, #tpu.memory_space<vmem_shared>> -> memref<128x128xf32, #tpu.memory_space<vmem_shared>>
      tpu.enqueue_dma source(%arg6 : memref<128x128xf32, #tpu.memory_space<vmem>>) target(%dma_start3A_66 : memref<128x128xf32, #tpu.memory_space<vmem_shared>>) target_semaphore(%run_scoped3A : memref<!tpu.dma_semaphore, #tpu.memory_space<semaphore_mem>>)
      %dma_wait3A = arith.constant 0 : i32
      %dma_wait3A_67 = tpu.memref_slice %arg4[%add3A_28, %dma_wait3A] : memref<10240x128xf32, #tpu.memory_space<vmem_shared>> -> memref<128x128xf32, #tpu.memory_space<vmem_shared>>
      %dma_wait3A_68 = arith.constant 0 : i32
      %dma_wait3A_69 = tpu.memref_slice %arg4[%add3A_28, %dma_wait3A_68] : memref<10240x128xf32, #tpu.memory_space<vmem_shared>> -> memref<128x128xf32, #tpu.memory_space<vmem_shared>>
      tpu.wait_dma2 semaphore(%run_scoped3A : memref<!tpu.dma_semaphore, #tpu.memory_space<semaphore_mem>>) src(%arg6 : memref<128x128xf32, #tpu.memory_space<vmem>>) dst(%dma_wait3A_69 : memref<128x128xf32, #tpu.memory_space<vmem_shared>>)
      tpu.yield
    }) : () -> ()
    %barrier3A = arith.constant 0 : index
    tpu.barrier barrier_id(%barrier3A)
    %scan3A_29 = arith.constant 0 : i32
    %scan3A_30 = arith.constant 0 : i32
    %scan3A_31 = arith.constant 128 : i32
    %scan3A_32 = arith.addi %scan3A_30, %scan3A_31 : i32
    %scan3A_33 = arith.constant 1 : i32
    scf.for %scan3A_64 = %scan3A_30 to %scan3A_32 step %scan3A_33  : i32 {
      %swap3A = arith.index_cast %scan3A_64 : i32 to index
      %swap3A_65 = arith.constant 0 : index
      %swap3A_66 = tpu.vector_load %arg6[%swap3A, %swap3A_65] {strides = array<i32>} : memref<128x128xf32, #tpu.memory_space<vmem>>, vector<1x16xf32>,
      %swap3A_67 = vector.shape_cast %swap3A_66 : vector<1x16xf32> to vector<16xf32>
      %swap3A_68 = vector.shape_cast %broadcast_in_dim3A_3 : vector<16xf32> to vector<1x16xf32>
      tpu.vector_store %arg6[%swap3A, %swap3A_65], %swap3A_68 {strides = array<i32>} : memref<128x128xf32, #tpu.memory_space<vmem>>, vector<1x16xf32>,
      %swap3A_69 = arith.index_cast %scan3A_64 : i32 to index
      %swap3A_70 = arith.constant 16 : index
      %swap3A_71 = tpu.vector_load %arg6[%swap3A_69, %swap3A_70] {strides = array<i32>} : memref<128x128xf32, #tpu.memory_space<vmem>>, vector<1x16xf32>,
      %swap3A_72 = vector.shape_cast %swap3A_71 : vector<1x16xf32> to vector<16xf32>
      %swap3A_73 = vector.shape_cast %broadcast_in_dim3A_3 : vector<16xf32> to vector<1x16xf32>
      tpu.vector_store %arg6[%swap3A_69, %swap3A_70], %swap3A_73 {strides = array<i32>} : memref<128x128xf32, #tpu.memory_space<vmem>>, vector<1x16xf32>,
      %swap3A_74 = arith.index_cast %scan3A_64 : i32 to index
      %swap3A_75 = arith.constant 32 : index
      %swap3A_76 = tpu.vector_load %arg6[%swap3A_74, %swap3A_75] {strides = array<i32>} : memref<128x128xf32, #tpu.memory_space<vmem>>, vector<1x16xf32>,
      %swap3A_77 = vector.shape_cast %swap3A_76 : vector<1x16xf32> to vector<16xf32>
      %swap3A_78 = vector.shape_cast %broadcast_in_dim3A_3 : vector<16xf32> to vector<1x16xf32>
      tpu.vector_store %arg6[%swap3A_74, %swap3A_75], %swap3A_78 {strides = array<i32>} : memref<128x128xf32, #tpu.memory_space<vmem>>, vector<1x16xf32>,
      %swap3A_79 = arith.index_cast %scan3A_64 : i32 to index
      %swap3A_80 = arith.constant 48 : index
      %swap3A_81 = tpu.vector_load %arg6[%swap3A_79, %swap3A_80] {strides = array<i32>} : memref<128x128xf32, #tpu.memory_space<vmem>>, vector<1x16xf32>,
      %swap3A_82 = vector.shape_cast %swap3A_81 : vector<1x16xf32> to vector<16xf32>
      %swap3A_83 = vector.shape_cast %broadcast_in_dim3A_3 : vector<16xf32> to vector<1x16xf32>
      tpu.vector_store %arg6[%swap3A_79, %swap3A_80], %swap3A_83 {strides = array<i32>} : memref<128x128xf32, #tpu.memory_space<vmem>>, vector<1x16xf32>,
      %swap3A_84 = arith.index_cast %scan3A_64 : i32 to index
      %swap3A_85 = arith.constant 64 : index
      %swap3A_86 = tpu.vector_load %arg6[%swap3A_84, %swap3A_85] {strides = array<i32>} : memref<128x128xf32, #tpu.memory_space<vmem>>, vector<1x16xf32>,
      %swap3A_87 = vector.shape_cast %swap3A_86 : vector<1x16xf32> to vector<16xf32>
      %swap3A_88 = vector.shape_cast %broadcast_in_dim3A_3 : vector<16xf32> to vector<1x16xf32>
      tpu.vector_store %arg6[%swap3A_84, %swap3A_85], %swap3A_88 {strides = array<i32>} : memref<128x128xf32, #tpu.memory_space<vmem>>, vector<1x16xf32>,
      %swap3A_89 = arith.index_cast %scan3A_64 : i32 to index
      %swap3A_90 = arith.constant 80 : index
      %swap3A_91 = tpu.vector_load %arg6[%swap3A_89, %swap3A_90] {strides = array<i32>} : memref<128x128xf32, #tpu.memory_space<vmem>>, vector<1x16xf32>,
      %swap3A_92 = vector.shape_cast %swap3A_91 : vector<1x16xf32> to vector<16xf32>
      %swap3A_93 = vector.shape_cast %broadcast_in_dim3A_3 : vector<16xf32> to vector<1x16xf32>
      tpu.vector_store %arg6[%swap3A_89, %swap3A_90], %swap3A_93 {strides = array<i32>} : memref<128x128xf32, #tpu.memory_space<vmem>>, vector<1x16xf32>,
      %swap3A_94 = arith.index_cast %scan3A_64 : i32 to index
      %swap3A_95 = arith.constant 96 : index
      %swap3A_96 = tpu.vector_load %arg6[%swap3A_94, %swap3A_95] {strides = array<i32>} : memref<128x128xf32, #tpu.memory_space<vmem>>, vector<1x16xf32>,
      %swap3A_97 = vector.shape_cast %swap3A_96 : vector<1x16xf32> to vector<16xf32>
      %swap3A_98 = vector.shape_cast %broadcast_in_dim3A_3 : vector<16xf32> to vector<1x16xf32>
      tpu.vector_store %arg6[%swap3A_94, %swap3A_95], %swap3A_98 {strides = array<i32>} : memref<128x128xf32, #tpu.memory_space<vmem>>, vector<1x16xf32>,
      %swap3A_99 = arith.index_cast %scan3A_64 : i32 to index
      %swap3A_100 = arith.constant 112 : index
      %swap3A_101 = tpu.vector_load %arg6[%swap3A_99, %swap3A_100] {strides = array<i32>} : memref<128x128xf32, #tpu.memory_space<vmem>>, vector<1x16xf32>,
      %swap3A_102 = vector.shape_cast %swap3A_101 : vector<1x16xf32> to vector<16xf32>
      %swap3A_103 = vector.shape_cast %broadcast_in_dim3A_3 : vector<16xf32> to vector<1x16xf32>
      tpu.vector_store %arg6[%swap3A_99, %swap3A_100], %swap3A_103 {strides = array<i32>} : memref<128x128xf32, #tpu.memory_space<vmem>>, vector<1x16xf32>,
    }
    %scan3A_34 = arith.constant 128 : i32
    %mul3A_35 = arith.constant 10112 : i32
    %mul3A_36 = arith.muli %add3A, %mul3A_35 : i32
    %scan3A_37 = arith.constant 0 : i32
    %scan3A_38 = arith.constant 0 : i32
    %scan3A_39 = arith.constant 79 : i32
    %scan3A_40 = arith.addi %scan3A_38, %scan3A_39 : i32
    %scan3A_41 = arith.constant 1 : i32
    scf.for %scan3A_64 = %scan3A_38 to %scan3A_40 step %scan3A_41  : i32 {
      %mul3A_65 = arith.constant 128 : i32
      %mul3A_66 = arith.muli %scan3A_64, %mul3A_65 : i32
      %add3A_67 = arith.addi %mul3A_36, %mul3A_66 : i32
      %multiple_of3A = tpu.assume_multiple %add3A_67, 8 : i32
      "tpu.region"() ({
        %run_scoped3A = tpu.sem_alloc : memref<!tpu.dma_semaphore, #tpu.memory_space<semaphore_mem>>
        %dma_start3A = tpu.memref_slice %arg2[%multiple_of3A] : memref<323584xi32, #tpu.memory_space<hbm>> -> memref<128xi32, #tpu.memory_space<hbm>>
        %dma_start3A_68 = tpu.memref_slice %arg2[%multiple_of3A] : memref<323584xi32, #tpu.memory_space<hbm>> -> memref<128xi32, #tpu.memory_space<hbm>>
        tpu.enqueue_dma source(%dma_start3A_68 : memref<128xi32, #tpu.memory_space<hbm>>) target(%arg5 : memref<128xi32, #tpu.memory_space<vmem>>) target_semaphore(%run_scoped3A : memref<!tpu.dma_semaphore, #tpu.memory_space<semaphore_mem>>)
        %dma_wait3A = tpu.memref_slice %arg2[%multiple_of3A] : memref<323584xi32, #tpu.memory_space<hbm>> -> memref<128xi32, #tpu.memory_space<hbm>>
        %dma_wait3A_69 = tpu.memref_slice %arg2[%multiple_of3A] : memref<323584xi32, #tpu.memory_space<hbm>> -> memref<128xi32, #tpu.memory_space<hbm>>
        tpu.wait_dma2 semaphore(%run_scoped3A : memref<!tpu.dma_semaphore, #tpu.memory_space<semaphore_mem>>) src(%dma_wait3A_69 : memref<128xi32, #tpu.memory_space<hbm>>) dst(%arg5 : memref<128xi32, #tpu.memory_space<vmem>>)
        tpu.yield
      }) : () -> ()
      "tpu.region"() ({
        %run_scoped3A = tpu.sem_alloc : memref<!tpu.dma_semaphore, #tpu.memory_space<semaphore_mem>>
        %dma_start3A = arith.constant 0 : i32
        %dma_start3A_68 = arith.constant 0 : i32
        %dma_start3A_69 = tpu.memref_slice %arg4[%dma_start3A, %dma_start3A_68] : memref<10240x128xf32, #tpu.memory_space<vmem_shared>> -> memref<10240x128xf32, #tpu.memory_space<vmem_shared>>
        tpu.enqueue_indirect_dma source(%arg6 : memref<128x128xf32, #tpu.memory_space<vmem>>) target(%dma_start3A_69 : memref<10240x128xf32, #tpu.memory_space<vmem_shared>>) offsets(%arg5 : memref<128xi32, #tpu.memory_space<vmem>>) semaphore(%run_scoped3A : memref<!tpu.dma_semaphore, #tpu.memory_space<semaphore_mem>>) {add = true}
        %dma_wait3A = arith.constant 0 : i32
        %dma_wait3A_70 = arith.constant 0 : i32
        %dma_wait3A_71 = tpu.memref_slice %arg4[%dma_wait3A, %dma_wait3A_70] : memref<10240x128xf32, #tpu.memory_space<vmem_shared>> -> memref<10240x128xf32, #tpu.memory_space<vmem_shared>>
        tpu.wait_indirect_dma semaphore(%run_scoped3A : memref<!tpu.dma_semaphore, #tpu.memory_space<semaphore_mem>>) src(%arg6 : memref<128x128xf32, #tpu.memory_space<vmem>>) dst(%dma_wait3A_71 : memref<10240x128xf32, #tpu.memory_space<vmem_shared>>)
        tpu.yield
      }) : () -> ()
    }
    %scan3A_42 = arith.constant 79 : i32
    %barrier3A_43 = arith.constant 0 : index
    tpu.barrier barrier_id(%barrier3A_43)
    %mul3A_44 = arith.constant 640 : i32
    %mul3A_45 = arith.muli %arg1, %mul3A_44 : i32
    %add3A_46 = arith.constant 0 : i32
    %add3A_47 = arith.addi %mul3A_45, %add3A_46 : i32
    "tpu.region"() ({
      %run_scoped3A = tpu.sem_alloc : memref<!tpu.dma_semaphore, #tpu.memory_space<semaphore_mem>>
      %dma_start3A = arith.constant 0 : i32
      %dma_start3A_64 = tpu.memref_slice %arg4[%add3A_47, %dma_start3A] : memref<10240x128xf32, #tpu.memory_space<vmem_shared>> -> memref<128x128xf32, #tpu.memory_space<vmem_shared>>
      %dma_start3A_65 = arith.constant 0 : i32
      %dma_start3A_66 = tpu.memref_slice %arg4[%add3A_47, %dma_start3A_65] : memref<10240x128xf32, #tpu.memory_space<vmem_shared>> -> memref<128x128xf32, #tpu.memory_space<vmem_shared>>
      tpu.enqueue_dma source(%dma_start3A_66 : memref<128x128xf32, #tpu.memory_space<vmem_shared>>) target(%arg6 : memref<128x128xf32, #tpu.memory_space<vmem>>) target_semaphore(%run_scoped3A : memref<!tpu.dma_semaphore, #tpu.memory_space<semaphore_mem>>)
      %dma_wait3A = arith.constant 0 : i32
      %dma_wait3A_67 = tpu.memref_slice %arg4[%add3A_47, %dma_wait3A] : memref<10240x128xf32, #tpu.memory_space<vmem_shared>> -> memref<128x128xf32, #tpu.memory_space<vmem_shared>>
      %dma_wait3A_68 = arith.constant 0 : i32
      %dma_wait3A_69 = tpu.memref_slice %arg4[%add3A_47, %dma_wait3A_68] : memref<10240x128xf32, #tpu.memory_space<vmem_shared>> -> memref<128x128xf32, #tpu.memory_space<vmem_shared>>
      tpu.wait_dma2 semaphore(%run_scoped3A : memref<!tpu.dma_semaphore, #tpu.memory_space<semaphore_mem>>) src(%dma_wait3A_69 : memref<128x128xf32, #tpu.memory_space<vmem_shared>>) dst(%arg6 : memref<128x128xf32, #tpu.memory_space<vmem>>)
      tpu.yield
    }) : () -> ()
    "tpu.region"() ({
      %run_scoped3A = tpu.sem_alloc : memref<!tpu.dma_semaphore, #tpu.memory_space<semaphore_mem>>
      %dma_start3A = arith.constant 0 : i32
      %dma_start3A_64 = tpu.memref_slice %arg3[%arg0, %add3A_47, %dma_start3A] : memref<2x10240x128xf32, #tpu.memory_space<hbm>> -> memref<1x128x128xf32, #tpu.memory_space<hbm>>
      %dma_start3A_65 = tpu.memref_squeeze %dma_start3A_64 : memref<1x128x128xf32, #tpu.memory_space<hbm>> -> memref<128x128xf32, #tpu.memory_space<hbm>>
      %dma_start3A_66 = arith.constant 0 : i32
      %dma_start3A_67 = tpu.memref_slice %arg3[%arg0, %add3A_47, %dma_start3A_66] : memref<2x10240x128xf32, #tpu.memory_space<hbm>> -> memref<1x128x128xf32, #tpu.memory_space<hbm>>
      %dma_start3A_68 = tpu.memref_squeeze %dma_start3A_67 : memref<1x128x128xf32, #tpu.memory_space<hbm>> -> memref<128x128xf32, #tpu.memory_space<hbm>>
      tpu.enqueue_dma source(%arg6 : memref<128x128xf32, #tpu.memory_space<vmem>>) target(%dma_start3A_68 : memref<128x128xf32, #tpu.memory_space<hbm>>) target_semaphore(%run_scoped3A : memref<!tpu.dma_semaphore, #tpu.memory_space<semaphore_mem>>)
      %dma_wait3A = arith.constant 0 : i32
      %dma_wait3A_69 = tpu.memref_slice %arg3[%arg0, %add3A_47, %dma_wait3A] : memref<2x10240x128xf32, #tpu.memory_space<hbm>> -> memref<1x128x128xf32, #tpu.memory_space<hbm>>
      %dma_wait3A_70 = tpu.memref_squeeze %dma_wait3A_69 : memref<1x128x128xf32, #tpu.memory_space<hbm>> -> memref<128x128xf32, #tpu.memory_space<hbm>>
      %dma_wait3A_71 = arith.constant 0 : i32
      %dma_wait3A_72 = tpu.memref_slice %arg3[%arg0, %add3A_47, %dma_wait3A_71] : memref<2x10240x128xf32, #tpu.memory_space<hbm>> -> memref<1x128x128xf32, #tpu.memory_space<hbm>>
      %dma_wait3A_73 = tpu.memref_squeeze %dma_wait3A_72 : memref<1x128x128xf32, #tpu.memory_space<hbm>> -> memref<128x128xf32, #tpu.memory_space<hbm>>
      tpu.wait_dma2 semaphore(%run_scoped3A : memref<!tpu.dma_semaphore, #tpu.memory_space<semaphore_mem>>) src(%arg6 : memref<128x128xf32, #tpu.memory_space<vmem>>) dst(%dma_wait3A_73 : memref<128x128xf32, #tpu.memory_space<hbm>>)
      tpu.yield
    }) : () -> ()
    %mul3A_48 = arith.constant 640 : i32
    %mul3A_49 = arith.muli %arg1, %mul3A_48 : i32
    %add3A_50 = arith.constant 128 : i32
    %add3A_51 = arith.addi %mul3A_49, %add3A_50 : i32
    "tpu.region"() ({
      %run_scoped3A = tpu.sem_alloc : memref<!tpu.dma_semaphore, #tpu.memory_space<semaphore_mem>>
      %dma_start3A = arith.constant 0 : i32
      %dma_start3A_64 = tpu.memref_slice %arg4[%add3A_51, %dma_start3A] : memref<10240x128xf32, #tpu.memory_space<vmem_shared>> -> memref<128x128xf32, #tpu.memory_space<vmem_shared>>
      %dma_start3A_65 = arith.constant 0 : i32
      %dma_start3A_66 = tpu.memref_slice %arg4[%add3A_51, %dma_start3A_65] : memref<10240x128xf32, #tpu.memory_space<vmem_shared>> -> memref<128x128xf32, #tpu.memory_space<vmem_shared>>
      tpu.enqueue_dma source(%dma_start3A_66 : memref<128x128xf32, #tpu.memory_space<vmem_shared>>) target(%arg6 : memref<128x128xf32, #tpu.memory_space<vmem>>) target_semaphore(%run_scoped3A : memref<!tpu.dma_semaphore, #tpu.memory_space<semaphore_mem>>)
      %dma_wait3A = arith.constant 0 : i32
      %dma_wait3A_67 = tpu.memref_slice %arg4[%add3A_51, %dma_wait3A] : memref<10240x128xf32, #tpu.memory_space<vmem_shared>> -> memref<128x128xf32, #tpu.memory_space<vmem_shared>>
      %dma_wait3A_68 = arith.constant 0 : i32
      %dma_wait3A_69 = tpu.memref_slice %arg4[%add3A_51, %dma_wait3A_68] : memref<10240x128xf32, #tpu.memory_space<vmem_shared>> -> memref<128x128xf32, #tpu.memory_space<vmem_shared>>
      tpu.wait_dma2 semaphore(%run_scoped3A : memref<!tpu.dma_semaphore, #tpu.memory_space<semaphore_mem>>) src(%dma_wait3A_69 : memref<128x128xf32, #tpu.memory_space<vmem_shared>>) dst(%arg6 : memref<128x128xf32, #tpu.memory_space<vmem>>)
      tpu.yield
    }) : () -> ()
    "tpu.region"() ({
      %run_scoped3A = tpu.sem_alloc : memref<!tpu.dma_semaphore, #tpu.memory_space<semaphore_mem>>
      %dma_start3A = arith.constant 0 : i32
      %dma_start3A_64 = tpu.memref_slice %arg3[%arg0, %add3A_51, %dma_start3A] : memref<2x10240x128xf32, #tpu.memory_space<hbm>> -> memref<1x128x128xf32, #tpu.memory_space<hbm>>
      %dma_start3A_65 = tpu.memref_squeeze %dma_start3A_64 : memref<1x128x128xf32, #tpu.memory_space<hbm>> -> memref<128x128xf32, #tpu.memory_space<hbm>>
      %dma_start3A_66 = arith.constant 0 : i32
      %dma_start3A_67 = tpu.memref_slice %arg3[%arg0, %add3A_51, %dma_start3A_66] : memref<2x10240x128xf32, #tpu.memory_space<hbm>> -> memref<1x128x128xf32, #tpu.memory_space<hbm>>
      %dma_start3A_68 = tpu.memref_squeeze %dma_start3A_67 : memref<1x128x128xf32, #tpu.memory_space<hbm>> -> memref<128x128xf32, #tpu.memory_space<hbm>>
      tpu.enqueue_dma source(%arg6 : memref<128x128xf32, #tpu.memory_space<vmem>>) target(%dma_start3A_68 : memref<128x128xf32, #tpu.memory_space<hbm>>) target_semaphore(%run_scoped3A : memref<!tpu.dma_semaphore, #tpu.memory_space<semaphore_mem>>)
      %dma_wait3A = arith.constant 0 : i32
      %dma_wait3A_69 = tpu.memref_slice %arg3[%arg0, %add3A_51, %dma_wait3A] : memref<2x10240x128xf32, #tpu.memory_space<hbm>> -> memref<1x128x128xf32, #tpu.memory_space<hbm>>
      %dma_wait3A_70 = tpu.memref_squeeze %dma_wait3A_69 : memref<1x128x128xf32, #tpu.memory_space<hbm>> -> memref<128x128xf32, #tpu.memory_space<hbm>>
      %dma_wait3A_71 = arith.constant 0 : i32
      %dma_wait3A_72 = tpu.memref_slice %arg3[%arg0, %add3A_51, %dma_wait3A_71] : memref<2x10240x128xf32, #tpu.memory_space<hbm>> -> memref<1x128x128xf32, #tpu.memory_space<hbm>>
      %dma_wait3A_73 = tpu.memref_squeeze %dma_wait3A_72 : memref<1x128x128xf32, #tpu.memory_space<hbm>> -> memref<128x128xf32, #tpu.memory_space<hbm>>
      tpu.wait_dma2 semaphore(%run_scoped3A : memref<!tpu.dma_semaphore, #tpu.memory_space<semaphore_mem>>) src(%arg6 : memref<128x128xf32, #tpu.memory_space<vmem>>) dst(%dma_wait3A_73 : memref<128x128xf32, #tpu.memory_space<hbm>>)
      tpu.yield
    }) : () -> ()
    %mul3A_52 = arith.constant 640 : i32
    %mul3A_53 = arith.muli %arg1, %mul3A_52 : i32
    %add3A_54 = arith.constant 256 : i32
    %add3A_55 = arith.addi %mul3A_53, %add3A_54 : i32
    "tpu.region"() ({
      %run_scoped3A = tpu.sem_alloc : memref<!tpu.dma_semaphore, #tpu.memory_space<semaphore_mem>>
      %dma_start3A = arith.constant 0 : i32
      %dma_start3A_64 = tpu.memref_slice %arg4[%add3A_55, %dma_start3A] : memref<10240x128xf32, #tpu.memory_space<vmem_shared>> -> memref<128x128xf32, #tpu.memory_space<vmem_shared>>
      %dma_start3A_65 = arith.constant 0 : i32
      %dma_start3A_66 = tpu.memref_slice %arg4[%add3A_55, %dma_start3A_65] : memref<10240x128xf32, #tpu.memory_space<vmem_shared>> -> memref<128x128xf32, #tpu.memory_space<vmem_shared>>
      tpu.enqueue_dma source(%dma_start3A_66 : memref<128x128xf32, #tpu.memory_space<vmem_shared>>) target(%arg6 : memref<128x128xf32, #tpu.memory_space<vmem>>) target_semaphore(%run_scoped3A : memref<!tpu.dma_semaphore, #tpu.memory_space<semaphore_mem>>)
      %dma_wait3A = arith.constant 0 : i32
      %dma_wait3A_67 = tpu.memref_slice %arg4[%add3A_55, %dma_wait3A] : memref<10240x128xf32, #tpu.memory_space<vmem_shared>> -> memref<128x128xf32, #tpu.memory_space<vmem_shared>>
      %dma_wait3A_68 = arith.constant 0 : i32
      %dma_wait3A_69 = tpu.memref_slice %arg4[%add3A_55, %dma_wait3A_68] : memref<10240x128xf32, #tpu.memory_space<vmem_shared>> -> memref<128x128xf32, #tpu.memory_space<vmem_shared>>
      tpu.wait_dma2 semaphore(%run_scoped3A : memref<!tpu.dma_semaphore, #tpu.memory_space<semaphore_mem>>) src(%dma_wait3A_69 : memref<128x128xf32, #tpu.memory_space<vmem_shared>>) dst(%arg6 : memref<128x128xf32, #tpu.memory_space<vmem>>)
      tpu.yield
    }) : () -> ()
    "tpu.region"() ({
      %run_scoped3A = tpu.sem_alloc : memref<!tpu.dma_semaphore, #tpu.memory_space<semaphore_mem>>
      %dma_start3A = arith.constant 0 : i32
      %dma_start3A_64 = tpu.memref_slice %arg3[%arg0, %add3A_55, %dma_start3A] : memref<2x10240x128xf32, #tpu.memory_space<hbm>> -> memref<1x128x128xf32, #tpu.memory_space<hbm>>
      %dma_start3A_65 = tpu.memref_squeeze %dma_start3A_64 : memref<1x128x128xf32, #tpu.memory_space<hbm>> -> memref<128x128xf32, #tpu.memory_space<hbm>>
      %dma_start3A_66 = arith.constant 0 : i32
      %dma_start3A_67 = tpu.memref_slice %arg3[%arg0, %add3A_55, %dma_start3A_66] : memref<2x10240x128xf32, #tpu.memory_space<hbm>> -> memref<1x128x128xf32, #tpu.memory_space<hbm>>
      %dma_start3A_68 = tpu.memref_squeeze %dma_start3A_67 : memref<1x128x128xf32, #tpu.memory_space<hbm>> -> memref<128x128xf32, #tpu.memory_space<hbm>>
      tpu.enqueue_dma source(%arg6 : memref<128x128xf32, #tpu.memory_space<vmem>>) target(%dma_start3A_68 : memref<128x128xf32, #tpu.memory_space<hbm>>) target_semaphore(%run_scoped3A : memref<!tpu.dma_semaphore, #tpu.memory_space<semaphore_mem>>)
      %dma_wait3A = arith.constant 0 : i32
      %dma_wait3A_69 = tpu.memref_slice %arg3[%arg0, %add3A_55, %dma_wait3A] : memref<2x10240x128xf32, #tpu.memory_space<hbm>> -> memref<1x128x128xf32, #tpu.memory_space<hbm>>
      %dma_wait3A_70 = tpu.memref_squeeze %dma_wait3A_69 : memref<1x128x128xf32, #tpu.memory_space<hbm>> -> memref<128x128xf32, #tpu.memory_space<hbm>>
      %dma_wait3A_71 = arith.constant 0 : i32
      %dma_wait3A_72 = tpu.memref_slice %arg3[%arg0, %add3A_55, %dma_wait3A_71] : memref<2x10240x128xf32, #tpu.memory_space<hbm>> -> memref<1x128x128xf32, #tpu.memory_space<hbm>>
      %dma_wait3A_73 = tpu.memref_squeeze %dma_wait3A_72 : memref<1x128x128xf32, #tpu.memory_space<hbm>> -> memref<128x128xf32, #tpu.memory_space<hbm>>
      tpu.wait_dma2 semaphore(%run_scoped3A : memref<!tpu.dma_semaphore, #tpu.memory_space<semaphore_mem>>) src(%arg6 : memref<128x128xf32, #tpu.memory_space<vmem>>) dst(%dma_wait3A_73 : memref<128x128xf32, #tpu.memory_space<hbm>>)
      tpu.yield
    }) : () -> ()
    %mul3A_56 = arith.constant 640 : i32
    %mul3A_57 = arith.muli %arg1, %mul3A_56 : i32
    %add3A_58 = arith.constant 384 : i32
    %add3A_59 = arith.addi %mul3A_57, %add3A_58 : i32
    "tpu.region"() ({
      %run_scoped3A = tpu.sem_alloc : memref<!tpu.dma_semaphore, #tpu.memory_space<semaphore_mem>>
      %dma_start3A = arith.constant 0 : i32
      %dma_start3A_64 = tpu.memref_slice %arg4[%add3A_59, %dma_start3A] : memref<10240x128xf32, #tpu.memory_space<vmem_shared>> -> memref<128x128xf32, #tpu.memory_space<vmem_shared>>
      %dma_start3A_65 = arith.constant 0 : i32
      %dma_start3A_66 = tpu.memref_slice %arg4[%add3A_59, %dma_start3A_65] : memref<10240x128xf32, #tpu.memory_space<vmem_shared>> -> memref<128x128xf32, #tpu.memory_space<vmem_shared>>
      tpu.enqueue_dma source(%dma_start3A_66 : memref<128x128xf32, #tpu.memory_space<vmem_shared>>) target(%arg6 : memref<128x128xf32, #tpu.memory_space<vmem>>) target_semaphore(%run_scoped3A : memref<!tpu.dma_semaphore, #tpu.memory_space<semaphore_mem>>)
      %dma_wait3A = arith.constant 0 : i32
      %dma_wait3A_67 = tpu.memref_slice %arg4[%add3A_59, %dma_wait3A] : memref<10240x128xf32, #tpu.memory_space<vmem_shared>> -> memref<128x128xf32, #tpu.memory_space<vmem_shared>>
      %dma_wait3A_68 = arith.constant 0 : i32
      %dma_wait3A_69 = tpu.memref_slice %arg4[%add3A_59, %dma_wait3A_68] : memref<10240x128xf32, #tpu.memory_space<vmem_shared>> -> memref<128x128xf32, #tpu.memory_space<vmem_shared>>
      tpu.wait_dma2 semaphore(%run_scoped3A : memref<!tpu.dma_semaphore, #tpu.memory_space<semaphore_mem>>) src(%dma_wait3A_69 : memref<128x128xf32, #tpu.memory_space<vmem_shared>>) dst(%arg6 : memref<128x128xf32, #tpu.memory_space<vmem>>)
      tpu.yield
    }) : () -> ()
    "tpu.region"() ({
      %run_scoped3A = tpu.sem_alloc : memref<!tpu.dma_semaphore, #tpu.memory_space<semaphore_mem>>
      %dma_start3A = arith.constant 0 : i32
      %dma_start3A_64 = tpu.memref_slice %arg3[%arg0, %add3A_59, %dma_start3A] : memref<2x10240x128xf32, #tpu.memory_space<hbm>> -> memref<1x128x128xf32, #tpu.memory_space<hbm>>
      %dma_start3A_65 = tpu.memref_squeeze %dma_start3A_64 : memref<1x128x128xf32, #tpu.memory_space<hbm>> -> memref<128x128xf32, #tpu.memory_space<hbm>>
      %dma_start3A_66 = arith.constant 0 : i32
      %dma_start3A_67 = tpu.memref_slice %arg3[%arg0, %add3A_59, %dma_start3A_66] : memref<2x10240x128xf32, #tpu.memory_space<hbm>> -> memref<1x128x128xf32, #tpu.memory_space<hbm>>
      %dma_start3A_68 = tpu.memref_squeeze %dma_start3A_67 : memref<1x128x128xf32, #tpu.memory_space<hbm>> -> memref<128x128xf32, #tpu.memory_space<hbm>>
      tpu.enqueue_dma source(%arg6 : memref<128x128xf32, #tpu.memory_space<vmem>>) target(%dma_start3A_68 : memref<128x128xf32, #tpu.memory_space<hbm>>) target_semaphore(%run_scoped3A : memref<!tpu.dma_semaphore, #tpu.memory_space<semaphore_mem>>)
      %dma_wait3A = arith.constant 0 : i32
      %dma_wait3A_69 = tpu.memref_slice %arg3[%arg0, %add3A_59, %dma_wait3A] : memref<2x10240x128xf32, #tpu.memory_space<hbm>> -> memref<1x128x128xf32, #tpu.memory_space<hbm>>
      %dma_wait3A_70 = tpu.memref_squeeze %dma_wait3A_69 : memref<1x128x128xf32, #tpu.memory_space<hbm>> -> memref<128x128xf32, #tpu.memory_space<hbm>>
      %dma_wait3A_71 = arith.constant 0 : i32
      %dma_wait3A_72 = tpu.memref_slice %arg3[%arg0, %add3A_59, %dma_wait3A_71] : memref<2x10240x128xf32, #tpu.memory_space<hbm>> -> memref<1x128x128xf32, #tpu.memory_space<hbm>>
      %dma_wait3A_73 = tpu.memref_squeeze %dma_wait3A_72 : memref<1x128x128xf32, #tpu.memory_space<hbm>> -> memref<128x128xf32, #tpu.memory_space<hbm>>
      tpu.wait_dma2 semaphore(%run_scoped3A : memref<!tpu.dma_semaphore, #tpu.memory_space<semaphore_mem>>) src(%arg6 : memref<128x128xf32, #tpu.memory_space<vmem>>) dst(%dma_wait3A_73 : memref<128x128xf32, #tpu.memory_space<hbm>>)
      tpu.yield
    }) : () -> ()
    %mul3A_60 = arith.constant 640 : i32
    %mul3A_61 = arith.muli %arg1, %mul3A_60 : i32
    %add3A_62 = arith.constant 512 : i32
    %add3A_63 = arith.addi %mul3A_61, %add3A_62 : i32
    "tpu.region"() ({
      %run_scoped3A = tpu.sem_alloc : memref<!tpu.dma_semaphore, #tpu.memory_space<semaphore_mem>>
      %dma_start3A = arith.constant 0 : i32
      %dma_start3A_64 = tpu.memref_slice %arg4[%add3A_63, %dma_start3A] : memref<10240x128xf32, #tpu.memory_space<vmem_shared>> -> memref<128x128xf32, #tpu.memory_space<vmem_shared>>
      %dma_start3A_65 = arith.constant 0 : i32
      %dma_start3A_66 = tpu.memref_slice %arg4[%add3A_63, %dma_start3A_65] : memref<10240x128xf32, #tpu.memory_space<vmem_shared>> -> memref<128x128xf32, #tpu.memory_space<vmem_shared>>
      tpu.enqueue_dma source(%dma_start3A_66 : memref<128x128xf32, #tpu.memory_space<vmem_shared>>) target(%arg6 : memref<128x128xf32, #tpu.memory_space<vmem>>) target_semaphore(%run_scoped3A : memref<!tpu.dma_semaphore, #tpu.memory_space<semaphore_mem>>)
      %dma_wait3A = arith.constant 0 : i32
      %dma_wait3A_67 = tpu.memref_slice %arg4[%add3A_63, %dma_wait3A] : memref<10240x128xf32, #tpu.memory_space<vmem_shared>> -> memref<128x128xf32, #tpu.memory_space<vmem_shared>>
      %dma_wait3A_68 = arith.constant 0 : i32
      %dma_wait3A_69 = tpu.memref_slice %arg4[%add3A_63, %dma_wait3A_68] : memref<10240x128xf32, #tpu.memory_space<vmem_shared>> -> memref<128x128xf32, #tpu.memory_space<vmem_shared>>
      tpu.wait_dma2 semaphore(%run_scoped3A : memref<!tpu.dma_semaphore, #tpu.memory_space<semaphore_mem>>) src(%dma_wait3A_69 : memref<128x128xf32, #tpu.memory_space<vmem_shared>>) dst(%arg6 : memref<128x128xf32, #tpu.memory_space<vmem>>)
      tpu.yield
    }) : () -> ()
    "tpu.region"() ({
      %run_scoped3A = tpu.sem_alloc : memref<!tpu.dma_semaphore, #tpu.memory_space<semaphore_mem>>
      %dma_start3A = arith.constant 0 : i32
      %dma_start3A_64 = tpu.memref_slice %arg3[%arg0, %add3A_63, %dma_start3A] : memref<2x10240x128xf32, #tpu.memory_space<hbm>> -> memref<1x128x128xf32, #tpu.memory_space<hbm>>
      %dma_start3A_65 = tpu.memref_squeeze %dma_start3A_64 : memref<1x128x128xf32, #tpu.memory_space<hbm>> -> memref<128x128xf32, #tpu.memory_space<hbm>>
      %dma_start3A_66 = arith.constant 0 : i32
      %dma_start3A_67 = tpu.memref_slice %arg3[%arg0, %add3A_63, %dma_start3A_66] : memref<2x10240x128xf32, #tpu.memory_space<hbm>> -> memref<1x128x128xf32, #tpu.memory_space<hbm>>
      %dma_start3A_68 = tpu.memref_squeeze %dma_start3A_67 : memref<1x128x128xf32, #tpu.memory_space<hbm>> -> memref<128x128xf32, #tpu.memory_space<hbm>>
      tpu.enqueue_dma source(%arg6 : memref<128x128xf32, #tpu.memory_space<vmem>>) target(%dma_start3A_68 : memref<128x128xf32, #tpu.memory_space<hbm>>) target_semaphore(%run_scoped3A : memref<!tpu.dma_semaphore, #tpu.memory_space<semaphore_mem>>)
      %dma_wait3A = arith.constant 0 : i32
      %dma_wait3A_69 = tpu.memref_slice %arg3[%arg0, %add3A_63, %dma_wait3A] : memref<2x10240x128xf32, #tpu.memory_space<hbm>> -> memref<1x128x128xf32, #tpu.memory_space<hbm>>
      %dma_wait3A_70 = tpu.memref_squeeze %dma_wait3A_69 : memref<1x128x128xf32, #tpu.memory_space<hbm>> -> memref<128x128xf32, #tpu.memory_space<hbm>>
      %dma_wait3A_71 = arith.constant 0 : i32
      %dma_wait3A_72 = tpu.memref_slice %arg3[%arg0, %add3A_63, %dma_wait3A_71] : memref<2x10240x128xf32, #tpu.memory_space<hbm>> -> memref<1x128x128xf32, #tpu.memory_space<hbm>>
      %dma_wait3A_73 = tpu.memref_squeeze %dma_wait3A_72 : memref<1x128x128xf32, #tpu.memory_space<hbm>> -> memref<128x128xf32, #tpu.memory_space<hbm>>
      tpu.wait_dma2 semaphore(%run_scoped3A : memref<!tpu.dma_semaphore, #tpu.memory_space<semaphore_mem>>) src(%arg6 : memref<128x128xf32, #tpu.memory_space<vmem>>) dst(%dma_wait3A_73 : memref<128x128xf32, #tpu.memory_space<hbm>>)
      tpu.yield
    }) : () -> ()
    return
  }
}

#map = affine_map<(d0, d1) -> (0, 0)>
#map1 = affine_map<(d0, d1) -> (0)>
#map2 = affine_map<(d0, d1) -> (0, 0, 0)>
module attributes {stable_mosaic.version = 14 : i64} {
  func.func @_agg_body(%arg0: i32, %arg1: i32, %arg2: memref<10000x128xf32, #tpu.memory_space<hbm>>, %arg3: memref<323584xi32, #tpu.memory_space<hbm>>, %arg4: memref<323584xi32, #tpu.memory_space<hbm>>, %arg5: memref<2x10240x128xf32, #tpu.memory_space<hbm>>, %arg6: memref<10240x128xf32, #tpu.memory_space<vmem_shared>>, %arg7: memref<128xi32, #tpu.memory_space<vmem>>, %arg8: memref<128xi32, #tpu.memory_space<vmem>>, %arg9: memref<128xi32, #tpu.memory_space<vmem>>, %arg10: memref<128xi32, #tpu.memory_space<vmem>>, %arg11: memref<128x128xf32, #tpu.memory_space<vmem>>, %arg12: memref<128x128xf32, #tpu.memory_space<vmem>>, %arg13: memref<!tpu.dma_semaphore, #tpu.memory_space<semaphore_mem>>, %arg14: memref<!tpu.dma_semaphore, #tpu.memory_space<semaphore_mem>>, %arg15: memref<!tpu.dma_semaphore, #tpu.memory_space<semaphore_mem>>, %arg16: memref<!tpu.dma_semaphore, #tpu.memory_space<semaphore_mem>>) attributes {dimension_semantics = [#tpu.dimension_semantics<core_parallel>, #tpu.dimension_semantics<subcore_parallel>], iteration_bounds = array<i64: 2, 16>, scalar_prefetch = 0 : i64, scratch_operands = 11 : i64, tpu.core_type = #tpu.core_type<sc_vector_subcore>, window_params = [{transform_indices = #map}, {transform_indices = #map1}, {transform_indices = #map1}, {transform_indices = #map2}]} {
    %broadcast_in_dim3A = arith.constant 0.000000e+00 : f32
    %broadcast_in_dim3A_0 = vector.broadcast %broadcast_in_dim3A : f32 to vector<16xf32>
    %scan3A = arith.constant 0 : i32
    %scan3A_1 = arith.constant 0 : i32
    %scan3A_2 = arith.constant 128 : i32
    %scan3A_3 = arith.addi %scan3A_1, %scan3A_2 : i32
    %scan3A_4 = arith.constant 1 : i32
    scf.for %scan3A_70 = %scan3A_1 to %scan3A_3 step %scan3A_4  : i32 {
      %swap3A = arith.index_cast %scan3A_70 : i32 to index
      %swap3A_71 = arith.constant 0 : index
      %swap3A_72 = tpu.vector_load %arg11[%swap3A, %swap3A_71] {strides = array<i32>} : memref<128x128xf32, #tpu.memory_space<vmem>>, vector<1x16xf32>,
      %swap3A_73 = vector.shape_cast %swap3A_72 : vector<1x16xf32> to vector<16xf32>
      %swap3A_74 = vector.shape_cast %broadcast_in_dim3A_0 : vector<16xf32> to vector<1x16xf32>
      tpu.vector_store %arg11[%swap3A, %swap3A_71], %swap3A_74 {strides = array<i32>} : memref<128x128xf32, #tpu.memory_space<vmem>>, vector<1x16xf32>,
      %swap3A_75 = arith.index_cast %scan3A_70 : i32 to index
      %swap3A_76 = arith.constant 16 : index
      %swap3A_77 = tpu.vector_load %arg11[%swap3A_75, %swap3A_76] {strides = array<i32>} : memref<128x128xf32, #tpu.memory_space<vmem>>, vector<1x16xf32>,
      %swap3A_78 = vector.shape_cast %swap3A_77 : vector<1x16xf32> to vector<16xf32>
      %swap3A_79 = vector.shape_cast %broadcast_in_dim3A_0 : vector<16xf32> to vector<1x16xf32>
      tpu.vector_store %arg11[%swap3A_75, %swap3A_76], %swap3A_79 {strides = array<i32>} : memref<128x128xf32, #tpu.memory_space<vmem>>, vector<1x16xf32>,
      %swap3A_80 = arith.index_cast %scan3A_70 : i32 to index
      %swap3A_81 = arith.constant 32 : index
      %swap3A_82 = tpu.vector_load %arg11[%swap3A_80, %swap3A_81] {strides = array<i32>} : memref<128x128xf32, #tpu.memory_space<vmem>>, vector<1x16xf32>,
      %swap3A_83 = vector.shape_cast %swap3A_82 : vector<1x16xf32> to vector<16xf32>
      %swap3A_84 = vector.shape_cast %broadcast_in_dim3A_0 : vector<16xf32> to vector<1x16xf32>
      tpu.vector_store %arg11[%swap3A_80, %swap3A_81], %swap3A_84 {strides = array<i32>} : memref<128x128xf32, #tpu.memory_space<vmem>>, vector<1x16xf32>,
      %swap3A_85 = arith.index_cast %scan3A_70 : i32 to index
      %swap3A_86 = arith.constant 48 : index
      %swap3A_87 = tpu.vector_load %arg11[%swap3A_85, %swap3A_86] {strides = array<i32>} : memref<128x128xf32, #tpu.memory_space<vmem>>, vector<1x16xf32>,
      %swap3A_88 = vector.shape_cast %swap3A_87 : vector<1x16xf32> to vector<16xf32>
      %swap3A_89 = vector.shape_cast %broadcast_in_dim3A_0 : vector<16xf32> to vector<1x16xf32>
      tpu.vector_store %arg11[%swap3A_85, %swap3A_86], %swap3A_89 {strides = array<i32>} : memref<128x128xf32, #tpu.memory_space<vmem>>, vector<1x16xf32>,
      %swap3A_90 = arith.index_cast %scan3A_70 : i32 to index
      %swap3A_91 = arith.constant 64 : index
      %swap3A_92 = tpu.vector_load %arg11[%swap3A_90, %swap3A_91] {strides = array<i32>} : memref<128x128xf32, #tpu.memory_space<vmem>>, vector<1x16xf32>,
      %swap3A_93 = vector.shape_cast %swap3A_92 : vector<1x16xf32> to vector<16xf32>
      %swap3A_94 = vector.shape_cast %broadcast_in_dim3A_0 : vector<16xf32> to vector<1x16xf32>
      tpu.vector_store %arg11[%swap3A_90, %swap3A_91], %swap3A_94 {strides = array<i32>} : memref<128x128xf32, #tpu.memory_space<vmem>>, vector<1x16xf32>,
      %swap3A_95 = arith.index_cast %scan3A_70 : i32 to index
      %swap3A_96 = arith.constant 80 : index
      %swap3A_97 = tpu.vector_load %arg11[%swap3A_95, %swap3A_96] {strides = array<i32>} : memref<128x128xf32, #tpu.memory_space<vmem>>, vector<1x16xf32>,
      %swap3A_98 = vector.shape_cast %swap3A_97 : vector<1x16xf32> to vector<16xf32>
      %swap3A_99 = vector.shape_cast %broadcast_in_dim3A_0 : vector<16xf32> to vector<1x16xf32>
      tpu.vector_store %arg11[%swap3A_95, %swap3A_96], %swap3A_99 {strides = array<i32>} : memref<128x128xf32, #tpu.memory_space<vmem>>, vector<1x16xf32>,
      %swap3A_100 = arith.index_cast %scan3A_70 : i32 to index
      %swap3A_101 = arith.constant 96 : index
      %swap3A_102 = tpu.vector_load %arg11[%swap3A_100, %swap3A_101] {strides = array<i32>} : memref<128x128xf32, #tpu.memory_space<vmem>>, vector<1x16xf32>,
      %swap3A_103 = vector.shape_cast %swap3A_102 : vector<1x16xf32> to vector<16xf32>
      %swap3A_104 = vector.shape_cast %broadcast_in_dim3A_0 : vector<16xf32> to vector<1x16xf32>
      tpu.vector_store %arg11[%swap3A_100, %swap3A_101], %swap3A_104 {strides = array<i32>} : memref<128x128xf32, #tpu.memory_space<vmem>>, vector<1x16xf32>,
      %swap3A_105 = arith.index_cast %scan3A_70 : i32 to index
      %swap3A_106 = arith.constant 112 : index
      %swap3A_107 = tpu.vector_load %arg11[%swap3A_105, %swap3A_106] {strides = array<i32>} : memref<128x128xf32, #tpu.memory_space<vmem>>, vector<1x16xf32>,
      %swap3A_108 = vector.shape_cast %swap3A_107 : vector<1x16xf32> to vector<16xf32>
      %swap3A_109 = vector.shape_cast %broadcast_in_dim3A_0 : vector<16xf32> to vector<1x16xf32>
      tpu.vector_store %arg11[%swap3A_105, %swap3A_106], %swap3A_109 {strides = array<i32>} : memref<128x128xf32, #tpu.memory_space<vmem>>, vector<1x16xf32>,
    }
    %scan3A_5 = arith.constant 128 : i32
    %mul3A = arith.constant 640 : i32
    %mul3A_6 = arith.muli %arg1, %mul3A : i32
    %add3A = arith.constant 0 : i32
    %add3A_7 = arith.addi %mul3A_6, %add3A : i32
    "tpu.region"() ({
      %run_scoped3A = tpu.sem_alloc : memref<!tpu.dma_semaphore, #tpu.memory_space<semaphore_mem>>
      %dma_start3A = arith.constant 0 : i32
      %dma_start3A_70 = tpu.memref_slice %arg6[%add3A_7, %dma_start3A] : memref<10240x128xf32, #tpu.memory_space<vmem_shared>> -> memref<128x128xf32, #tpu.memory_space<vmem_shared>>
      %dma_start3A_71 = arith.constant 0 : i32
      %dma_start3A_72 = tpu.memref_slice %arg6[%add3A_7, %dma_start3A_71] : memref<10240x128xf32, #tpu.memory_space<vmem_shared>> -> memref<128x128xf32, #tpu.memory_space<vmem_shared>>
      tpu.enqueue_dma source(%arg11 : memref<128x128xf32, #tpu.memory_space<vmem>>) target(%dma_start3A_72 : memref<128x128xf32, #tpu.memory_space<vmem_shared>>) target_semaphore(%run_scoped3A : memref<!tpu.dma_semaphore, #tpu.memory_space<semaphore_mem>>)
      %dma_wait3A = arith.constant 0 : i32
      %dma_wait3A_73 = tpu.memref_slice %arg6[%add3A_7, %dma_wait3A] : memref<10240x128xf32, #tpu.memory_space<vmem_shared>> -> memref<128x128xf32, #tpu.memory_space<vmem_shared>>
      %dma_wait3A_74 = arith.constant 0 : i32
      %dma_wait3A_75 = tpu.memref_slice %arg6[%add3A_7, %dma_wait3A_74] : memref<10240x128xf32, #tpu.memory_space<vmem_shared>> -> memref<128x128xf32, #tpu.memory_space<vmem_shared>>
      tpu.wait_dma2 semaphore(%run_scoped3A : memref<!tpu.dma_semaphore, #tpu.memory_space<semaphore_mem>>) src(%arg11 : memref<128x128xf32, #tpu.memory_space<vmem>>) dst(%dma_wait3A_75 : memref<128x128xf32, #tpu.memory_space<vmem_shared>>)
      tpu.yield
    }) : () -> ()
    %mul3A_8 = arith.constant 640 : i32
    %mul3A_9 = arith.muli %arg1, %mul3A_8 : i32
    %add3A_10 = arith.constant 128 : i32
    %add3A_11 = arith.addi %mul3A_9, %add3A_10 : i32
    "tpu.region"() ({
      %run_scoped3A = tpu.sem_alloc : memref<!tpu.dma_semaphore, #tpu.memory_space<semaphore_mem>>
      %dma_start3A = arith.constant 0 : i32
      %dma_start3A_70 = tpu.memref_slice %arg6[%add3A_11, %dma_start3A] : memref<10240x128xf32, #tpu.memory_space<vmem_shared>> -> memref<128x128xf32, #tpu.memory_space<vmem_shared>>
      %dma_start3A_71 = arith.constant 0 : i32
      %dma_start3A_72 = tpu.memref_slice %arg6[%add3A_11, %dma_start3A_71] : memref<10240x128xf32, #tpu.memory_space<vmem_shared>> -> memref<128x128xf32, #tpu.memory_space<vmem_shared>>
      tpu.enqueue_dma source(%arg11 : memref<128x128xf32, #tpu.memory_space<vmem>>) target(%dma_start3A_72 : memref<128x128xf32, #tpu.memory_space<vmem_shared>>) target_semaphore(%run_scoped3A : memref<!tpu.dma_semaphore, #tpu.memory_space<semaphore_mem>>)
      %dma_wait3A = arith.constant 0 : i32
      %dma_wait3A_73 = tpu.memref_slice %arg6[%add3A_11, %dma_wait3A] : memref<10240x128xf32, #tpu.memory_space<vmem_shared>> -> memref<128x128xf32, #tpu.memory_space<vmem_shared>>
      %dma_wait3A_74 = arith.constant 0 : i32
      %dma_wait3A_75 = tpu.memref_slice %arg6[%add3A_11, %dma_wait3A_74] : memref<10240x128xf32, #tpu.memory_space<vmem_shared>> -> memref<128x128xf32, #tpu.memory_space<vmem_shared>>
      tpu.wait_dma2 semaphore(%run_scoped3A : memref<!tpu.dma_semaphore, #tpu.memory_space<semaphore_mem>>) src(%arg11 : memref<128x128xf32, #tpu.memory_space<vmem>>) dst(%dma_wait3A_75 : memref<128x128xf32, #tpu.memory_space<vmem_shared>>)
      tpu.yield
    }) : () -> ()
    %mul3A_12 = arith.constant 640 : i32
    %mul3A_13 = arith.muli %arg1, %mul3A_12 : i32
    %add3A_14 = arith.constant 256 : i32
    %add3A_15 = arith.addi %mul3A_13, %add3A_14 : i32
    "tpu.region"() ({
      %run_scoped3A = tpu.sem_alloc : memref<!tpu.dma_semaphore, #tpu.memory_space<semaphore_mem>>
      %dma_start3A = arith.constant 0 : i32
      %dma_start3A_70 = tpu.memref_slice %arg6[%add3A_15, %dma_start3A] : memref<10240x128xf32, #tpu.memory_space<vmem_shared>> -> memref<128x128xf32, #tpu.memory_space<vmem_shared>>
      %dma_start3A_71 = arith.constant 0 : i32
      %dma_start3A_72 = tpu.memref_slice %arg6[%add3A_15, %dma_start3A_71] : memref<10240x128xf32, #tpu.memory_space<vmem_shared>> -> memref<128x128xf32, #tpu.memory_space<vmem_shared>>
      tpu.enqueue_dma source(%arg11 : memref<128x128xf32, #tpu.memory_space<vmem>>) target(%dma_start3A_72 : memref<128x128xf32, #tpu.memory_space<vmem_shared>>) target_semaphore(%run_scoped3A : memref<!tpu.dma_semaphore, #tpu.memory_space<semaphore_mem>>)
      %dma_wait3A = arith.constant 0 : i32
      %dma_wait3A_73 = tpu.memref_slice %arg6[%add3A_15, %dma_wait3A] : memref<10240x128xf32, #tpu.memory_space<vmem_shared>> -> memref<128x128xf32, #tpu.memory_space<vmem_shared>>
      %dma_wait3A_74 = arith.constant 0 : i32
      %dma_wait3A_75 = tpu.memref_slice %arg6[%add3A_15, %dma_wait3A_74] : memref<10240x128xf32, #tpu.memory_space<vmem_shared>> -> memref<128x128xf32, #tpu.memory_space<vmem_shared>>
      tpu.wait_dma2 semaphore(%run_scoped3A : memref<!tpu.dma_semaphore, #tpu.memory_space<semaphore_mem>>) src(%arg11 : memref<128x128xf32, #tpu.memory_space<vmem>>) dst(%dma_wait3A_75 : memref<128x128xf32, #tpu.memory_space<vmem_shared>>)
      tpu.yield
    }) : () -> ()
    %mul3A_16 = arith.constant 640 : i32
    %mul3A_17 = arith.muli %arg1, %mul3A_16 : i32
    %add3A_18 = arith.constant 384 : i32
    %add3A_19 = arith.addi %mul3A_17, %add3A_18 : i32
    "tpu.region"() ({
      %run_scoped3A = tpu.sem_alloc : memref<!tpu.dma_semaphore, #tpu.memory_space<semaphore_mem>>
      %dma_start3A = arith.constant 0 : i32
      %dma_start3A_70 = tpu.memref_slice %arg6[%add3A_19, %dma_start3A] : memref<10240x128xf32, #tpu.memory_space<vmem_shared>> -> memref<128x128xf32, #tpu.memory_space<vmem_shared>>
      %dma_start3A_71 = arith.constant 0 : i32
      %dma_start3A_72 = tpu.memref_slice %arg6[%add3A_19, %dma_start3A_71] : memref<10240x128xf32, #tpu.memory_space<vmem_shared>> -> memref<128x128xf32, #tpu.memory_space<vmem_shared>>
      tpu.enqueue_dma source(%arg11 : memref<128x128xf32, #tpu.memory_space<vmem>>) target(%dma_start3A_72 : memref<128x128xf32, #tpu.memory_space<vmem_shared>>) target_semaphore(%run_scoped3A : memref<!tpu.dma_semaphore, #tpu.memory_space<semaphore_mem>>)
      %dma_wait3A = arith.constant 0 : i32
      %dma_wait3A_73 = tpu.memref_slice %arg6[%add3A_19, %dma_wait3A] : memref<10240x128xf32, #tpu.memory_space<vmem_shared>> -> memref<128x128xf32, #tpu.memory_space<vmem_shared>>
      %dma_wait3A_74 = arith.constant 0 : i32
      %dma_wait3A_75 = tpu.memref_slice %arg6[%add3A_19, %dma_wait3A_74] : memref<10240x128xf32, #tpu.memory_space<vmem_shared>> -> memref<128x128xf32, #tpu.memory_space<vmem_shared>>
      tpu.wait_dma2 semaphore(%run_scoped3A : memref<!tpu.dma_semaphore, #tpu.memory_space<semaphore_mem>>) src(%arg11 : memref<128x128xf32, #tpu.memory_space<vmem>>) dst(%dma_wait3A_75 : memref<128x128xf32, #tpu.memory_space<vmem_shared>>)
      tpu.yield
    }) : () -> ()
    %mul3A_20 = arith.constant 640 : i32
    %mul3A_21 = arith.muli %arg1, %mul3A_20 : i32
    %add3A_22 = arith.constant 512 : i32
    %add3A_23 = arith.addi %mul3A_21, %add3A_22 : i32
    "tpu.region"() ({
      %run_scoped3A = tpu.sem_alloc : memref<!tpu.dma_semaphore, #tpu.memory_space<semaphore_mem>>
      %dma_start3A = arith.constant 0 : i32
      %dma_start3A_70 = tpu.memref_slice %arg6[%add3A_23, %dma_start3A] : memref<10240x128xf32, #tpu.memory_space<vmem_shared>> -> memref<128x128xf32, #tpu.memory_space<vmem_shared>>
      %dma_start3A_71 = arith.constant 0 : i32
      %dma_start3A_72 = tpu.memref_slice %arg6[%add3A_23, %dma_start3A_71] : memref<10240x128xf32, #tpu.memory_space<vmem_shared>> -> memref<128x128xf32, #tpu.memory_space<vmem_shared>>
      tpu.enqueue_dma source(%arg11 : memref<128x128xf32, #tpu.memory_space<vmem>>) target(%dma_start3A_72 : memref<128x128xf32, #tpu.memory_space<vmem_shared>>) target_semaphore(%run_scoped3A : memref<!tpu.dma_semaphore, #tpu.memory_space<semaphore_mem>>)
      %dma_wait3A = arith.constant 0 : i32
      %dma_wait3A_73 = tpu.memref_slice %arg6[%add3A_23, %dma_wait3A] : memref<10240x128xf32, #tpu.memory_space<vmem_shared>> -> memref<128x128xf32, #tpu.memory_space<vmem_shared>>
      %dma_wait3A_74 = arith.constant 0 : i32
      %dma_wait3A_75 = tpu.memref_slice %arg6[%add3A_23, %dma_wait3A_74] : memref<10240x128xf32, #tpu.memory_space<vmem_shared>> -> memref<128x128xf32, #tpu.memory_space<vmem_shared>>
      tpu.wait_dma2 semaphore(%run_scoped3A : memref<!tpu.dma_semaphore, #tpu.memory_space<semaphore_mem>>) src(%arg11 : memref<128x128xf32, #tpu.memory_space<vmem>>) dst(%dma_wait3A_75 : memref<128x128xf32, #tpu.memory_space<vmem_shared>>)
      tpu.yield
    }) : () -> ()
    %barrier3A = arith.constant 0 : index
    tpu.barrier barrier_id(%barrier3A)
    %mul3A_24 = arith.constant 2 : i32
    %mul3A_25 = arith.muli %arg1, %mul3A_24 : i32
    %add3A_26 = arith.addi %mul3A_25, %arg0 : i32
    %eq3A = arith.constant 0 : i32
    %eq3A_27 = arith.cmpi eq, %arg0, %eq3A : i32
    %jit3A = arith.constant 57 : i32
    %jit3A_28 = arith.constant 22 : i32
    %select_n3A = arith.select %eq3A_27, %jit3A, %jit3A_28 : i32
    %eq3A_29 = arith.constant 0 : i32
    %eq3A_30 = arith.cmpi eq, %arg0, %eq3A_29 : i32
    %mul3A_31 = arith.constant 114 : i32
    %mul3A_32 = arith.muli %arg1, %mul3A_31 : i32
    %mul3A_33 = arith.constant 44 : i32
    %mul3A_34 = arith.muli %arg1, %mul3A_33 : i32
    %add3A_35 = arith.constant 1824 : i32
    %add3A_36 = arith.addi %add3A_35, %mul3A_34 : i32
    %select_n3A_37 = arith.select %eq3A_30, %mul3A_32, %add3A_36 : i32
    %mul3A_38 = arith.constant 128 : i32
    %mul3A_39 = arith.muli %select_n3A_37, %mul3A_38 : i32
    %while3A = arith.constant 0 : i32
    %while3A_40 = arith.constant 0 : i32
    %while3A_41 = arith.subi %select_n3A, %while3A_40 : i32
    %while3A_42 = arith.addi %while3A_40, %while3A_41 : i32
    %while3A_43 = arith.constant 1 : i32
    %while3A_44 = arith.divsi %while3A_41, %while3A_43 : i32
    %while3A_45 = arith.muli %while3A_44, %while3A_43 : i32
    %while3A_46 = arith.addi %while3A_40, %while3A_45 : i32
    %while3A_47 = arith.constant 1 : i32
    scf.for %while3A_70 = %while3A_40 to %while3A_46 step %while3A_47  : i32 {
      %mul3A_71 = arith.constant 2 : i32
      %mul3A_72 = arith.muli %mul3A_71, %while3A_70 : i32
      %mul3A_73 = arith.constant 128 : i32
      %mul3A_74 = arith.muli %mul3A_72, %mul3A_73 : i32
      %add3A_75 = arith.addi %mul3A_39, %mul3A_74 : i32
      %multiple_of3A = tpu.assume_multiple %add3A_75, 8 : i32
      %mul3A_76 = arith.constant 2 : i32
      %mul3A_77 = arith.muli %mul3A_76, %while3A_70 : i32
      %add3A_78 = arith.constant 1 : i32
      %add3A_79 = arith.addi %mul3A_77, %add3A_78 : i32
      %mul3A_80 = arith.constant 128 : i32
      %mul3A_81 = arith.muli %add3A_79, %mul3A_80 : i32
      %add3A_82 = arith.addi %mul3A_39, %mul3A_81 : i32
      %multiple_of3A_83 = tpu.assume_multiple %add3A_82, 8 : i32
      "tpu.region"() ({
        %run_scoped3A = tpu.sem_alloc : memref<!tpu.dma_semaphore, #tpu.memory_space<semaphore_mem>>
        %dma_start3A_106 = tpu.memref_slice %arg3[%multiple_of3A] : memref<323584xi32, #tpu.memory_space<hbm>> -> memref<128xi32, #tpu.memory_space<hbm>>
        %dma_start3A_107 = tpu.memref_slice %arg3[%multiple_of3A] : memref<323584xi32, #tpu.memory_space<hbm>> -> memref<128xi32, #tpu.memory_space<hbm>>
        tpu.enqueue_dma source(%dma_start3A_107 : memref<128xi32, #tpu.memory_space<hbm>>) target(%arg7 : memref<128xi32, #tpu.memory_space<vmem>>) target_semaphore(%run_scoped3A : memref<!tpu.dma_semaphore, #tpu.memory_space<semaphore_mem>>)
        %dma_wait3A_108 = tpu.memref_slice %arg3[%multiple_of3A] : memref<323584xi32, #tpu.memory_space<hbm>> -> memref<128xi32, #tpu.memory_space<hbm>>
        %dma_wait3A_109 = tpu.memref_slice %arg3[%multiple_of3A] : memref<323584xi32, #tpu.memory_space<hbm>> -> memref<128xi32, #tpu.memory_space<hbm>>
        tpu.wait_dma2 semaphore(%run_scoped3A : memref<!tpu.dma_semaphore, #tpu.memory_space<semaphore_mem>>) src(%dma_wait3A_109 : memref<128xi32, #tpu.memory_space<hbm>>) dst(%arg7 : memref<128xi32, #tpu.memory_space<vmem>>)
        tpu.yield
      }) : () -> ()
      "tpu.region"() ({
        %run_scoped3A = tpu.sem_alloc : memref<!tpu.dma_semaphore, #tpu.memory_space<semaphore_mem>>
        %dma_start3A_106 = tpu.memref_slice %arg4[%multiple_of3A] : memref<323584xi32, #tpu.memory_space<hbm>> -> memref<128xi32, #tpu.memory_space<hbm>>
        %dma_start3A_107 = tpu.memref_slice %arg4[%multiple_of3A] : memref<323584xi32, #tpu.memory_space<hbm>> -> memref<128xi32, #tpu.memory_space<hbm>>
        tpu.enqueue_dma source(%dma_start3A_107 : memref<128xi32, #tpu.memory_space<hbm>>) target(%arg8 : memref<128xi32, #tpu.memory_space<vmem>>) target_semaphore(%run_scoped3A : memref<!tpu.dma_semaphore, #tpu.memory_space<semaphore_mem>>)
        %dma_wait3A_108 = tpu.memref_slice %arg4[%multiple_of3A] : memref<323584xi32, #tpu.memory_space<hbm>> -> memref<128xi32, #tpu.memory_space<hbm>>
        %dma_wait3A_109 = tpu.memref_slice %arg4[%multiple_of3A] : memref<323584xi32, #tpu.memory_space<hbm>> -> memref<128xi32, #tpu.memory_space<hbm>>
        tpu.wait_dma2 semaphore(%run_scoped3A : memref<!tpu.dma_semaphore, #tpu.memory_space<semaphore_mem>>) src(%dma_wait3A_109 : memref<128xi32, #tpu.memory_space<hbm>>) dst(%arg8 : memref<128xi32, #tpu.memory_space<vmem>>)
        tpu.yield
      }) : () -> ()
      %dma_start3A = arith.constant 0 : i32
      %dma_start3A_84 = arith.constant 0 : i32
      %dma_start3A_85 = tpu.memref_slice %arg2[%dma_start3A, %dma_start3A_84] : memref<10000x128xf32, #tpu.memory_space<hbm>> -> memref<10000x128xf32, #tpu.memory_space<hbm>>
      tpu.enqueue_indirect_dma source(%dma_start3A_85 : memref<10000x128xf32, #tpu.memory_space<hbm>>) target(%arg11 : memref<128x128xf32, #tpu.memory_space<vmem>>) offsets(%arg7 : memref<128xi32, #tpu.memory_space<vmem>>) semaphore(%arg13 : memref<!tpu.dma_semaphore, #tpu.memory_space<semaphore_mem>>)
      "tpu.region"() ({
        %run_scoped3A = tpu.sem_alloc : memref<!tpu.dma_semaphore, #tpu.memory_space<semaphore_mem>>
        %dma_start3A_106 = tpu.memref_slice %arg3[%multiple_of3A_83] : memref<323584xi32, #tpu.memory_space<hbm>> -> memref<128xi32, #tpu.memory_space<hbm>>
        %dma_start3A_107 = tpu.memref_slice %arg3[%multiple_of3A_83] : memref<323584xi32, #tpu.memory_space<hbm>> -> memref<128xi32, #tpu.memory_space<hbm>>
        tpu.enqueue_dma source(%dma_start3A_107 : memref<128xi32, #tpu.memory_space<hbm>>) target(%arg9 : memref<128xi32, #tpu.memory_space<vmem>>) target_semaphore(%run_scoped3A : memref<!tpu.dma_semaphore, #tpu.memory_space<semaphore_mem>>)
        %dma_wait3A_108 = tpu.memref_slice %arg3[%multiple_of3A_83] : memref<323584xi32, #tpu.memory_space<hbm>> -> memref<128xi32, #tpu.memory_space<hbm>>
        %dma_wait3A_109 = tpu.memref_slice %arg3[%multiple_of3A_83] : memref<323584xi32, #tpu.memory_space<hbm>> -> memref<128xi32, #tpu.memory_space<hbm>>
        tpu.wait_dma2 semaphore(%run_scoped3A : memref<!tpu.dma_semaphore, #tpu.memory_space<semaphore_mem>>) src(%dma_wait3A_109 : memref<128xi32, #tpu.memory_space<hbm>>) dst(%arg9 : memref<128xi32, #tpu.memory_space<vmem>>)
        tpu.yield
      }) : () -> ()
      "tpu.region"() ({
        %run_scoped3A = tpu.sem_alloc : memref<!tpu.dma_semaphore, #tpu.memory_space<semaphore_mem>>
        %dma_start3A_106 = tpu.memref_slice %arg4[%multiple_of3A_83] : memref<323584xi32, #tpu.memory_space<hbm>> -> memref<128xi32, #tpu.memory_space<hbm>>
        %dma_start3A_107 = tpu.memref_slice %arg4[%multiple_of3A_83] : memref<323584xi32, #tpu.memory_space<hbm>> -> memref<128xi32, #tpu.memory_space<hbm>>
        tpu.enqueue_dma source(%dma_start3A_107 : memref<128xi32, #tpu.memory_space<hbm>>) target(%arg10 : memref<128xi32, #tpu.memory_space<vmem>>) target_semaphore(%run_scoped3A : memref<!tpu.dma_semaphore, #tpu.memory_space<semaphore_mem>>)
        %dma_wait3A_108 = tpu.memref_slice %arg4[%multiple_of3A_83] : memref<323584xi32, #tpu.memory_space<hbm>> -> memref<128xi32, #tpu.memory_space<hbm>>
        %dma_wait3A_109 = tpu.memref_slice %arg4[%multiple_of3A_83] : memref<323584xi32, #tpu.memory_space<hbm>> -> memref<128xi32, #tpu.memory_space<hbm>>
        tpu.wait_dma2 semaphore(%run_scoped3A : memref<!tpu.dma_semaphore, #tpu.memory_space<semaphore_mem>>) src(%dma_wait3A_109 : memref<128xi32, #tpu.memory_space<hbm>>) dst(%arg10 : memref<128xi32, #tpu.memory_space<vmem>>)
        tpu.yield
      }) : () -> ()
      %dma_start3A_86 = arith.constant 0 : i32
      %dma_start3A_87 = arith.constant 0 : i32
      %dma_start3A_88 = tpu.memref_slice %arg2[%dma_start3A_86, %dma_start3A_87] : memref<10000x128xf32, #tpu.memory_space<hbm>> -> memref<10000x128xf32, #tpu.memory_space<hbm>>
      tpu.enqueue_indirect_dma source(%dma_start3A_88 : memref<10000x128xf32, #tpu.memory_space<hbm>>) target(%arg12 : memref<128x128xf32, #tpu.memory_space<vmem>>) offsets(%arg9 : memref<128xi32, #tpu.memory_space<vmem>>) semaphore(%arg14 : memref<!tpu.dma_semaphore, #tpu.memory_space<semaphore_mem>>)
      %dma_wait3A = arith.constant 0 : i32
      %dma_wait3A_89 = arith.constant 0 : i32
      %dma_wait3A_90 = tpu.memref_slice %arg2[%dma_wait3A, %dma_wait3A_89] : memref<10000x128xf32, #tpu.memory_space<hbm>> -> memref<10000x128xf32, #tpu.memory_space<hbm>>
      tpu.wait_indirect_dma semaphore(%arg13 : memref<!tpu.dma_semaphore, #tpu.memory_space<semaphore_mem>>) src(%dma_wait3A_90 : memref<10000x128xf32, #tpu.memory_space<hbm>>) dst(%arg11 : memref<128x128xf32, #tpu.memory_space<vmem>>)
      %dma_start3A_91 = arith.constant 0 : i32
      %dma_start3A_92 = arith.constant 0 : i32
      %dma_start3A_93 = tpu.memref_slice %arg6[%dma_start3A_91, %dma_start3A_92] : memref<10240x128xf32, #tpu.memory_space<vmem_shared>> -> memref<10240x128xf32, #tpu.memory_space<vmem_shared>>
      tpu.enqueue_indirect_dma source(%arg11 : memref<128x128xf32, #tpu.memory_space<vmem>>) target(%dma_start3A_93 : memref<10240x128xf32, #tpu.memory_space<vmem_shared>>) offsets(%arg8 : memref<128xi32, #tpu.memory_space<vmem>>) semaphore(%arg15 : memref<!tpu.dma_semaphore, #tpu.memory_space<semaphore_mem>>) {add = true}
      %dma_wait3A_94 = arith.constant 0 : i32
      %dma_wait3A_95 = arith.constant 0 : i32
      %dma_wait3A_96 = tpu.memref_slice %arg2[%dma_wait3A_94, %dma_wait3A_95] : memref<10000x128xf32, #tpu.memory_space<hbm>> -> memref<10000x128xf32, #tpu.memory_space<hbm>>
      tpu.wait_indirect_dma semaphore(%arg14 : memref<!tpu.dma_semaphore, #tpu.memory_space<semaphore_mem>>) src(%dma_wait3A_96 : memref<10000x128xf32, #tpu.memory_space<hbm>>) dst(%arg12 : memref<128x128xf32, #tpu.memory_space<vmem>>)
      %dma_start3A_97 = arith.constant 0 : i32
      %dma_start3A_98 = arith.constant 0 : i32
      %dma_start3A_99 = tpu.memref_slice %arg6[%dma_start3A_97, %dma_start3A_98] : memref<10240x128xf32, #tpu.memory_space<vmem_shared>> -> memref<10240x128xf32, #tpu.memory_space<vmem_shared>>
      tpu.enqueue_indirect_dma source(%arg12 : memref<128x128xf32, #tpu.memory_space<vmem>>) target(%dma_start3A_99 : memref<10240x128xf32, #tpu.memory_space<vmem_shared>>) offsets(%arg10 : memref<128xi32, #tpu.memory_space<vmem>>) semaphore(%arg16 : memref<!tpu.dma_semaphore, #tpu.memory_space<semaphore_mem>>) {add = true}
      %dma_wait3A_100 = arith.constant 0 : i32
      %dma_wait3A_101 = arith.constant 0 : i32
      %dma_wait3A_102 = tpu.memref_slice %arg6[%dma_wait3A_100, %dma_wait3A_101] : memref<10240x128xf32, #tpu.memory_space<vmem_shared>> -> memref<10240x128xf32, #tpu.memory_space<vmem_shared>>
      tpu.wait_indirect_dma semaphore(%arg15 : memref<!tpu.dma_semaphore, #tpu.memory_space<semaphore_mem>>) src(%arg11 : memref<128x128xf32, #tpu.memory_space<vmem>>) dst(%dma_wait3A_102 : memref<10240x128xf32, #tpu.memory_space<vmem_shared>>)
      %dma_wait3A_103 = arith.constant 0 : i32
      %dma_wait3A_104 = arith.constant 0 : i32
      %dma_wait3A_105 = tpu.memref_slice %arg6[%dma_wait3A_103, %dma_wait3A_104] : memref<10240x128xf32, #tpu.memory_space<vmem_shared>> -> memref<10240x128xf32, #tpu.memory_space<vmem_shared>>
      tpu.wait_indirect_dma semaphore(%arg16 : memref<!tpu.dma_semaphore, #tpu.memory_space<semaphore_mem>>) src(%arg12 : memref<128x128xf32, #tpu.memory_space<vmem>>) dst(%dma_wait3A_105 : memref<10240x128xf32, #tpu.memory_space<vmem_shared>>)
    }
    %while3A_48 = arith.constant 1 : i32
    scf.for %while3A_70 = %while3A_46 to %while3A_42 step %while3A_48  : i32 {
      %mul3A_71 = arith.constant 2 : i32
      %mul3A_72 = arith.muli %mul3A_71, %while3A_70 : i32
      %mul3A_73 = arith.constant 128 : i32
      %mul3A_74 = arith.muli %mul3A_72, %mul3A_73 : i32
      %add3A_75 = arith.addi %mul3A_39, %mul3A_74 : i32
      %multiple_of3A = tpu.assume_multiple %add3A_75, 8 : i32
      %mul3A_76 = arith.constant 2 : i32
      %mul3A_77 = arith.muli %mul3A_76, %while3A_70 : i32
      %add3A_78 = arith.constant 1 : i32
      %add3A_79 = arith.addi %mul3A_77, %add3A_78 : i32
      %mul3A_80 = arith.constant 128 : i32
      %mul3A_81 = arith.muli %add3A_79, %mul3A_80 : i32
      %add3A_82 = arith.addi %mul3A_39, %mul3A_81 : i32
      %multiple_of3A_83 = tpu.assume_multiple %add3A_82, 8 : i32
      "tpu.region"() ({
        %run_scoped3A = tpu.sem_alloc : memref<!tpu.dma_semaphore, #tpu.memory_space<semaphore_mem>>
        %dma_start3A_106 = tpu.memref_slice %arg3[%multiple_of3A] : memref<323584xi32, #tpu.memory_space<hbm>> -> memref<128xi32, #tpu.memory_space<hbm>>
        %dma_start3A_107 = tpu.memref_slice %arg3[%multiple_of3A] : memref<323584xi32, #tpu.memory_space<hbm>> -> memref<128xi32, #tpu.memory_space<hbm>>
        tpu.enqueue_dma source(%dma_start3A_107 : memref<128xi32, #tpu.memory_space<hbm>>) target(%arg7 : memref<128xi32, #tpu.memory_space<vmem>>) target_semaphore(%run_scoped3A : memref<!tpu.dma_semaphore, #tpu.memory_space<semaphore_mem>>)
        %dma_wait3A_108 = tpu.memref_slice %arg3[%multiple_of3A] : memref<323584xi32, #tpu.memory_space<hbm>> -> memref<128xi32, #tpu.memory_space<hbm>>
        %dma_wait3A_109 = tpu.memref_slice %arg3[%multiple_of3A] : memref<323584xi32, #tpu.memory_space<hbm>> -> memref<128xi32, #tpu.memory_space<hbm>>
        tpu.wait_dma2 semaphore(%run_scoped3A : memref<!tpu.dma_semaphore, #tpu.memory_space<semaphore_mem>>) src(%dma_wait3A_109 : memref<128xi32, #tpu.memory_space<hbm>>) dst(%arg7 : memref<128xi32, #tpu.memory_space<vmem>>)
        tpu.yield
      }) : () -> ()
      "tpu.region"() ({
        %run_scoped3A = tpu.sem_alloc : memref<!tpu.dma_semaphore, #tpu.memory_space<semaphore_mem>>
        %dma_start3A_106 = tpu.memref_slice %arg4[%multiple_of3A] : memref<323584xi32, #tpu.memory_space<hbm>> -> memref<128xi32, #tpu.memory_space<hbm>>
        %dma_start3A_107 = tpu.memref_slice %arg4[%multiple_of3A] : memref<323584xi32, #tpu.memory_space<hbm>> -> memref<128xi32, #tpu.memory_space<hbm>>
        tpu.enqueue_dma source(%dma_start3A_107 : memref<128xi32, #tpu.memory_space<hbm>>) target(%arg8 : memref<128xi32, #tpu.memory_space<vmem>>) target_semaphore(%run_scoped3A : memref<!tpu.dma_semaphore, #tpu.memory_space<semaphore_mem>>)
        %dma_wait3A_108 = tpu.memref_slice %arg4[%multiple_of3A] : memref<323584xi32, #tpu.memory_space<hbm>> -> memref<128xi32, #tpu.memory_space<hbm>>
        %dma_wait3A_109 = tpu.memref_slice %arg4[%multiple_of3A] : memref<323584xi32, #tpu.memory_space<hbm>> -> memref<128xi32, #tpu.memory_space<hbm>>
        tpu.wait_dma2 semaphore(%run_scoped3A : memref<!tpu.dma_semaphore, #tpu.memory_space<semaphore_mem>>) src(%dma_wait3A_109 : memref<128xi32, #tpu.memory_space<hbm>>) dst(%arg8 : memref<128xi32, #tpu.memory_space<vmem>>)
        tpu.yield
      }) : () -> ()
      %dma_start3A = arith.constant 0 : i32
      %dma_start3A_84 = arith.constant 0 : i32
      %dma_start3A_85 = tpu.memref_slice %arg2[%dma_start3A, %dma_start3A_84] : memref<10000x128xf32, #tpu.memory_space<hbm>> -> memref<10000x128xf32, #tpu.memory_space<hbm>>
      tpu.enqueue_indirect_dma source(%dma_start3A_85 : memref<10000x128xf32, #tpu.memory_space<hbm>>) target(%arg11 : memref<128x128xf32, #tpu.memory_space<vmem>>) offsets(%arg7 : memref<128xi32, #tpu.memory_space<vmem>>) semaphore(%arg13 : memref<!tpu.dma_semaphore, #tpu.memory_space<semaphore_mem>>)
      "tpu.region"() ({
        %run_scoped3A = tpu.sem_alloc : memref<!tpu.dma_semaphore, #tpu.memory_space<semaphore_mem>>
        %dma_start3A_106 = tpu.memref_slice %arg3[%multiple_of3A_83] : memref<323584xi32, #tpu.memory_space<hbm>> -> memref<128xi32, #tpu.memory_space<hbm>>
        %dma_start3A_107 = tpu.memref_slice %arg3[%multiple_of3A_83] : memref<323584xi32, #tpu.memory_space<hbm>> -> memref<128xi32, #tpu.memory_space<hbm>>
        tpu.enqueue_dma source(%dma_start3A_107 : memref<128xi32, #tpu.memory_space<hbm>>) target(%arg9 : memref<128xi32, #tpu.memory_space<vmem>>) target_semaphore(%run_scoped3A : memref<!tpu.dma_semaphore, #tpu.memory_space<semaphore_mem>>)
        %dma_wait3A_108 = tpu.memref_slice %arg3[%multiple_of3A_83] : memref<323584xi32, #tpu.memory_space<hbm>> -> memref<128xi32, #tpu.memory_space<hbm>>
        %dma_wait3A_109 = tpu.memref_slice %arg3[%multiple_of3A_83] : memref<323584xi32, #tpu.memory_space<hbm>> -> memref<128xi32, #tpu.memory_space<hbm>>
        tpu.wait_dma2 semaphore(%run_scoped3A : memref<!tpu.dma_semaphore, #tpu.memory_space<semaphore_mem>>) src(%dma_wait3A_109 : memref<128xi32, #tpu.memory_space<hbm>>) dst(%arg9 : memref<128xi32, #tpu.memory_space<vmem>>)
        tpu.yield
      }) : () -> ()
      "tpu.region"() ({
        %run_scoped3A = tpu.sem_alloc : memref<!tpu.dma_semaphore, #tpu.memory_space<semaphore_mem>>
        %dma_start3A_106 = tpu.memref_slice %arg4[%multiple_of3A_83] : memref<323584xi32, #tpu.memory_space<hbm>> -> memref<128xi32, #tpu.memory_space<hbm>>
        %dma_start3A_107 = tpu.memref_slice %arg4[%multiple_of3A_83] : memref<323584xi32, #tpu.memory_space<hbm>> -> memref<128xi32, #tpu.memory_space<hbm>>
        tpu.enqueue_dma source(%dma_start3A_107 : memref<128xi32, #tpu.memory_space<hbm>>) target(%arg10 : memref<128xi32, #tpu.memory_space<vmem>>) target_semaphore(%run_scoped3A : memref<!tpu.dma_semaphore, #tpu.memory_space<semaphore_mem>>)
        %dma_wait3A_108 = tpu.memref_slice %arg4[%multiple_of3A_83] : memref<323584xi32, #tpu.memory_space<hbm>> -> memref<128xi32, #tpu.memory_space<hbm>>
        %dma_wait3A_109 = tpu.memref_slice %arg4[%multiple_of3A_83] : memref<323584xi32, #tpu.memory_space<hbm>> -> memref<128xi32, #tpu.memory_space<hbm>>
        tpu.wait_dma2 semaphore(%run_scoped3A : memref<!tpu.dma_semaphore, #tpu.memory_space<semaphore_mem>>) src(%dma_wait3A_109 : memref<128xi32, #tpu.memory_space<hbm>>) dst(%arg10 : memref<128xi32, #tpu.memory_space<vmem>>)
        tpu.yield
      }) : () -> ()
      %dma_start3A_86 = arith.constant 0 : i32
      %dma_start3A_87 = arith.constant 0 : i32
      %dma_start3A_88 = tpu.memref_slice %arg2[%dma_start3A_86, %dma_start3A_87] : memref<10000x128xf32, #tpu.memory_space<hbm>> -> memref<10000x128xf32, #tpu.memory_space<hbm>>
      tpu.enqueue_indirect_dma source(%dma_start3A_88 : memref<10000x128xf32, #tpu.memory_space<hbm>>) target(%arg12 : memref<128x128xf32, #tpu.memory_space<vmem>>) offsets(%arg9 : memref<128xi32, #tpu.memory_space<vmem>>) semaphore(%arg14 : memref<!tpu.dma_semaphore, #tpu.memory_space<semaphore_mem>>)
      %dma_wait3A = arith.constant 0 : i32
      %dma_wait3A_89 = arith.constant 0 : i32
      %dma_wait3A_90 = tpu.memref_slice %arg2[%dma_wait3A, %dma_wait3A_89] : memref<10000x128xf32, #tpu.memory_space<hbm>> -> memref<10000x128xf32, #tpu.memory_space<hbm>>
      tpu.wait_indirect_dma semaphore(%arg13 : memref<!tpu.dma_semaphore, #tpu.memory_space<semaphore_mem>>) src(%dma_wait3A_90 : memref<10000x128xf32, #tpu.memory_space<hbm>>) dst(%arg11 : memref<128x128xf32, #tpu.memory_space<vmem>>)
      %dma_start3A_91 = arith.constant 0 : i32
      %dma_start3A_92 = arith.constant 0 : i32
      %dma_start3A_93 = tpu.memref_slice %arg6[%dma_start3A_91, %dma_start3A_92] : memref<10240x128xf32, #tpu.memory_space<vmem_shared>> -> memref<10240x128xf32, #tpu.memory_space<vmem_shared>>
      tpu.enqueue_indirect_dma source(%arg11 : memref<128x128xf32, #tpu.memory_space<vmem>>) target(%dma_start3A_93 : memref<10240x128xf32, #tpu.memory_space<vmem_shared>>) offsets(%arg8 : memref<128xi32, #tpu.memory_space<vmem>>) semaphore(%arg15 : memref<!tpu.dma_semaphore, #tpu.memory_space<semaphore_mem>>) {add = true}
      %dma_wait3A_94 = arith.constant 0 : i32
      %dma_wait3A_95 = arith.constant 0 : i32
      %dma_wait3A_96 = tpu.memref_slice %arg2[%dma_wait3A_94, %dma_wait3A_95] : memref<10000x128xf32, #tpu.memory_space<hbm>> -> memref<10000x128xf32, #tpu.memory_space<hbm>>
      tpu.wait_indirect_dma semaphore(%arg14 : memref<!tpu.dma_semaphore, #tpu.memory_space<semaphore_mem>>) src(%dma_wait3A_96 : memref<10000x128xf32, #tpu.memory_space<hbm>>) dst(%arg12 : memref<128x128xf32, #tpu.memory_space<vmem>>)
      %dma_start3A_97 = arith.constant 0 : i32
      %dma_start3A_98 = arith.constant 0 : i32
      %dma_start3A_99 = tpu.memref_slice %arg6[%dma_start3A_97, %dma_start3A_98] : memref<10240x128xf32, #tpu.memory_space<vmem_shared>> -> memref<10240x128xf32, #tpu.memory_space<vmem_shared>>
      tpu.enqueue_indirect_dma source(%arg12 : memref<128x128xf32, #tpu.memory_space<vmem>>) target(%dma_start3A_99 : memref<10240x128xf32, #tpu.memory_space<vmem_shared>>) offsets(%arg10 : memref<128xi32, #tpu.memory_space<vmem>>) semaphore(%arg16 : memref<!tpu.dma_semaphore, #tpu.memory_space<semaphore_mem>>) {add = true}
      %dma_wait3A_100 = arith.constant 0 : i32
      %dma_wait3A_101 = arith.constant 0 : i32
      %dma_wait3A_102 = tpu.memref_slice %arg6[%dma_wait3A_100, %dma_wait3A_101] : memref<10240x128xf32, #tpu.memory_space<vmem_shared>> -> memref<10240x128xf32, #tpu.memory_space<vmem_shared>>
      tpu.wait_indirect_dma semaphore(%arg15 : memref<!tpu.dma_semaphore, #tpu.memory_space<semaphore_mem>>) src(%arg11 : memref<128x128xf32, #tpu.memory_space<vmem>>) dst(%dma_wait3A_102 : memref<10240x128xf32, #tpu.memory_space<vmem_shared>>)
      %dma_wait3A_103 = arith.constant 0 : i32
      %dma_wait3A_104 = arith.constant 0 : i32
      %dma_wait3A_105 = tpu.memref_slice %arg6[%dma_wait3A_103, %dma_wait3A_104] : memref<10240x128xf32, #tpu.memory_space<vmem_shared>> -> memref<10240x128xf32, #tpu.memory_space<vmem_shared>>
      tpu.wait_indirect_dma semaphore(%arg16 : memref<!tpu.dma_semaphore, #tpu.memory_space<semaphore_mem>>) src(%arg12 : memref<128x128xf32, #tpu.memory_space<vmem>>) dst(%dma_wait3A_105 : memref<10240x128xf32, #tpu.memory_space<vmem_shared>>)
    }
    %barrier3A_49 = arith.constant 0 : index
    tpu.barrier barrier_id(%barrier3A_49)
    %mul3A_50 = arith.constant 640 : i32
    %mul3A_51 = arith.muli %arg1, %mul3A_50 : i32
    %add3A_52 = arith.constant 0 : i32
    %add3A_53 = arith.addi %mul3A_51, %add3A_52 : i32
    "tpu.region"() ({
      %run_scoped3A = tpu.sem_alloc : memref<!tpu.dma_semaphore, #tpu.memory_space<semaphore_mem>>
      %dma_start3A = arith.constant 0 : i32
      %dma_start3A_70 = tpu.memref_slice %arg6[%add3A_53, %dma_start3A] : memref<10240x128xf32, #tpu.memory_space<vmem_shared>> -> memref<128x128xf32, #tpu.memory_space<vmem_shared>>
      %dma_start3A_71 = arith.constant 0 : i32
      %dma_start3A_72 = tpu.memref_slice %arg6[%add3A_53, %dma_start3A_71] : memref<10240x128xf32, #tpu.memory_space<vmem_shared>> -> memref<128x128xf32, #tpu.memory_space<vmem_shared>>
      tpu.enqueue_dma source(%dma_start3A_72 : memref<128x128xf32, #tpu.memory_space<vmem_shared>>) target(%arg11 : memref<128x128xf32, #tpu.memory_space<vmem>>) target_semaphore(%run_scoped3A : memref<!tpu.dma_semaphore, #tpu.memory_space<semaphore_mem>>)
      %dma_wait3A = arith.constant 0 : i32
      %dma_wait3A_73 = tpu.memref_slice %arg6[%add3A_53, %dma_wait3A] : memref<10240x128xf32, #tpu.memory_space<vmem_shared>> -> memref<128x128xf32, #tpu.memory_space<vmem_shared>>
      %dma_wait3A_74 = arith.constant 0 : i32
      %dma_wait3A_75 = tpu.memref_slice %arg6[%add3A_53, %dma_wait3A_74] : memref<10240x128xf32, #tpu.memory_space<vmem_shared>> -> memref<128x128xf32, #tpu.memory_space<vmem_shared>>
      tpu.wait_dma2 semaphore(%run_scoped3A : memref<!tpu.dma_semaphore, #tpu.memory_space<semaphore_mem>>) src(%dma_wait3A_75 : memref<128x128xf32, #tpu.memory_space<vmem_shared>>) dst(%arg11 : memref<128x128xf32, #tpu.memory_space<vmem>>)
      tpu.yield
    }) : () -> ()
    "tpu.region"() ({
      %run_scoped3A = tpu.sem_alloc : memref<!tpu.dma_semaphore, #tpu.memory_space<semaphore_mem>>
      %dma_start3A = arith.constant 0 : i32
      %dma_start3A_70 = tpu.memref_slice %arg5[%arg0, %add3A_53, %dma_start3A] : memref<2x10240x128xf32, #tpu.memory_space<hbm>> -> memref<1x128x128xf32, #tpu.memory_space<hbm>>
      %dma_start3A_71 = tpu.memref_squeeze %dma_start3A_70 : memref<1x128x128xf32, #tpu.memory_space<hbm>> -> memref<128x128xf32, #tpu.memory_space<hbm>>
      %dma_start3A_72 = arith.constant 0 : i32
      %dma_start3A_73 = tpu.memref_slice %arg5[%arg0, %add3A_53, %dma_start3A_72] : memref<2x10240x128xf32, #tpu.memory_space<hbm>> -> memref<1x128x128xf32, #tpu.memory_space<hbm>>
      %dma_start3A_74 = tpu.memref_squeeze %dma_start3A_73 : memref<1x128x128xf32, #tpu.memory_space<hbm>> -> memref<128x128xf32, #tpu.memory_space<hbm>>
      tpu.enqueue_dma source(%arg11 : memref<128x128xf32, #tpu.memory_space<vmem>>) target(%dma_start3A_74 : memref<128x128xf32, #tpu.memory_space<hbm>>) target_semaphore(%run_scoped3A : memref<!tpu.dma_semaphore, #tpu.memory_space<semaphore_mem>>)
      %dma_wait3A = arith.constant 0 : i32
      %dma_wait3A_75 = tpu.memref_slice %arg5[%arg0, %add3A_53, %dma_wait3A] : memref<2x10240x128xf32, #tpu.memory_space<hbm>> -> memref<1x128x128xf32, #tpu.memory_space<hbm>>
      %dma_wait3A_76 = tpu.memref_squeeze %dma_wait3A_75 : memref<1x128x128xf32, #tpu.memory_space<hbm>> -> memref<128x128xf32, #tpu.memory_space<hbm>>
      %dma_wait3A_77 = arith.constant 0 : i32
      %dma_wait3A_78 = tpu.memref_slice %arg5[%arg0, %add3A_53, %dma_wait3A_77] : memref<2x10240x128xf32, #tpu.memory_space<hbm>> -> memref<1x128x128xf32, #tpu.memory_space<hbm>>
      %dma_wait3A_79 = tpu.memref_squeeze %dma_wait3A_78 : memref<1x128x128xf32, #tpu.memory_space<hbm>> -> memref<128x128xf32, #tpu.memory_space<hbm>>
      tpu.wait_dma2 semaphore(%run_scoped3A : memref<!tpu.dma_semaphore, #tpu.memory_space<semaphore_mem>>) src(%arg11 : memref<128x128xf32, #tpu.memory_space<vmem>>) dst(%dma_wait3A_79 : memref<128x128xf32, #tpu.memory_space<hbm>>)
      tpu.yield
    }) : () -> ()
    %mul3A_54 = arith.constant 640 : i32
    %mul3A_55 = arith.muli %arg1, %mul3A_54 : i32
    %add3A_56 = arith.constant 128 : i32
    %add3A_57 = arith.addi %mul3A_55, %add3A_56 : i32
    "tpu.region"() ({
      %run_scoped3A = tpu.sem_alloc : memref<!tpu.dma_semaphore, #tpu.memory_space<semaphore_mem>>
      %dma_start3A = arith.constant 0 : i32
      %dma_start3A_70 = tpu.memref_slice %arg6[%add3A_57, %dma_start3A] : memref<10240x128xf32, #tpu.memory_space<vmem_shared>> -> memref<128x128xf32, #tpu.memory_space<vmem_shared>>
      %dma_start3A_71 = arith.constant 0 : i32
      %dma_start3A_72 = tpu.memref_slice %arg6[%add3A_57, %dma_start3A_71] : memref<10240x128xf32, #tpu.memory_space<vmem_shared>> -> memref<128x128xf32, #tpu.memory_space<vmem_shared>>
      tpu.enqueue_dma source(%dma_start3A_72 : memref<128x128xf32, #tpu.memory_space<vmem_shared>>) target(%arg11 : memref<128x128xf32, #tpu.memory_space<vmem>>) target_semaphore(%run_scoped3A : memref<!tpu.dma_semaphore, #tpu.memory_space<semaphore_mem>>)
      %dma_wait3A = arith.constant 0 : i32
      %dma_wait3A_73 = tpu.memref_slice %arg6[%add3A_57, %dma_wait3A] : memref<10240x128xf32, #tpu.memory_space<vmem_shared>> -> memref<128x128xf32, #tpu.memory_space<vmem_shared>>
      %dma_wait3A_74 = arith.constant 0 : i32
      %dma_wait3A_75 = tpu.memref_slice %arg6[%add3A_57, %dma_wait3A_74] : memref<10240x128xf32, #tpu.memory_space<vmem_shared>> -> memref<128x128xf32, #tpu.memory_space<vmem_shared>>
      tpu.wait_dma2 semaphore(%run_scoped3A : memref<!tpu.dma_semaphore, #tpu.memory_space<semaphore_mem>>) src(%dma_wait3A_75 : memref<128x128xf32, #tpu.memory_space<vmem_shared>>) dst(%arg11 : memref<128x128xf32, #tpu.memory_space<vmem>>)
      tpu.yield
    }) : () -> ()
    "tpu.region"() ({
      %run_scoped3A = tpu.sem_alloc : memref<!tpu.dma_semaphore, #tpu.memory_space<semaphore_mem>>
      %dma_start3A = arith.constant 0 : i32
      %dma_start3A_70 = tpu.memref_slice %arg5[%arg0, %add3A_57, %dma_start3A] : memref<2x10240x128xf32, #tpu.memory_space<hbm>> -> memref<1x128x128xf32, #tpu.memory_space<hbm>>
      %dma_start3A_71 = tpu.memref_squeeze %dma_start3A_70 : memref<1x128x128xf32, #tpu.memory_space<hbm>> -> memref<128x128xf32, #tpu.memory_space<hbm>>
      %dma_start3A_72 = arith.constant 0 : i32
      %dma_start3A_73 = tpu.memref_slice %arg5[%arg0, %add3A_57, %dma_start3A_72] : memref<2x10240x128xf32, #tpu.memory_space<hbm>> -> memref<1x128x128xf32, #tpu.memory_space<hbm>>
      %dma_start3A_74 = tpu.memref_squeeze %dma_start3A_73 : memref<1x128x128xf32, #tpu.memory_space<hbm>> -> memref<128x128xf32, #tpu.memory_space<hbm>>
      tpu.enqueue_dma source(%arg11 : memref<128x128xf32, #tpu.memory_space<vmem>>) target(%dma_start3A_74 : memref<128x128xf32, #tpu.memory_space<hbm>>) target_semaphore(%run_scoped3A : memref<!tpu.dma_semaphore, #tpu.memory_space<semaphore_mem>>)
      %dma_wait3A = arith.constant 0 : i32
      %dma_wait3A_75 = tpu.memref_slice %arg5[%arg0, %add3A_57, %dma_wait3A] : memref<2x10240x128xf32, #tpu.memory_space<hbm>> -> memref<1x128x128xf32, #tpu.memory_space<hbm>>
      %dma_wait3A_76 = tpu.memref_squeeze %dma_wait3A_75 : memref<1x128x128xf32, #tpu.memory_space<hbm>> -> memref<128x128xf32, #tpu.memory_space<hbm>>
      %dma_wait3A_77 = arith.constant 0 : i32
      %dma_wait3A_78 = tpu.memref_slice %arg5[%arg0, %add3A_57, %dma_wait3A_77] : memref<2x10240x128xf32, #tpu.memory_space<hbm>> -> memref<1x128x128xf32, #tpu.memory_space<hbm>>
      %dma_wait3A_79 = tpu.memref_squeeze %dma_wait3A_78 : memref<1x128x128xf32, #tpu.memory_space<hbm>> -> memref<128x128xf32, #tpu.memory_space<hbm>>
      tpu.wait_dma2 semaphore(%run_scoped3A : memref<!tpu.dma_semaphore, #tpu.memory_space<semaphore_mem>>) src(%arg11 : memref<128x128xf32, #tpu.memory_space<vmem>>) dst(%dma_wait3A_79 : memref<128x128xf32, #tpu.memory_space<hbm>>)
      tpu.yield
    }) : () -> ()
    %mul3A_58 = arith.constant 640 : i32
    %mul3A_59 = arith.muli %arg1, %mul3A_58 : i32
    %add3A_60 = arith.constant 256 : i32
    %add3A_61 = arith.addi %mul3A_59, %add3A_60 : i32
    "tpu.region"() ({
      %run_scoped3A = tpu.sem_alloc : memref<!tpu.dma_semaphore, #tpu.memory_space<semaphore_mem>>
      %dma_start3A = arith.constant 0 : i32
      %dma_start3A_70 = tpu.memref_slice %arg6[%add3A_61, %dma_start3A] : memref<10240x128xf32, #tpu.memory_space<vmem_shared>> -> memref<128x128xf32, #tpu.memory_space<vmem_shared>>
      %dma_start3A_71 = arith.constant 0 : i32
      %dma_start3A_72 = tpu.memref_slice %arg6[%add3A_61, %dma_start3A_71] : memref<10240x128xf32, #tpu.memory_space<vmem_shared>> -> memref<128x128xf32, #tpu.memory_space<vmem_shared>>
      tpu.enqueue_dma source(%dma_start3A_72 : memref<128x128xf32, #tpu.memory_space<vmem_shared>>) target(%arg11 : memref<128x128xf32, #tpu.memory_space<vmem>>) target_semaphore(%run_scoped3A : memref<!tpu.dma_semaphore, #tpu.memory_space<semaphore_mem>>)
      %dma_wait3A = arith.constant 0 : i32
      %dma_wait3A_73 = tpu.memref_slice %arg6[%add3A_61, %dma_wait3A] : memref<10240x128xf32, #tpu.memory_space<vmem_shared>> -> memref<128x128xf32, #tpu.memory_space<vmem_shared>>
      %dma_wait3A_74 = arith.constant 0 : i32
      %dma_wait3A_75 = tpu.memref_slice %arg6[%add3A_61, %dma_wait3A_74] : memref<10240x128xf32, #tpu.memory_space<vmem_shared>> -> memref<128x128xf32, #tpu.memory_space<vmem_shared>>
      tpu.wait_dma2 semaphore(%run_scoped3A : memref<!tpu.dma_semaphore, #tpu.memory_space<semaphore_mem>>) src(%dma_wait3A_75 : memref<128x128xf32, #tpu.memory_space<vmem_shared>>) dst(%arg11 : memref<128x128xf32, #tpu.memory_space<vmem>>)
      tpu.yield
    }) : () -> ()
    "tpu.region"() ({
      %run_scoped3A = tpu.sem_alloc : memref<!tpu.dma_semaphore, #tpu.memory_space<semaphore_mem>>
      %dma_start3A = arith.constant 0 : i32
      %dma_start3A_70 = tpu.memref_slice %arg5[%arg0, %add3A_61, %dma_start3A] : memref<2x10240x128xf32, #tpu.memory_space<hbm>> -> memref<1x128x128xf32, #tpu.memory_space<hbm>>
      %dma_start3A_71 = tpu.memref_squeeze %dma_start3A_70 : memref<1x128x128xf32, #tpu.memory_space<hbm>> -> memref<128x128xf32, #tpu.memory_space<hbm>>
      %dma_start3A_72 = arith.constant 0 : i32
      %dma_start3A_73 = tpu.memref_slice %arg5[%arg0, %add3A_61, %dma_start3A_72] : memref<2x10240x128xf32, #tpu.memory_space<hbm>> -> memref<1x128x128xf32, #tpu.memory_space<hbm>>
      %dma_start3A_74 = tpu.memref_squeeze %dma_start3A_73 : memref<1x128x128xf32, #tpu.memory_space<hbm>> -> memref<128x128xf32, #tpu.memory_space<hbm>>
      tpu.enqueue_dma source(%arg11 : memref<128x128xf32, #tpu.memory_space<vmem>>) target(%dma_start3A_74 : memref<128x128xf32, #tpu.memory_space<hbm>>) target_semaphore(%run_scoped3A : memref<!tpu.dma_semaphore, #tpu.memory_space<semaphore_mem>>)
      %dma_wait3A = arith.constant 0 : i32
      %dma_wait3A_75 = tpu.memref_slice %arg5[%arg0, %add3A_61, %dma_wait3A] : memref<2x10240x128xf32, #tpu.memory_space<hbm>> -> memref<1x128x128xf32, #tpu.memory_space<hbm>>
      %dma_wait3A_76 = tpu.memref_squeeze %dma_wait3A_75 : memref<1x128x128xf32, #tpu.memory_space<hbm>> -> memref<128x128xf32, #tpu.memory_space<hbm>>
      %dma_wait3A_77 = arith.constant 0 : i32
      %dma_wait3A_78 = tpu.memref_slice %arg5[%arg0, %add3A_61, %dma_wait3A_77] : memref<2x10240x128xf32, #tpu.memory_space<hbm>> -> memref<1x128x128xf32, #tpu.memory_space<hbm>>
      %dma_wait3A_79 = tpu.memref_squeeze %dma_wait3A_78 : memref<1x128x128xf32, #tpu.memory_space<hbm>> -> memref<128x128xf32, #tpu.memory_space<hbm>>
      tpu.wait_dma2 semaphore(%run_scoped3A : memref<!tpu.dma_semaphore, #tpu.memory_space<semaphore_mem>>) src(%arg11 : memref<128x128xf32, #tpu.memory_space<vmem>>) dst(%dma_wait3A_79 : memref<128x128xf32, #tpu.memory_space<hbm>>)
      tpu.yield
    }) : () -> ()
    %mul3A_62 = arith.constant 640 : i32
    %mul3A_63 = arith.muli %arg1, %mul3A_62 : i32
    %add3A_64 = arith.constant 384 : i32
    %add3A_65 = arith.addi %mul3A_63, %add3A_64 : i32
    "tpu.region"() ({
      %run_scoped3A = tpu.sem_alloc : memref<!tpu.dma_semaphore, #tpu.memory_space<semaphore_mem>>
      %dma_start3A = arith.constant 0 : i32
      %dma_start3A_70 = tpu.memref_slice %arg6[%add3A_65, %dma_start3A] : memref<10240x128xf32, #tpu.memory_space<vmem_shared>> -> memref<128x128xf32, #tpu.memory_space<vmem_shared>>
      %dma_start3A_71 = arith.constant 0 : i32
      %dma_start3A_72 = tpu.memref_slice %arg6[%add3A_65, %dma_start3A_71] : memref<10240x128xf32, #tpu.memory_space<vmem_shared>> -> memref<128x128xf32, #tpu.memory_space<vmem_shared>>
      tpu.enqueue_dma source(%dma_start3A_72 : memref<128x128xf32, #tpu.memory_space<vmem_shared>>) target(%arg11 : memref<128x128xf32, #tpu.memory_space<vmem>>) target_semaphore(%run_scoped3A : memref<!tpu.dma_semaphore, #tpu.memory_space<semaphore_mem>>)
      %dma_wait3A = arith.constant 0 : i32
      %dma_wait3A_73 = tpu.memref_slice %arg6[%add3A_65, %dma_wait3A] : memref<10240x128xf32, #tpu.memory_space<vmem_shared>> -> memref<128x128xf32, #tpu.memory_space<vmem_shared>>
      %dma_wait3A_74 = arith.constant 0 : i32
      %dma_wait3A_75 = tpu.memref_slice %arg6[%add3A_65, %dma_wait3A_74] : memref<10240x128xf32, #tpu.memory_space<vmem_shared>> -> memref<128x128xf32, #tpu.memory_space<vmem_shared>>
      tpu.wait_dma2 semaphore(%run_scoped3A : memref<!tpu.dma_semaphore, #tpu.memory_space<semaphore_mem>>) src(%dma_wait3A_75 : memref<128x128xf32, #tpu.memory_space<vmem_shared>>) dst(%arg11 : memref<128x128xf32, #tpu.memory_space<vmem>>)
      tpu.yield
    }) : () -> ()
    "tpu.region"() ({
      %run_scoped3A = tpu.sem_alloc : memref<!tpu.dma_semaphore, #tpu.memory_space<semaphore_mem>>
      %dma_start3A = arith.constant 0 : i32
      %dma_start3A_70 = tpu.memref_slice %arg5[%arg0, %add3A_65, %dma_start3A] : memref<2x10240x128xf32, #tpu.memory_space<hbm>> -> memref<1x128x128xf32, #tpu.memory_space<hbm>>
      %dma_start3A_71 = tpu.memref_squeeze %dma_start3A_70 : memref<1x128x128xf32, #tpu.memory_space<hbm>> -> memref<128x128xf32, #tpu.memory_space<hbm>>
      %dma_start3A_72 = arith.constant 0 : i32
      %dma_start3A_73 = tpu.memref_slice %arg5[%arg0, %add3A_65, %dma_start3A_72] : memref<2x10240x128xf32, #tpu.memory_space<hbm>> -> memref<1x128x128xf32, #tpu.memory_space<hbm>>
      %dma_start3A_74 = tpu.memref_squeeze %dma_start3A_73 : memref<1x128x128xf32, #tpu.memory_space<hbm>> -> memref<128x128xf32, #tpu.memory_space<hbm>>
      tpu.enqueue_dma source(%arg11 : memref<128x128xf32, #tpu.memory_space<vmem>>) target(%dma_start3A_74 : memref<128x128xf32, #tpu.memory_space<hbm>>) target_semaphore(%run_scoped3A : memref<!tpu.dma_semaphore, #tpu.memory_space<semaphore_mem>>)
      %dma_wait3A = arith.constant 0 : i32
      %dma_wait3A_75 = tpu.memref_slice %arg5[%arg0, %add3A_65, %dma_wait3A] : memref<2x10240x128xf32, #tpu.memory_space<hbm>> -> memref<1x128x128xf32, #tpu.memory_space<hbm>>
      %dma_wait3A_76 = tpu.memref_squeeze %dma_wait3A_75 : memref<1x128x128xf32, #tpu.memory_space<hbm>> -> memref<128x128xf32, #tpu.memory_space<hbm>>
      %dma_wait3A_77 = arith.constant 0 : i32
      %dma_wait3A_78 = tpu.memref_slice %arg5[%arg0, %add3A_65, %dma_wait3A_77] : memref<2x10240x128xf32, #tpu.memory_space<hbm>> -> memref<1x128x128xf32, #tpu.memory_space<hbm>>
      %dma_wait3A_79 = tpu.memref_squeeze %dma_wait3A_78 : memref<1x128x128xf32, #tpu.memory_space<hbm>> -> memref<128x128xf32, #tpu.memory_space<hbm>>
      tpu.wait_dma2 semaphore(%run_scoped3A : memref<!tpu.dma_semaphore, #tpu.memory_space<semaphore_mem>>) src(%arg11 : memref<128x128xf32, #tpu.memory_space<vmem>>) dst(%dma_wait3A_79 : memref<128x128xf32, #tpu.memory_space<hbm>>)
      tpu.yield
    }) : () -> ()
    %mul3A_66 = arith.constant 640 : i32
    %mul3A_67 = arith.muli %arg1, %mul3A_66 : i32
    %add3A_68 = arith.constant 512 : i32
    %add3A_69 = arith.addi %mul3A_67, %add3A_68 : i32
    "tpu.region"() ({
      %run_scoped3A = tpu.sem_alloc : memref<!tpu.dma_semaphore, #tpu.memory_space<semaphore_mem>>
      %dma_start3A = arith.constant 0 : i32
      %dma_start3A_70 = tpu.memref_slice %arg6[%add3A_69, %dma_start3A] : memref<10240x128xf32, #tpu.memory_space<vmem_shared>> -> memref<128x128xf32, #tpu.memory_space<vmem_shared>>
      %dma_start3A_71 = arith.constant 0 : i32
      %dma_start3A_72 = tpu.memref_slice %arg6[%add3A_69, %dma_start3A_71] : memref<10240x128xf32, #tpu.memory_space<vmem_shared>> -> memref<128x128xf32, #tpu.memory_space<vmem_shared>>
      tpu.enqueue_dma source(%dma_start3A_72 : memref<128x128xf32, #tpu.memory_space<vmem_shared>>) target(%arg11 : memref<128x128xf32, #tpu.memory_space<vmem>>) target_semaphore(%run_scoped3A : memref<!tpu.dma_semaphore, #tpu.memory_space<semaphore_mem>>)
      %dma_wait3A = arith.constant 0 : i32
      %dma_wait3A_73 = tpu.memref_slice %arg6[%add3A_69, %dma_wait3A] : memref<10240x128xf32, #tpu.memory_space<vmem_shared>> -> memref<128x128xf32, #tpu.memory_space<vmem_shared>>
      %dma_wait3A_74 = arith.constant 0 : i32
      %dma_wait3A_75 = tpu.memref_slice %arg6[%add3A_69, %dma_wait3A_74] : memref<10240x128xf32, #tpu.memory_space<vmem_shared>> -> memref<128x128xf32, #tpu.memory_space<vmem_shared>>
      tpu.wait_dma2 semaphore(%run_scoped3A : memref<!tpu.dma_semaphore, #tpu.memory_space<semaphore_mem>>) src(%dma_wait3A_75 : memref<128x128xf32, #tpu.memory_space<vmem_shared>>) dst(%arg11 : memref<128x128xf32, #tpu.memory_space<vmem>>)
      tpu.yield
    }) : () -> ()
    "tpu.region"() ({
      %run_scoped3A = tpu.sem_alloc : memref<!tpu.dma_semaphore, #tpu.memory_space<semaphore_mem>>
      %dma_start3A = arith.constant 0 : i32
      %dma_start3A_70 = tpu.memref_slice %arg5[%arg0, %add3A_69, %dma_start3A] : memref<2x10240x128xf32, #tpu.memory_space<hbm>> -> memref<1x128x128xf32, #tpu.memory_space<hbm>>
      %dma_start3A_71 = tpu.memref_squeeze %dma_start3A_70 : memref<1x128x128xf32, #tpu.memory_space<hbm>> -> memref<128x128xf32, #tpu.memory_space<hbm>>
      %dma_start3A_72 = arith.constant 0 : i32
      %dma_start3A_73 = tpu.memref_slice %arg5[%arg0, %add3A_69, %dma_start3A_72] : memref<2x10240x128xf32, #tpu.memory_space<hbm>> -> memref<1x128x128xf32, #tpu.memory_space<hbm>>
      %dma_start3A_74 = tpu.memref_squeeze %dma_start3A_73 : memref<1x128x128xf32, #tpu.memory_space<hbm>> -> memref<128x128xf32, #tpu.memory_space<hbm>>
      tpu.enqueue_dma source(%arg11 : memref<128x128xf32, #tpu.memory_space<vmem>>) target(%dma_start3A_74 : memref<128x128xf32, #tpu.memory_space<hbm>>) target_semaphore(%run_scoped3A : memref<!tpu.dma_semaphore, #tpu.memory_space<semaphore_mem>>)
      %dma_wait3A = arith.constant 0 : i32
      %dma_wait3A_75 = tpu.memref_slice %arg5[%arg0, %add3A_69, %dma_wait3A] : memref<2x10240x128xf32, #tpu.memory_space<hbm>> -> memref<1x128x128xf32, #tpu.memory_space<hbm>>
      %dma_wait3A_76 = tpu.memref_squeeze %dma_wait3A_75 : memref<1x128x128xf32, #tpu.memory_space<hbm>> -> memref<128x128xf32, #tpu.memory_space<hbm>>
      %dma_wait3A_77 = arith.constant 0 : i32
      %dma_wait3A_78 = tpu.memref_slice %arg5[%arg0, %add3A_69, %dma_wait3A_77] : memref<2x10240x128xf32, #tpu.memory_space<hbm>> -> memref<1x128x128xf32, #tpu.memory_space<hbm>>
      %dma_wait3A_79 = tpu.memref_squeeze %dma_wait3A_78 : memref<1x128x128xf32, #tpu.memory_space<hbm>> -> memref<128x128xf32, #tpu.memory_space<hbm>>
      tpu.wait_dma2 semaphore(%run_scoped3A : memref<!tpu.dma_semaphore, #tpu.memory_space<semaphore_mem>>) src(%arg11 : memref<128x128xf32, #tpu.memory_space<vmem>>) dst(%dma_wait3A_79 : memref<128x128xf32, #tpu.memory_space<hbm>>)
      tpu.yield
    }) : () -> ()
    return
  }
}

module attributes {stable_mosaic.version = 14 : i64} {
  func.func @_cnt_compact_body(%arg0: memref<2x10240x128xf32, #tpu.memory_space<vmem>>, %arg1: memref<10000x8xf32, #tpu.memory_space<vmem>>) attributes {dimension_semantics = [], scalar_prefetch = 0 : i64, scratch_operands = 0 : i64, tpu.core_type = #tpu.core_type<tc>} {
    %get3A = arith.constant 0 : index
    %get3A_0 = arith.constant 0 : index
    %get3A_1 = arith.constant 0 : index
    %get3A_2 = vector.load %arg0[%get3A, %get3A_0, %get3A_1] : memref<2x10240x128xf32, #tpu.memory_space<vmem>>, vector<1x10000x8xf32>
    %get3A_3 = vector.shape_cast %get3A_2 : vector<1x10000x8xf32> to vector<10000x8xf32>
    %get3A_4 = arith.constant 1 : index
    %get3A_5 = arith.constant 0 : index
    %get3A_6 = arith.constant 0 : index
    %get3A_7 = vector.load %arg0[%get3A_4, %get3A_5, %get3A_6] : memref<2x10240x128xf32, #tpu.memory_space<vmem>>, vector<1x10000x8xf32>
    %get3A_8 = vector.shape_cast %get3A_7 : vector<1x10000x8xf32> to vector<10000x8xf32>
    %add3A = arith.addf %get3A_3, %get3A_8 : vector<10000x8xf32>
    %swap3A = arith.constant 0 : index
    %swap3A_9 = arith.constant 0 : index
    %swap3A_10 = vector.load %arg1[%swap3A, %swap3A_9] : memref<10000x8xf32, #tpu.memory_space<vmem>>, vector<10000x8xf32>
    tpu.vector_store %arg1[%swap3A, %swap3A_9], %add3A {strides = array<i32>} : memref<10000x8xf32, #tpu.memory_space<vmem>>, vector<10000x8xf32>,
    return
  }
}

module attributes {stable_mosaic.version = 14 : i64} {
  func.func @_transform_body(%arg0: memref<10000x128xf32, #tpu.memory_space<vmem>>, %arg1: memref<128x128xf32, #tpu.memory_space<vmem>>, %arg2: memref<1x128xf32, #tpu.memory_space<vmem>>, %arg3: memref<10000x128xf32, #tpu.memory_space<vmem>>) attributes {dimension_semantics = [], scalar_prefetch = 0 : i64, scratch_operands = 0 : i64, tpu.core_type = #tpu.core_type<tc>} {
    %get3A = arith.constant 0 : index
    %get3A_0 = arith.constant 0 : index
    %get3A_1 = vector.load %arg0[%get3A, %get3A_0] : memref<10000x128xf32, #tpu.memory_space<vmem>>, vector<10000x128xf32>
    %get3A_2 = arith.constant 0 : index
    %get3A_3 = arith.constant 0 : index
    %get3A_4 = vector.load %arg1[%get3A_2, %get3A_3] : memref<128x128xf32, #tpu.memory_space<vmem>>, vector<128x128xf32>
    %dot_general3A = arith.constant dense<0.000000e+00> : vector<10000x128xf32>
    %dot_general3A_5 = tpu.matmul %get3A_1, %get3A_4, %dot_general3A {dimension_numbers = #tpu.dot_dimension_numbers<[1], [1], [0], [0], [0, 0, 1, 0], [], []>, transpose_lhs_hint = false} : vector<10000x128xf32>, vector<128x128xf32>, vector<10000x128xf32> -> vector<10000x128xf32>
    %get3A_6 = arith.constant 0 : index
    %get3A_7 = arith.constant 0 : index
    %get3A_8 = vector.load %arg2[%get3A_6, %get3A_7] : memref<1x128xf32, #tpu.memory_space<vmem>>, vector<1x128xf32>
    %add3A = vector.broadcast %get3A_8 : vector<1x128xf32> to vector<10000x128xf32>
    %add3A_9 = arith.addf %dot_general3A_5, %add3A : vector<10000x128xf32>
    %swap3A = arith.constant 0 : index
    %swap3A_10 = arith.constant 0 : index
    %swap3A_11 = vector.load %arg3[%swap3A, %swap3A_10] : memref<10000x128xf32, #tpu.memory_space<vmem>>, vector<10000x128xf32>
    tpu.vector_store %arg3[%swap3A, %swap3A_10], %add3A_9 {strides = array<i32>} : memref<10000x128xf32, #tpu.memory_space<vmem>>, vector<10000x128xf32>,
    return
  }
}

module attributes {stable_mosaic.version = 14 : i64} {
  func.func @_post_body(%arg0: memref<2x10240x128xf32, #tpu.memory_space<vmem>>, %arg1: memref<10000x8xf32, #tpu.memory_space<vmem>>, %arg2: memref<10000x128xf32, #tpu.memory_space<vmem>>, %arg3: memref<128x128xf32, #tpu.memory_space<vmem>>, %arg4: memref<1x128xf32, #tpu.memory_space<vmem>>, %arg5: memref<10000x128xf32, #tpu.memory_space<vmem>>) attributes {dimension_semantics = [], scalar_prefetch = 0 : i64, scratch_operands = 0 : i64, tpu.core_type = #tpu.core_type<tc>} {
    %get3A = arith.constant 0 : index
    %get3A_0 = arith.constant 0 : index
    %get3A_1 = arith.constant 0 : index
    %get3A_2 = vector.load %arg0[%get3A, %get3A_0, %get3A_1] : memref<2x10240x128xf32, #tpu.memory_space<vmem>>, vector<1x10000x128xf32>
    %get3A_3 = vector.shape_cast %get3A_2 : vector<1x10000x128xf32> to vector<10000x128xf32>
    %get3A_4 = arith.constant 1 : index
    %get3A_5 = arith.constant 0 : index
    %get3A_6 = arith.constant 0 : index
    %get3A_7 = vector.load %arg0[%get3A_4, %get3A_5, %get3A_6] : memref<2x10240x128xf32, #tpu.memory_space<vmem>>, vector<1x10000x128xf32>
    %get3A_8 = vector.shape_cast %get3A_7 : vector<1x10000x128xf32> to vector<10000x128xf32>
    %add3A = arith.addf %get3A_3, %get3A_8 : vector<10000x128xf32>
    %get3A_9 = arith.constant 0 : index
    %get3A_10 = arith.constant 0 : index
    %get3A_11 = vector.load %arg1[%get3A_9, %get3A_10] : memref<10000x8xf32, #tpu.memory_space<vmem>>, vector<10000x1xf32>
    %max3A = arith.constant 1.000000e+00 : f32
    %max3A_12 = vector.broadcast %max3A : f32 to vector<10000x1xf32>
    %max3A_13 = arith.maximumf %get3A_11, %max3A_12 : vector<10000x1xf32>
    %div3A = vector.broadcast %max3A_13 : vector<10000x1xf32> to vector<10000x128xf32>
    %div3A_14 = arith.divf %add3A, %div3A : vector<10000x128xf32>
    %gt3A = arith.constant 0.000000e+00 : f32
    %gt3A_15 = vector.broadcast %gt3A : f32 to vector<10000x1xf32>
    %gt3A_16 = arith.cmpf ogt, %get3A_11, %gt3A_15 : vector<10000x1xf32>
    %get3A_17 = arith.constant 0 : index
    %get3A_18 = arith.constant 0 : index
    %get3A_19 = vector.load %arg2[%get3A_17, %get3A_18] : memref<10000x128xf32, #tpu.memory_space<vmem>>, vector<10000x128xf32>
    %broadcast_in_dim3A = vector.shape_cast %gt3A_16 : vector<10000x1xi1> to vector<10000x1xi1>
    %broadcast_in_dim3A_20 = vector.broadcast %broadcast_in_dim3A : vector<10000x1xi1> to vector<10000x128xi1>
    %select_n3A = arith.select %broadcast_in_dim3A_20, %div3A_14, %get3A_19 : vector<10000x128xi1>, vector<10000x128xf32>
    %max3A_21 = arith.constant 0.000000e+00 : f32
    %max3A_22 = vector.broadcast %max3A_21 : f32 to vector<10000x128xf32>
    %max3A_23 = arith.maximumf %select_n3A, %max3A_22 : vector<10000x128xf32>
    %get3A_24 = arith.constant 0 : index
    %get3A_25 = arith.constant 0 : index
    %get3A_26 = vector.load %arg3[%get3A_24, %get3A_25] : memref<128x128xf32, #tpu.memory_space<vmem>>, vector<128x128xf32>
    %dot_general3A = arith.constant dense<0.000000e+00> : vector<10000x128xf32>
    %dot_general3A_27 = tpu.matmul %max3A_23, %get3A_26, %dot_general3A {dimension_numbers = #tpu.dot_dimension_numbers<[1], [1], [0], [0], [0, 0, 1, 0], [], []>, transpose_lhs_hint = false} : vector<10000x128xf32>, vector<128x128xf32>, vector<10000x128xf32> -> vector<10000x128xf32>
    %get3A_28 = arith.constant 0 : index
    %get3A_29 = arith.constant 0 : index
    %get3A_30 = vector.load %arg4[%get3A_28, %get3A_29] : memref<1x128xf32, #tpu.memory_space<vmem>>, vector<1x128xf32>
    %add3A_31 = vector.broadcast %get3A_30 : vector<1x128xf32> to vector<10000x128xf32>
    %add3A_32 = arith.addf %dot_general3A_27, %add3A_31 : vector<10000x128xf32>
    %swap3A = arith.constant 0 : index
    %swap3A_33 = arith.constant 0 : index
    %swap3A_34 = vector.load %arg5[%swap3A, %swap3A_33] : memref<10000x128xf32, #tpu.memory_space<vmem>>, vector<10000x128xf32>
    tpu.vector_store %arg5[%swap3A, %swap3A_33], %add3A_32 {strides = array<i32>} : memref<10000x128xf32, #tpu.memory_space<vmem>>, vector<10000x128xf32>,
    return
  }
}

module attributes {stable_mosaic.version = 14 : i64} {
  func.func @_head_body(%arg0: memref<2x10240x128xf32, #tpu.memory_space<vmem>>, %arg1: memref<10000x8xf32, #tpu.memory_space<vmem>>, %arg2: memref<10000x128xf32, #tpu.memory_space<vmem>>, %arg3: memref<64x128xf32, #tpu.memory_space<vmem>>, %arg4: memref<1x64xf32, #tpu.memory_space<vmem>>, %arg5: memref<10x64xf32, #tpu.memory_space<vmem>>, %arg6: memref<1x10xf32, #tpu.memory_space<vmem>>, %arg7: memref<1x10xf32, #tpu.memory_space<vmem>>) attributes {dimension_semantics = [], scalar_prefetch = 0 : i64, scratch_operands = 0 : i64, tpu.core_type = #tpu.core_type<tc>} {
    %get3A = arith.constant 0 : index
    %get3A_0 = arith.constant 0 : index
    %get3A_1 = arith.constant 0 : index
    %get3A_2 = vector.load %arg0[%get3A, %get3A_0, %get3A_1] : memref<2x10240x128xf32, #tpu.memory_space<vmem>>, vector<1x10000x128xf32>
    %get3A_3 = vector.shape_cast %get3A_2 : vector<1x10000x128xf32> to vector<10000x128xf32>
    %get3A_4 = arith.constant 1 : index
    %get3A_5 = arith.constant 0 : index
    %get3A_6 = arith.constant 0 : index
    %get3A_7 = vector.load %arg0[%get3A_4, %get3A_5, %get3A_6] : memref<2x10240x128xf32, #tpu.memory_space<vmem>>, vector<1x10000x128xf32>
    %get3A_8 = vector.shape_cast %get3A_7 : vector<1x10000x128xf32> to vector<10000x128xf32>
    %add3A = arith.addf %get3A_3, %get3A_8 : vector<10000x128xf32>
    %get3A_9 = arith.constant 0 : index
    %get3A_10 = arith.constant 0 : index
    %get3A_11 = vector.load %arg1[%get3A_9, %get3A_10] : memref<10000x8xf32, #tpu.memory_space<vmem>>, vector<10000x1xf32>
    %max3A = arith.constant 1.000000e+00 : f32
    %max3A_12 = vector.broadcast %max3A : f32 to vector<10000x1xf32>
    %max3A_13 = arith.maximumf %get3A_11, %max3A_12 : vector<10000x1xf32>
    %div3A = vector.broadcast %max3A_13 : vector<10000x1xf32> to vector<10000x128xf32>
    %div3A_14 = arith.divf %add3A, %div3A : vector<10000x128xf32>
    %gt3A = arith.constant 0.000000e+00 : f32
    %gt3A_15 = vector.broadcast %gt3A : f32 to vector<10000x1xf32>
    %gt3A_16 = arith.cmpf ogt, %get3A_11, %gt3A_15 : vector<10000x1xf32>
    %get3A_17 = arith.constant 0 : index
    %get3A_18 = arith.constant 0 : index
    %get3A_19 = vector.load %arg2[%get3A_17, %get3A_18] : memref<10000x128xf32, #tpu.memory_space<vmem>>, vector<10000x128xf32>
    %broadcast_in_dim3A = vector.shape_cast %gt3A_16 : vector<10000x1xi1> to vector<10000x1xi1>
    %broadcast_in_dim3A_20 = vector.broadcast %broadcast_in_dim3A : vector<10000x1xi1> to vector<10000x128xi1>
    %select_n3A = arith.select %broadcast_in_dim3A_20, %div3A_14, %get3A_19 : vector<10000x128xi1>, vector<10000x128xf32>
    %max3A_21 = arith.constant 0.000000e+00 : f32
    %max3A_22 = vector.broadcast %max3A_21 : f32 to vector<10000x128xf32>
    %max3A_23 = arith.maximumf %select_n3A, %max3A_22 : vector<10000x128xf32>
    %broadcast_in_dim3A_24 = arith.constant 1.000000e+00 : f32
    %broadcast_in_dim3A_25 = vector.broadcast %broadcast_in_dim3A_24 : f32 to vector<1x10000xf32>
    %dot_general3A = arith.constant dense<0.000000e+00> : vector<1x128xf32>
    %dot_general3A_26 = tpu.matmul %broadcast_in_dim3A_25, %max3A_23, %dot_general3A {dimension_numbers = #tpu.dot_dimension_numbers<[1], [0], [0], [1], [0, 0, 1, 1], [], []>, transpose_lhs_hint = false} : vector<1x10000xf32>, vector<10000x128xf32>, vector<1x128xf32> -> vector<1x128xf32>
    %mul3A = arith.constant 9.99999974E-5 : f32
    %mul3A_27 = vector.broadcast %mul3A : f32 to vector<1x128xf32>
    %mul3A_28 = arith.mulf %dot_general3A_26, %mul3A_27 : vector<1x128xf32>
    %get3A_29 = arith.constant 0 : index
    %get3A_30 = arith.constant 0 : index
    %get3A_31 = vector.load %arg3[%get3A_29, %get3A_30] : memref<64x128xf32, #tpu.memory_space<vmem>>, vector<64x128xf32>
    %dot_general3A_32 = arith.constant dense<0.000000e+00> : vector<1x64xf32>
    %dot_general3A_33 = tpu.matmul %mul3A_28, %get3A_31, %dot_general3A_32 {dimension_numbers = #tpu.dot_dimension_numbers<[1], [1], [0], [0], [0, 0, 1, 0], [], []>, transpose_lhs_hint = false} : vector<1x128xf32>, vector<64x128xf32>, vector<1x64xf32> -> vector<1x64xf32>
    %get3A_34 = arith.constant 0 : index
    %get3A_35 = arith.constant 0 : index
    %get3A_36 = vector.load %arg4[%get3A_34, %get3A_35] : memref<1x64xf32, #tpu.memory_space<vmem>>, vector<1x64xf32>
    %add3A_37 = arith.addf %dot_general3A_33, %get3A_36 : vector<1x64xf32>
    %max3A_38 = arith.constant 0.000000e+00 : f32
    %max3A_39 = vector.broadcast %max3A_38 : f32 to vector<1x64xf32>
    %max3A_40 = arith.maximumf %add3A_37, %max3A_39 : vector<1x64xf32>
    %get3A_41 = arith.constant 0 : index
    %get3A_42 = arith.constant 0 : index
    %get3A_43 = vector.load %arg5[%get3A_41, %get3A_42] : memref<10x64xf32, #tpu.memory_space<vmem>>, vector<10x64xf32>
    %dot_general3A_44 = arith.constant dense<0.000000e+00> : vector<1x10xf32>
    %dot_general3A_45 = tpu.matmul %max3A_40, %get3A_43, %dot_general3A_44 {dimension_numbers = #tpu.dot_dimension_numbers<[1], [1], [0], [0], [0, 0, 1, 0], [], []>, transpose_lhs_hint = false} : vector<1x64xf32>, vector<10x64xf32>, vector<1x10xf32> -> vector<1x10xf32>
    %get3A_46 = arith.constant 0 : index
    %get3A_47 = arith.constant 0 : index
    %get3A_48 = vector.load %arg6[%get3A_46, %get3A_47] : memref<1x10xf32, #tpu.memory_space<vmem>>, vector<1x10xf32>
    %add3A_49 = arith.addf %dot_general3A_45, %get3A_48 : vector<1x10xf32>
    %reduce_max3A = arith.constant dense<0xFF800000> : vector<1xf32>
    %reduce_max3A_50 = vector.multi_reduction <maximumf>, %add3A_49, %reduce_max3A [1] : vector<1x10xf32> to vector<1xf32>
    %broadcast_in_dim3A_51 = vector.shape_cast %reduce_max3A_50 : vector<1xf32> to vector<1x1xf32>
    %sub3A = vector.broadcast %broadcast_in_dim3A_51 : vector<1x1xf32> to vector<1x10xf32>
    %sub3A_52 = arith.subf %add3A_49, %sub3A : vector<1x10xf32>
    %exp3A = math.exp %sub3A_52 : vector<1x10xf32>
    %sub3A_53 = vector.broadcast %broadcast_in_dim3A_51 : vector<1x1xf32> to vector<1x10xf32>
    %sub3A_54 = arith.subf %add3A_49, %sub3A_53 : vector<1x10xf32>
    %reduce_sum3A = arith.constant dense<0.000000e+00> : vector<1xf32>
    %reduce_sum3A_55 = vector.multi_reduction <add>, %exp3A, %reduce_sum3A [1] : vector<1x10xf32> to vector<1xf32>
    %broadcast_in_dim3A_56 = vector.shape_cast %reduce_sum3A_55 : vector<1xf32> to vector<1x1xf32>
    %log3A = math.log %broadcast_in_dim3A_56 : vector<1x1xf32>
    %sub3A_57 = vector.broadcast %log3A : vector<1x1xf32> to vector<1x10xf32>
    %sub3A_58 = arith.subf %sub3A_54, %sub3A_57 : vector<1x10xf32>
    %swap3A = arith.constant 0 : index
    %swap3A_59 = arith.constant 0 : index
    %swap3A_60 = vector.load %arg7[%swap3A, %swap3A_59] : memref<1x10xf32, #tpu.memory_space<vmem>>, vector<1x10xf32>
    tpu.vector_store %arg7[%swap3A, %swap3A_59], %sub3A_58 {strides = array<i32>} : memref<1x10xf32, #tpu.memory_space<vmem>>, vector<1x10xf32>,
    return
  }
}

</mosaic_0001>

<sc_bundles>
// kernel: kernel.11.cloned.1.call-start
scs
__scs_entry_jumppad:
0x0: {  	(pc) =	sbr.rel $0x88, $3  }
0x1: {  	(tag) =	ssettag $0x0;
	lr =	simm.s32 $0x1  }
0x2: {  	[smem:$0x3F95] =	sst lr;
	_ =	strace $0xD0000000  }
0x3: {  	_ = 	snop  }
0x4: {  	_ = 	snop  }
0x5: {  	_ = 	snop  }
0x6: {  	_ = 	snop  }
0x7: {  	_ = 	snop  }
__scs_overlays_trampoline_lowered:
0x8: {  	[smem:$0x3FA4] =	sst s0  }
0x9: {  	[smem:$0x3FA5] =	sst s1  }
0xa: {  	[smem:$0x3FA6] =	sst s2  }
0xb: {  	[smem:$0x3FA7] =	sst s3  }
0xc: {  	[smem:$0x3FA8] =	sst s4  }
0xd: {  	[smem:$0x3FA9] =	sst s5  }
0xe: {  	[smem:$0x3FAA] =	sst s6  }
0xf: {  	[smem:$0x3FAB] =	sst s7  }
0x10: {  	[smem:$0x3FAC] =	sst s8  }
0x11: {  	[smem:$0x3FAD] =	sst s9;
	s0 =	simm.s32 @!p0 $0x0  }
0x12: {  	s1 =	sld [smem:$0x3F93];
	s0 =	simm.s32 @p0 $0x1  }
0x13: {  	[smem:$0x3FAE] =	sst s0;
	s0 =	simm.s32 @!p1 $0x0  }
0x14: {  	s2 =	sld [smem:$0x3F92];
	s0 =	simm.s32 @p1 $0x1  }
0x15: {  	[smem:$0x3FAF] =	sst s0;
	s0 =	simm.s32 @!p2 $0x0  }
0x16: {  	s3 =	sld [smem:$0x3FDB];
	s0 =	simm.s32 @p2 $0x1  }
0x17: {  	s4 =	simm.s32 $0x1BF5;
	[smem:$0x3FB1] =	sst s0  }
0x18: {  	s0 =	sld [smem:$0x3F94];
	_ =	swait.ge [sflag:s4], $0x0  }
0x19: {  	s7 =	sld [smem:$0x3F95]  }
0x1a: {  	s8 =	sadd.s32 $0xFFFFE003, lr  }
0x1b: {  	s9 =	sadd.s32 $0xFFFFFEF7, lr;
	s5 =	simm.s32 $0xFFFFFFFF;
	p2 =	slt.u32 s8, $0xFFFFF086  }
0x1c: {  	p1 =	slt.u32 s9, $0xF7A;
	s5 =	simm.s32 @!p2 $0x0  }
0x1d: {  	s5 =	simm.s32 @p1 $0x1;
	p0 =	seq.s32 s7, s2  }
0x1e: {  	s7 =	smul.u32 @!p0 $0xF7A, s2;
	p2 =	seq.s32 @!p0 s5, $0x0  }
0x1f: {  	s9 =	smul.u32 $0xF7A, s1;
	s8 =	simm.s32 @!p0 $0x1BF5;
	p2 =	por !p2, p0  }
0x20: {  	[sflag:s8] =	ssyncset.s32 @!p0 $0xFFFFF086;
	s6 =	sadd.s32 @!p0 s3, s7;
	s7 =	simm.s32 @!p0 $0x108  }
0x21: {  	s3 =	sadd.s32 s3, s9;
	s6 =	sadd.s32 @!p0 $0x88, s6;
	s7 =	simm.s32 @p2 $0x1082  }
0x22: {  	[simem:s7], [sflag:s8] =	dma.local @!p0 [hbm:s6], $0xF7A  }
0x23: {  	s9 =	sor.u32 $0xD0000000, s2;
	s6 =	simm.s32 $0x108;
	_ =	swait.ge @!p0 [sflag:s8], $0x0  }
0x24: {  	s3 =	sadd.s32 $0x88, s3;
	s6 =	simm.s32 @!p1 $0x1082;
	[sflag:s4] =	ssyncset.s32 $0xFFFFF086  }
0x25: {  	[simem:s6], [sflag:s4] =	dma.local [hbm:s3], $0xF7A  }
0x26: {  	[smem:$0x3F95] =	sst s1;
	(tag) =	ssettag s2;
	_ =	strace s9  }
0x27: {  	s1 =	sld [smem:$0x3FA5]  }
0x28: {  	s2 =	sld [smem:$0x3FA6]  }
0x29: {  	s4 =	sld [smem:$0x3FA8]  }
0x2a: {  	p0 =	seq.s32 s5, $0x0;
	s5 =	sld [smem:$0x3FA9]  }
0x2b: {  	s6 =	sld [smem:$0x3FAA]  }
0x2c: {  	s7 =	sld [smem:$0x3FAB]  }
0x2d: {  	s3 =	simm.s32 $0x108;
	s8 =	sld [smem:$0x3FAC]  }
0x2e: {  	s3 =	simm.s32 @!p0 $0x1082;
	s9 =	sld [smem:$0x3FAD]  }
0x2f: {  	lr =	sadd.s32 s0, s3;
	s0 =	sld [smem:$0x3FA4]  }
0x30: {  	s3 =	sld [smem:$0x3FA7]  }
0x31: {  	[smem:$0x3FB0] =	sst s10  }
0x32: {  	s10 =	sld [smem:$0x3FAE];
	_ =	sdelay $0x3  }
0x33: {  	p0 =	seq.s32 s10, $0x1;
	s10 =	sld [smem:$0x3FB0];
	_ =	sdelay $0x3  }
0x34: {  	[smem:$0x3FB0] =	sst s10  }
0x35: {  	s10 =	sld [smem:$0x3FAF];
	_ =	sdelay $0x3  }
0x36: {  	p1 =	seq.s32 s10, $0x1;
	s10 =	sld [smem:$0x3FB0];
	_ =	sdelay $0x3  }
0x37: {  	[smem:$0x3FB0] =	sst s10  }
0x38: {  	s10 =	sld [smem:$0x3FB1]  }
0x39: {  	_ = 	snop;
	(pc) =	sbr.ind lr, $3  }
0x3a: {  	_ = 	snop  }
0x3b: {  	_ = 	snop  }
0x3c: {  	p2 =	seq.s32 s10, $0x1;
	s10 =	sld [smem:$0x3FB0]  }
0x3d: {  	_ =	shalt  }
0x3e: {  	_ =	shalt  }
0x3f: {  	_ =	shalt  }
0x40: {  	_ =	shalt  }
0x41: {  	_ =	shalt  }
0x42: {  	_ =	shalt  }
0x43: {  	_ =	shalt  }
0x44: {  	_ =	shalt  }
0x45: {  	_ =	shalt  }
0x46: {  	_ =	shalt  }
0x47: {  	_ =	shalt  }
0x48: {  	_ =	shalt  }
0x49: {  	_ =	shalt  }
0x4a: {  	_ =	shalt  }
0x4b: {  	_ =	shalt  }
0x4c: {  	_ =	shalt  }
0x4d: {  	_ =	shalt  }
0x4e: {  	_ =	shalt  }
0x4f: {  	_ =	shalt  }
0x50: {  	_ =	shalt  }
0x51: {  	_ =	shalt  }
0x52: {  	_ =	shalt  }
0x53: {  	_ =	shalt  }
0x54: {  	_ =	shalt  }
0x55: {  	_ =	shalt  }
0x56: {  	_ =	shalt  }
0x57: {  	_ =	shalt  }
0x58: {  	_ =	shalt  }
0x59: {  	_ =	shalt  }
0x5a: {  	_ =	shalt  }
0x5b: {  	_ =	shalt  }
0x5c: {  	_ =	shalt  }
0x5d: {  	_ =	shalt  }
0x5e: {  	_ =	shalt  }
0x5f: {  	_ =	shalt  }
0x60: {  	_ =	shalt  }
0x61: {  	_ =	shalt  }
0x62: {  	_ =	shalt  }
0x63: {  	_ =	shalt  }
0x64: {  	_ =	shalt  }
0x65: {  	_ =	shalt  }
0x66: {  	_ =	shalt  }
0x67: {  	_ =	shalt  }
0x68: {  	_ =	shalt  }
0x69: {  	_ =	shalt  }
0x6a: {  	_ =	shalt  }
0x6b: {  	_ =	shalt  }
0x6c: {  	_ =	shalt  }
0x6d: {  	_ =	shalt  }
0x6e: {  	_ =	shalt  }
0x6f: {  	_ =	shalt  }
0x70: {  	_ =	shalt  }
0x71: {  	_ =	shalt  }
0x72: {  	_ =	shalt  }
0x73: {  	_ =	shalt  }
0x74: {  	_ =	shalt  }
0x75: {  	_ =	shalt  }
0x76: {  	_ =	shalt  }
0x77: {  	_ =	shalt  }
0x78: {  	_ =	shalt  }
0x79: {  	_ =	shalt  }
0x7a: {  	_ =	shalt  }
0x7b: {  	_ =	shalt  }
0x7c: {  	_ =	shalt  }
0x7d: {  	_ =	shalt  }
0x7e: {  	_ =	shalt  }
0x7f: {  	_ =	shalt  }
0x80: {  	_ =	shalt  }
0x81: {  	_ =	shalt  }
0x82: {  	_ =	shalt  }
0x83: {  	_ =	shalt  }
0x84: {  	_ =	shalt  }
0x85: {  	_ =	shalt  }
0x86: {  	_ =	shalt  }
0x87: {  	_ =	shalt  }
.Lfunc_end0:
.L_simem_size_0:
called_computation_lowered:
.L_overlay_start_0:
0x88: {  	s2 =	sld [smem:$0x3FD9]  }
0x89: {  	s3 =	sld [smem:$0x3FFE];
	_ =	sdelay $0x1  }
0x8a: {  	s1 =	srdreg.scid  }
0x8b: {  	s0 =	sand.u32 $0x1, s1  }
0x8c: {  	s16 =	sshll.u32 s0, $0xA;
	s2 =	sadd.s32 s3, s2  }
0x8d: {  	s2 =	sadd.s32 s2, s16  }
0x8e: {  	[smem:$0x3FBC] =	sst s2  }
0x8f: {  	_ = 	snop  }
0x90: {  	(tm) =	ssettm $0x1  }
0x91: {  	s17 =	sld [smem:$0x3FFB];
	_ =	sdelay $0x3  }
0x92: {  	_ =	strace s17  }
0x93: {  	s2 =	sld [smem:$0x3FFC];
	_ =	sdelay $0x3  }
0x94: {  	_ =	strace s2  }
0x95: {  	s2 =	sld [smem:$0x3FFD];
	_ =	sdelay $0x3  }
0x96: {  	_ =	strace s2  }
0x97: {  	_ =	strace $0x8FFFFFFF  }
0x98: {  	s18 =	sld [smem:$0x3FDB];
	_ =	sdelay $0x1  }
0x99: {  	s19 =	simm.s32 $_scs_section_size  }
0x9a: {  	s4 =	simm.s32 $_size__tile_overlayer_lowered;
	s5 =	simm.s32 $_tile_overlayer_lowered  }
0x9b: {  	s22 =	simm.s32 $0x1BFF;
	s21 =	sshll.u32 s5, $0x1;
	s2 =	sadd.s32 s19, s18  }
0x9c: {  	s6 =	simm.s32 $0x0;
	s20 =	sshll.u32 s4, $0x1;
	s4 =	sadd.s32 s21, s2  }
0x9d: {  	[timem:s6], [sflag:s22] =	dma.local [hbm:s4], s20  }
0x9e: {  	_ =	swait.ge [sflag:s22], s20  }
0x9f: {  	s3 =	ssub.s32 $0x0, s20;
	[sflag:s22] =	ssyncset.done $0x0  }
0xa0: {  	[sflag:s22] =	ssyncadd.s32 s3;
	_ =	sdelay $0x1  }
0xa1: {  	s23 =	simm.s32 $0x1B8B  }
0xa2: {  	_ =	swait.ge [sflag:s23], $0x1  }
0xa3: {  	[sflag:s23] =	ssyncset.done $0x0  }
0xa4: {  	s25 =	simm.s32 $0x1B8E;
	s24 =	sld [smem:$0x3FFE];
	[sflag:s23] =	ssyncadd.s32 $0xFFFFFFFF  }
0xa5: {  	s26 =	simm.s32 $execute0_lowered;
	[smem:$0x3FD2] =	sst s25  }
0xa6: {  	s4 =	sshll.u32 s26, $0x1;
	_ =	strace $0x80000046;
	[dreg:$0x1] =	wrdreg $0xFFFFFFFF  }
0xa7: {  	s28 =	simm.s32 $_size_execute0_lowered;
	s2 =	sadd.s32 s2, s4;
	[dreg:$0x0] =	wrdreg $0x0  }
0xa8: {  	s4 =	sshll.u32 s28, $0x1;
	[dreg:$0x2] =	wrdreg s2  }
0xa9: {  	[dreg:$0x3] =	wrdreg s4  }
0xaa: {  	[dreg:$0x4] =	wrdreg $0xC0  }
0xab: {  	_ =	task [dreg:s6], $0x5FFFF  }
0xac: {  	[dreg:$0x1] =	wrdreg $0xFFFFFFFF  }
0xad: {  	[dreg:$0x0] =	wrdreg $0x60  }
0xae: {  	[dreg:$0x2] =	wrdreg s24  }
0xaf: {  	[dreg:$0x3] =	wrdreg $0x0  }
0xb0: {  	[dreg:$0x4] =	wrdreg $0x9  }
0xb1: {  	_ =	task.clear_ibuf [dreg:s6], $0x5FFFF;
	_ =	strace $0x90000046  }
0xb2: {  	s29 =	simm.s32 $0x9;
	_ =	strace $0x80000048  }
0xb3: {  	_ =	swait.ge [sflag:s29], $0x1  }
0xb4: {  	[sflag:s29] =	ssyncadd.s32 $0xFFFFFFFF  }
0xb5: {  	_ =	strace $0x90000048  }
0xb6: {  	_ =	sfence  }
0xb7: {  	s30 =	sld [smem:$0x0];
	_ =	sdelay $0x2  }
0xb8: {  	s31 =	sshll.u32 s1, $0xD;
	s1 =	sshrl.u32 s1, $0x2  }
0xb9: {  	s3 =	sand.u32 $0x4000, s31;
	s1 =	sadd.s32 s1, s30  }
0xba: {  	s0 =	sor.u32 s3, s0;
	s1 =	sshll.u32 s1, $0x11  }
0xbb: {  	s0 =	sor.u32 s1, s0  }
0xbc: {  	s0 =	sadd.s32 $0x8F2B, s0  }
0xbd: {  	[sflag:s0] =	ssyncadd.remote.s32 $0x1  }
0xbe: {  	_ =	sfence.sel $0xFFFF  }
0xbf: {  	[dreg:$0x0] =	wrdreg $0xFFFFFFFF;
	(pc) =	sbr.abs _section_cstart, $3  }
0xc0: {  	[dreg:$0x1] =	wrdreg $0xFFFFFFFF  }
0xc1: {  	_ =	task.clear_ibuf [dreg:s6], $0x2FFFF;
	_ =	strace $0x9FFFFFFF  }
0xc2: {  	(tm) =	ssettm $0x7FFFFFFF  }
0xc3: {  	_ =	shalt  }
tec
execute0_lowered:
.L_overlay_start_1:
0x0: {  	(tag) =	ssettag $0x1  }
0x1: {  	s4 =	rddreg [dreg:$0x0]  }
0x2: {  	s2 =	rddreg [dreg:$0x1]  }
0x3: {  	s0 =	rddreg [dreg:$0x2];
	s1 =	stileid.u32  }
0x4: {  	s3 =	simm.s32 $0x0;
	s6 =	srdreg.scid;
	s5 =	smul.u32 $0x9E0, s1  }
0x5: {  	s20 =	simm.s32 $0x0;
	[smem:$0x7FF] =	sst s3;
	s24 =	smul.u32 $0x50000, s1  }
0x6: {  	s11 =	sand.u32 $0x1, s6;
	s8 =	smul.u32 $0x14000, s1;
	s13 =	sadd.s32 $0xD200, s4  }
0x7: {  	_ =	strace $0x80000047;
	s25 =	ssub.s32 $0x2, s11;
	s12 =	smul.u32 $0x140000, s11  }
0x8: {  	s30 =	smul.u32 $0x4F0, s11;
	s15 =	sadd.s32 s5, s4;
	s7 =	sshrl.u32 s25, $0x1  }
0x9: {  	s6 =	sshrl.u32 s24, $0x2;
	s9 =	sadd.s32 $0x4000, s8;
	s10 =	sadd.s32 $0x8000, s8  }
0xa: {  	s16 =	sadd.s32 $0xC000, s8;
	s17 =	sadd.s32 $0x10000, s8;
	s14 =	ssub.s32 s25, s7  }
0xb: {  	s4 =	sadd.s32 s6, s2;
	s5 =	sadd.s32 s9, s2;
	s6 =	sadd.s32 s10, s2  }
0xc: {  	s7 =	sadd.s32 s16, s2;
	s18 =	sadd.s32 s8, s12;
	s8 =	sadd.s32 s17, s2  }
0xd: {  	s19 =	sadd.s32 s12, s9;
	s28 =	sadd.s32 s12, s10;
	s16 =	sadd.s32 s12, s16  }
0xe: {  	s17 =	sadd.s32 s12, s17;
	s15 =	sadd.s32 s30, s15;
	s18 =	sshrl.u32 s18, $0x3  }
0xf: {  	s26 =	sshrl.u32 s19, $0x3;
	s29 =	sshrl.u32 s28, $0x3;
	s16 =	sshrl.u32 s16, $0x3  }
0x10: {  	s31 =	sshrl.u32 s17, $0x3;
	s14 =	smax.u32 s14, $0x1;
	s15 =	sadd.s32 $0x3400, s15  }
0x11: {  	s17 =	simm.s32 $0x1;
	s19 =	simm.s32 $0x80;
	s9 =	sadd.s32 s13, s18  }
0x12: {  	s10 =	sadd.s32 s13, s26;
	s11 =	sadd.s32 s13, s29;
	s12 =	sadd.s32 s13, s16  }
0x13: {  	v0 =	vimm.f32 $0.0e+00;
	v1 =	vimm.f32 $1.000000000e+00;
	s13 =	sadd.s32 s13, s31;
	s16 =	simm.s32 $0x14080;
	s18 =	simm.s32 $0x14000  }
.LBB2_1:
0x14: {  	s21 =	simm.s32 $0x0;
	s22 =	simm.s32 $0x200  }
.LBB2_2:
0x15: {  	p0 =	sne.s32 s22, $0xFE00;
	[tilespmem:s21+$0x140F0] =	vst v0  }
0x16: {  	[tilespmem:s21+$0x14080] =	vst v0  }
0x17: {  	[tilespmem:s21+$0x14090] =	vst v0  }
.Ltmp0:
0x18: {  	[tilespmem:s21+$0x140A0] =	vst v0;
	(pc) =	sbr.rel @p0 .LBB2_2-.Ltmp0, $4  }
0x19: {  	[tilespmem:s21+$0x140B0] =	vst v0  }
0x1a: {  	[tilespmem:s21+$0x140C0] =	vst v0  }
0x1b: {  	[tilespmem:s21+$0x140D0] =	vst v0  }
0x1c: {  	[tilespmem:s21+$0x140E0] =	vst v0;
	s21 =	sshra.s32 s22, $0x2;
	s22 =	sadd.s32 $0x200, s22  }
0x1d: {  	[tilespmem:s21+$0x140F0] =	vst v0  }
0x1e: {  	[tilespmem:s21+$0x14080] =	vst v0  }
0x1f: {  	[tilespmem:s21+$0x14090] =	vst v0  }
0x20: {  	[tilespmem:s21+$0x140A0] =	vst v0  }
0x21: {  	[tilespmem:s21+$0x140B0] =	vst v0  }
0x22: {  	[tilespmem:s21+$0x140C0] =	vst v0  }
0x23: {  	[tilespmem:s21+$0x140D0] =	vst v0  }
0x24: {  	[tilespmem:s21+$0x140E0] =	vst v0  }
0x25: {  	[spmem:s4] =	stream.linear.scatter [tilespmem:s16], [sflag:$0x1], $0x4000, $0x38;
	[tilespmem:$0x18080] =	vst v63  }
0x26: {  	_ =	swait.ge [sflag:s17], $0x4000  }
0x27: {  	[sflag:s17] =	ssyncset.done $0x0  }
0x28: {  	[sflag:s17] =	ssyncadd.s32 $0xFFFFC000  }
0x29: {  	[spmem:s5] =	stream.linear.scatter [tilespmem:s16], [sflag:$0x1], $0x4000, $0x38;
	[tilespmem:$0x18080] =	vst v63  }
0x2a: {  	_ =	swait.ge [sflag:s17], $0x4000  }
0x2b: {  	[sflag:s17] =	ssyncset.done $0x0  }
0x2c: {  	[sflag:s17] =	ssyncadd.s32 $0xFFFFC000  }
0x2d: {  	[spmem:s6] =	stream.linear.scatter [tilespmem:s16], [sflag:$0x1], $0x4000, $0x38;
	[tilespmem:$0x18080] =	vst v63  }
0x2e: {  	_ =	swait.ge [sflag:s17], $0x4000  }
0x2f: {  	[sflag:s17] =	ssyncset.done $0x0  }
0x30: {  	[sflag:s17] =	ssyncadd.s32 $0xFFFFC000  }
0x31: {  	[spmem:s7] =	stream.linear.scatter [tilespmem:s16], [sflag:$0x1], $0x4000, $0x38;
	[tilespmem:$0x18080] =	vst v63  }
0x32: {  	_ =	swait.ge [sflag:s17], $0x4000  }
0x33: {  	[sflag:s17] =	ssyncset.done $0x0  }
0x34: {  	[sflag:s17] =	ssyncadd.s32 $0xFFFFC000  }
0x35: {  	[spmem:s8] =	stream.linear.scatter [tilespmem:s16], [sflag:$0x1], $0x4000, $0x38;
	[tilespmem:$0x18080] =	vst v63  }
0x36: {  	_ =	swait.ge [sflag:s17], $0x4000  }
0x37: {  	[sflag:s17] =	ssyncset.done $0x0  }
0x38: {  	[sflag:s17] =	ssyncadd.s32 $0xFFFFC000  }
0x39: {  	s21 =	simm.s32 $0x0;
	s22 =	simm.s32 $0x200;
	[bflag:$0x0] =	sbarrier.arrive $0xFFFF  }
.LBB2_4:
0x3a: {  	p0 =	sne.s32 s22, $0xFE00;
	[tilespmem:s21+$0x140F0] =	vst v1  }
0x3b: {  	[tilespmem:s21+$0x14080] =	vst v1  }
0x3c: {  	[tilespmem:s21+$0x14090] =	vst v1  }
.Ltmp1:
0x3d: {  	[tilespmem:s21+$0x140A0] =	vst v1;
	(pc) =	sbr.rel @p0 .LBB2_4-.Ltmp1, $4  }
0x3e: {  	[tilespmem:s21+$0x140B0] =	vst v1  }
0x3f: {  	[tilespmem:s21+$0x140C0] =	vst v1  }
0x40: {  	[tilespmem:s21+$0x140D0] =	vst v1  }
0x41: {  	[tilespmem:s21+$0x140E0] =	vst v1;
	s21 =	sshra.s32 s22, $0x2;
	s22 =	sadd.s32 $0x200, s22  }
0x42: {  	[tilespmem:s21+$0x140F0] =	vst v1  }
0x43: {  	[tilespmem:s21+$0x14080] =	vst v1  }
0x44: {  	[tilespmem:s21+$0x14090] =	vst v1  }
0x45: {  	[tilespmem:s21+$0x140A0] =	vst v1  }
0x46: {  	[tilespmem:s21+$0x140B0] =	vst v1  }
0x47: {  	[tilespmem:s21+$0x140C0] =	vst v1  }
0x48: {  	[tilespmem:s21+$0x140D0] =	vst v1  }
0x49: {  	[tilespmem:s21+$0x140E0] =	vst v1;
	s31 =	sadd.s32 $0x0, s15  }
0x4a: {  	[tilespmem:s18], [sflag:$0x1] =	stream.linear.gather [hbm4b:s31+s3], $0x80, $0x38;
	[tilespmem:$0x18080] =	vst v63  }
0x4b: {  	_ =	swait.ge [sflag:s17], $0x80  }
0x4c: {  	[sflag:s17] =	ssyncset.done $0x0  }
0x4d: {  	[sflag:s17] =	ssyncadd.s32 $0xFFFFFF80  }
0x4e: {  	[spmem:s2] =	stream.indirect.scatter.add.f32 [tilespmem:s16], [sflag:$0x1], $0x80, s18, s19, $0xb8;
	[tilespmem:$0x18080] =	vst v63  }
0x4f: {  	_ =	swait.ge [sflag:s17], $0x4000  }
0x50: {  	s21 =	simm.s32 $0x10;
	s22 =	simm.s32 $0x20;
	[sflag:s17] =	ssyncset.done $0x0  }
.LBB2_6:
0x51: {  	s23 =	sadd.s32 s21, s15  }
0x52: {  	[sflag:s17] =	ssyncadd.s32 $0xFFFFC000;
	s21 =	smov.u32 s22;
	s24 =	sadd.s32 $0x10, s22  }
0x53: {  	[tilespmem:s18], [sflag:$0x1] =	stream.linear.gather [hbm4b:s23+s3], $0x80, $0x38;
	[tilespmem:$0x18080] =	vst v63  }
0x54: {  	p0 =	sne.s32 s22, $0x4E0;
	_ =	swait.ge [sflag:s17], $0x80  }
.Ltmp2:
0x55: {  	[sflag:s17] =	ssyncset.done $0x0;
	(pc) =	sbr.rel @p0 .LBB2_6-.Ltmp2, $4  }
0x56: {  	[sflag:s17] =	ssyncadd.s32 $0xFFFFFF80  }
0x57: {  	[spmem:s2] =	stream.indirect.scatter.add.f32 [tilespmem:s16], [sflag:$0x1], $0x80, s18, s19, $0xb8;
	[tilespmem:$0x18080] =	vst v63  }
0x58: {  	_ =	swait.ge [sflag:s17], $0x4000  }
0x59: {  	s22 =	smov.u32 s24;
	[sflag:s17] =	ssyncset.done $0x0  }
0x5a: {  	s21 =	sadd.s32 s21, s15;
	[sflag:s17] =	ssyncadd.s32 $0xFFFFC000  }
0x5b: {  	[tilespmem:s18], [sflag:$0x1] =	stream.linear.gather [hbm4b:s21+s3], $0x80, $0x38;
	[tilespmem:$0x18080] =	vst v63  }
0x5c: {  	_ =	swait.ge [sflag:s17], $0x80  }
0x5d: {  	[sflag:s17] =	ssyncset.done $0x0  }
0x5e: {  	[sflag:s17] =	ssyncadd.s32 $0xFFFFFF80  }
0x5f: {  	[spmem:s2] =	stream.indirect.scatter.add.f32 [tilespmem:s16], [sflag:$0x1], $0x80, s18, s19, $0xb8;
	[tilespmem:$0x18080] =	vst v63  }
0x60: {  	_ =	swait.ge [sflag:s17], $0x4000  }
0x61: {  	[sflag:s17] =	ssyncset.done $0x0  }
0x62: {  	[sflag:s17] =	ssyncadd.s32 $0xFFFFC000  }
0x63: {  	[bflag:$0x0] =	sbarrier.arrive $0xFFFF  }
0x64: {  	[tilespmem:s16], [sflag:$0x1] =	stream.linear.gather [spmem:s4], $0x4000, $0x38;
	[tilespmem:$0x18080] =	vst v63  }
0x65: {  	_ =	swait.ge [sflag:s17], $0x4000  }
0x66: {  	[sflag:s17] =	ssyncset.done $0x0  }
0x67: {  	[sflag:s17] =	ssyncadd.s32 $0xFFFFC000  }
0x68: {  	[hbm4b:s9+s3] =	stream.linear.scatter [tilespmem:s16], [sflag:$0x1], $0x4000, $0x38;
	[tilespmem:$0x18080] =	vst v63  }
0x69: {  	_ =	swait.ge [sflag:s17], $0x4000  }
0x6a: {  	[sflag:s17] =	ssyncset.done $0x0  }
0x6b: {  	[sflag:s17] =	ssyncadd.s32 $0xFFFFC000  }
0x6c: {  	[tilespmem:s16], [sflag:$0x1] =	stream.linear.gather [spmem:s5], $0x4000, $0x38;
	[tilespmem:$0x18080] =	vst v63  }
0x6d: {  	_ =	swait.ge [sflag:s17], $0x4000  }
0x6e: {  	[sflag:s17] =	ssyncset.done $0x0  }
0x6f: {  	[sflag:s17] =	ssyncadd.s32 $0xFFFFC000  }
0x70: {  	[hbm4b:s10+s3] =	stream.linear.scatter [tilespmem:s16], [sflag:$0x1], $0x4000, $0x38;
	[tilespmem:$0x18080] =	vst v63  }
0x71: {  	_ =	swait.ge [sflag:s17], $0x4000  }
0x72: {  	[sflag:s17] =	ssyncset.done $0x0  }
0x73: {  	[sflag:s17] =	ssyncadd.s32 $0xFFFFC000  }
0x74: {  	[tilespmem:s16], [sflag:$0x1] =	stream.linear.gather [spmem:s6], $0x4000, $0x38;
	[tilespmem:$0x18080] =	vst v63  }
0x75: {  	_ =	swait.ge [sflag:s17], $0x4000  }
0x76: {  	[sflag:s17] =	ssyncset.done $0x0  }
0x77: {  	[sflag:s17] =	ssyncadd.s32 $0xFFFFC000  }
0x78: {  	[hbm4b:s11+s3] =	stream.linear.scatter [tilespmem:s16], [sflag:$0x1], $0x4000, $0x38;
	[tilespmem:$0x18080] =	vst v63  }
0x79: {  	_ =	swait.ge [sflag:s17], $0x4000  }
0x7a: {  	[sflag:s17] =	ssyncset.done $0x0  }
0x7b: {  	[sflag:s17] =	ssyncadd.s32 $0xFFFFC000  }
0x7c: {  	[tilespmem:s16], [sflag:$0x1] =	stream.linear.gather [spmem:s7], $0x4000, $0x38;
	[tilespmem:$0x18080] =	vst v63  }
0x7d: {  	_ =	swait.ge [sflag:s17], $0x4000  }
0x7e: {  	[sflag:s17] =	ssyncset.done $0x0  }
0x7f: {  	[sflag:s17] =	ssyncadd.s32 $0xFFFFC000  }
0x80: {  	[hbm4b:s12+s3] =	stream.linear.scatter [tilespmem:s16], [sflag:$0x1], $0x4000, $0x38;
	[tilespmem:$0x18080] =	vst v63  }
0x81: {  	_ =	swait.ge [sflag:s17], $0x4000  }
0x82: {  	[sflag:s17] =	ssyncset.done $0x0  }
0x83: {  	[sflag:s17] =	ssyncadd.s32 $0xFFFFC000  }
0x84: {  	[tilespmem:s16], [sflag:$0x1] =	stream.linear.gather [spmem:s8], $0x4000, $0x38;
	[tilespmem:$0x18080] =	vst v63  }
0x85: {  	s20 =	sadd.s32 $0x1, s20;
	_ =	swait.ge [sflag:s17], $0x4000  }
0x86: {  	p0 =	sne.s32 s20, s14;
	[sflag:s17] =	ssyncset.done $0x0  }
.Ltmp3:
0x87: {  	[sflag:s17] =	ssyncadd.s32 $0xFFFFC000;
	(pc) =	sbr.rel @p0 .LBB2_1-.Ltmp3, $4  }
0x88: {  	[hbm4b:s13+s3] =	stream.linear.scatter [tilespmem:s16], [sflag:$0x1], $0x4000, $0x38;
	[tilespmem:$0x18080] =	vst v63  }
0x89: {  	_ =	swait.ge [sflag:s17], $0x4000  }
0x8a: {  	[sflag:s17] =	ssyncset.done $0x0  }
0x8b: {  	[sflag:s17] =	ssyncadd.s32 $0xFFFFC000  }
0x8c: {  	_ =	sfence.sel $0x180000  }
0x8d: {  	[bflag:$0x0] =	sbarrier.arrive $0xFFFF  }
0x8e: {  	p0 =	sne.s32 s1, $0x0;
	_ =	strace $0x90000047  }
0x8f: {  	s0 =	sadd.s32 @!p0 $0x100000, s0;
	[bflag:$0x2] =	sbarrier.arrive $0xFFFF  }
0x90: {  	[sflag:s0] =	ssyncadd.tile.s32 @!p0 $0x1;
	_ =	shalt  }
.Lfunc_end2:
_tile_overlayer_lowered:
.L_overlay_start_2:
0x91: {  	(tag) =	ssettag $0x2  }
0x92: {  	s0 =	rddreg [dreg:$0x0];
	s2 =	stileid.u32  }
0x93: {  	s1 =	rddreg [dreg:$0x1];
	p0 =	sne.s32 s2, $0x0  }
0x94: {  	s3 =	rddreg [dreg:$0x2];
	[bflag:$0x3] =	sbarrier.arrive $0xFFFF;
	s2 =	simm.s32 @!p0 $0x1C01  }
0x95: {  	[timem:s3], [sflag:s2] =	dma.local @!p0 [hbm:s0], s1  }
0x96: {  	s0 =	simm.s32 @!p0 $0x1  }
0x97: {  	_ =	swait.ge @!p0 [sflag:s0], s1  }
0x98: {  	s1 =	ssub.s32 @!p0 $0x0, s1;
	[sflag:s0] =	ssyncset.done @!p0 $0x0  }
0x99: {  	[sflag:s0] =	ssyncadd.s32 @!p0 s1  }
0x9a: {  	[bflag:$0x3] =	sbarrier.arrive $0xFFFF  }
0x9b: {  	_ =	shalt  }

// kernel: kernel.14.cloned.1.call-start
scs
__scs_entry_jumppad:
0x0: {  	(pc) =	sbr.rel $0x88, $3  }
0x1: {  	(tag) =	ssettag $0x0;
	lr =	simm.s32 $0x1  }
0x2: {  	[smem:$0x3F95] =	sst lr;
	_ =	strace $0xD0000000  }
0x3: {  	_ = 	snop  }
0x4: {  	_ = 	snop  }
0x5: {  	_ = 	snop  }
0x6: {  	_ = 	snop  }
0x7: {  	_ = 	snop  }
__scs_overlays_trampoline_lowered:
0x8: {  	[smem:$0x3FA4] =	sst s0  }
0x9: {  	[smem:$0x3FA5] =	sst s1  }
0xa: {  	[smem:$0x3FA6] =	sst s2  }
0xb: {  	[smem:$0x3FA7] =	sst s3  }
0xc: {  	[smem:$0x3FA8] =	sst s4  }
0xd: {  	[smem:$0x3FA9] =	sst s5  }
0xe: {  	[smem:$0x3FAA] =	sst s6  }
0xf: {  	[smem:$0x3FAB] =	sst s7  }
0x10: {  	[smem:$0x3FAC] =	sst s8  }
0x11: {  	[smem:$0x3FAD] =	sst s9;
	s0 =	simm.s32 @!p0 $0x0  }
0x12: {  	s1 =	sld [smem:$0x3F93];
	s0 =	simm.s32 @p0 $0x1  }
0x13: {  	[smem:$0x3FAE] =	sst s0;
	s0 =	simm.s32 @!p1 $0x0  }
0x14: {  	s2 =	sld [smem:$0x3F92];
	s0 =	simm.s32 @p1 $0x1  }
0x15: {  	[smem:$0x3FAF] =	sst s0;
	s0 =	simm.s32 @!p2 $0x0  }
0x16: {  	s3 =	sld [smem:$0x3FDB];
	s0 =	simm.s32 @p2 $0x1  }
0x17: {  	s4 =	simm.s32 $0x1BF5;
	[smem:$0x3FB1] =	sst s0  }
0x18: {  	s0 =	sld [smem:$0x3F94];
	_ =	swait.ge [sflag:s4], $0x0  }
0x19: {  	s7 =	sld [smem:$0x3F95]  }
0x1a: {  	s8 =	sadd.s32 $0xFFFFE003, lr  }
0x1b: {  	s9 =	sadd.s32 $0xFFFFFEF7, lr;
	s5 =	simm.s32 $0xFFFFFFFF;
	p2 =	slt.u32 s8, $0xFFFFF086  }
0x1c: {  	p1 =	slt.u32 s9, $0xF7A;
	s5 =	simm.s32 @!p2 $0x0  }
0x1d: {  	s5 =	simm.s32 @p1 $0x1;
	p0 =	seq.s32 s7, s2  }
0x1e: {  	s7 =	smul.u32 @!p0 $0xF7A, s2;
	p2 =	seq.s32 @!p0 s5, $0x0  }
0x1f: {  	s9 =	smul.u32 $0xF7A, s1;
	s8 =	simm.s32 @!p0 $0x1BF5;
	p2 =	por !p2, p0  }
0x20: {  	[sflag:s8] =	ssyncset.s32 @!p0 $0xFFFFF086;
	s6 =	sadd.s32 @!p0 s3, s7;
	s7 =	simm.s32 @!p0 $0x108  }
0x21: {  	s3 =	sadd.s32 s3, s9;
	s6 =	sadd.s32 @!p0 $0x88, s6;
	s7 =	simm.s32 @p2 $0x1082  }
0x22: {  	[simem:s7], [sflag:s8] =	dma.local @!p0 [hbm:s6], $0xF7A  }
0x23: {  	s9 =	sor.u32 $0xD0000000, s2;
	s6 =	simm.s32 $0x108;
	_ =	swait.ge @!p0 [sflag:s8], $0x0  }
0x24: {  	s3 =	sadd.s32 $0x88, s3;
	s6 =	simm.s32 @!p1 $0x1082;
	[sflag:s4] =	ssyncset.s32 $0xFFFFF086  }
0x25: {  	[simem:s6], [sflag:s4] =	dma.local [hbm:s3], $0xF7A  }
0x26: {  	[smem:$0x3F95] =	sst s1;
	(tag) =	ssettag s2;
	_ =	strace s9  }
0x27: {  	s1 =	sld [smem:$0x3FA5]  }
0x28: {  	s2 =	sld [smem:$0x3FA6]  }
0x29: {  	s4 =	sld [smem:$0x3FA8]  }
0x2a: {  	p0 =	seq.s32 s5, $0x0;
	s5 =	sld [smem:$0x3FA9]  }
0x2b: {  	s6 =	sld [smem:$0x3FAA]  }
0x2c: {  	s7 =	sld [smem:$0x3FAB]  }
0x2d: {  	s3 =	simm.s32 $0x108;
	s8 =	sld [smem:$0x3FAC]  }
0x2e: {  	s3 =	simm.s32 @!p0 $0x1082;
	s9 =	sld [smem:$0x3FAD]  }
0x2f: {  	lr =	sadd.s32 s0, s3;
	s0 =	sld [smem:$0x3FA4]  }
0x30: {  	s3 =	sld [smem:$0x3FA7]  }
0x31: {  	[smem:$0x3FB0] =	sst s10  }
0x32: {  	s10 =	sld [smem:$0x3FAE];
	_ =	sdelay $0x3  }
0x33: {  	p0 =	seq.s32 s10, $0x1;
	s10 =	sld [smem:$0x3FB0];
	_ =	sdelay $0x3  }
0x34: {  	[smem:$0x3FB0] =	sst s10  }
0x35: {  	s10 =	sld [smem:$0x3FAF];
	_ =	sdelay $0x3  }
0x36: {  	p1 =	seq.s32 s10, $0x1;
	s10 =	sld [smem:$0x3FB0];
	_ =	sdelay $0x3  }
0x37: {  	[smem:$0x3FB0] =	sst s10  }
0x38: {  	s10 =	sld [smem:$0x3FB1]  }
0x39: {  	_ = 	snop;
	(pc) =	sbr.ind lr, $3  }
0x3a: {  	_ = 	snop  }
0x3b: {  	_ = 	snop  }
0x3c: {  	p2 =	seq.s32 s10, $0x1;
	s10 =	sld [smem:$0x3FB0]  }
0x3d: {  	_ =	shalt  }
0x3e: {  	_ =	shalt  }
0x3f: {  	_ =	shalt  }
0x40: {  	_ =	shalt  }
0x41: {  	_ =	shalt  }
0x42: {  	_ =	shalt  }
0x43: {  	_ =	shalt  }
0x44: {  	_ =	shalt  }
0x45: {  	_ =	shalt  }
0x46: {  	_ =	shalt  }
0x47: {  	_ =	shalt  }
0x48: {  	_ =	shalt  }
0x49: {  	_ =	shalt  }
0x4a: {  	_ =	shalt  }
0x4b: {  	_ =	shalt  }
0x4c: {  	_ =	shalt  }
0x4d: {  	_ =	shalt  }
0x4e: {  	_ =	shalt  }
0x4f: {  	_ =	shalt  }
0x50: {  	_ =	shalt  }
0x51: {  	_ =	shalt  }
0x52: {  	_ =	shalt  }
0x53: {  	_ =	shalt  }
0x54: {  	_ =	shalt  }
0x55: {  	_ =	shalt  }
0x56: {  	_ =	shalt  }
0x57: {  	_ =	shalt  }
0x58: {  	_ =	shalt  }
0x59: {  	_ =	shalt  }
0x5a: {  	_ =	shalt  }
0x5b: {  	_ =	shalt  }
0x5c: {  	_ =	shalt  }
0x5d: {  	_ =	shalt  }
0x5e: {  	_ =	shalt  }
0x5f: {  	_ =	shalt  }
0x60: {  	_ =	shalt  }
0x61: {  	_ =	shalt  }
0x62: {  	_ =	shalt  }
0x63: {  	_ =	shalt  }
0x64: {  	_ =	shalt  }
0x65: {  	_ =	shalt  }
0x66: {  	_ =	shalt  }
0x67: {  	_ =	shalt  }
0x68: {  	_ =	shalt  }
0x69: {  	_ =	shalt  }
0x6a: {  	_ =	shalt  }
0x6b: {  	_ =	shalt  }
0x6c: {  	_ =	shalt  }
0x6d: {  	_ =	shalt  }
0x6e: {  	_ =	shalt  }
0x6f: {  	_ =	shalt  }
0x70: {  	_ =	shalt  }
0x71: {  	_ =	shalt  }
0x72: {  	_ =	shalt  }
0x73: {  	_ =	shalt  }
0x74: {  	_ =	shalt  }
0x75: {  	_ =	shalt  }
0x76: {  	_ =	shalt  }
0x77: {  	_ =	shalt  }
0x78: {  	_ =	shalt  }
0x79: {  	_ =	shalt  }
0x7a: {  	_ =	shalt  }
0x7b: {  	_ =	shalt  }
0x7c: {  	_ =	shalt  }
0x7d: {  	_ =	shalt  }
0x7e: {  	_ =	shalt  }
0x7f: {  	_ =	shalt  }
0x80: {  	_ =	shalt  }
0x81: {  	_ =	shalt  }
0x82: {  	_ =	shalt  }
0x83: {  	_ =	shalt  }
0x84: {  	_ =	shalt  }
0x85: {  	_ =	shalt  }
0x86: {  	_ =	shalt  }
0x87: {  	_ =	shalt  }
.Lfunc_end0:
.L_simem_size_0:
called_computation.1_lowered:
.L_overlay_start_0:
0x88: {  	s2 =	sld [smem:$0x3FD9]  }
0x89: {  	s3 =	sld [smem:$0x3FFE];
	_ =	sdelay $0x1  }
0x8a: {  	s1 =	srdreg.scid  }
0x8b: {  	s0 =	sand.u32 $0x1, s1  }
0x8c: {  	s17 =	sshll.u32 s0, $0xA;
	s2 =	sadd.s32 s3, s2  }
0x8d: {  	s2 =	sadd.s32 s2, s17  }
0x8e: {  	[smem:$0x3FBC] =	sst s2  }
0x8f: {  	_ = 	snop  }
0x90: {  	(tm) =	ssettm $0x1  }
0x91: {  	s18 =	sld [smem:$0x3FFB];
	_ =	sdelay $0x3  }
0x92: {  	_ =	strace s18  }
0x93: {  	s2 =	sld [smem:$0x3FFC];
	_ =	sdelay $0x3  }
0x94: {  	_ =	strace s2  }
0x95: {  	s2 =	sld [smem:$0x3FFD];
	_ =	sdelay $0x3  }
0x96: {  	_ =	strace s2  }
0x97: {  	_ =	strace $0x8FFFFFFF  }
0x98: {  	s19 =	sld [smem:$0x3FDB];
	_ =	sdelay $0x1  }
0x99: {  	s20 =	simm.s32 $_scs_section_size  }
0x9a: {  	s4 =	simm.s32 $_size__tile_overlayer_lowered;
	s5 =	simm.s32 $_tile_overlayer_lowered  }
0x9b: {  	s6 =	simm.s32 $0x1BFF;
	s21 =	sshll.u32 s5, $0x1;
	s3 =	sadd.s32 s20, s19  }
0x9c: {  	s22 =	simm.s32 $0x0;
	s4 =	sshll.u32 s4, $0x1;
	s5 =	sadd.s32 s21, s3  }
0x9d: {  	[timem:s22], [sflag:s6] =	dma.local [hbm:s5], s4  }
0x9e: {  	_ =	swait.ge [sflag:s6], s4  }
0x9f: {  	s4 =	ssub.s32 $0x0, s4;
	[sflag:s6] =	ssyncset.done $0x0  }
0xa0: {  	[sflag:s6] =	ssyncadd.s32 s4;
	_ =	sdelay $0x1  }
0xa1: {  	s23 =	simm.s32 $0x1B8B  }
0xa2: {  	_ =	swait.ge [sflag:s23], $0x1  }
0xa3: {  	[sflag:s23] =	ssyncset.done $0x0  }
0xa4: {  	[sflag:s23] =	ssyncadd.s32 $0xFFFFFFFF  }
0xa5: {  	s4 =	sld [smem:$0x0]  }
0xa6: {  	s5 =	sand.u32 $0xFFFFFFFE, s1  }
0xa7: {  	p0 =	sne.s32 s1, s5  }
0xa8: {  	s5 =	sshll.u32 @p0 s5, $0xE  }
0xa9: {  	s5 =	sadd.s32 @p0 $0x11B8D, s5;
	s6 =	sshll.u32 @p0 s4, $0x11  }
0xaa: {  	s5 =	sor.u32 @p0 s6, s5  }
0xab: {  	[sflag:s5] =	ssyncadd.remote.s32 @p0 $0x1;
	_ =	sdelay $0x1  }
0xac: {  	s5 =	simm.s32 @p0 $0x1B8D  }
0xad: {  	_ =	swait.eq @p0 [sflag:s5], $0x1  }
0xae: {  	[sflag:s5] =	ssyncadd.s32 @p0 $0xFFFFFFFF  }
0xaf: {  	s6 =	sshll.u32 @!p0 s1, $0xE  }
0xb0: {  	s6 =	sor.u32 @!p0 $0x4000, s6;
	s5 =	simm.s32 @!p0 $0x1B8D  }
0xb1: {  	s4 =	sshll.u32 @!p0 s4, $0x11;
	s6 =	sadd.s32 @!p0 $0x11B8D, s6;
	_ =	swait.eq @!p0 [sflag:s5], $0x1  }
0xb2: {  	s4 =	sor.u32 @!p0 s4, s6;
	[sflag:s5] =	ssyncadd.s32 @!p0 $0xFFFFFFFF  }
0xb3: {  	s25 =	simm.s32 $0x1B8E;
	s24 =	sld [smem:$0x3FFE];
	[sflag:s4] =	ssyncadd.remote.s32 @!p0 $0x1  }
0xb4: {  	s26 =	simm.s32 $execute0_lowered;
	[smem:$0x3FD2] =	sst s25  }
0xb5: {  	s5 =	sshll.u32 s26, $0x1;
	_ =	strace $0x80000049;
	[dreg:$0x1] =	wrdreg $0xFFFFFFFF  }
0xb6: {  	s28 =	simm.s32 $_size_execute0_lowered;
	s3 =	sadd.s32 s3, s5;
	[dreg:$0x0] =	wrdreg $0x0  }
0xb7: {  	s5 =	sshll.u32 s28, $0x1;
	[dreg:$0x2] =	wrdreg s3  }
0xb8: {  	[dreg:$0x3] =	wrdreg s5  }
0xb9: {  	[dreg:$0x4] =	wrdreg $0xC0  }
0xba: {  	_ =	task [dreg:s22], $0x5FFFF  }
0xbb: {  	[dreg:$0x1] =	wrdreg $0xFFFFFFFF  }
0xbc: {  	[dreg:$0x0] =	wrdreg $0x60  }
0xbd: {  	[dreg:$0x2] =	wrdreg s24  }
0xbe: {  	[dreg:$0x3] =	wrdreg $0x0  }
0xbf: {  	[dreg:$0x4] =	wrdreg $0xA  }
0xc0: {  	_ =	task.clear_ibuf [dreg:s22], $0x5FFFF;
	_ =	strace $0x90000049  }
0xc1: {  	s29 =	simm.s32 $0xA;
	_ =	strace $0x8000004B  }
0xc2: {  	_ =	swait.ge [sflag:s29], $0x1  }
0xc3: {  	[sflag:s29] =	ssyncadd.s32 $0xFFFFFFFF  }
0xc4: {  	_ =	strace $0x9000004B  }
0xc5: {  	_ =	sfence  }
0xc6: {  	s30 =	sld [smem:$0x0];
	_ =	sdelay $0x2  }
0xc7: {  	s31 =	sshll.u32 s1, $0xD;
	s1 =	sshrl.u32 s1, $0x2  }
0xc8: {  	s4 =	sand.u32 $0x4000, s31;
	s1 =	sadd.s32 s1, s30  }
0xc9: {  	s0 =	sor.u32 s4, s0;
	s1 =	sshll.u32 s1, $0x11  }
0xca: {  	s0 =	sor.u32 s1, s0  }
0xcb: {  	s0 =	sadd.s32 $0x8F2B, s0  }
0xcc: {  	[sflag:s0] =	ssyncadd.remote.s32 $0x1  }
0xcd: {  	_ =	sfence.sel $0xFFFF  }
0xce: {  	[dreg:$0x0] =	wrdreg $0xFFFFFFFF;
	(pc) =	sbr.abs _section_cstart, $3  }
0xcf: {  	[dreg:$0x1] =	wrdreg $0xFFFFFFFF  }
0xd0: {  	_ =	task.clear_ibuf [dreg:s22], $0x2FFFF;
	_ =	strace $0x9FFFFFFF  }
0xd1: {  	(tm) =	ssettm $0x7FFFFFFF  }
tec
execute0_lowered:
.L_overlay_start_1:
0x0: {  	(tag) =	ssettag $0x1  }
0x1: {  	s0 =	rddreg [dreg:$0x0]  }
0x2: {  	s2 =	rddreg [dreg:$0x1];
	s8 =	stileid.u32  }
0x3: {  	s3 =	simm.s32 $0x0;
	s1 =	srdreg.scid;
	s10 =	simm.s32 $0x39  }
0x4: {  	s19 =	simm.s32 $0x14200;
	s20 =	simm.s32 $0x5;
	s4 =	smul.u32 $0x2C, s8  }
0x5: {  	s28 =	simm.s32 $0x1;
	s29 =	simm.s32 $0x2;
	s5 =	smul.u32 $0x72, s8  }
0x6: {  	s30 =	simm.s32 $0x3;
	s31 =	simm.s32 $0x4;
	s21 =	smul.u32 $0x50000, s8  }
0x7: {  	[smem:$0x7FF] =	sst s3;
	s1 =	sand.u32 $0x1, s1;
	s11 =	smul.u32 $0x14000, s8  }
0x8: {  	_ =	strace $0x8000004A;
	p0 =	seq.s32 s1, $0x0;
	s7 =	ssub.s32 $0x2, s1  }
0x9: {  	s1 =	smul.u32 $0x140000, s1;
	s6 =	sadd.s32 $0x720, s4;
	s4 =	sadd.s32 $0x67000, s0  }
0xa: {  	s22 =	sshrl.u32 s7, $0x1;
	s13 =	sadd.s32 $0x4000, s11;
	s14 =	sadd.s32 $0x8000, s11  }
0xb: {  	s15 =	sadd.s32 $0xC000, s11;
	s17 =	sadd.s32 $0x10000, s11;
	s10 =	simm.s32 @!p0 $0x16  }
0xc: {  	s6 =	smov.u32 @p0 s5;
	s16 =	ssub.s32 s7, s22;
	s5 =	sshrl.u32 s21, $0x2  }
0xd: {  	s7 =	sadd.s32 s14, s2;
	s8 =	sadd.s32 s15, s2;
	s9 =	sadd.s32 s17, s2  }
0xe: {  	s11 =	sadd.s32 s11, s1;
	s24 =	sadd.s32 s1, s14;
	s25 =	sadd.s32 s1, s15  }
0xf: {  	s21 =	simm.s32 $0x14000;
	s22 =	simm.s32 $0x14080;
	s6 =	sshll.u32 s6, $0x4  }
0x10: {  	s5 =	sadd.s32 s5, s2;
	s11 =	sshrl.u32 s11, $0x3;
	s26 =	sshrl.u32 s25, $0x3  }
0x11: {  	s16 =	smax.u32 s16, $0x1;
	s25 =	simm.s32 $0x14180;
	s12 =	sadd.s32 s6, s0  }
0x12: {  	s0 =	sadd.s32 $0x8E200, s0;
	s6 =	sadd.s32 s13, s2;
	s13 =	sadd.s32 s1, s13  }
0x13: {  	s1 =	sadd.s32 s1, s17;
	s13 =	sshrl.u32 s13, $0x3;
	s11 =	sadd.s32 s0, s11  }
0x14: {  	s1 =	sshrl.u32 s1, $0x3;
	s14 =	sadd.s32 s0, s26;
	s26 =	simm.s32 $0x18200  }
0x15: {  	[dreg:$0x3] =	wrdreg s11;
	s23 =	sadd.s32 s0, s13;
	s11 =	sshrl.u32 s24, $0x3  }
0x16: {  	s15 =	sadd.s32 s0, s1;
	s1 =	sadd.s32 $0x5D210, s12;
	s24 =	simm.s32 $0x14100  }
0x17: {  	[dreg:$0x4] =	wrdreg s23;
	s11 =	sadd.s32 s0, s11;
	s23 =	simm.s32 $0x80  }
0x18: {  	v0 =	vimm.f32 $0.0e+00;
	s0 =	simm.s32 $0x0;
	[dreg:$0x5] =	wrdreg s11;
	s11 =	sadd.s32 $0x3410, s12  }
.LBB2_1:
0x19: {  	s12 =	simm.s32 $0x0;
	s17 =	simm.s32 $0x200  }
.LBB2_2:
0x1a: {  	p0 =	sne.s32 s17, $0xFE00;
	[tilespmem:s12+$0x14270] =	vst v0  }
0x1b: {  	[tilespmem:s12+$0x14200] =	vst v0  }
0x1c: {  	[tilespmem:s12+$0x14210] =	vst v0  }
.Ltmp0:
0x1d: {  	[tilespmem:s12+$0x14220] =	vst v0;
	(pc) =	sbr.rel @p0 .LBB2_2-.Ltmp0, $4  }
0x1e: {  	[tilespmem:s12+$0x14230] =	vst v0  }
0x1f: {  	[tilespmem:s12+$0x14240] =	vst v0  }
0x20: {  	[tilespmem:s12+$0x14250] =	vst v0  }
0x21: {  	[tilespmem:s12+$0x14260] =	vst v0;
	s12 =	sshra.s32 s17, $0x2;
	s17 =	sadd.s32 $0x200, s17  }
0x22: {  	[tilespmem:s12+$0x14270] =	vst v0  }
0x23: {  	[tilespmem:s12+$0x14200] =	vst v0  }
0x24: {  	[tilespmem:s12+$0x14210] =	vst v0  }
0x25: {  	[tilespmem:s12+$0x14220] =	vst v0  }
0x26: {  	[tilespmem:s12+$0x14230] =	vst v0  }
0x27: {  	[tilespmem:s12+$0x14240] =	vst v0  }
0x28: {  	[tilespmem:s12+$0x14250] =	vst v0  }
0x29: {  	[tilespmem:s12+$0x14260] =	vst v0  }
0x2a: {  	[spmem:s5] =	stream.linear.scatter [tilespmem:s19], [sflag:$0x5], $0x4000, $0x38;
	[tilespmem:$0x1C200] =	vst v63  }
0x2b: {  	_ =	swait.ge [sflag:s20], $0x4000  }
0x2c: {  	[sflag:s20] =	ssyncset.done $0x0  }
0x2d: {  	[sflag:s20] =	ssyncadd.s32 $0xFFFFC000  }
0x2e: {  	[spmem:s6] =	stream.linear.scatter [tilespmem:s19], [sflag:$0x5], $0x4000, $0x38;
	[tilespmem:$0x1C200] =	vst v63  }
0x2f: {  	_ =	swait.ge [sflag:s20], $0x4000  }
0x30: {  	[sflag:s20] =	ssyncset.done $0x0  }
0x31: {  	[sflag:s20] =	ssyncadd.s32 $0xFFFFC000  }
0x32: {  	[spmem:s7] =	stream.linear.scatter [tilespmem:s19], [sflag:$0x5], $0x4000, $0x38;
	[tilespmem:$0x1C200] =	vst v63  }
0x33: {  	_ =	swait.ge [sflag:s20], $0x4000  }
0x34: {  	[sflag:s20] =	ssyncset.done $0x0  }
0x35: {  	[sflag:s20] =	ssyncadd.s32 $0xFFFFC000  }
0x36: {  	[spmem:s8] =	stream.linear.scatter [tilespmem:s19], [sflag:$0x5], $0x4000, $0x38;
	[tilespmem:$0x1C200] =	vst v63  }
0x37: {  	_ =	swait.ge [sflag:s20], $0x4000  }
0x38: {  	[sflag:s20] =	ssyncset.done $0x0  }
0x39: {  	p1 =	sne.s32 s10, $0x1;
	[sflag:s20] =	ssyncadd.s32 $0xFFFFC000  }
0x3a: {  	[spmem:s9] =	stream.linear.scatter [tilespmem:s19], [sflag:$0x5], $0x4000, $0x38;
	[tilespmem:$0x1C200] =	vst v63  }
.Ltmp1:
0x3b: {  	_ =	swait.ge [sflag:s20], $0x4000;
	(pc) =	sbr.rel @!p1 .LBB2_7-.Ltmp1, $4  }
0x3c: {  	[sflag:s20] =	ssyncset.done $0x0  }
0x3d: {  	[sflag:s20] =	ssyncadd.s32 $0xFFFFC000  }
0x3e: {  	s12 =	sadd.s32 $0xFFFFFFFF, s10;
	[bflag:$0x0] =	sbarrier.arrive $0xFFFF  }
0x3f: {  	p0 =	por $0x0, $0x0;
	s18 =	smov.u32 s1;
	s17 =	smov.u32 s11  }
0x40: {  	s17 =	sadd.s32 $0xFFFFFFF0, s1  }
0x41: {  	[tilespmem:s21], [sflag:$0x5] =	stream.linear.gather [hbm4b:s17+s3], $0x80, $0x38;
	[tilespmem:$0x1C200] =	vst v63  }
0x42: {  	_ =	swait.ge [sflag:s20], $0x80  }
0x43: {  	[sflag:s20] =	ssyncset.done $0x0  }
0x44: {  	s18 =	sadd.s32 $0xFFFFFFF0, s11;
	[sflag:s20] =	ssyncadd.s32 $0xFFFFFF80  }
0x45: {  	[tilespmem:s22], [sflag:$0x5] =	stream.linear.gather [hbm4b:s18+s3], $0x80, $0x38;
	[tilespmem:$0x1C200] =	vst v63  }
0x46: {  	_ =	swait.ge [sflag:s20], $0x80  }
0x47: {  	[sflag:s20] =	ssyncset.done $0x0  }
0x48: {  	[sflag:s20] =	ssyncadd.s32 $0xFFFFFF80  }
0x49: {  	[tilespmem:s19], [sflag:$0x1] =	stream.indirect.gather [hbm4b:s4+s23], $0x80, s21, s23, $0xb8;
	[tilespmem:$0x1C200] =	vst v63  }
0x4a: {  	_ = 	snop  }
0x4b: {  	[tilespmem:s24], [sflag:$0x5] =	stream.linear.gather [hbm4b:s1+s3], $0x80, $0x38;
	[tilespmem:$0x1C200] =	vst v63  }
0x4c: {  	_ =	swait.ge [sflag:s20], $0x80  }
0x4d: {  	[sflag:s20] =	ssyncset.done $0x0  }
0x4e: {  	[sflag:s20] =	ssyncadd.s32 $0xFFFFFF80  }
0x4f: {  	[tilespmem:s25], [sflag:$0x5] =	stream.linear.gather [hbm4b:s11+s3], $0x80, $0x38;
	[tilespmem:$0x1C200] =	vst v63  }
0x50: {  	_ =	swait.ge [sflag:s20], $0x80  }
0x51: {  	[sflag:s20] =	ssyncset.done $0x0  }
0x52: {  	[sflag:s20] =	ssyncadd.s32 $0xFFFFFF80  }
0x53: {  	[tilespmem:s26], [sflag:$0x2] =	stream.indirect.gather [hbm4b:s4+s23], $0x80, s24, s23, $0xb8;
	[tilespmem:$0x1C200] =	vst v63  }
0x54: {  	_ =	swait.ge [sflag:s28], $0x4000  }
0x55: {  	[sflag:s28] =	ssyncset.done $0x0  }
0x56: {  	[sflag:s28] =	ssyncadd.s32 $0xFFFFC000  }
0x57: {  	[spmem:s2] =	stream.indirect.scatter.add.f32 [tilespmem:s19], [sflag:$0x3], $0x80, s22, s23, $0xb8;
	[tilespmem:$0x1C200] =	vst v63  }
0x58: {  	_ =	swait.ge [sflag:s29], $0x4000  }
0x59: {  	[sflag:s29] =	ssyncset.done $0x0  }
0x5a: {  	p1 =	sne.s32 s12, $0x1;
	[sflag:s29] =	ssyncadd.s32 $0xFFFFC000  }
0x5b: {  	[spmem:s2] =	stream.indirect.scatter.add.f32 [tilespmem:s26], [sflag:$0x4], $0x80, s25, s23, $0xb8;
	[tilespmem:$0x1C200] =	vst v63  }
.Ltmp2:
0x5c: {  	_ =	swait.ge [sflag:s30], $0x4000;
	(pc) =	sbr.rel @!p1 .LBB2_5-.Ltmp2, $4  }
0x5d: {  	[sflag:s30] =	ssyncset.done $0x0  }
0x5e: {  	[sflag:s30] =	ssyncadd.s32 $0xFFFFC000  }
0x5f: {  	s12 =	sadd.s32 $0xFFFFFFFF, s12;
	p0 =	por $0x1, $0x1;
	_ =	swait.ge [sflag:s31], $0x4000  }
0x60: {  	s17 =	smov.u32 s11;
	s18 =	sadd.s32 $0x20, s1;
	[sflag:s31] =	ssyncset.done $0x0  }
.LBB2_6:
0x61: {  	s13 =	sadd.s32 $0xFFFFFFF0, s18;
	[sflag:s31] =	ssyncadd.s32 $0xFFFFC000;
	s17 =	sadd.s32 $0x20, s17  }
0x62: {  	[tilespmem:s21], [sflag:$0x5] =	stream.linear.gather [hbm4b:s13+s3], $0x80, $0x38;
	[tilespmem:$0x1C200] =	vst v63  }
0x63: {  	p1 =	sne.s32 s12, $0x1;
	s12 =	sadd.s32 $0xFFFFFFFF, s12;
	_ =	swait.ge [sflag:s20], $0x80  }
0x64: {  	[sflag:s20] =	ssyncset.done $0x0  }
0x65: {  	s13 =	sadd.s32 $0xFFFFFFF0, s17;
	[sflag:s20] =	ssyncadd.s32 $0xFFFFFF80  }
0x66: {  	[tilespmem:s22], [sflag:$0x5] =	stream.linear.gather [hbm4b:s13+s3], $0x80, $0x38;
	[tilespmem:$0x1C200] =	vst v63  }
0x67: {  	_ =	swait.ge [sflag:s20], $0x80  }
0x68: {  	[sflag:s20] =	ssyncset.done $0x0  }
0x69: {  	[sflag:s20] =	ssyncadd.s32 $0xFFFFFF80  }
0x6a: {  	[tilespmem:s19], [sflag:$0x1] =	stream.indirect.gather [hbm4b:s4+s23], $0x80, s21, s23, $0xb8;
	[tilespmem:$0x1C200] =	vst v63  }
0x6b: {  	_ = 	snop  }
0x6c: {  	[tilespmem:s24], [sflag:$0x5] =	stream.linear.gather [hbm4b:s18+s3], $0x80, $0x38;
	[tilespmem:$0x1C200] =	vst v63  }
0x6d: {  	_ =	swait.ge [sflag:s20], $0x80  }
0x6e: {  	[sflag:s20] =	ssyncset.done $0x0  }
0x6f: {  	[sflag:s20] =	ssyncadd.s32 $0xFFFFFF80  }
0x70: {  	[tilespmem:s25], [sflag:$0x5] =	stream.linear.gather [hbm4b:s17+s3], $0x80, $0x38;
	[tilespmem:$0x1C200] =	vst v63  }
0x71: {  	_ =	swait.ge [sflag:s20], $0x80  }
0x72: {  	[sflag:s20] =	ssyncset.done $0x0  }
0x73: {  	[sflag:s20] =	ssyncadd.s32 $0xFFFFFF80  }
0x74: {  	[tilespmem:s26], [sflag:$0x2] =	stream.indirect.gather [hbm4b:s4+s23], $0x80, s24, s23, $0xb8;
	[tilespmem:$0x1C200] =	vst v63  }
0x75: {  	_ =	swait.ge [sflag:s28], $0x4000  }
0x76: {  	[sflag:s28] =	ssyncset.done $0x0  }
0x77: {  	[sflag:s28] =	ssyncadd.s32 $0xFFFFC000  }
0x78: {  	[spmem:s2] =	stream.indirect.scatter.add.f32 [tilespmem:s19], [sflag:$0x3], $0x80, s22, s23, $0xb8;
	[tilespmem:$0x1C200] =	vst v63  }
0x79: {  	_ =	swait.ge [sflag:s29], $0x4000  }
0x7a: {  	[sflag:s29] =	ssyncset.done $0x0  }
0x7b: {  	[sflag:s29] =	ssyncadd.s32 $0xFFFFC000  }
0x7c: {  	[spmem:s2] =	stream.indirect.scatter.add.f32 [tilespmem:s26], [sflag:$0x4], $0x80, s25, s23, $0xb8;
	[tilespmem:$0x1C200] =	vst v63  }
.Ltmp3:
0x7d: {  	_ =	swait.ge [sflag:s30], $0x4000;
	(pc) =	sbr.rel @p1 .LBB2_6-.Ltmp3, $4  }
0x7e: {  	[sflag:s30] =	ssyncset.done $0x0  }
0x7f: {  	[sflag:s30] =	ssyncadd.s32 $0xFFFFC000  }
0x80: {  	_ =	swait.ge [sflag:s31], $0x4000  }
0x81: {  	s18 =	sadd.s32 $0x20, s18;
	[sflag:s31] =	ssyncset.done $0x0  }
.LBB2_7:
0x82: {  	s12 =	sadd.s32 $0xFFFFFFF0, s18;
	[sflag:s31] =	ssyncadd.s32 @p0 $0xFFFFC000  }
0x83: {  	[tilespmem:s21], [sflag:$0x5] =	stream.linear.gather [hbm4b:s12+s3], $0x80, $0x38;
	[tilespmem:$0x1C200] =	vst v63  }
0x84: {  	s13 =	smov.u32 s11;
	s12 =	sadd.s32 @p0 $0x20, s17;
	_ =	swait.ge [sflag:s20], $0x80  }
0x85: {  	s13 =	smov.u32 @p0 s12;
	[sflag:s20] =	ssyncset.done $0x0  }
0x86: {  	s12 =	sadd.s32 $0xFFFFFFF0, s13;
	[sflag:s20] =	ssyncadd.s32 $0xFFFFFF80  }
0x87: {  	[tilespmem:s22], [sflag:$0x5] =	stream.linear.gather [hbm4b:s12+s3], $0x80, $0x38;
	[tilespmem:$0x1C200] =	vst v63  }
0x88: {  	_ =	swait.ge [sflag:s20], $0x80  }
0x89: {  	[sflag:s20] =	ssyncset.done $0x0  }
0x8a: {  	[sflag:s20] =	ssyncadd.s32 $0xFFFFFF80  }
0x8b: {  	[tilespmem:s19], [sflag:$0x1] =	stream.indirect.gather [hbm4b:s4+s23], $0x80, s21, s23, $0xb8;
	[tilespmem:$0x1C200] =	vst v63  }
0x8c: {  	_ = 	snop  }
0x8d: {  	[tilespmem:s24], [sflag:$0x5] =	stream.linear.gather [hbm4b:s18+s3], $0x80, $0x38;
	[tilespmem:$0x1C200] =	vst v63  }
0x8e: {  	_ =	swait.ge [sflag:s20], $0x80  }
0x8f: {  	[sflag:s20] =	ssyncset.done $0x0  }
0x90: {  	[sflag:s20] =	ssyncadd.s32 $0xFFFFFF80  }
0x91: {  	[tilespmem:s25], [sflag:$0x5] =	stream.linear.gather [hbm4b:s13+s3], $0x80, $0x38;
	[tilespmem:$0x1C200] =	vst v63  }
0x92: {  	_ =	swait.ge [sflag:s20], $0x80  }
0x93: {  	[sflag:s20] =	ssyncset.done $0x0  }
0x94: {  	[sflag:s20] =	ssyncadd.s32 $0xFFFFFF80  }
0x95: {  	[tilespmem:s26], [sflag:$0x2] =	stream.indirect.gather [hbm4b:s4+s23], $0x80, s24, s23, $0xb8;
	[tilespmem:$0x1C200] =	vst v63  }
0x96: {  	_ =	swait.ge [sflag:s28], $0x4000  }
0x97: {  	[sflag:s28] =	ssyncset.done $0x0  }
0x98: {  	[sflag:s28] =	ssyncadd.s32 $0xFFFFC000  }
0x99: {  	[spmem:s2] =	stream.indirect.scatter.add.f32 [tilespmem:s19], [sflag:$0x3], $0x80, s22, s23, $0xb8;
	[tilespmem:$0x1C200] =	vst v63  }
0x9a: {  	_ =	swait.ge [sflag:s29], $0x4000  }
0x9b: {  	[sflag:s29] =	ssyncset.done $0x0  }
0x9c: {  	[sflag:s29] =	ssyncadd.s32 $0xFFFFC000  }
0x9d: {  	[spmem:s2] =	stream.indirect.scatter.add.f32 [tilespmem:s26], [sflag:$0x4], $0x80, s25, s23, $0xb8;
	[tilespmem:$0x1C200] =	vst v63  }
0x9e: {  	_ =	swait.ge [sflag:s30], $0x4000  }
0x9f: {  	[sflag:s30] =	ssyncset.done $0x0  }
0xa0: {  	[sflag:s30] =	ssyncadd.s32 $0xFFFFC000  }
0xa1: {  	_ =	swait.ge [sflag:s31], $0x4000  }
0xa2: {  	[sflag:s31] =	ssyncset.done $0x0  }
0xa3: {  	[sflag:s31] =	ssyncadd.s32 $0xFFFFC000  }
0xa4: {  	[bflag:$0x0] =	sbarrier.arrive $0xFFFF  }
0xa5: {  	[tilespmem:s19], [sflag:$0x5] =	stream.linear.gather [spmem:s5], $0x4000, $0x38;
	[tilespmem:$0x1C200] =	vst v63  }
0xa6: {  	_ =	swait.ge [sflag:s20], $0x4000  }
0xa7: {  	[sflag:s20] =	ssyncset.done $0x0  }
0xa8: {  	s13 =	rddreg [dreg:$0x3];
	[sflag:s20] =	ssyncadd.s32 $0xFFFFC000  }
0xa9: {  	[hbm4b:s13+s3] =	stream.linear.scatter [tilespmem:s19], [sflag:$0x5], $0x4000, $0x38;
	[tilespmem:$0x1C200] =	vst v63  }
0xaa: {  	_ =	swait.ge [sflag:s20], $0x4000  }
0xab: {  	[sflag:s20] =	ssyncset.done $0x0  }
0xac: {  	[sflag:s20] =	ssyncadd.s32 $0xFFFFC000  }
0xad: {  	[tilespmem:s19], [sflag:$0x5] =	stream.linear.gather [spmem:s6], $0x4000, $0x38;
	[tilespmem:$0x1C200] =	vst v63  }
0xae: {  	_ =	swait.ge [sflag:s20], $0x4000  }
0xaf: {  	[sflag:s20] =	ssyncset.done $0x0  }
0xb0: {  	s17 =	rddreg [dreg:$0x4];
	[sflag:s20] =	ssyncadd.s32 $0xFFFFC000  }
0xb1: {  	[hbm4b:s17+s3] =	stream.linear.scatter [tilespmem:s19], [sflag:$0x5], $0x4000, $0x38;
	[tilespmem:$0x1C200] =	vst v63  }
0xb2: {  	_ =	swait.ge [sflag:s20], $0x4000  }
0xb3: {  	[sflag:s20] =	ssyncset.done $0x0  }
0xb4: {  	[sflag:s20] =	ssyncadd.s32 $0xFFFFC000  }
0xb5: {  	[tilespmem:s19], [sflag:$0x5] =	stream.linear.gather [spmem:s7], $0x4000, $0x38;
	[tilespmem:$0x1C200] =	vst v63  }
0xb6: {  	_ =	swait.ge [sflag:s20], $0x4000  }
0xb7: {  	[sflag:s20] =	ssyncset.done $0x0  }
0xb8: {  	s18 =	rddreg [dreg:$0x5];
	[sflag:s20] =	ssyncadd.s32 $0xFFFFC000  }
0xb9: {  	[hbm4b:s18+s3] =	stream.linear.scatter [tilespmem:s19], [sflag:$0x5], $0x4000, $0x38;
	[tilespmem:$0x1C200] =	vst v63  }
0xba: {  	_ =	swait.ge [sflag:s20], $0x4000  }
0xbb: {  	[sflag:s20] =	ssyncset.done $0x0  }
0xbc: {  	[sflag:s20] =	ssyncadd.s32 $0xFFFFC000  }
0xbd: {  	[tilespmem:s19], [sflag:$0x5] =	stream.linear.gather [spmem:s8], $0x4000, $0x38;
	[tilespmem:$0x1C200] =	vst v63  }
0xbe: {  	_ =	swait.ge [sflag:s20], $0x4000  }
0xbf: {  	[sflag:s20] =	ssyncset.done $0x0  }
0xc0: {  	[sflag:s20] =	ssyncadd.s32 $0xFFFFC000  }
0xc1: {  	[hbm4b:s14+s3] =	stream.linear.scatter [tilespmem:s19], [sflag:$0x5], $0x4000, $0x38;
	[tilespmem:$0x1C200] =	vst v63  }
0xc2: {  	_ =	swait.ge [sflag:s20], $0x4000  }
0xc3: {  	[sflag:s20] =	ssyncset.done $0x0  }
0xc4: {  	[sflag:s20] =	ssyncadd.s32 $0xFFFFC000  }
0xc5: {  	[tilespmem:s19], [sflag:$0x5] =	stream.linear.gather [spmem:s9], $0x4000, $0x38;
	[tilespmem:$0x1C200] =	vst v63  }
0xc6: {  	_ =	swait.ge [sflag:s20], $0x4000  }
0xc7: {  	s0 =	sadd.s32 $0x1, s0;
	[sflag:s20] =	ssyncset.done $0x0  }
0xc8: {  	p0 =	sne.s32 s0, s16;
	[sflag:s20] =	ssyncadd.s32 $0xFFFFC000  }
0xc9: {  	[hbm4b:s15+s3] =	stream.linear.scatter [tilespmem:s19], [sflag:$0x5], $0x4000, $0x38;
	[tilespmem:$0x1C200] =	vst v63  }
.Ltmp4:
0xca: {  	_ = 	snop;
	(pc) =	sbr.rel @p0 .LBB2_1-.Ltmp4, $4  }
.Ltmp5:
0xcb: {  	_ = 	snop;
	(pc) =	sbr.rel @!p0 .LBB2_8-.Ltmp5, $4  }
0xcc: {  	_ =	swait.ge [sflag:s20], $0x4000  }
0xcd: {  	[sflag:s20] =	ssyncset.done $0x0  }
0xce: {  	[sflag:s20] =	ssyncadd.s32 $0xFFFFC000  }
0xcf: {  	_ = 	snop  }
.LBB2_5:
.Ltmp6:
0xd0: {  	(pc) =	sbr.rel .LBB2_7-.Ltmp6, $2  }
0xd1: {  	_ =	sdelay $0x2  }
0xd2: {  	s17 =	smov.u32 s11  }
.LBB2_8:
0xd3: {  	_ =	sfence.sel $0x180000  }
0xd4: {  	[bflag:$0x0] =	sbarrier.arrive $0xFFFF  }
0xd5: {  	_ =	strace $0x9000004A  }
0xd6: {  	s0 =	stileid.u32;
	[bflag:$0x2] =	sbarrier.arrive $0xFFFF  }
0xd7: {  	p0 =	sne.s32 s0, $0x0;
	s0 =	rddreg [dreg:$0x2]  }
0xd8: {  	s0 =	sadd.s32 @!p0 $0x100000, s0  }
0xd9: {  	[sflag:s0] =	ssyncadd.tile.s32 @!p0 $0x1;
	_ =	shalt  }
.Lfunc_end2:
_tile_overlayer_lowered:
.L_overlay_start_2:
0xda: {  	(tag) =	ssettag $0x2  }
0xdb: {  	s0 =	rddreg [dreg:$0x0];
	s2 =	stileid.u32  }
0xdc: {  	s1 =	rddreg [dreg:$0x1];
	p0 =	sne.s32 s2, $0x0  }
0xdd: {  	s3 =	rddreg [dreg:$0x2];
	[bflag:$0x3] =	sbarrier.arrive $0xFFFF;
	s2 =	simm.s32 @!p0 $0x1C05  }
0xde: {  	[timem:s3], [sflag:s2] =	dma.local @!p0 [hbm:s0], s1  }
0xdf: {  	s0 =	simm.s32 @!p0 $0x5  }
0xe0: {  	_ =	swait.ge @!p0 [sflag:s0], s1  }
0xe1: {  	s1 =	ssub.s32 @!p0 $0x0, s1;
	[sflag:s0] =	ssyncset.done @!p0 $0x0  }
0xe2: {  	[sflag:s0] =	ssyncadd.s32 @!p0 s1  }
0xe3: {  	[bflag:$0x3] =	sbarrier.arrive $0xFFFF  }
0xe4: {  	_ =	shalt  }

// kernel: kernel.17.cloned.1.call-start
scs
__scs_entry_jumppad:
0x0: {  	(pc) =	sbr.rel $0x88, $3  }
0x1: {  	(tag) =	ssettag $0x0;
	lr =	simm.s32 $0x1  }
0x2: {  	[smem:$0x3F95] =	sst lr;
	_ =	strace $0xD0000000  }
0x3: {  	_ = 	snop  }
0x4: {  	_ = 	snop  }
0x5: {  	_ = 	snop  }
0x6: {  	_ = 	snop  }
0x7: {  	_ = 	snop  }
__scs_overlays_trampoline_lowered:
0x8: {  	[smem:$0x3FA4] =	sst s0  }
0x9: {  	[smem:$0x3FA5] =	sst s1  }
0xa: {  	[smem:$0x3FA6] =	sst s2  }
0xb: {  	[smem:$0x3FA7] =	sst s3  }
0xc: {  	[smem:$0x3FA8] =	sst s4  }
0xd: {  	[smem:$0x3FA9] =	sst s5  }
0xe: {  	[smem:$0x3FAA] =	sst s6  }
0xf: {  	[smem:$0x3FAB] =	sst s7  }
0x10: {  	[smem:$0x3FAC] =	sst s8  }
0x11: {  	[smem:$0x3FAD] =	sst s9;
	s0 =	simm.s32 @!p0 $0x0  }
0x12: {  	s1 =	sld [smem:$0x3F93];
	s0 =	simm.s32 @p0 $0x1  }
0x13: {  	[smem:$0x3FAE] =	sst s0;
	s0 =	simm.s32 @!p1 $0x0  }
0x14: {  	s2 =	sld [smem:$0x3F92];
	s0 =	simm.s32 @p1 $0x1  }
0x15: {  	[smem:$0x3FAF] =	sst s0;
	s0 =	simm.s32 @!p2 $0x0  }
0x16: {  	s3 =	sld [smem:$0x3FDB];
	s0 =	simm.s32 @p2 $0x1  }
0x17: {  	s4 =	simm.s32 $0x1BF5;
	[smem:$0x3FB1] =	sst s0  }
0x18: {  	s0 =	sld [smem:$0x3F94];
	_ =	swait.ge [sflag:s4], $0x0  }
0x19: {  	s7 =	sld [smem:$0x3F95]  }
0x1a: {  	s8 =	sadd.s32 $0xFFFFE003, lr  }
0x1b: {  	s9 =	sadd.s32 $0xFFFFFEF7, lr;
	s5 =	simm.s32 $0xFFFFFFFF;
	p2 =	slt.u32 s8, $0xFFFFF086  }
0x1c: {  	p1 =	slt.u32 s9, $0xF7A;
	s5 =	simm.s32 @!p2 $0x0  }
0x1d: {  	s5 =	simm.s32 @p1 $0x1;
	p0 =	seq.s32 s7, s2  }
0x1e: {  	s7 =	smul.u32 @!p0 $0xF7A, s2;
	p2 =	seq.s32 @!p0 s5, $0x0  }
0x1f: {  	s9 =	smul.u32 $0xF7A, s1;
	s8 =	simm.s32 @!p0 $0x1BF5;
	p2 =	por !p2, p0  }
0x20: {  	[sflag:s8] =	ssyncset.s32 @!p0 $0xFFFFF086;
	s6 =	sadd.s32 @!p0 s3, s7;
	s7 =	simm.s32 @!p0 $0x108  }
0x21: {  	s3 =	sadd.s32 s3, s9;
	s6 =	sadd.s32 @!p0 $0x88, s6;
	s7 =	simm.s32 @p2 $0x1082  }
0x22: {  	[simem:s7], [sflag:s8] =	dma.local @!p0 [hbm:s6], $0xF7A  }
0x23: {  	s9 =	sor.u32 $0xD0000000, s2;
	s6 =	simm.s32 $0x108;
	_ =	swait.ge @!p0 [sflag:s8], $0x0  }
0x24: {  	s3 =	sadd.s32 $0x88, s3;
	s6 =	simm.s32 @!p1 $0x1082;
	[sflag:s4] =	ssyncset.s32 $0xFFFFF086  }
0x25: {  	[simem:s6], [sflag:s4] =	dma.local [hbm:s3], $0xF7A  }
0x26: {  	[smem:$0x3F95] =	sst s1;
	(tag) =	ssettag s2;
	_ =	strace s9  }
0x27: {  	s1 =	sld [smem:$0x3FA5]  }
0x28: {  	s2 =	sld [smem:$0x3FA6]  }
0x29: {  	s4 =	sld [smem:$0x3FA8]  }
0x2a: {  	p0 =	seq.s32 s5, $0x0;
	s5 =	sld [smem:$0x3FA9]  }
0x2b: {  	s6 =	sld [smem:$0x3FAA]  }
0x2c: {  	s7 =	sld [smem:$0x3FAB]  }
0x2d: {  	s3 =	simm.s32 $0x108;
	s8 =	sld [smem:$0x3FAC]  }
0x2e: {  	s3 =	simm.s32 @!p0 $0x1082;
	s9 =	sld [smem:$0x3FAD]  }
0x2f: {  	lr =	sadd.s32 s0, s3;
	s0 =	sld [smem:$0x3FA4]  }
0x30: {  	s3 =	sld [smem:$0x3FA7]  }
0x31: {  	[smem:$0x3FB0] =	sst s10  }
0x32: {  	s10 =	sld [smem:$0x3FAE];
	_ =	sdelay $0x3  }
0x33: {  	p0 =	seq.s32 s10, $0x1;
	s10 =	sld [smem:$0x3FB0];
	_ =	sdelay $0x3  }
0x34: {  	[smem:$0x3FB0] =	sst s10  }
0x35: {  	s10 =	sld [smem:$0x3FAF];
	_ =	sdelay $0x3  }
0x36: {  	p1 =	seq.s32 s10, $0x1;
	s10 =	sld [smem:$0x3FB0];
	_ =	sdelay $0x3  }
0x37: {  	[smem:$0x3FB0] =	sst s10  }
0x38: {  	s10 =	sld [smem:$0x3FB1]  }
0x39: {  	_ = 	snop;
	(pc) =	sbr.ind lr, $3  }
0x3a: {  	_ = 	snop  }
0x3b: {  	_ = 	snop  }
0x3c: {  	p2 =	seq.s32 s10, $0x1;
	s10 =	sld [smem:$0x3FB0]  }
0x3d: {  	_ =	shalt  }
0x3e: {  	_ =	shalt  }
0x3f: {  	_ =	shalt  }
0x40: {  	_ =	shalt  }
0x41: {  	_ =	shalt  }
0x42: {  	_ =	shalt  }
0x43: {  	_ =	shalt  }
0x44: {  	_ =	shalt  }
0x45: {  	_ =	shalt  }
0x46: {  	_ =	shalt  }
0x47: {  	_ =	shalt  }
0x48: {  	_ =	shalt  }
0x49: {  	_ =	shalt  }
0x4a: {  	_ =	shalt  }
0x4b: {  	_ =	shalt  }
0x4c: {  	_ =	shalt  }
0x4d: {  	_ =	shalt  }
0x4e: {  	_ =	shalt  }
0x4f: {  	_ =	shalt  }
0x50: {  	_ =	shalt  }
0x51: {  	_ =	shalt  }
0x52: {  	_ =	shalt  }
0x53: {  	_ =	shalt  }
0x54: {  	_ =	shalt  }
0x55: {  	_ =	shalt  }
0x56: {  	_ =	shalt  }
0x57: {  	_ =	shalt  }
0x58: {  	_ =	shalt  }
0x59: {  	_ =	shalt  }
0x5a: {  	_ =	shalt  }
0x5b: {  	_ =	shalt  }
0x5c: {  	_ =	shalt  }
0x5d: {  	_ =	shalt  }
0x5e: {  	_ =	shalt  }
0x5f: {  	_ =	shalt  }
0x60: {  	_ =	shalt  }
0x61: {  	_ =	shalt  }
0x62: {  	_ =	shalt  }
0x63: {  	_ =	shalt  }
0x64: {  	_ =	shalt  }
0x65: {  	_ =	shalt  }
0x66: {  	_ =	shalt  }
0x67: {  	_ =	shalt  }
0x68: {  	_ =	shalt  }
0x69: {  	_ =	shalt  }
0x6a: {  	_ =	shalt  }
0x6b: {  	_ =	shalt  }
0x6c: {  	_ =	shalt  }
0x6d: {  	_ =	shalt  }
0x6e: {  	_ =	shalt  }
0x6f: {  	_ =	shalt  }
0x70: {  	_ =	shalt  }
0x71: {  	_ =	shalt  }
0x72: {  	_ =	shalt  }
0x73: {  	_ =	shalt  }
0x74: {  	_ =	shalt  }
0x75: {  	_ =	shalt  }
0x76: {  	_ =	shalt  }
0x77: {  	_ =	shalt  }
0x78: {  	_ =	shalt  }
0x79: {  	_ =	shalt  }
0x7a: {  	_ =	shalt  }
0x7b: {  	_ =	shalt  }
0x7c: {  	_ =	shalt  }
0x7d: {  	_ =	shalt  }
0x7e: {  	_ =	shalt  }
0x7f: {  	_ =	shalt  }
0x80: {  	_ =	shalt  }
0x81: {  	_ =	shalt  }
0x82: {  	_ =	shalt  }
0x83: {  	_ =	shalt  }
0x84: {  	_ =	shalt  }
0x85: {  	_ =	shalt  }
0x86: {  	_ =	shalt  }
0x87: {  	_ =	shalt  }
.Lfunc_end0:
.L_simem_size_0:
called_computation.2_lowered:
.L_overlay_start_0:
0x88: {  	s2 =	sld [smem:$0x3FD9]  }
0x89: {  	s3 =	sld [smem:$0x3FFE];
	_ =	sdelay $0x1  }
0x8a: {  	s1 =	srdreg.scid  }
0x8b: {  	s0 =	sand.u32 $0x1, s1  }
0x8c: {  	s16 =	sshll.u32 s0, $0xA;
	s2 =	sadd.s32 s3, s2  }
0x8d: {  	s2 =	sadd.s32 s2, s16  }
0x8e: {  	[smem:$0x3FBC] =	sst s2  }
0x8f: {  	_ = 	snop  }
0x90: {  	(tm) =	ssettm $0x1  }
0x91: {  	s17 =	sld [smem:$0x3FFB];
	_ =	sdelay $0x3  }
0x92: {  	_ =	strace s17  }
0x93: {  	s2 =	sld [smem:$0x3FFC];
	_ =	sdelay $0x3  }
0x94: {  	_ =	strace s2  }
0x95: {  	s2 =	sld [smem:$0x3FFD];
	_ =	sdelay $0x3  }
0x96: {  	_ =	strace s2  }
0x97: {  	_ =	strace $0x8FFFFFFF  }
0x98: {  	s18 =	sld [smem:$0x3FDB];
	_ =	sdelay $0x1  }
0x99: {  	s19 =	simm.s32 $_scs_section_size  }
0x9a: {  	s4 =	simm.s32 $_size__tile_overlayer_lowered;
	s5 =	simm.s32 $_tile_overlayer_lowered  }
0x9b: {  	s22 =	simm.s32 $0x1BFF;
	s21 =	sshll.u32 s5, $0x1;
	s2 =	sadd.s32 s19, s18  }
0x9c: {  	s6 =	simm.s32 $0x0;
	s20 =	sshll.u32 s4, $0x1;
	s4 =	sadd.s32 s21, s2  }
0x9d: {  	[timem:s6], [sflag:s22] =	dma.local [hbm:s4], s20  }
0x9e: {  	_ =	swait.ge [sflag:s22], s20  }
0x9f: {  	s3 =	ssub.s32 $0x0, s20;
	[sflag:s22] =	ssyncset.done $0x0  }
0xa0: {  	[sflag:s22] =	ssyncadd.s32 s3;
	_ =	sdelay $0x1  }
0xa1: {  	s23 =	simm.s32 $0x1B8B  }
0xa2: {  	_ =	swait.ge [sflag:s23], $0x1  }
0xa3: {  	[sflag:s23] =	ssyncset.done $0x0  }
0xa4: {  	s25 =	simm.s32 $0x1B8E;
	s24 =	sld [smem:$0x3FFE];
	[sflag:s23] =	ssyncadd.s32 $0xFFFFFFFF  }
0xa5: {  	s26 =	simm.s32 $execute0_lowered;
	[smem:$0x3FD2] =	sst s25  }
0xa6: {  	s4 =	sshll.u32 s26, $0x1;
	_ =	strace $0x8000004C;
	[dreg:$0x1] =	wrdreg $0xFFFFFFFF  }
0xa7: {  	s28 =	simm.s32 $_size_execute0_lowered;
	s2 =	sadd.s32 s2, s4;
	[dreg:$0x0] =	wrdreg $0x0  }
0xa8: {  	s4 =	sshll.u32 s28, $0x1;
	[dreg:$0x2] =	wrdreg s2  }
0xa9: {  	[dreg:$0x3] =	wrdreg s4  }
0xaa: {  	[dreg:$0x4] =	wrdreg $0xC0  }
0xab: {  	_ =	task [dreg:s6], $0x5FFFF  }
0xac: {  	[dreg:$0x1] =	wrdreg $0xFFFFFFFF  }
0xad: {  	[dreg:$0x0] =	wrdreg $0x60  }
0xae: {  	[dreg:$0x2] =	wrdreg s24  }
0xaf: {  	[dreg:$0x3] =	wrdreg $0x0  }
0xb0: {  	[dreg:$0x4] =	wrdreg $0x9  }
0xb1: {  	_ =	task.clear_ibuf [dreg:s6], $0x5FFFF;
	_ =	strace $0x9000004C  }
0xb2: {  	s29 =	simm.s32 $0x9;
	_ =	strace $0x8000004E  }
0xb3: {  	_ =	swait.ge [sflag:s29], $0x1  }
0xb4: {  	[sflag:s29] =	ssyncadd.s32 $0xFFFFFFFF  }
0xb5: {  	_ =	strace $0x9000004E  }
0xb6: {  	_ =	sfence  }
0xb7: {  	s30 =	sld [smem:$0x0];
	_ =	sdelay $0x2  }
0xb8: {  	s31 =	sshll.u32 s1, $0xD;
	s1 =	sshrl.u32 s1, $0x2  }
0xb9: {  	s3 =	sand.u32 $0x4000, s31;
	s1 =	sadd.s32 s1, s30  }
0xba: {  	s0 =	sor.u32 s3, s0;
	s1 =	sshll.u32 s1, $0x11  }
0xbb: {  	s0 =	sor.u32 s1, s0  }
0xbc: {  	s0 =	sadd.s32 $0x8F2B, s0  }
0xbd: {  	[sflag:s0] =	ssyncadd.remote.s32 $0x1  }
0xbe: {  	_ =	sfence.sel $0xFFFF  }
0xbf: {  	[dreg:$0x0] =	wrdreg $0xFFFFFFFF;
	(pc) =	sbr.abs _section_cstart, $3  }
0xc0: {  	[dreg:$0x1] =	wrdreg $0xFFFFFFFF  }
0xc1: {  	_ =	task.clear_ibuf [dreg:s6], $0x2FFFF;
	_ =	strace $0x9FFFFFFF  }
0xc2: {  	(tm) =	ssettm $0x7FFFFFFF  }
0xc3: {  	_ =	shalt  }
tec
execute0_lowered:
.L_overlay_start_1:
0x0: {  	(tag) =	ssettag $0x1  }
0x1: {  	s0 =	rddreg [dreg:$0x0]  }
0x2: {  	s2 =	rddreg [dreg:$0x1];
	s8 =	stileid.u32  }
0x3: {  	s3 =	simm.s32 $0x0;
	s1 =	srdreg.scid;
	s10 =	simm.s32 $0x39  }
0x4: {  	s19 =	simm.s32 $0x14200;
	s20 =	simm.s32 $0x5;
	s4 =	smul.u32 $0x2C, s8  }
0x5: {  	s28 =	simm.s32 $0x1;
	s29 =	simm.s32 $0x2;
	s5 =	smul.u32 $0x72, s8  }
0x6: {  	s30 =	simm.s32 $0x3;
	s31 =	simm.s32 $0x4;
	s21 =	smul.u32 $0x50000, s8  }
0x7: {  	[smem:$0x7FF] =	sst s3;
	s1 =	sand.u32 $0x1, s1;
	s11 =	smul.u32 $0x14000, s8  }
0x8: {  	_ =	strace $0x8000004D;
	p0 =	seq.s32 s1, $0x0;
	s7 =	ssub.s32 $0x2, s1  }
0x9: {  	s1 =	smul.u32 $0x140000, s1;
	s6 =	sadd.s32 $0x720, s4;
	s4 =	sadd.s32 $0xD200, s0  }
0xa: {  	s22 =	sshrl.u32 s7, $0x1;
	s13 =	sadd.s32 $0x4000, s11;
	s14 =	sadd.s32 $0x8000, s11  }
0xb: {  	s15 =	sadd.s32 $0xC000, s11;
	s17 =	sadd.s32 $0x10000, s11;
	s10 =	simm.s32 @!p0 $0x16  }
0xc: {  	s6 =	smov.u32 @p0 s5;
	s16 =	ssub.s32 s7, s22;
	s5 =	sshrl.u32 s21, $0x2  }
0xd: {  	s7 =	sadd.s32 s14, s2;
	s8 =	sadd.s32 s15, s2;
	s9 =	sadd.s32 s17, s2  }
0xe: {  	s11 =	sadd.s32 s11, s1;
	s24 =	sadd.s32 s1, s14;
	s25 =	sadd.s32 s1, s15  }
0xf: {  	s21 =	simm.s32 $0x14000;
	s22 =	simm.s32 $0x14080;
	s6 =	sshll.u32 s6, $0x4  }
0x10: {  	s5 =	sadd.s32 s5, s2;
	s11 =	sshrl.u32 s11, $0x3;
	s26 =	sshrl.u32 s25, $0x3  }
0x11: {  	s16 =	smax.u32 s16, $0x1;
	s25 =	simm.s32 $0x14180;
	s12 =	sadd.s32 s6, s0  }
0x12: {  	s0 =	sadd.s32 $0x67000, s0;
	s6 =	sadd.s32 s13, s2;
	s13 =	sadd.s32 s1, s13  }
0x13: {  	s1 =	sadd.s32 s1, s17;
	s13 =	sshrl.u32 s13, $0x3;
	s11 =	sadd.s32 s0, s11  }
0x14: {  	s1 =	sshrl.u32 s1, $0x3;
	s14 =	sadd.s32 s0, s26;
	s26 =	simm.s32 $0x18200  }
0x15: {  	[dreg:$0x3] =	wrdreg s11;
	s23 =	sadd.s32 s0, s13;
	s11 =	sshrl.u32 s24, $0x3  }
0x16: {  	s15 =	sadd.s32 s0, s1;
	s1 =	sadd.s32 $0x5D210, s12;
	s24 =	simm.s32 $0x14100  }
0x17: {  	[dreg:$0x4] =	wrdreg s23;
	s11 =	sadd.s32 s0, s11;
	s23 =	simm.s32 $0x80  }
0x18: {  	v0 =	vimm.f32 $0.0e+00;
	s0 =	simm.s32 $0x0;
	[dreg:$0x5] =	wrdreg s11;
	s11 =	sadd.s32 $0x3410, s12  }
.LBB2_1:
0x19: {  	s12 =	simm.s32 $0x0;
	s17 =	simm.s32 $0x200  }
.LBB2_2:
0x1a: {  	p0 =	sne.s32 s17, $0xFE00;
	[tilespmem:s12+$0x14270] =	vst v0  }
0x1b: {  	[tilespmem:s12+$0x14200] =	vst v0  }
0x1c: {  	[tilespmem:s12+$0x14210] =	vst v0  }
.Ltmp0:
0x1d: {  	[tilespmem:s12+$0x14220] =	vst v0;
	(pc) =	sbr.rel @p0 .LBB2_2-.Ltmp0, $4  }
0x1e: {  	[tilespmem:s12+$0x14230] =	vst v0  }
0x1f: {  	[tilespmem:s12+$0x14240] =	vst v0  }
0x20: {  	[tilespmem:s12+$0x14250] =	vst v0  }
0x21: {  	[tilespmem:s12+$0x14260] =	vst v0;
	s12 =	sshra.s32 s17, $0x2;
	s17 =	sadd.s32 $0x200, s17  }
0x22: {  	[tilespmem:s12+$0x14270] =	vst v0  }
0x23: {  	[tilespmem:s12+$0x14200] =	vst v0  }
0x24: {  	[tilespmem:s12+$0x14210] =	vst v0  }
0x25: {  	[tilespmem:s12+$0x14220] =	vst v0  }
0x26: {  	[tilespmem:s12+$0x14230] =	vst v0  }
0x27: {  	[tilespmem:s12+$0x14240] =	vst v0  }
0x28: {  	[tilespmem:s12+$0x14250] =	vst v0  }
0x29: {  	[tilespmem:s12+$0x14260] =	vst v0  }
0x2a: {  	[spmem:s5] =	stream.linear.scatter [tilespmem:s19], [sflag:$0x5], $0x4000, $0x38;
	[tilespmem:$0x1C200] =	vst v63  }
0x2b: {  	_ =	swait.ge [sflag:s20], $0x4000  }
0x2c: {  	[sflag:s20] =	ssyncset.done $0x0  }
0x2d: {  	[sflag:s20] =	ssyncadd.s32 $0xFFFFC000  }
0x2e: {  	[spmem:s6] =	stream.linear.scatter [tilespmem:s19], [sflag:$0x5], $0x4000, $0x38;
	[tilespmem:$0x1C200] =	vst v63  }
0x2f: {  	_ =	swait.ge [sflag:s20], $0x4000  }
0x30: {  	[sflag:s20] =	ssyncset.done $0x0  }
0x31: {  	[sflag:s20] =	ssyncadd.s32 $0xFFFFC000  }
0x32: {  	[spmem:s7] =	stream.linear.scatter [tilespmem:s19], [sflag:$0x5], $0x4000, $0x38;
	[tilespmem:$0x1C200] =	vst v63  }
0x33: {  	_ =	swait.ge [sflag:s20], $0x4000  }
0x34: {  	[sflag:s20] =	ssyncset.done $0x0  }
0x35: {  	[sflag:s20] =	ssyncadd.s32 $0xFFFFC000  }
0x36: {  	[spmem:s8] =	stream.linear.scatter [tilespmem:s19], [sflag:$0x5], $0x4000, $0x38;
	[tilespmem:$0x1C200] =	vst v63  }
0x37: {  	_ =	swait.ge [sflag:s20], $0x4000  }
0x38: {  	[sflag:s20] =	ssyncset.done $0x0  }
0x39: {  	p1 =	sne.s32 s10, $0x1;
	[sflag:s20] =	ssyncadd.s32 $0xFFFFC000  }
0x3a: {  	[spmem:s9] =	stream.linear.scatter [tilespmem:s19], [sflag:$0x5], $0x4000, $0x38;
	[tilespmem:$0x1C200] =	vst v63  }
.Ltmp1:
0x3b: {  	_ =	swait.ge [sflag:s20], $0x4000;
	(pc) =	sbr.rel @!p1 .LBB2_7-.Ltmp1, $4  }
0x3c: {  	[sflag:s20] =	ssyncset.done $0x0  }
0x3d: {  	[sflag:s20] =	ssyncadd.s32 $0xFFFFC000  }
0x3e: {  	s12 =	sadd.s32 $0xFFFFFFFF, s10;
	[bflag:$0x0] =	sbarrier.arrive $0xFFFF  }
0x3f: {  	p0 =	por $0x0, $0x0;
	s18 =	smov.u32 s1;
	s17 =	smov.u32 s11  }
0x40: {  	s17 =	sadd.s32 $0xFFFFFFF0, s1  }
0x41: {  	[tilespmem:s21], [sflag:$0x5] =	stream.linear.gather [hbm4b:s17+s3], $0x80, $0x38;
	[tilespmem:$0x1C200] =	vst v63  }
0x42: {  	_ =	swait.ge [sflag:s20], $0x80  }
0x43: {  	[sflag:s20] =	ssyncset.done $0x0  }
0x44: {  	s18 =	sadd.s32 $0xFFFFFFF0, s11;
	[sflag:s20] =	ssyncadd.s32 $0xFFFFFF80  }
0x45: {  	[tilespmem:s22], [sflag:$0x5] =	stream.linear.gather [hbm4b:s18+s3], $0x80, $0x38;
	[tilespmem:$0x1C200] =	vst v63  }
0x46: {  	_ =	swait.ge [sflag:s20], $0x80  }
0x47: {  	[sflag:s20] =	ssyncset.done $0x0  }
0x48: {  	[sflag:s20] =	ssyncadd.s32 $0xFFFFFF80  }
0x49: {  	[tilespmem:s19], [sflag:$0x1] =	stream.indirect.gather [hbm4b:s4+s23], $0x80, s21, s23, $0xb8;
	[tilespmem:$0x1C200] =	vst v63  }
0x4a: {  	_ = 	snop  }
0x4b: {  	[tilespmem:s24], [sflag:$0x5] =	stream.linear.gather [hbm4b:s1+s3], $0x80, $0x38;
	[tilespmem:$0x1C200] =	vst v63  }
0x4c: {  	_ =	swait.ge [sflag:s20], $0x80  }
0x4d: {  	[sflag:s20] =	ssyncset.done $0x0  }
0x4e: {  	[sflag:s20] =	ssyncadd.s32 $0xFFFFFF80  }
0x4f: {  	[tilespmem:s25], [sflag:$0x5] =	stream.linear.gather [hbm4b:s11+s3], $0x80, $0x38;
	[tilespmem:$0x1C200] =	vst v63  }
0x50: {  	_ =	swait.ge [sflag:s20], $0x80  }
0x51: {  	[sflag:s20] =	ssyncset.done $0x0  }
0x52: {  	[sflag:s20] =	ssyncadd.s32 $0xFFFFFF80  }
0x53: {  	[tilespmem:s26], [sflag:$0x2] =	stream.indirect.gather [hbm4b:s4+s23], $0x80, s24, s23, $0xb8;
	[tilespmem:$0x1C200] =	vst v63  }
0x54: {  	_ =	swait.ge [sflag:s28], $0x4000  }
0x55: {  	[sflag:s28] =	ssyncset.done $0x0  }
0x56: {  	[sflag:s28] =	ssyncadd.s32 $0xFFFFC000  }
0x57: {  	[spmem:s2] =	stream.indirect.scatter.add.f32 [tilespmem:s19], [sflag:$0x3], $0x80, s22, s23, $0xb8;
	[tilespmem:$0x1C200] =	vst v63  }
0x58: {  	_ =	swait.ge [sflag:s29], $0x4000  }
0x59: {  	[sflag:s29] =	ssyncset.done $0x0  }
0x5a: {  	p1 =	sne.s32 s12, $0x1;
	[sflag:s29] =	ssyncadd.s32 $0xFFFFC000  }
0x5b: {  	[spmem:s2] =	stream.indirect.scatter.add.f32 [tilespmem:s26], [sflag:$0x4], $0x80, s25, s23, $0xb8;
	[tilespmem:$0x1C200] =	vst v63  }
.Ltmp2:
0x5c: {  	_ =	swait.ge [sflag:s30], $0x4000;
	(pc) =	sbr.rel @!p1 .LBB2_5-.Ltmp2, $4  }
0x5d: {  	[sflag:s30] =	ssyncset.done $0x0  }
0x5e: {  	[sflag:s30] =	ssyncadd.s32 $0xFFFFC000  }
0x5f: {  	s12 =	sadd.s32 $0xFFFFFFFF, s12;
	p0 =	por $0x1, $0x1;
	_ =	swait.ge [sflag:s31], $0x4000  }
0x60: {  	s17 =	smov.u32 s11;
	s18 =	sadd.s32 $0x20, s1;
	[sflag:s31] =	ssyncset.done $0x0  }
.LBB2_6:
0x61: {  	s13 =	sadd.s32 $0xFFFFFFF0, s18;
	[sflag:s31] =	ssyncadd.s32 $0xFFFFC000;
	s17 =	sadd.s32 $0x20, s17  }
0x62: {  	[tilespmem:s21], [sflag:$0x5] =	stream.linear.gather [hbm4b:s13+s3], $0x80, $0x38;
	[tilespmem:$0x1C200] =	vst v63  }
0x63: {  	p1 =	sne.s32 s12, $0x1;
	s12 =	sadd.s32 $0xFFFFFFFF, s12;
	_ =	swait.ge [sflag:s20], $0x80  }
0x64: {  	[sflag:s20] =	ssyncset.done $0x0  }
0x65: {  	s13 =	sadd.s32 $0xFFFFFFF0, s17;
	[sflag:s20] =	ssyncadd.s32 $0xFFFFFF80  }
0x66: {  	[tilespmem:s22], [sflag:$0x5] =	stream.linear.gather [hbm4b:s13+s3], $0x80, $0x38;
	[tilespmem:$0x1C200] =	vst v63  }
0x67: {  	_ =	swait.ge [sflag:s20], $0x80  }
0x68: {  	[sflag:s20] =	ssyncset.done $0x0  }
0x69: {  	[sflag:s20] =	ssyncadd.s32 $0xFFFFFF80  }
0x6a: {  	[tilespmem:s19], [sflag:$0x1] =	stream.indirect.gather [hbm4b:s4+s23], $0x80, s21, s23, $0xb8;
	[tilespmem:$0x1C200] =	vst v63  }
0x6b: {  	_ = 	snop  }
0x6c: {  	[tilespmem:s24], [sflag:$0x5] =	stream.linear.gather [hbm4b:s18+s3], $0x80, $0x38;
	[tilespmem:$0x1C200] =	vst v63  }
0x6d: {  	_ =	swait.ge [sflag:s20], $0x80  }
0x6e: {  	[sflag:s20] =	ssyncset.done $0x0  }
0x6f: {  	[sflag:s20] =	ssyncadd.s32 $0xFFFFFF80  }
0x70: {  	[tilespmem:s25], [sflag:$0x5] =	stream.linear.gather [hbm4b:s17+s3], $0x80, $0x38;
	[tilespmem:$0x1C200] =	vst v63  }
0x71: {  	_ =	swait.ge [sflag:s20], $0x80  }
0x72: {  	[sflag:s20] =	ssyncset.done $0x0  }
0x73: {  	[sflag:s20] =	ssyncadd.s32 $0xFFFFFF80  }
0x74: {  	[tilespmem:s26], [sflag:$0x2] =	stream.indirect.gather [hbm4b:s4+s23], $0x80, s24, s23, $0xb8;
	[tilespmem:$0x1C200] =	vst v63  }
0x75: {  	_ =	swait.ge [sflag:s28], $0x4000  }
0x76: {  	[sflag:s28] =	ssyncset.done $0x0  }
0x77: {  	[sflag:s28] =	ssyncadd.s32 $0xFFFFC000  }
0x78: {  	[spmem:s2] =	stream.indirect.scatter.add.f32 [tilespmem:s19], [sflag:$0x3], $0x80, s22, s23, $0xb8;
	[tilespmem:$0x1C200] =	vst v63  }
0x79: {  	_ =	swait.ge [sflag:s29], $0x4000  }
0x7a: {  	[sflag:s29] =	ssyncset.done $0x0  }
0x7b: {  	[sflag:s29] =	ssyncadd.s32 $0xFFFFC000  }
0x7c: {  	[spmem:s2] =	stream.indirect.scatter.add.f32 [tilespmem:s26], [sflag:$0x4], $0x80, s25, s23, $0xb8;
	[tilespmem:$0x1C200] =	vst v63  }
.Ltmp3:
0x7d: {  	_ =	swait.ge [sflag:s30], $0x4000;
	(pc) =	sbr.rel @p1 .LBB2_6-.Ltmp3, $4  }
0x7e: {  	[sflag:s30] =	ssyncset.done $0x0  }
0x7f: {  	[sflag:s30] =	ssyncadd.s32 $0xFFFFC000  }
0x80: {  	_ =	swait.ge [sflag:s31], $0x4000  }
0x81: {  	s18 =	sadd.s32 $0x20, s18;
	[sflag:s31] =	ssyncset.done $0x0  }
.LBB2_7:
0x82: {  	s12 =	sadd.s32 $0xFFFFFFF0, s18;
	[sflag:s31] =	ssyncadd.s32 @p0 $0xFFFFC000  }
0x83: {  	[tilespmem:s21], [sflag:$0x5] =	stream.linear.gather [hbm4b:s12+s3], $0x80, $0x38;
	[tilespmem:$0x1C200] =	vst v63  }
0x84: {  	s13 =	smov.u32 s11;
	s12 =	sadd.s32 @p0 $0x20, s17;
	_ =	swait.ge [sflag:s20], $0x80  }
0x85: {  	s13 =	smov.u32 @p0 s12;
	[sflag:s20] =	ssyncset.done $0x0  }
0x86: {  	s12 =	sadd.s32 $0xFFFFFFF0, s13;
	[sflag:s20] =	ssyncadd.s32 $0xFFFFFF80  }
0x87: {  	[tilespmem:s22], [sflag:$0x5] =	stream.linear.gather [hbm4b:s12+s3], $0x80, $0x38;
	[tilespmem:$0x1C200] =	vst v63  }
0x88: {  	_ =	swait.ge [sflag:s20], $0x80  }
0x89: {  	[sflag:s20] =	ssyncset.done $0x0  }
0x8a: {  	[sflag:s20] =	ssyncadd.s32 $0xFFFFFF80  }
0x8b: {  	[tilespmem:s19], [sflag:$0x1] =	stream.indirect.gather [hbm4b:s4+s23], $0x80, s21, s23, $0xb8;
	[tilespmem:$0x1C200] =	vst v63  }
0x8c: {  	_ = 	snop  }
0x8d: {  	[tilespmem:s24], [sflag:$0x5] =	stream.linear.gather [hbm4b:s18+s3], $0x80, $0x38;
	[tilespmem:$0x1C200] =	vst v63  }
0x8e: {  	_ =	swait.ge [sflag:s20], $0x80  }
0x8f: {  	[sflag:s20] =	ssyncset.done $0x0  }
0x90: {  	[sflag:s20] =	ssyncadd.s32 $0xFFFFFF80  }
0x91: {  	[tilespmem:s25], [sflag:$0x5] =	stream.linear.gather [hbm4b:s13+s3], $0x80, $0x38;
	[tilespmem:$0x1C200] =	vst v63  }
0x92: {  	_ =	swait.ge [sflag:s20], $0x80  }
0x93: {  	[sflag:s20] =	ssyncset.done $0x0  }
0x94: {  	[sflag:s20] =	ssyncadd.s32 $0xFFFFFF80  }
0x95: {  	[tilespmem:s26], [sflag:$0x2] =	stream.indirect.gather [hbm4b:s4+s23], $0x80, s24, s23, $0xb8;
	[tilespmem:$0x1C200] =	vst v63  }
0x96: {  	_ =	swait.ge [sflag:s28], $0x4000  }
0x97: {  	[sflag:s28] =	ssyncset.done $0x0  }
0x98: {  	[sflag:s28] =	ssyncadd.s32 $0xFFFFC000  }
0x99: {  	[spmem:s2] =	stream.indirect.scatter.add.f32 [tilespmem:s19], [sflag:$0x3], $0x80, s22, s23, $0xb8;
	[tilespmem:$0x1C200] =	vst v63  }
0x9a: {  	_ =	swait.ge [sflag:s29], $0x4000  }
0x9b: {  	[sflag:s29] =	ssyncset.done $0x0  }
0x9c: {  	[sflag:s29] =	ssyncadd.s32 $0xFFFFC000  }
0x9d: {  	[spmem:s2] =	stream.indirect.scatter.add.f32 [tilespmem:s26], [sflag:$0x4], $0x80, s25, s23, $0xb8;
	[tilespmem:$0x1C200] =	vst v63  }
0x9e: {  	_ =	swait.ge [sflag:s30], $0x4000  }
0x9f: {  	[sflag:s30] =	ssyncset.done $0x0  }
0xa0: {  	[sflag:s30] =	ssyncadd.s32 $0xFFFFC000  }
0xa1: {  	_ =	swait.ge [sflag:s31], $0x4000  }
0xa2: {  	[sflag:s31] =	ssyncset.done $0x0  }
0xa3: {  	[sflag:s31] =	ssyncadd.s32 $0xFFFFC000  }
0xa4: {  	[bflag:$0x0] =	sbarrier.arrive $0xFFFF  }
0xa5: {  	[tilespmem:s19], [sflag:$0x5] =	stream.linear.gather [spmem:s5], $0x4000, $0x38;
	[tilespmem:$0x1C200] =	vst v63  }
0xa6: {  	_ =	swait.ge [sflag:s20], $0x4000  }
0xa7: {  	[sflag:s20] =	ssyncset.done $0x0  }
0xa8: {  	s13 =	rddreg [dreg:$0x3];
	[sflag:s20] =	ssyncadd.s32 $0xFFFFC000  }
0xa9: {  	[hbm4b:s13+s3] =	stream.linear.scatter [tilespmem:s19], [sflag:$0x5], $0x4000, $0x38;
	[tilespmem:$0x1C200] =	vst v63  }
0xaa: {  	_ =	swait.ge [sflag:s20], $0x4000  }
0xab: {  	[sflag:s20] =	ssyncset.done $0x0  }
0xac: {  	[sflag:s20] =	ssyncadd.s32 $0xFFFFC000  }
0xad: {  	[tilespmem:s19], [sflag:$0x5] =	stream.linear.gather [spmem:s6], $0x4000, $0x38;
	[tilespmem:$0x1C200] =	vst v63  }
0xae: {  	_ =	swait.ge [sflag:s20], $0x4000  }
0xaf: {  	[sflag:s20] =	ssyncset.done $0x0  }
0xb0: {  	s17 =	rddreg [dreg:$0x4];
	[sflag:s20] =	ssyncadd.s32 $0xFFFFC000  }
0xb1: {  	[hbm4b:s17+s3] =	stream.linear.scatter [tilespmem:s19], [sflag:$0x5], $0x4000, $0x38;
	[tilespmem:$0x1C200] =	vst v63  }
0xb2: {  	_ =	swait.ge [sflag:s20], $0x4000  }
0xb3: {  	[sflag:s20] =	ssyncset.done $0x0  }
0xb4: {  	[sflag:s20] =	ssyncadd.s32 $0xFFFFC000  }
0xb5: {  	[tilespmem:s19], [sflag:$0x5] =	stream.linear.gather [spmem:s7], $0x4000, $0x38;
	[tilespmem:$0x1C200] =	vst v63  }
0xb6: {  	_ =	swait.ge [sflag:s20], $0x4000  }
0xb7: {  	[sflag:s20] =	ssyncset.done $0x0  }
0xb8: {  	s18 =	rddreg [dreg:$0x5];
	[sflag:s20] =	ssyncadd.s32 $0xFFFFC000  }
0xb9: {  	[hbm4b:s18+s3] =	stream.linear.scatter [tilespmem:s19], [sflag:$0x5], $0x4000, $0x38;
	[tilespmem:$0x1C200] =	vst v63  }
0xba: {  	_ =	swait.ge [sflag:s20], $0x4000  }
0xbb: {  	[sflag:s20] =	ssyncset.done $0x0  }
0xbc: {  	[sflag:s20] =	ssyncadd.s32 $0xFFFFC000  }
0xbd: {  	[tilespmem:s19], [sflag:$0x5] =	stream.linear.gather [spmem:s8], $0x4000, $0x38;
	[tilespmem:$0x1C200] =	vst v63  }
0xbe: {  	_ =	swait.ge [sflag:s20], $0x4000  }
0xbf: {  	[sflag:s20] =	ssyncset.done $0x0  }
0xc0: {  	[sflag:s20] =	ssyncadd.s32 $0xFFFFC000  }
0xc1: {  	[hbm4b:s14+s3] =	stream.linear.scatter [tilespmem:s19], [sflag:$0x5], $0x4000, $0x38;
	[tilespmem:$0x1C200] =	vst v63  }
0xc2: {  	_ =	swait.ge [sflag:s20], $0x4000  }
0xc3: {  	[sflag:s20] =	ssyncset.done $0x0  }
0xc4: {  	[sflag:s20] =	ssyncadd.s32 $0xFFFFC000  }
0xc5: {  	[tilespmem:s19], [sflag:$0x5] =	stream.linear.gather [spmem:s9], $0x4000, $0x38;
	[tilespmem:$0x1C200] =	vst v63  }
0xc6: {  	_ =	swait.ge [sflag:s20], $0x4000  }
0xc7: {  	s0 =	sadd.s32 $0x1, s0;
	[sflag:s20] =	ssyncset.done $0x0  }
0xc8: {  	p0 =	sne.s32 s0, s16;
	[sflag:s20] =	ssyncadd.s32 $0xFFFFC000  }
0xc9: {  	[hbm4b:s15+s3] =	stream.linear.scatter [tilespmem:s19], [sflag:$0x5], $0x4000, $0x38;
	[tilespmem:$0x1C200] =	vst v63  }
.Ltmp4:
0xca: {  	_ = 	snop;
	(pc) =	sbr.rel @p0 .LBB2_1-.Ltmp4, $4  }
.Ltmp5:
0xcb: {  	_ = 	snop;
	(pc) =	sbr.rel @!p0 .LBB2_8-.Ltmp5, $4  }
0xcc: {  	_ =	swait.ge [sflag:s20], $0x4000  }
0xcd: {  	[sflag:s20] =	ssyncset.done $0x0  }
0xce: {  	[sflag:s20] =	ssyncadd.s32 $0xFFFFC000  }
0xcf: {  	_ = 	snop  }
.LBB2_5:
.Ltmp6:
0xd0: {  	(pc) =	sbr.rel .LBB2_7-.Ltmp6, $2  }
0xd1: {  	_ =	sdelay $0x2  }
0xd2: {  	s17 =	smov.u32 s11  }
.LBB2_8:
0xd3: {  	_ =	sfence.sel $0x180000  }
0xd4: {  	[bflag:$0x0] =	sbarrier.arrive $0xFFFF  }
0xd5: {  	_ =	strace $0x9000004D  }
0xd6: {  	s0 =	stileid.u32;
	[bflag:$0x2] =	sbarrier.arrive $0xFFFF  }
0xd7: {  	p0 =	sne.s32 s0, $0x0;
	s0 =	rddreg [dreg:$0x2]  }
0xd8: {  	s0 =	sadd.s32 @!p0 $0x100000, s0  }
0xd9: {  	[sflag:s0] =	ssyncadd.tile.s32 @!p0 $0x1;
	_ =	shalt  }
.Lfunc_end2:
_tile_overlayer_lowered:
.L_overlay_start_2:
0xda: {  	(tag) =	ssettag $0x2  }
0xdb: {  	s0 =	rddreg [dreg:$0x0];
	s2 =	stileid.u32  }
0xdc: {  	s1 =	rddreg [dreg:$0x1];
	p0 =	sne.s32 s2, $0x0  }
0xdd: {  	s3 =	rddreg [dreg:$0x2];
	[bflag:$0x3] =	sbarrier.arrive $0xFFFF;
	s2 =	simm.s32 @!p0 $0x1C05  }
0xde: {  	[timem:s3], [sflag:s2] =	dma.local @!p0 [hbm:s0], s1  }
0xdf: {  	s0 =	simm.s32 @!p0 $0x5  }
0xe0: {  	_ =	swait.ge @!p0 [sflag:s0], s1  }
0xe1: {  	s1 =	ssub.s32 @!p0 $0x0, s1;
	[sflag:s0] =	ssyncset.done @!p0 $0x0  }
0xe2: {  	[sflag:s0] =	ssyncadd.s32 @!p0 s1  }
0xe3: {  	[bflag:$0x3] =	sbarrier.arrive $0xFFFF  }
0xe4: {  	_ =	shalt  }

// kernel: kernel.20.cloned.1.call-start
scs
__scs_entry_jumppad:
0x0: {  	(pc) =	sbr.rel $0x88, $3  }
0x1: {  	(tag) =	ssettag $0x0;
	lr =	simm.s32 $0x1  }
0x2: {  	[smem:$0x3F95] =	sst lr;
	_ =	strace $0xD0000000  }
0x3: {  	_ = 	snop  }
0x4: {  	_ = 	snop  }
0x5: {  	_ = 	snop  }
0x6: {  	_ = 	snop  }
0x7: {  	_ = 	snop  }
__scs_overlays_trampoline_lowered:
0x8: {  	[smem:$0x3FA4] =	sst s0  }
0x9: {  	[smem:$0x3FA5] =	sst s1  }
0xa: {  	[smem:$0x3FA6] =	sst s2  }
0xb: {  	[smem:$0x3FA7] =	sst s3  }
0xc: {  	[smem:$0x3FA8] =	sst s4  }
0xd: {  	[smem:$0x3FA9] =	sst s5  }
0xe: {  	[smem:$0x3FAA] =	sst s6  }
0xf: {  	[smem:$0x3FAB] =	sst s7  }
0x10: {  	[smem:$0x3FAC] =	sst s8  }
0x11: {  	[smem:$0x3FAD] =	sst s9;
	s0 =	simm.s32 @!p0 $0x0  }
0x12: {  	s1 =	sld [smem:$0x3F93];
	s0 =	simm.s32 @p0 $0x1  }
0x13: {  	[smem:$0x3FAE] =	sst s0;
	s0 =	simm.s32 @!p1 $0x0  }
0x14: {  	s2 =	sld [smem:$0x3F92];
	s0 =	simm.s32 @p1 $0x1  }
0x15: {  	[smem:$0x3FAF] =	sst s0;
	s0 =	simm.s32 @!p2 $0x0  }
0x16: {  	s3 =	sld [smem:$0x3FDB];
	s0 =	simm.s32 @p2 $0x1  }
0x17: {  	s4 =	simm.s32 $0x1BF5;
	[smem:$0x3FB1] =	sst s0  }
0x18: {  	s0 =	sld [smem:$0x3F94];
	_ =	swait.ge [sflag:s4], $0x0  }
0x19: {  	s7 =	sld [smem:$0x3F95]  }
0x1a: {  	s8 =	sadd.s32 $0xFFFFE003, lr  }
0x1b: {  	s9 =	sadd.s32 $0xFFFFFEF7, lr;
	s5 =	simm.s32 $0xFFFFFFFF;
	p2 =	slt.u32 s8, $0xFFFFF086  }
0x1c: {  	p1 =	slt.u32 s9, $0xF7A;
	s5 =	simm.s32 @!p2 $0x0  }
0x1d: {  	s5 =	simm.s32 @p1 $0x1;
	p0 =	seq.s32 s7, s2  }
0x1e: {  	s7 =	smul.u32 @!p0 $0xF7A, s2;
	p2 =	seq.s32 @!p0 s5, $0x0  }
0x1f: {  	s9 =	smul.u32 $0xF7A, s1;
	s8 =	simm.s32 @!p0 $0x1BF5;
	p2 =	por !p2, p0  }
0x20: {  	[sflag:s8] =	ssyncset.s32 @!p0 $0xFFFFF086;
	s6 =	sadd.s32 @!p0 s3, s7;
	s7 =	simm.s32 @!p0 $0x108  }
0x21: {  	s3 =	sadd.s32 s3, s9;
	s6 =	sadd.s32 @!p0 $0x88, s6;
	s7 =	simm.s32 @p2 $0x1082  }
0x22: {  	[simem:s7], [sflag:s8] =	dma.local @!p0 [hbm:s6], $0xF7A  }
0x23: {  	s9 =	sor.u32 $0xD0000000, s2;
	s6 =	simm.s32 $0x108;
	_ =	swait.ge @!p0 [sflag:s8], $0x0  }
0x24: {  	s3 =	sadd.s32 $0x88, s3;
	s6 =	simm.s32 @!p1 $0x1082;
	[sflag:s4] =	ssyncset.s32 $0xFFFFF086  }
0x25: {  	[simem:s6], [sflag:s4] =	dma.local [hbm:s3], $0xF7A  }
0x26: {  	[smem:$0x3F95] =	sst s1;
	(tag) =	ssettag s2;
	_ =	strace s9  }
0x27: {  	s1 =	sld [smem:$0x3FA5]  }
0x28: {  	s2 =	sld [smem:$0x3FA6]  }
0x29: {  	s4 =	sld [smem:$0x3FA8]  }
0x2a: {  	p0 =	seq.s32 s5, $0x0;
	s5 =	sld [smem:$0x3FA9]  }
0x2b: {  	s6 =	sld [smem:$0x3FAA]  }
0x2c: {  	s7 =	sld [smem:$0x3FAB]  }
0x2d: {  	s3 =	simm.s32 $0x108;
	s8 =	sld [smem:$0x3FAC]  }
0x2e: {  	s3 =	simm.s32 @!p0 $0x1082;
	s9 =	sld [smem:$0x3FAD]  }
0x2f: {  	lr =	sadd.s32 s0, s3;
	s0 =	sld [smem:$0x3FA4]  }
0x30: {  	s3 =	sld [smem:$0x3FA7]  }
0x31: {  	[smem:$0x3FB0] =	sst s10  }
0x32: {  	s10 =	sld [smem:$0x3FAE];
	_ =	sdelay $0x3  }
0x33: {  	p0 =	seq.s32 s10, $0x1;
	s10 =	sld [smem:$0x3FB0];
	_ =	sdelay $0x3  }
0x34: {  	[smem:$0x3FB0] =	sst s10  }
0x35: {  	s10 =	sld [smem:$0x3FAF];
	_ =	sdelay $0x3  }
0x36: {  	p1 =	seq.s32 s10, $0x1;
	s10 =	sld [smem:$0x3FB0];
	_ =	sdelay $0x3  }
0x37: {  	[smem:$0x3FB0] =	sst s10  }
0x38: {  	s10 =	sld [smem:$0x3FB1]  }
0x39: {  	_ = 	snop;
	(pc) =	sbr.ind lr, $3  }
0x3a: {  	_ = 	snop  }
0x3b: {  	_ = 	snop  }
0x3c: {  	p2 =	seq.s32 s10, $0x1;
	s10 =	sld [smem:$0x3FB0]  }
0x3d: {  	_ =	shalt  }
0x3e: {  	_ =	shalt  }
0x3f: {  	_ =	shalt  }
0x40: {  	_ =	shalt  }
0x41: {  	_ =	shalt  }
0x42: {  	_ =	shalt  }
0x43: {  	_ =	shalt  }
0x44: {  	_ =	shalt  }
0x45: {  	_ =	shalt  }
0x46: {  	_ =	shalt  }
0x47: {  	_ =	shalt  }
0x48: {  	_ =	shalt  }
0x49: {  	_ =	shalt  }
0x4a: {  	_ =	shalt  }
0x4b: {  	_ =	shalt  }
0x4c: {  	_ =	shalt  }
0x4d: {  	_ =	shalt  }
0x4e: {  	_ =	shalt  }
0x4f: {  	_ =	shalt  }
0x50: {  	_ =	shalt  }
0x51: {  	_ =	shalt  }
0x52: {  	_ =	shalt  }
0x53: {  	_ =	shalt  }
0x54: {  	_ =	shalt  }
0x55: {  	_ =	shalt  }
0x56: {  	_ =	shalt  }
0x57: {  	_ =	shalt  }
0x58: {  	_ =	shalt  }
0x59: {  	_ =	shalt  }
0x5a: {  	_ =	shalt  }
0x5b: {  	_ =	shalt  }
0x5c: {  	_ =	shalt  }
0x5d: {  	_ =	shalt  }
0x5e: {  	_ =	shalt  }
0x5f: {  	_ =	shalt  }
0x60: {  	_ =	shalt  }
0x61: {  	_ =	shalt  }
0x62: {  	_ =	shalt  }
0x63: {  	_ =	shalt  }
0x64: {  	_ =	shalt  }
0x65: {  	_ =	shalt  }
0x66: {  	_ =	shalt  }
0x67: {  	_ =	shalt  }
0x68: {  	_ =	shalt  }
0x69: {  	_ =	shalt  }
0x6a: {  	_ =	shalt  }
0x6b: {  	_ =	shalt  }
0x6c: {  	_ =	shalt  }
0x6d: {  	_ =	shalt  }
0x6e: {  	_ =	shalt  }
0x6f: {  	_ =	shalt  }
0x70: {  	_ =	shalt  }
0x71: {  	_ =	shalt  }
0x72: {  	_ =	shalt  }
0x73: {  	_ =	shalt  }
0x74: {  	_ =	shalt  }
0x75: {  	_ =	shalt  }
0x76: {  	_ =	shalt  }
0x77: {  	_ =	shalt  }
0x78: {  	_ =	shalt  }
0x79: {  	_ =	shalt  }
0x7a: {  	_ =	shalt  }
0x7b: {  	_ =	shalt  }
0x7c: {  	_ =	shalt  }
0x7d: {  	_ =	shalt  }
0x7e: {  	_ =	shalt  }
0x7f: {  	_ =	shalt  }
0x80: {  	_ =	shalt  }
0x81: {  	_ =	shalt  }
0x82: {  	_ =	shalt  }
0x83: {  	_ =	shalt  }
0x84: {  	_ =	shalt  }
0x85: {  	_ =	shalt  }
0x86: {  	_ =	shalt  }
0x87: {  	_ =	shalt  }
.Lfunc_end0:
.L_simem_size_0:
called_computation.3_lowered:
.L_overlay_start_0:
0x88: {  	s2 =	sld [smem:$0x3FD9]  }
0x89: {  	s3 =	sld [smem:$0x3FFE];
	_ =	sdelay $0x1  }
0x8a: {  	s1 =	srdreg.scid  }
0x8b: {  	s0 =	sand.u32 $0x1, s1  }
0x8c: {  	s16 =	sshll.u32 s0, $0xA;
	s2 =	sadd.s32 s3, s2  }
0x8d: {  	s2 =	sadd.s32 s2, s16  }
0x8e: {  	[smem:$0x3FBC] =	sst s2  }
0x8f: {  	_ = 	snop  }
0x90: {  	(tm) =	ssettm $0x1  }
0x91: {  	s17 =	sld [smem:$0x3FFB];
	_ =	sdelay $0x3  }
0x92: {  	_ =	strace s17  }
0x93: {  	s2 =	sld [smem:$0x3FFC];
	_ =	sdelay $0x3  }
0x94: {  	_ =	strace s2  }
0x95: {  	s2 =	sld [smem:$0x3FFD];
	_ =	sdelay $0x3  }
0x96: {  	_ =	strace s2  }
0x97: {  	_ =	strace $0x8FFFFFFF  }
0x98: {  	s18 =	sld [smem:$0x3FDB];
	_ =	sdelay $0x1  }
0x99: {  	s19 =	simm.s32 $_scs_section_size  }
0x9a: {  	s4 =	simm.s32 $_size__tile_overlayer_lowered;
	s5 =	simm.s32 $_tile_overlayer_lowered  }
0x9b: {  	s22 =	simm.s32 $0x1BFF;
	s21 =	sshll.u32 s5, $0x1;
	s2 =	sadd.s32 s19, s18  }
0x9c: {  	s6 =	simm.s32 $0x0;
	s20 =	sshll.u32 s4, $0x1;
	s4 =	sadd.s32 s21, s2  }
0x9d: {  	[timem:s6], [sflag:s22] =	dma.local [hbm:s4], s20  }
0x9e: {  	_ =	swait.ge [sflag:s22], s20  }
0x9f: {  	s3 =	ssub.s32 $0x0, s20;
	[sflag:s22] =	ssyncset.done $0x0  }
0xa0: {  	[sflag:s22] =	ssyncadd.s32 s3;
	_ =	sdelay $0x1  }
0xa1: {  	s23 =	simm.s32 $0x1B8B  }
0xa2: {  	_ =	swait.ge [sflag:s23], $0x1  }
0xa3: {  	[sflag:s23] =	ssyncset.done $0x0  }
0xa4: {  	s25 =	simm.s32 $0x1B8E;
	s24 =	sld [smem:$0x3FFE];
	[sflag:s23] =	ssyncadd.s32 $0xFFFFFFFF  }
0xa5: {  	s26 =	simm.s32 $execute0_lowered;
	[smem:$0x3FD2] =	sst s25  }
0xa6: {  	s4 =	sshll.u32 s26, $0x1;
	_ =	strace $0x8000004F;
	[dreg:$0x1] =	wrdreg $0xFFFFFFFF  }
0xa7: {  	s28 =	simm.s32 $_size_execute0_lowered;
	s2 =	sadd.s32 s2, s4;
	[dreg:$0x0] =	wrdreg $0x0  }
0xa8: {  	s4 =	sshll.u32 s28, $0x1;
	[dreg:$0x2] =	wrdreg s2  }
0xa9: {  	[dreg:$0x3] =	wrdreg s4  }
0xaa: {  	[dreg:$0x4] =	wrdreg $0xC0  }
0xab: {  	_ =	task [dreg:s6], $0x5FFFF  }
0xac: {  	[dreg:$0x1] =	wrdreg $0xFFFFFFFF  }
0xad: {  	[dreg:$0x0] =	wrdreg $0x60  }
0xae: {  	[dreg:$0x2] =	wrdreg s24  }
0xaf: {  	[dreg:$0x3] =	wrdreg $0x0  }
0xb0: {  	[dreg:$0x4] =	wrdreg $0x9  }
0xb1: {  	_ =	task.clear_ibuf [dreg:s6], $0x5FFFF;
	_ =	strace $0x9000004F  }
0xb2: {  	s29 =	simm.s32 $0x9;
	_ =	strace $0x80000051  }
0xb3: {  	_ =	swait.ge [sflag:s29], $0x1  }
0xb4: {  	[sflag:s29] =	ssyncadd.s32 $0xFFFFFFFF  }
0xb5: {  	_ =	strace $0x90000051  }
0xb6: {  	_ =	sfence  }
0xb7: {  	s30 =	sld [smem:$0x0];
	_ =	sdelay $0x2  }
0xb8: {  	s31 =	sshll.u32 s1, $0xD;
	s1 =	sshrl.u32 s1, $0x2  }
0xb9: {  	s3 =	sand.u32 $0x4000, s31;
	s1 =	sadd.s32 s1, s30  }
0xba: {  	s0 =	sor.u32 s3, s0;
	s1 =	sshll.u32 s1, $0x11  }
0xbb: {  	s0 =	sor.u32 s1, s0  }
0xbc: {  	s0 =	sadd.s32 $0x8F2B, s0  }
0xbd: {  	[sflag:s0] =	ssyncadd.remote.s32 $0x1  }
0xbe: {  	_ =	sfence.sel $0xFFFF  }
0xbf: {  	[dreg:$0x0] =	wrdreg $0xFFFFFFFF;
	(pc) =	sbr.abs _section_cstart, $3  }
0xc0: {  	[dreg:$0x1] =	wrdreg $0xFFFFFFFF  }
0xc1: {  	_ =	task.clear_ibuf [dreg:s6], $0x2FFFF;
	_ =	strace $0x9FFFFFFF  }
0xc2: {  	(tm) =	ssettm $0x7FFFFFFF  }
0xc3: {  	_ =	shalt  }
tec
execute0_lowered:
.L_overlay_start_1:
0x0: {  	(tag) =	ssettag $0x1  }
0x1: {  	s0 =	rddreg [dreg:$0x0]  }
0x2: {  	s2 =	rddreg [dreg:$0x1];
	s8 =	stileid.u32  }
0x3: {  	s3 =	simm.s32 $0x0;
	s1 =	srdreg.scid;
	s10 =	simm.s32 $0x39  }
0x4: {  	s19 =	simm.s32 $0x14200;
	s20 =	simm.s32 $0x5;
	s4 =	smul.u32 $0x2C, s8  }
0x5: {  	s28 =	simm.s32 $0x1;
	s29 =	simm.s32 $0x2;
	s5 =	smul.u32 $0x72, s8  }
0x6: {  	s30 =	simm.s32 $0x3;
	s31 =	simm.s32 $0x4;
	s21 =	smul.u32 $0x50000, s8  }
0x7: {  	[smem:$0x7FF] =	sst s3;
	s1 =	sand.u32 $0x1, s1;
	s11 =	smul.u32 $0x14000, s8  }
0x8: {  	_ =	strace $0x80000050;
	p0 =	seq.s32 s1, $0x0;
	s7 =	ssub.s32 $0x2, s1  }
0x9: {  	s1 =	smul.u32 $0x140000, s1;
	s6 =	sadd.s32 $0x720, s4;
	s4 =	sadd.s32 $0xD200, s0  }
0xa: {  	s22 =	sshrl.u32 s7, $0x1;
	s13 =	sadd.s32 $0x4000, s11;
	s14 =	sadd.s32 $0x8000, s11  }
0xb: {  	s15 =	sadd.s32 $0xC000, s11;
	s17 =	sadd.s32 $0x10000, s11;
	s10 =	simm.s32 @!p0 $0x16  }
0xc: {  	s6 =	smov.u32 @p0 s5;
	s16 =	ssub.s32 s7, s22;
	s5 =	sshrl.u32 s21, $0x2  }
0xd: {  	s7 =	sadd.s32 s14, s2;
	s8 =	sadd.s32 s15, s2;
	s9 =	sadd.s32 s17, s2  }
0xe: {  	s11 =	sadd.s32 s11, s1;
	s24 =	sadd.s32 s1, s14;
	s25 =	sadd.s32 s1, s15  }
0xf: {  	s21 =	simm.s32 $0x14000;
	s22 =	simm.s32 $0x14080;
	s6 =	sshll.u32 s6, $0x4  }
0x10: {  	s5 =	sadd.s32 s5, s2;
	s11 =	sshrl.u32 s11, $0x3;
	s26 =	sshrl.u32 s25, $0x3  }
0x11: {  	s16 =	smax.u32 s16, $0x1;
	s25 =	simm.s32 $0x14180;
	s12 =	sadd.s32 s6, s0  }
0x12: {  	s0 =	sadd.s32 $0x67000, s0;
	s6 =	sadd.s32 s13, s2;
	s13 =	sadd.s32 s1, s13  }
0x13: {  	s1 =	sadd.s32 s1, s17;
	s13 =	sshrl.u32 s13, $0x3;
	s11 =	sadd.s32 s0, s11  }
0x14: {  	s1 =	sshrl.u32 s1, $0x3;
	s14 =	sadd.s32 s0, s26;
	s26 =	simm.s32 $0x18200  }
0x15: {  	[dreg:$0x3] =	wrdreg s11;
	s23 =	sadd.s32 s0, s13;
	s11 =	sshrl.u32 s24, $0x3  }
0x16: {  	s15 =	sadd.s32 s0, s1;
	s1 =	sadd.s32 $0x5D210, s12;
	s24 =	simm.s32 $0x14100  }
0x17: {  	[dreg:$0x4] =	wrdreg s23;
	s11 =	sadd.s32 s0, s11;
	s23 =	simm.s32 $0x80  }
0x18: {  	v0 =	vimm.f32 $0.0e+00;
	s0 =	simm.s32 $0x0;
	[dreg:$0x5] =	wrdreg s11;
	s11 =	sadd.s32 $0x3410, s12  }
.LBB2_1:
0x19: {  	s12 =	simm.s32 $0x0;
	s17 =	simm.s32 $0x200  }
.LBB2_2:
0x1a: {  	p0 =	sne.s32 s17, $0xFE00;
	[tilespmem:s12+$0x14270] =	vst v0  }
0x1b: {  	[tilespmem:s12+$0x14200] =	vst v0  }
0x1c: {  	[tilespmem:s12+$0x14210] =	vst v0  }
.Ltmp0:
0x1d: {  	[tilespmem:s12+$0x14220] =	vst v0;
	(pc) =	sbr.rel @p0 .LBB2_2-.Ltmp0, $4  }
0x1e: {  	[tilespmem:s12+$0x14230] =	vst v0  }
0x1f: {  	[tilespmem:s12+$0x14240] =	vst v0  }
0x20: {  	[tilespmem:s12+$0x14250] =	vst v0  }
0x21: {  	[tilespmem:s12+$0x14260] =	vst v0;
	s12 =	sshra.s32 s17, $0x2;
	s17 =	sadd.s32 $0x200, s17  }
0x22: {  	[tilespmem:s12+$0x14270] =	vst v0  }
0x23: {  	[tilespmem:s12+$0x14200] =	vst v0  }
0x24: {  	[tilespmem:s12+$0x14210] =	vst v0  }
0x25: {  	[tilespmem:s12+$0x14220] =	vst v0  }
0x26: {  	[tilespmem:s12+$0x14230] =	vst v0  }
0x27: {  	[tilespmem:s12+$0x14240] =	vst v0  }
0x28: {  	[tilespmem:s12+$0x14250] =	vst v0  }
0x29: {  	[tilespmem:s12+$0x14260] =	vst v0  }
0x2a: {  	[spmem:s5] =	stream.linear.scatter [tilespmem:s19], [sflag:$0x5], $0x4000, $0x38;
	[tilespmem:$0x1C200] =	vst v63  }
0x2b: {  	_ =	swait.ge [sflag:s20], $0x4000  }
0x2c: {  	[sflag:s20] =	ssyncset.done $0x0  }
0x2d: {  	[sflag:s20] =	ssyncadd.s32 $0xFFFFC000  }
0x2e: {  	[spmem:s6] =	stream.linear.scatter [tilespmem:s19], [sflag:$0x5], $0x4000, $0x38;
	[tilespmem:$0x1C200] =	vst v63  }
0x2f: {  	_ =	swait.ge [sflag:s20], $0x4000  }
0x30: {  	[sflag:s20] =	ssyncset.done $0x0  }
0x31: {  	[sflag:s20] =	ssyncadd.s32 $0xFFFFC000  }
0x32: {  	[spmem:s7] =	stream.linear.scatter [tilespmem:s19], [sflag:$0x5], $0x4000, $0x38;
	[tilespmem:$0x1C200] =	vst v63  }
0x33: {  	_ =	swait.ge [sflag:s20], $0x4000  }
0x34: {  	[sflag:s20] =	ssyncset.done $0x0  }
0x35: {  	[sflag:s20] =	ssyncadd.s32 $0xFFFFC000  }
0x36: {  	[spmem:s8] =	stream.linear.scatter [tilespmem:s19], [sflag:$0x5], $0x4000, $0x38;
	[tilespmem:$0x1C200] =	vst v63  }
0x37: {  	_ =	swait.ge [sflag:s20], $0x4000  }
0x38: {  	[sflag:s20] =	ssyncset.done $0x0  }
0x39: {  	p1 =	sne.s32 s10, $0x1;
	[sflag:s20] =	ssyncadd.s32 $0xFFFFC000  }
0x3a: {  	[spmem:s9] =	stream.linear.scatter [tilespmem:s19], [sflag:$0x5], $0x4000, $0x38;
	[tilespmem:$0x1C200] =	vst v63  }
.Ltmp1:
0x3b: {  	_ =	swait.ge [sflag:s20], $0x4000;
	(pc) =	sbr.rel @!p1 .LBB2_7-.Ltmp1, $4  }
0x3c: {  	[sflag:s20] =	ssyncset.done $0x0  }
0x3d: {  	[sflag:s20] =	ssyncadd.s32 $0xFFFFC000  }
0x3e: {  	s12 =	sadd.s32 $0xFFFFFFFF, s10;
	[bflag:$0x0] =	sbarrier.arrive $0xFFFF  }
0x3f: {  	p0 =	por $0x0, $0x0;
	s18 =	smov.u32 s1;
	s17 =	smov.u32 s11  }
0x40: {  	s17 =	sadd.s32 $0xFFFFFFF0, s1  }
0x41: {  	[tilespmem:s21], [sflag:$0x5] =	stream.linear.gather [hbm4b:s17+s3], $0x80, $0x38;
	[tilespmem:$0x1C200] =	vst v63  }
0x42: {  	_ =	swait.ge [sflag:s20], $0x80  }
0x43: {  	[sflag:s20] =	ssyncset.done $0x0  }
0x44: {  	s18 =	sadd.s32 $0xFFFFFFF0, s11;
	[sflag:s20] =	ssyncadd.s32 $0xFFFFFF80  }
0x45: {  	[tilespmem:s22], [sflag:$0x5] =	stream.linear.gather [hbm4b:s18+s3], $0x80, $0x38;
	[tilespmem:$0x1C200] =	vst v63  }
0x46: {  	_ =	swait.ge [sflag:s20], $0x80  }
0x47: {  	[sflag:s20] =	ssyncset.done $0x0  }
0x48: {  	[sflag:s20] =	ssyncadd.s32 $0xFFFFFF80  }
0x49: {  	[tilespmem:s19], [sflag:$0x1] =	stream.indirect.gather [hbm4b:s4+s23], $0x80, s21, s23, $0xb8;
	[tilespmem:$0x1C200] =	vst v63  }
0x4a: {  	_ = 	snop  }
0x4b: {  	[tilespmem:s24], [sflag:$0x5] =	stream.linear.gather [hbm4b:s1+s3], $0x80, $0x38;
	[tilespmem:$0x1C200] =	vst v63  }
0x4c: {  	_ =	swait.ge [sflag:s20], $0x80  }
0x4d: {  	[sflag:s20] =	ssyncset.done $0x0  }
0x4e: {  	[sflag:s20] =	ssyncadd.s32 $0xFFFFFF80  }
0x4f: {  	[tilespmem:s25], [sflag:$0x5] =	stream.linear.gather [hbm4b:s11+s3], $0x80, $0x38;
	[tilespmem:$0x1C200] =	vst v63  }
0x50: {  	_ =	swait.ge [sflag:s20], $0x80  }
0x51: {  	[sflag:s20] =	ssyncset.done $0x0  }
0x52: {  	[sflag:s20] =	ssyncadd.s32 $0xFFFFFF80  }
0x53: {  	[tilespmem:s26], [sflag:$0x2] =	stream.indirect.gather [hbm4b:s4+s23], $0x80, s24, s23, $0xb8;
	[tilespmem:$0x1C200] =	vst v63  }
0x54: {  	_ =	swait.ge [sflag:s28], $0x4000  }
0x55: {  	[sflag:s28] =	ssyncset.done $0x0  }
0x56: {  	[sflag:s28] =	ssyncadd.s32 $0xFFFFC000  }
0x57: {  	[spmem:s2] =	stream.indirect.scatter.add.f32 [tilespmem:s19], [sflag:$0x3], $0x80, s22, s23, $0xb8;
	[tilespmem:$0x1C200] =	vst v63  }
0x58: {  	_ =	swait.ge [sflag:s29], $0x4000  }
0x59: {  	[sflag:s29] =	ssyncset.done $0x0  }
0x5a: {  	p1 =	sne.s32 s12, $0x1;
	[sflag:s29] =	ssyncadd.s32 $0xFFFFC000  }
0x5b: {  	[spmem:s2] =	stream.indirect.scatter.add.f32 [tilespmem:s26], [sflag:$0x4], $0x80, s25, s23, $0xb8;
	[tilespmem:$0x1C200] =	vst v63  }
.Ltmp2:
0x5c: {  	_ =	swait.ge [sflag:s30], $0x4000;
	(pc) =	sbr.rel @!p1 .LBB2_5-.Ltmp2, $4  }
0x5d: {  	[sflag:s30] =	ssyncset.done $0x0  }
0x5e: {  	[sflag:s30] =	ssyncadd.s32 $0xFFFFC000  }
0x5f: {  	s12 =	sadd.s32 $0xFFFFFFFF, s12;
	p0 =	por $0x1, $0x1;
	_ =	swait.ge [sflag:s31], $0x4000  }
0x60: {  	s17 =	smov.u32 s11;
	s18 =	sadd.s32 $0x20, s1;
	[sflag:s31] =	ssyncset.done $0x0  }
.LBB2_6:
0x61: {  	s13 =	sadd.s32 $0xFFFFFFF0, s18;
	[sflag:s31] =	ssyncadd.s32 $0xFFFFC000;
	s17 =	sadd.s32 $0x20, s17  }
0x62: {  	[tilespmem:s21], [sflag:$0x5] =	stream.linear.gather [hbm4b:s13+s3], $0x80, $0x38;
	[tilespmem:$0x1C200] =	vst v63  }
0x63: {  	p1 =	sne.s32 s12, $0x1;
	s12 =	sadd.s32 $0xFFFFFFFF, s12;
	_ =	swait.ge [sflag:s20], $0x80  }
0x64: {  	[sflag:s20] =	ssyncset.done $0x0  }
0x65: {  	s13 =	sadd.s32 $0xFFFFFFF0, s17;
	[sflag:s20] =	ssyncadd.s32 $0xFFFFFF80  }
0x66: {  	[tilespmem:s22], [sflag:$0x5] =	stream.linear.gather [hbm4b:s13+s3], $0x80, $0x38;
	[tilespmem:$0x1C200] =	vst v63  }
0x67: {  	_ =	swait.ge [sflag:s20], $0x80  }
0x68: {  	[sflag:s20] =	ssyncset.done $0x0  }
0x69: {  	[sflag:s20] =	ssyncadd.s32 $0xFFFFFF80  }
0x6a: {  	[tilespmem:s19], [sflag:$0x1] =	stream.indirect.gather [hbm4b:s4+s23], $0x80, s21, s23, $0xb8;
	[tilespmem:$0x1C200] =	vst v63  }
0x6b: {  	_ = 	snop  }
0x6c: {  	[tilespmem:s24], [sflag:$0x5] =	stream.linear.gather [hbm4b:s18+s3], $0x80, $0x38;
	[tilespmem:$0x1C200] =	vst v63  }
0x6d: {  	_ =	swait.ge [sflag:s20], $0x80  }
0x6e: {  	[sflag:s20] =	ssyncset.done $0x0  }
0x6f: {  	[sflag:s20] =	ssyncadd.s32 $0xFFFFFF80  }
0x70: {  	[tilespmem:s25], [sflag:$0x5] =	stream.linear.gather [hbm4b:s17+s3], $0x80, $0x38;
	[tilespmem:$0x1C200] =	vst v63  }
0x71: {  	_ =	swait.ge [sflag:s20], $0x80  }
0x72: {  	[sflag:s20] =	ssyncset.done $0x0  }
0x73: {  	[sflag:s20] =	ssyncadd.s32 $0xFFFFFF80  }
0x74: {  	[tilespmem:s26], [sflag:$0x2] =	stream.indirect.gather [hbm4b:s4+s23], $0x80, s24, s23, $0xb8;
	[tilespmem:$0x1C200] =	vst v63  }
0x75: {  	_ =	swait.ge [sflag:s28], $0x4000  }
0x76: {  	[sflag:s28] =	ssyncset.done $0x0  }
0x77: {  	[sflag:s28] =	ssyncadd.s32 $0xFFFFC000  }
0x78: {  	[spmem:s2] =	stream.indirect.scatter.add.f32 [tilespmem:s19], [sflag:$0x3], $0x80, s22, s23, $0xb8;
	[tilespmem:$0x1C200] =	vst v63  }
0x79: {  	_ =	swait.ge [sflag:s29], $0x4000  }
0x7a: {  	[sflag:s29] =	ssyncset.done $0x0  }
0x7b: {  	[sflag:s29] =	ssyncadd.s32 $0xFFFFC000  }
0x7c: {  	[spmem:s2] =	stream.indirect.scatter.add.f32 [tilespmem:s26], [sflag:$0x4], $0x80, s25, s23, $0xb8;
	[tilespmem:$0x1C200] =	vst v63  }
.Ltmp3:
0x7d: {  	_ =	swait.ge [sflag:s30], $0x4000;
	(pc) =	sbr.rel @p1 .LBB2_6-.Ltmp3, $4  }
0x7e: {  	[sflag:s30] =	ssyncset.done $0x0  }
0x7f: {  	[sflag:s30] =	ssyncadd.s32 $0xFFFFC000  }
0x80: {  	_ =	swait.ge [sflag:s31], $0x4000  }
0x81: {  	s18 =	sadd.s32 $0x20, s18;
	[sflag:s31] =	ssyncset.done $0x0  }
.LBB2_7:
0x82: {  	s12 =	sadd.s32 $0xFFFFFFF0, s18;
	[sflag:s31] =	ssyncadd.s32 @p0 $0xFFFFC000  }
0x83: {  	[tilespmem:s21], [sflag:$0x5] =	stream.linear.gather [hbm4b:s12+s3], $0x80, $0x38;
	[tilespmem:$0x1C200] =	vst v63  }
0x84: {  	s13 =	smov.u32 s11;
	s12 =	sadd.s32 @p0 $0x20, s17;
	_ =	swait.ge [sflag:s20], $0x80  }
0x85: {  	s13 =	smov.u32 @p0 s12;
	[sflag:s20] =	ssyncset.done $0x0  }
0x86: {  	s12 =	sadd.s32 $0xFFFFFFF0, s13;
	[sflag:s20] =	ssyncadd.s32 $0xFFFFFF80  }
0x87: {  	[tilespmem:s22], [sflag:$0x5] =	stream.linear.gather [hbm4b:s12+s3], $0x80, $0x38;
	[tilespmem:$0x1C200] =	vst v63  }
0x88: {  	_ =	swait.ge [sflag:s20], $0x80  }
0x89: {  	[sflag:s20] =	ssyncset.done $0x0  }
0x8a: {  	[sflag:s20] =	ssyncadd.s32 $0xFFFFFF80  }
0x8b: {  	[tilespmem:s19], [sflag:$0x1] =	stream.indirect.gather [hbm4b:s4+s23], $0x80, s21, s23, $0xb8;
	[tilespmem:$0x1C200] =	vst v63  }
0x8c: {  	_ = 	snop  }
0x8d: {  	[tilespmem:s24], [sflag:$0x5] =	stream.linear.gather [hbm4b:s18+s3], $0x80, $0x38;
	[tilespmem:$0x1C200] =	vst v63  }
0x8e: {  	_ =	swait.ge [sflag:s20], $0x80  }
0x8f: {  	[sflag:s20] =	ssyncset.done $0x0  }
0x90: {  	[sflag:s20] =	ssyncadd.s32 $0xFFFFFF80  }
0x91: {  	[tilespmem:s25], [sflag:$0x5] =	stream.linear.gather [hbm4b:s13+s3], $0x80, $0x38;
	[tilespmem:$0x1C200] =	vst v63  }
0x92: {  	_ =	swait.ge [sflag:s20], $0x80  }
0x93: {  	[sflag:s20] =	ssyncset.done $0x0  }
0x94: {  	[sflag:s20] =	ssyncadd.s32 $0xFFFFFF80  }
0x95: {  	[tilespmem:s26], [sflag:$0x2] =	stream.indirect.gather [hbm4b:s4+s23], $0x80, s24, s23, $0xb8;
	[tilespmem:$0x1C200] =	vst v63  }
0x96: {  	_ =	swait.ge [sflag:s28], $0x4000  }
0x97: {  	[sflag:s28] =	ssyncset.done $0x0  }
0x98: {  	[sflag:s28] =	ssyncadd.s32 $0xFFFFC000  }
0x99: {  	[spmem:s2] =	stream.indirect.scatter.add.f32 [tilespmem:s19], [sflag:$0x3], $0x80, s22, s23, $0xb8;
	[tilespmem:$0x1C200] =	vst v63  }
0x9a: {  	_ =	swait.ge [sflag:s29], $0x4000  }
0x9b: {  	[sflag:s29] =	ssyncset.done $0x0  }
0x9c: {  	[sflag:s29] =	ssyncadd.s32 $0xFFFFC000  }
0x9d: {  	[spmem:s2] =	stream.indirect.scatter.add.f32 [tilespmem:s26], [sflag:$0x4], $0x80, s25, s23, $0xb8;
	[tilespmem:$0x1C200] =	vst v63  }
0x9e: {  	_ =	swait.ge [sflag:s30], $0x4000  }
0x9f: {  	[sflag:s30] =	ssyncset.done $0x0  }
0xa0: {  	[sflag:s30] =	ssyncadd.s32 $0xFFFFC000  }
0xa1: {  	_ =	swait.ge [sflag:s31], $0x4000  }
0xa2: {  	[sflag:s31] =	ssyncset.done $0x0  }
0xa3: {  	[sflag:s31] =	ssyncadd.s32 $0xFFFFC000  }
0xa4: {  	[bflag:$0x0] =	sbarrier.arrive $0xFFFF  }
0xa5: {  	[tilespmem:s19], [sflag:$0x5] =	stream.linear.gather [spmem:s5], $0x4000, $0x38;
	[tilespmem:$0x1C200] =	vst v63  }
0xa6: {  	_ =	swait.ge [sflag:s20], $0x4000  }
0xa7: {  	[sflag:s20] =	ssyncset.done $0x0  }
0xa8: {  	s13 =	rddreg [dreg:$0x3];
	[sflag:s20] =	ssyncadd.s32 $0xFFFFC000  }
0xa9: {  	[hbm4b:s13+s3] =	stream.linear.scatter [tilespmem:s19], [sflag:$0x5], $0x4000, $0x38;
	[tilespmem:$0x1C200] =	vst v63  }
0xaa: {  	_ =	swait.ge [sflag:s20], $0x4000  }
0xab: {  	[sflag:s20] =	ssyncset.done $0x0  }
0xac: {  	[sflag:s20] =	ssyncadd.s32 $0xFFFFC000  }
0xad: {  	[tilespmem:s19], [sflag:$0x5] =	stream.linear.gather [spmem:s6], $0x4000, $0x38;
	[tilespmem:$0x1C200] =	vst v63  }
0xae: {  	_ =	swait.ge [sflag:s20], $0x4000  }
0xaf: {  	[sflag:s20] =	ssyncset.done $0x0  }
0xb0: {  	s17 =	rddreg [dreg:$0x4];
	[sflag:s20] =	ssyncadd.s32 $0xFFFFC000  }
0xb1: {  	[hbm4b:s17+s3] =	stream.linear.scatter [tilespmem:s19], [sflag:$0x5], $0x4000, $0x38;
	[tilespmem:$0x1C200] =	vst v63  }
0xb2: {  	_ =	swait.ge [sflag:s20], $0x4000  }
0xb3: {  	[sflag:s20] =	ssyncset.done $0x0  }
0xb4: {  	[sflag:s20] =	ssyncadd.s32 $0xFFFFC000  }
0xb5: {  	[tilespmem:s19], [sflag:$0x5] =	stream.linear.gather [spmem:s7], $0x4000, $0x38;
	[tilespmem:$0x1C200] =	vst v63  }
0xb6: {  	_ =	swait.ge [sflag:s20], $0x4000  }
0xb7: {  	[sflag:s20] =	ssyncset.done $0x0  }
0xb8: {  	s18 =	rddreg [dreg:$0x5];
	[sflag:s20] =	ssyncadd.s32 $0xFFFFC000  }
0xb9: {  	[hbm4b:s18+s3] =	stream.linear.scatter [tilespmem:s19], [sflag:$0x5], $0x4000, $0x38;
	[tilespmem:$0x1C200] =	vst v63  }
0xba: {  	_ =	swait.ge [sflag:s20], $0x4000  }
0xbb: {  	[sflag:s20] =	ssyncset.done $0x0  }
0xbc: {  	[sflag:s20] =	ssyncadd.s32 $0xFFFFC000  }
0xbd: {  	[tilespmem:s19], [sflag:$0x5] =	stream.linear.gather [spmem:s8], $0x4000, $0x38;
	[tilespmem:$0x1C200] =	vst v63  }
0xbe: {  	_ =	swait.ge [sflag:s20], $0x4000  }
0xbf: {  	[sflag:s20] =	ssyncset.done $0x0  }
0xc0: {  	[sflag:s20] =	ssyncadd.s32 $0xFFFFC000  }
0xc1: {  	[hbm4b:s14+s3] =	stream.linear.scatter [tilespmem:s19], [sflag:$0x5], $0x4000, $0x38;
	[tilespmem:$0x1C200] =	vst v63  }
0xc2: {  	_ =	swait.ge [sflag:s20], $0x4000  }
0xc3: {  	[sflag:s20] =	ssyncset.done $0x0  }
0xc4: {  	[sflag:s20] =	ssyncadd.s32 $0xFFFFC000  }
0xc5: {  	[tilespmem:s19], [sflag:$0x5] =	stream.linear.gather [spmem:s9], $0x4000, $0x38;
	[tilespmem:$0x1C200] =	vst v63  }
0xc6: {  	_ =	swait.ge [sflag:s20], $0x4000  }
0xc7: {  	s0 =	sadd.s32 $0x1, s0;
	[sflag:s20] =	ssyncset.done $0x0  }
0xc8: {  	p0 =	sne.s32 s0, s16;
	[sflag:s20] =	ssyncadd.s32 $0xFFFFC000  }
0xc9: {  	[hbm4b:s15+s3] =	stream.linear.scatter [tilespmem:s19], [sflag:$0x5], $0x4000, $0x38;
	[tilespmem:$0x1C200] =	vst v63  }
.Ltmp4:
0xca: {  	_ = 	snop;
	(pc) =	sbr.rel @p0 .LBB2_1-.Ltmp4, $4  }
.Ltmp5:
0xcb: {  	_ = 	snop;
	(pc) =	sbr.rel @!p0 .LBB2_8-.Ltmp5, $4  }
0xcc: {  	_ =	swait.ge [sflag:s20], $0x4000  }
0xcd: {  	[sflag:s20] =	ssyncset.done $0x0  }
0xce: {  	[sflag:s20] =	ssyncadd.s32 $0xFFFFC000  }
0xcf: {  	_ = 	snop  }
.LBB2_5:
.Ltmp6:
0xd0: {  	(pc) =	sbr.rel .LBB2_7-.Ltmp6, $2  }
0xd1: {  	_ =	sdelay $0x2  }
0xd2: {  	s17 =	smov.u32 s11  }
.LBB2_8:
0xd3: {  	_ =	sfence.sel $0x180000  }
0xd4: {  	[bflag:$0x0] =	sbarrier.arrive $0xFFFF  }
0xd5: {  	_ =	strace $0x90000050  }
0xd6: {  	s0 =	stileid.u32;
	[bflag:$0x2] =	sbarrier.arrive $0xFFFF  }
0xd7: {  	p0 =	sne.s32 s0, $0x0;
	s0 =	rddreg [dreg:$0x2]  }
0xd8: {  	s0 =	sadd.s32 @!p0 $0x100000, s0  }
0xd9: {  	[sflag:s0] =	ssyncadd.tile.s32 @!p0 $0x1;
	_ =	shalt  }
.Lfunc_end2:
_tile_overlayer_lowered:
.L_overlay_start_2:
0xda: {  	(tag) =	ssettag $0x2  }
0xdb: {  	s0 =	rddreg [dreg:$0x0];
	s2 =	stileid.u32  }
0xdc: {  	s1 =	rddreg [dreg:$0x1];
	p0 =	sne.s32 s2, $0x0  }
0xdd: {  	s3 =	rddreg [dreg:$0x2];
	[bflag:$0x3] =	sbarrier.arrive $0xFFFF;
	s2 =	simm.s32 @!p0 $0x1C05  }
0xde: {  	[timem:s3], [sflag:s2] =	dma.local @!p0 [hbm:s0], s1  }
0xdf: {  	s0 =	simm.s32 @!p0 $0x5  }
0xe0: {  	_ =	swait.ge @!p0 [sflag:s0], s1  }
0xe1: {  	s1 =	ssub.s32 @!p0 $0x0, s1;
	[sflag:s0] =	ssyncset.done @!p0 $0x0  }
0xe2: {  	[sflag:s0] =	ssyncadd.s32 @!p0 s1  }
0xe3: {  	[bflag:$0x3] =	sbarrier.arrive $0xFFFF  }
0xe4: {  	_ =	shalt  }

</sc_bundles>
